<compile_context>
chip_gen: v7x
topology: tpu7x:2x2x1
jax: 0.10.2.dev20260603
libtpu: 0.0.44.dev20260713+nightly
codegen_flags: <defaults>
</compile_context>

<pallas_src>
import functools

import jax
import jax.numpy as jnp
from jax import lax
from jax.experimental import pallas as pl
from jax.experimental.pallas import tpu as pltpu
from jax.experimental.pallas import tpu_sc as plsc

N_ATOM = 10000
HID = 128
H = 4
D = HID // H
INV_SQRT_D = 1.0 / (D ** 0.5)

NQP = 10240
TRASH = 10000
NW = 32
CH = 64
NQD = NQP // 32
ROWS_PER_TILE = NQP // 16
DEN_ROWS_PER_TILE = NQD // 8


def _proj_body(hq_ref, ha_ref, wqt_ref, wkt_ref, wvt_ref, qq_ref, ka_ref, va_ref):
    qq_ref[...] = jnp.dot(hq_ref[...], wqt_ref[...], preferred_element_type=jnp.float32)
    ka_ref[...] = jnp.dot(ha_ref[...], wkt_ref[...], preferred_element_type=jnp.float32)
    va_ref[...] = jnp.dot(ha_ref[...], wvt_ref[...], preferred_element_type=jnp.float32)


def _proj(hq_pad, ha_pad, wqt, wkt, wvt):
    n = hq_pad.shape[0]
    blk = 512
    grid = n // blk
    rowspec = pl.BlockSpec((blk, HID), lambda i: (i, 0))
    wspec = pl.BlockSpec((HID, HID), lambda i: (0, 0))
    return pl.pallas_call(
        _proj_body,
        grid=(grid,),
        in_specs=[rowspec, rowspec, wspec, wspec, wspec],
        out_specs=[rowspec, rowspec, rowspec],
        out_shape=[jax.ShapeDtypeStruct((n, HID), jnp.float32)] * 3,
    )(hq_pad, ha_pad, wqt, wkt, wvt)


def _rbf_body(ea_ref, w_ref, out_ref):
    out_ref[...] = jnp.dot(ea_ref[...], w_ref[...], preferred_element_type=jnp.float32)


def _rbf(ea_pad, wrbf_pad_t):
    e = ea_pad.shape[0]
    blk = 2048
    grid = e // blk
    return pl.pallas_call(
        _rbf_body,
        grid=(grid,),
        in_specs=[pl.BlockSpec((blk, 16), lambda i: (i, 0)),
                  pl.BlockSpec((16, 16), lambda i: (0, 0))],
        out_specs=pl.BlockSpec((blk, 16), lambda i: (i, 0)),
        out_shape=jax.ShapeDtypeStruct((e, 16), jnp.float32),
    )(ea_pad, wrbf_pad_t)


def _edge_call(qq, ka, va, src, dst, rbf):
    e_pad = src.shape[0]
    ew = e_pad // NW
    n_chunks = ew // CH
    mesh = plsc.VectorSubcoreMesh(core_axis_name="c", subcore_axis_name="s")

    @functools.partial(
        pl.kernel,
        mesh=mesh,
        compiler_params=pltpu.CompilerParams(needs_layout_passes=False),
        out_type=[jax.ShapeDtypeStruct((2 * NQP, HID), jnp.float32),
                  jax.ShapeDtypeStruct((2 * NQD, HID), jnp.float32)],
        scratch_types=[
            pltpu.VMEM((CH,), jnp.int32),
            pltpu.VMEM((CH,), jnp.int32),
            pltpu.VMEM((CH,), jnp.int32),
            pltpu.VMEM((CH, HID), jnp.float32),
            pltpu.VMEM((CH, HID), jnp.float32),
            pltpu.VMEM((CH, HID), jnp.float32),
            pltpu.VMEM((CH, 16), jnp.float32),
            pltpu.VMEM((CH, HID), jnp.float32),
            pltpu.VMEM_SHARED((NQP, HID), jnp.float32),
            pltpu.VMEM_SHARED((NQD, HID), jnp.float32),
            pltpu.SemaphoreType.DMA,
        ],
    )
    def edge_kernel(qq_hbm, ka_hbm, va_hbm, src_hbm, dst_hbm, rbf_hbm,
                    num_out, den_out,
                    src_v, dst_v, dsh_v, q_rows, k_rows, v_rows, rbf_v, den_src,
                    num_sh, den_sh, gsem):
        cid = lax.axis_index("c")
        sid = lax.axis_index("s")
        wid = cid * 16 + sid
        zeros16 = jnp.zeros((16,), jnp.float32)

        def zero_row(i, _):
            for j in range(HID // 16):
                v_rows[i, pl.ds(j * 16, 16)] = zeros16
                den_src[i, pl.ds(j * 16, 16)] = zeros16
            return 0
        lax.fori_loop(0, CH, zero_row, 0)
        for t in range(ROWS_PER_TILE // CH):
            row0 = sid * ROWS_PER_TILE + t * CH
            pltpu.sync_copy(v_rows, num_sh.at[pl.ds(row0, CH)])
        @pl.when(sid < 8)
        def _():
            pltpu.sync_copy(den_src.at[pl.ds(0, DEN_ROWS_PER_TILE)],
                            den_sh.at[pl.ds(sid * DEN_ROWS_PER_TILE, DEN_ROWS_PER_TILE)])
        plsc.subcore_barrier()

        def chunk_body(c, _):
            base = wid * ew + c * CH
            pltpu.sync_copy(src_hbm.at[pl.ds(base, CH)], src_v)
            pltpu.sync_copy(dst_hbm.at[pl.ds(base, CH)], dst_v)
            pltpu.sync_copy(rbf_hbm.at[pl.ds(base, CH)], rbf_v)
            c1 = pltpu.async_copy(qq_hbm.at[dst_v], q_rows, gsem)
            c2 = pltpu.async_copy(ka_hbm.at[src_v], k_rows, gsem)
            c3 = pltpu.async_copy(va_hbm.at[src_v], v_rows, gsem)
            c1.wait()
            c2.wait()
            c3.wait()

            def group_body(g, _):
                eidx = g * 16 + lax.iota(jnp.int32, 16)
                dm = dst_v[pl.ds(g * 16, 16)]
                dsh_v[pl.ds(g * 16, 16)] = lax.shift_right_logical(dm, 5)
                dlow4 = (dm & 31) * 4
                for h in range(H):
                    hvec = jnp.full((16,), h, jnp.int32)
                    rb = plsc.load_gather(rbf_v, [eidx, hvec])
                    acc = [jnp.zeros((16,), jnp.float32) for _ in range(4)]
                    for j in range(D):
                        col = jnp.full((16,), h * D + j, jnp.int32)
                        qc = plsc.load_gather(q_rows, [eidx, col])
                        kc = plsc.load_gather(k_rows, [eidx, col])
                        acc[j % 4] = acc[j % 4] + qc * kc
                    dot = (acc[0] + acc[1]) + (acc[2] + acc[3])
                    ex = jnp.exp(dot * INV_SQRT_D + rb)
                    plsc.store_scatter(den_src, [eidx, dlow4 + h], ex)
                    for j in range(D):
                        col = jnp.full((16,), h * D + j, jnp.int32)
                        vc = plsc.load_gather(v_rows, [eidx, col])
                        plsc.store_scatter(v_rows, [eidx, col], vc * ex)
                return 0
            lax.fori_loop(0, CH // 16, group_body, 0)

            pltpu.sync_copy(v_rows, num_sh.at[dst_v], add=True)
            pltpu.sync_copy(den_src, den_sh.at[dsh_v], add=True)

            def rezero_body(g, _):
                eidx = g * 16 + lax.iota(jnp.int32, 16)
                dlow4 = (dst_v[pl.ds(g * 16, 16)] & 31) * 4
                for h in range(H):
                    plsc.store_scatter(den_src, [eidx, dlow4 + h], zeros16)
                return 0
            lax.fori_loop(0, CH // 16, rezero_body, 0)
            return 0
        lax.fori_loop(0, n_chunks, chunk_body, 0)

        plsc.subcore_barrier()
        rbase = sid * ROWS_PER_TILE
        pltpu.sync_copy(num_sh.at[pl.ds(rbase, ROWS_PER_TILE)],
                        num_out.at[pl.ds(cid * NQP + rbase, ROWS_PER_TILE)])
        @pl.when(sid < 8)
        def _():
            dbase = sid * DEN_ROWS_PER_TILE
            pltpu.sync_copy(den_sh.at[pl.ds(dbase, DEN_ROWS_PER_TILE)],
                            den_out.at[pl.ds(cid * NQD + dbase, DEN_ROWS_PER_TILE)])

    return edge_kernel(qq, ka, va, src, dst, rbf)


def _mlp_body(hq_ref, n0_ref, n1_ref, d0_ref, d1_ref,
              w1at_ref, w1bt_ref, w2t_ref, b1_ref, b2_ref, g_ref, be_ref,
              out_ref):
    den = d0_ref[...] + d1_ref[...]
    inv = 1.0 / (den + 1e-30)
    num = n0_ref[...] + n1_ref[...]
    r = num.shape[0]
    invw = jnp.concatenate(
        [jnp.broadcast_to(inv[:, h:h + 1], (r, D)) for h in range(H)], axis=1)
    agg = num * invw
    hq = hq_ref[...]
    hdn = jnp.dot(hq, w1at_ref[...], preferred_element_type=jnp.float32)
    hdn = hdn + jnp.dot(agg, w1bt_ref[...], preferred_element_type=jnp.float32)
    hdn = jnp.maximum(hdn + b1_ref[...], 0.0)
    delta = jnp.dot(hdn, w2t_ref[...], preferred_element_type=jnp.float32) + b2_ref[...]
    y = hq + delta
    mu = jnp.mean(y, axis=-1, keepdims=True)
    yc = y - mu
    var = jnp.mean(yc * yc, axis=-1, keepdims=True)
    out_ref[...] = yc * lax.rsqrt(var + 1e-5) * g_ref[...] + be_ref[...]


def _mlp(hq, n0, n1, d0, d1, w1at, w1bt, w2t, b1, b2, gamma, beta):
    n = hq.shape[0]
    blk = 1000
    grid = n // blk
    rowspec = pl.BlockSpec((blk, HID), lambda i: (i, 0))
    denspec = pl.BlockSpec((blk, 16), lambda i: (i, 0))
    wspec = pl.BlockSpec((HID, HID), lambda i: (0, 0))
    vspec = pl.BlockSpec((1, HID), lambda i: (0, 0))
    return pl.pallas_call(
        _mlp_body,
        grid=(grid,),
        in_specs=[rowspec, rowspec, rowspec, denspec, denspec,
                  wspec, wspec, wspec, vspec, vspec, vspec, vspec],
        out_specs=rowspec,
        out_shape=jax.ShapeDtypeStruct((n, HID), jnp.float32),
    )(hq, n0, n1, d0, d1, w1at, w1bt, w2t, b1, b2, gamma, beta)


def kernel(h_atom, h_query, edge_index, edge_attr, n_query,
           WQ, WK, WV, Wrbf, W1, b1, W2, b2, ln_gamma, ln_beta):
    e = edge_index.shape[1]
    nq = h_query.shape[0]

    src = edge_index[0].astype(jnp.int32)
    dst = edge_index[1].astype(jnp.int32)
    e_pad = ((e + NW * CH - 1) // (NW * CH)) * (NW * CH)
    pad_e = e_pad - e
    src = jnp.pad(src, (0, pad_e))
    dst = jnp.pad(dst, (0, pad_e), constant_values=TRASH)
    ea_pad = jnp.pad(edge_attr, ((0, pad_e), (0, 0)))
    hq_pad = jnp.pad(h_query, ((0, NQP - nq), (0, 0)))
    ha_pad = jnp.pad(h_atom, ((0, NQP - h_atom.shape[0]), (0, 0)))
    wrbf_pad_t = jnp.pad(Wrbf, ((0, 12), (0, 0))).T

    qq, ka, va = _proj(hq_pad, ha_pad, WQ.T, WK.T, WV.T)
    rbf = _rbf(ea_pad, wrbf_pad_t)

    num_flat, den_flat = _edge_call(qq, ka, va, src, dst, rbf)

    den0 = jnp.pad(den_flat[:NQD].reshape(NQP, 4)[:nq], ((0, 0), (0, 12)))
    den1 = jnp.pad(den_flat[NQD:].reshape(NQP, 4)[:nq], ((0, 0), (0, 12)))
    out = _mlp(h_query,
               num_flat[:nq], num_flat[NQP:NQP + nq],
               den0, den1,
               W1[:, :HID].T, W1[:, HID:].T, W2.T,
               b1.reshape(1, HID), b2.reshape(1, HID),
               ln_gamma.reshape(1, HID), ln_beta.reshape(1, HID))
    return out

# --- scband reference (transcript-rebuilt; emitter-appended) ---
"""Pipeline reference for scband-aqattention-layer-24696061952317 (READ-ONLY COPY).

The authoritative reference and input builder live on the scoring server;
editing this copy changes nothing except your own understanding.
"""

import jax, jax.numpy as jnp
import numpy as np

N_ATOM = 10000
N_QUERY = 10000
E = 320000
HID = 128
EDGE_DIM = 16
H = 4
D = HID // H


def setup_inputs(seed: int = 0) -> dict:
    key = jax.random.key(seed)
    ks = jax.random.split(key, 16)
    inp = {}
    inp["h_atom"] = jax.random.normal(ks[0], (N_ATOM, HID), dtype=jnp.float32)
    inp["h_query"] = jax.random.normal(ks[1], (N_QUERY, HID), dtype=jnp.float32)
    inp["edge_index"] = jax.random.randint(ks[2], (2, E), 0, N_ATOM, dtype=jnp.int64 if jax.config.jax_enable_x64 else jnp.int32)
    inp["edge_attr"] = jax.random.normal(ks[3], (E, EDGE_DIM), dtype=jnp.float32)
    inp["n_query"] = N_QUERY
    s = 1.0 / np.sqrt(HID)
    inp["WQ"] = jax.random.uniform(ks[4], (HID, HID), jnp.float32, -s, s)
    inp["WK"] = jax.random.uniform(ks[5], (HID, HID), jnp.float32, -s, s)
    inp["WV"] = jax.random.uniform(ks[6], (HID, HID), jnp.float32, -s, s)
    se = 1.0 / np.sqrt(EDGE_DIM)
    inp["Wrbf"] = jax.random.uniform(ks[7], (H, EDGE_DIM), jnp.float32, -se, se)
    s1 = 1.0 / np.sqrt(2 * HID)
    inp["W1"] = jax.random.uniform(ks[8], (HID, 2 * HID), jnp.float32, -s1, s1)
    inp["b1"] = jax.random.uniform(ks[9], (HID,), jnp.float32, -s1, s1)
    s2 = 1.0 / np.sqrt(HID)
    inp["W2"] = jax.random.uniform(ks[10], (HID, HID), jnp.float32, -s2, s2)
    inp["b2"] = jax.random.uniform(ks[11], (HID,), jnp.float32, -s2, s2)
    inp["ln_gamma"] = jnp.ones((HID,), jnp.float32)
    inp["ln_beta"] = jnp.zeros((HID,), jnp.float32)
    return inp


def reference(h_atom, h_query, edge_index, edge_attr, n_query, WQ, WK, WV, Wrbf, W1, b1, W2, b2, ln_gamma, ln_beta):
    src = edge_index[0]
    dst = edge_index[1]
    e = src.shape[0]
    nq = h_query.shape[0]
    Q = (h_query[dst] @ WQ.T).reshape(e, H, D)
    K = (h_atom[src] @ WK.T).reshape(e, H, D)
    V = (h_atom[src] @ WV.T).reshape(e, H, D)
    scores = (Q * K).sum(-1) / jnp.sqrt(jnp.float32(D)) + edge_attr @ Wrbf.T  # [E, H]
    # segment softmax over dst (per head)
    smax = jax.ops.segment_max(scores, dst, num_segments=nq)  # [n_query, H]
    ex = jnp.exp(scores - smax[dst])
    den = jax.ops.segment_sum(ex, dst, num_segments=nq)
    alpha = ex / (den[dst] + 1e-16)
    msgs = (alpha[..., None] * V).reshape(e, H * D)
    agg = jax.ops.segment_sum(msgs, dst, num_segments=nq)  # [n_query, HID]
    x = jnp.concatenate([h_query, agg], axis=-1)
    hdn = jax.nn.relu(x @ W1.T + b1)
    delta = hdn @ W2.T + b2
    y = h_query + delta
    mu = y.mean(-1, keepdims=True)
    var = ((y - mu) ** 2).mean(-1, keepdims=True)
    out = (y - mu) / jnp.sqrt(var + 1e-5) * ln_gamma + ln_beta
    out = out + jnp.float32(0.0) * (n_query - nq)
    return out

if __name__ == "__main__":
    import jax
    _d = setup_inputs()
    print(jax.jit(kernel)(*tuple(_d.values())))

</pallas_src>

<mosaic_0001>
#map = affine_map<(d0, d1) -> (0, 0)>
#map1 = affine_map<(d0, d1) -> (0)>
module attributes {stable_mosaic.version = 14 : i64} {
  func.func @edge_kernel(%arg0: i32, %arg1: i32, %arg2: memref<10240x128xf32, #tpu.memory_space<hbm>>, %arg3: memref<10240x128xf32, #tpu.memory_space<hbm>>, %arg4: memref<10240x128xf32, #tpu.memory_space<hbm>>, %arg5: memref<321536xi32, #tpu.memory_space<hbm>>, %arg6: memref<321536xi32, #tpu.memory_space<hbm>>, %arg7: memref<321536x16xf32, #tpu.memory_space<hbm>>, %arg8: memref<20480x128xf32, #tpu.memory_space<hbm>>, %arg9: memref<640x128xf32, #tpu.memory_space<hbm>>, %arg10: memref<64xi32, #tpu.memory_space<vmem>>, %arg11: memref<64xi32, #tpu.memory_space<vmem>>, %arg12: memref<64xi32, #tpu.memory_space<vmem>>, %arg13: memref<64x128xf32, #tpu.memory_space<vmem>>, %arg14: memref<64x128xf32, #tpu.memory_space<vmem>>, %arg15: memref<64x128xf32, #tpu.memory_space<vmem>>, %arg16: memref<64x16xf32, #tpu.memory_space<vmem>>, %arg17: memref<64x128xf32, #tpu.memory_space<vmem>>, %arg18: memref<10240x128xf32, #tpu.memory_space<vmem_shared>>, %arg19: memref<320x128xf32, #tpu.memory_space<vmem_shared>>, %arg20: memref<!tpu.dma_semaphore, #tpu.memory_space<semaphore_mem>>) attributes {dimension_semantics = [#tpu.dimension_semantics<core_parallel>, #tpu.dimension_semantics<subcore_parallel>], iteration_bounds = array<i64: 2, 16>, scalar_prefetch = 0 : i64, scratch_operands = 11 : i64, tpu.core_type = #tpu.core_type<sc_vector_subcore>, window_params = [{transform_indices = #map}, {transform_indices = #map}, {transform_indices = #map}, {transform_indices = #map1}, {transform_indices = #map1}, {transform_indices = #map}, {transform_indices = #map}, {transform_indices = #map}]} {
    %mul3A = arith.constant 16 : i32
    %mul3A_0 = arith.muli %arg0, %mul3A : i32
    %add3A = arith.addi %mul3A_0, %arg1 : i32
    %broadcast_in_dim3A = arith.constant 0.000000e+00 : f32
    %broadcast_in_dim3A_1 = vector.broadcast %broadcast_in_dim3A : f32 to vector<16xf32>
    %scan3A = arith.constant 0 : i32
    %scan3A_2 = arith.constant 0 : i32
    %scan3A_3 = arith.constant 64 : i32
    %scan3A_4 = arith.addi %scan3A_2, %scan3A_3 : i32
    %scan3A_5 = arith.constant 1 : i32
    %scan3A_6 = scf.for %scan3A_68 = %scan3A_2 to %scan3A_4 step %scan3A_5 iter_args(%scan3A_69 = %scan3A) -> (i32)  : i32 {
      %swap3A = arith.index_cast %scan3A_68 : i32 to index
      %swap3A_70 = arith.constant 0 : index
      %swap3A_71 = tpu.vector_load %arg15[%swap3A, %swap3A_70] {strides = array<i32>} : memref<64x128xf32, #tpu.memory_space<vmem>>, vector<16xf32>,
      tpu.vector_store %arg15[%swap3A, %swap3A_70], %broadcast_in_dim3A_1 {strides = array<i32>} : memref<64x128xf32, #tpu.memory_space<vmem>>, vector<16xf32>,
      %swap3A_72 = arith.index_cast %scan3A_68 : i32 to index
      %swap3A_73 = arith.constant 0 : index
      %swap3A_74 = tpu.vector_load %arg17[%swap3A_72, %swap3A_73] {strides = array<i32>} : memref<64x128xf32, #tpu.memory_space<vmem>>, vector<16xf32>,
      tpu.vector_store %arg17[%swap3A_72, %swap3A_73], %broadcast_in_dim3A_1 {strides = array<i32>} : memref<64x128xf32, #tpu.memory_space<vmem>>, vector<16xf32>,
      %swap3A_75 = arith.index_cast %scan3A_68 : i32 to index
      %swap3A_76 = arith.constant 16 : index
      %swap3A_77 = tpu.vector_load %arg15[%swap3A_75, %swap3A_76] {strides = array<i32>} : memref<64x128xf32, #tpu.memory_space<vmem>>, vector<16xf32>,
      tpu.vector_store %arg15[%swap3A_75, %swap3A_76], %broadcast_in_dim3A_1 {strides = array<i32>} : memref<64x128xf32, #tpu.memory_space<vmem>>, vector<16xf32>,
      %swap3A_78 = arith.index_cast %scan3A_68 : i32 to index
      %swap3A_79 = arith.constant 16 : index
      %swap3A_80 = tpu.vector_load %arg17[%swap3A_78, %swap3A_79] {strides = array<i32>} : memref<64x128xf32, #tpu.memory_space<vmem>>, vector<16xf32>,
      tpu.vector_store %arg17[%swap3A_78, %swap3A_79], %broadcast_in_dim3A_1 {strides = array<i32>} : memref<64x128xf32, #tpu.memory_space<vmem>>, vector<16xf32>,
      %swap3A_81 = arith.index_cast %scan3A_68 : i32 to index
      %swap3A_82 = arith.constant 32 : index
      %swap3A_83 = tpu.vector_load %arg15[%swap3A_81, %swap3A_82] {strides = array<i32>} : memref<64x128xf32, #tpu.memory_space<vmem>>, vector<16xf32>,
      tpu.vector_store %arg15[%swap3A_81, %swap3A_82], %broadcast_in_dim3A_1 {strides = array<i32>} : memref<64x128xf32, #tpu.memory_space<vmem>>, vector<16xf32>,
      %swap3A_84 = arith.index_cast %scan3A_68 : i32 to index
      %swap3A_85 = arith.constant 32 : index
      %swap3A_86 = tpu.vector_load %arg17[%swap3A_84, %swap3A_85] {strides = array<i32>} : memref<64x128xf32, #tpu.memory_space<vmem>>, vector<16xf32>,
      tpu.vector_store %arg17[%swap3A_84, %swap3A_85], %broadcast_in_dim3A_1 {strides = array<i32>} : memref<64x128xf32, #tpu.memory_space<vmem>>, vector<16xf32>,
      %swap3A_87 = arith.index_cast %scan3A_68 : i32 to index
      %swap3A_88 = arith.constant 48 : index
      %swap3A_89 = tpu.vector_load %arg15[%swap3A_87, %swap3A_88] {strides = array<i32>} : memref<64x128xf32, #tpu.memory_space<vmem>>, vector<16xf32>,
      tpu.vector_store %arg15[%swap3A_87, %swap3A_88], %broadcast_in_dim3A_1 {strides = array<i32>} : memref<64x128xf32, #tpu.memory_space<vmem>>, vector<16xf32>,
      %swap3A_90 = arith.index_cast %scan3A_68 : i32 to index
      %swap3A_91 = arith.constant 48 : index
      %swap3A_92 = tpu.vector_load %arg17[%swap3A_90, %swap3A_91] {strides = array<i32>} : memref<64x128xf32, #tpu.memory_space<vmem>>, vector<16xf32>,
      tpu.vector_store %arg17[%swap3A_90, %swap3A_91], %broadcast_in_dim3A_1 {strides = array<i32>} : memref<64x128xf32, #tpu.memory_space<vmem>>, vector<16xf32>,
      %swap3A_93 = arith.index_cast %scan3A_68 : i32 to index
      %swap3A_94 = arith.constant 64 : index
      %swap3A_95 = tpu.vector_load %arg15[%swap3A_93, %swap3A_94] {strides = array<i32>} : memref<64x128xf32, #tpu.memory_space<vmem>>, vector<16xf32>,
      tpu.vector_store %arg15[%swap3A_93, %swap3A_94], %broadcast_in_dim3A_1 {strides = array<i32>} : memref<64x128xf32, #tpu.memory_space<vmem>>, vector<16xf32>,
      %swap3A_96 = arith.index_cast %scan3A_68 : i32 to index
      %swap3A_97 = arith.constant 64 : index
      %swap3A_98 = tpu.vector_load %arg17[%swap3A_96, %swap3A_97] {strides = array<i32>} : memref<64x128xf32, #tpu.memory_space<vmem>>, vector<16xf32>,
      tpu.vector_store %arg17[%swap3A_96, %swap3A_97], %broadcast_in_dim3A_1 {strides = array<i32>} : memref<64x128xf32, #tpu.memory_space<vmem>>, vector<16xf32>,
      %swap3A_99 = arith.index_cast %scan3A_68 : i32 to index
      %swap3A_100 = arith.constant 80 : index
      %swap3A_101 = tpu.vector_load %arg15[%swap3A_99, %swap3A_100] {strides = array<i32>} : memref<64x128xf32, #tpu.memory_space<vmem>>, vector<16xf32>,
      tpu.vector_store %arg15[%swap3A_99, %swap3A_100], %broadcast_in_dim3A_1 {strides = array<i32>} : memref<64x128xf32, #tpu.memory_space<vmem>>, vector<16xf32>,
      %swap3A_102 = arith.index_cast %scan3A_68 : i32 to index
      %swap3A_103 = arith.constant 80 : index
      %swap3A_104 = tpu.vector_load %arg17[%swap3A_102, %swap3A_103] {strides = array<i32>} : memref<64x128xf32, #tpu.memory_space<vmem>>, vector<16xf32>,
      tpu.vector_store %arg17[%swap3A_102, %swap3A_103], %broadcast_in_dim3A_1 {strides = array<i32>} : memref<64x128xf32, #tpu.memory_space<vmem>>, vector<16xf32>,
      %swap3A_105 = arith.index_cast %scan3A_68 : i32 to index
      %swap3A_106 = arith.constant 96 : index
      %swap3A_107 = tpu.vector_load %arg15[%swap3A_105, %swap3A_106] {strides = array<i32>} : memref<64x128xf32, #tpu.memory_space<vmem>>, vector<16xf32>,
      tpu.vector_store %arg15[%swap3A_105, %swap3A_106], %broadcast_in_dim3A_1 {strides = array<i32>} : memref<64x128xf32, #tpu.memory_space<vmem>>, vector<16xf32>,
      %swap3A_108 = arith.index_cast %scan3A_68 : i32 to index
      %swap3A_109 = arith.constant 96 : index
      %swap3A_110 = tpu.vector_load %arg17[%swap3A_108, %swap3A_109] {strides = array<i32>} : memref<64x128xf32, #tpu.memory_space<vmem>>, vector<16xf32>,
      tpu.vector_store %arg17[%swap3A_108, %swap3A_109], %broadcast_in_dim3A_1 {strides = array<i32>} : memref<64x128xf32, #tpu.memory_space<vmem>>, vector<16xf32>,
      %swap3A_111 = arith.index_cast %scan3A_68 : i32 to index
      %swap3A_112 = arith.constant 112 : index
      %swap3A_113 = tpu.vector_load %arg15[%swap3A_111, %swap3A_112] {strides = array<i32>} : memref<64x128xf32, #tpu.memory_space<vmem>>, vector<16xf32>,
      tpu.vector_store %arg15[%swap3A_111, %swap3A_112], %broadcast_in_dim3A_1 {strides = array<i32>} : memref<64x128xf32, #tpu.memory_space<vmem>>, vector<16xf32>,
      %swap3A_114 = arith.index_cast %scan3A_68 : i32 to index
      %swap3A_115 = arith.constant 112 : index
      %swap3A_116 = tpu.vector_load %arg17[%swap3A_114, %swap3A_115] {strides = array<i32>} : memref<64x128xf32, #tpu.memory_space<vmem>>, vector<16xf32>,
      tpu.vector_store %arg17[%swap3A_114, %swap3A_115], %broadcast_in_dim3A_1 {strides = array<i32>} : memref<64x128xf32, #tpu.memory_space<vmem>>, vector<16xf32>,
      %scan3A_117 = arith.constant 0 : i32
      scf.yield %scan3A_117 : i32
    }
    %scan3A_7 = arith.constant 64 : i32
    %mul3A_8 = arith.constant 640 : i32
    %mul3A_9 = arith.muli %arg1, %mul3A_8 : i32
    %add3A_10 = arith.constant 0 : i32
    %add3A_11 = arith.addi %mul3A_9, %add3A_10 : i32
    "tpu.region"() ({
      %run_scoped3A = tpu.sem_alloc : memref<!tpu.dma_semaphore, #tpu.memory_space<semaphore_mem>>
      %dma_start3A = arith.constant 0 : i32
      %dma_start3A_68 = tpu.memref_slice %arg18[%add3A_11, %dma_start3A] : memref<10240x128xf32, #tpu.memory_space<vmem_shared>> -> memref<64x128xf32, #tpu.memory_space<vmem_shared>>
      %dma_start3A_69 = arith.constant 0 : i32
      %dma_start3A_70 = tpu.memref_slice %arg18[%add3A_11, %dma_start3A_69] : memref<10240x128xf32, #tpu.memory_space<vmem_shared>> -> memref<64x128xf32, #tpu.memory_space<vmem_shared>>
      tpu.enqueue_dma source(%arg15 : memref<64x128xf32, #tpu.memory_space<vmem>>) target(%dma_start3A_70 : memref<64x128xf32, #tpu.memory_space<vmem_shared>>) target_semaphore(%run_scoped3A : memref<!tpu.dma_semaphore, #tpu.memory_space<semaphore_mem>>)
      %dma_wait3A = arith.constant 0 : i32
      %dma_wait3A_71 = tpu.memref_slice %arg18[%add3A_11, %dma_wait3A] : memref<10240x128xf32, #tpu.memory_space<vmem_shared>> -> memref<64x128xf32, #tpu.memory_space<vmem_shared>>
      %dma_wait3A_72 = arith.constant 0 : i32
      %dma_wait3A_73 = tpu.memref_slice %arg18[%add3A_11, %dma_wait3A_72] : memref<10240x128xf32, #tpu.memory_space<vmem_shared>> -> memref<64x128xf32, #tpu.memory_space<vmem_shared>>
      tpu.wait_dma2 semaphore(%run_scoped3A : memref<!tpu.dma_semaphore, #tpu.memory_space<semaphore_mem>>) src(%arg15 : memref<64x128xf32, #tpu.memory_space<vmem>>) dst(%dma_wait3A_73 : memref<64x128xf32, #tpu.memory_space<vmem_shared>>)
      tpu.yield
    }) : () -> ()
    %mul3A_12 = arith.constant 640 : i32
    %mul3A_13 = arith.muli %arg1, %mul3A_12 : i32
    %add3A_14 = arith.constant 64 : i32
    %add3A_15 = arith.addi %mul3A_13, %add3A_14 : i32
    "tpu.region"() ({
      %run_scoped3A = tpu.sem_alloc : memref<!tpu.dma_semaphore, #tpu.memory_space<semaphore_mem>>
      %dma_start3A = arith.constant 0 : i32
      %dma_start3A_68 = tpu.memref_slice %arg18[%add3A_15, %dma_start3A] : memref<10240x128xf32, #tpu.memory_space<vmem_shared>> -> memref<64x128xf32, #tpu.memory_space<vmem_shared>>
      %dma_start3A_69 = arith.constant 0 : i32
      %dma_start3A_70 = tpu.memref_slice %arg18[%add3A_15, %dma_start3A_69] : memref<10240x128xf32, #tpu.memory_space<vmem_shared>> -> memref<64x128xf32, #tpu.memory_space<vmem_shared>>
      tpu.enqueue_dma source(%arg15 : memref<64x128xf32, #tpu.memory_space<vmem>>) target(%dma_start3A_70 : memref<64x128xf32, #tpu.memory_space<vmem_shared>>) target_semaphore(%run_scoped3A : memref<!tpu.dma_semaphore, #tpu.memory_space<semaphore_mem>>)
      %dma_wait3A = arith.constant 0 : i32
      %dma_wait3A_71 = tpu.memref_slice %arg18[%add3A_15, %dma_wait3A] : memref<10240x128xf32, #tpu.memory_space<vmem_shared>> -> memref<64x128xf32, #tpu.memory_space<vmem_shared>>
      %dma_wait3A_72 = arith.constant 0 : i32
      %dma_wait3A_73 = tpu.memref_slice %arg18[%add3A_15, %dma_wait3A_72] : memref<10240x128xf32, #tpu.memory_space<vmem_shared>> -> memref<64x128xf32, #tpu.memory_space<vmem_shared>>
      tpu.wait_dma2 semaphore(%run_scoped3A : memref<!tpu.dma_semaphore, #tpu.memory_space<semaphore_mem>>) src(%arg15 : memref<64x128xf32, #tpu.memory_space<vmem>>) dst(%dma_wait3A_73 : memref<64x128xf32, #tpu.memory_space<vmem_shared>>)
      tpu.yield
    }) : () -> ()
    %mul3A_16 = arith.constant 640 : i32
    %mul3A_17 = arith.muli %arg1, %mul3A_16 : i32
    %add3A_18 = arith.constant 128 : i32
    %add3A_19 = arith.addi %mul3A_17, %add3A_18 : i32
    "tpu.region"() ({
      %run_scoped3A = tpu.sem_alloc : memref<!tpu.dma_semaphore, #tpu.memory_space<semaphore_mem>>
      %dma_start3A = arith.constant 0 : i32
      %dma_start3A_68 = tpu.memref_slice %arg18[%add3A_19, %dma_start3A] : memref<10240x128xf32, #tpu.memory_space<vmem_shared>> -> memref<64x128xf32, #tpu.memory_space<vmem_shared>>
      %dma_start3A_69 = arith.constant 0 : i32
      %dma_start3A_70 = tpu.memref_slice %arg18[%add3A_19, %dma_start3A_69] : memref<10240x128xf32, #tpu.memory_space<vmem_shared>> -> memref<64x128xf32, #tpu.memory_space<vmem_shared>>
      tpu.enqueue_dma source(%arg15 : memref<64x128xf32, #tpu.memory_space<vmem>>) target(%dma_start3A_70 : memref<64x128xf32, #tpu.memory_space<vmem_shared>>) target_semaphore(%run_scoped3A : memref<!tpu.dma_semaphore, #tpu.memory_space<semaphore_mem>>)
      %dma_wait3A = arith.constant 0 : i32
      %dma_wait3A_71 = tpu.memref_slice %arg18[%add3A_19, %dma_wait3A] : memref<10240x128xf32, #tpu.memory_space<vmem_shared>> -> memref<64x128xf32, #tpu.memory_space<vmem_shared>>
      %dma_wait3A_72 = arith.constant 0 : i32
      %dma_wait3A_73 = tpu.memref_slice %arg18[%add3A_19, %dma_wait3A_72] : memref<10240x128xf32, #tpu.memory_space<vmem_shared>> -> memref<64x128xf32, #tpu.memory_space<vmem_shared>>
      tpu.wait_dma2 semaphore(%run_scoped3A : memref<!tpu.dma_semaphore, #tpu.memory_space<semaphore_mem>>) src(%arg15 : memref<64x128xf32, #tpu.memory_space<vmem>>) dst(%dma_wait3A_73 : memref<64x128xf32, #tpu.memory_space<vmem_shared>>)
      tpu.yield
    }) : () -> ()
    %mul3A_20 = arith.constant 640 : i32
    %mul3A_21 = arith.muli %arg1, %mul3A_20 : i32
    %add3A_22 = arith.constant 192 : i32
    %add3A_23 = arith.addi %mul3A_21, %add3A_22 : i32
    "tpu.region"() ({
      %run_scoped3A = tpu.sem_alloc : memref<!tpu.dma_semaphore, #tpu.memory_space<semaphore_mem>>
      %dma_start3A = arith.constant 0 : i32
      %dma_start3A_68 = tpu.memref_slice %arg18[%add3A_23, %dma_start3A] : memref<10240x128xf32, #tpu.memory_space<vmem_shared>> -> memref<64x128xf32, #tpu.memory_space<vmem_shared>>
      %dma_start3A_69 = arith.constant 0 : i32
      %dma_start3A_70 = tpu.memref_slice %arg18[%add3A_23, %dma_start3A_69] : memref<10240x128xf32, #tpu.memory_space<vmem_shared>> -> memref<64x128xf32, #tpu.memory_space<vmem_shared>>
      tpu.enqueue_dma source(%arg15 : memref<64x128xf32, #tpu.memory_space<vmem>>) target(%dma_start3A_70 : memref<64x128xf32, #tpu.memory_space<vmem_shared>>) target_semaphore(%run_scoped3A : memref<!tpu.dma_semaphore, #tpu.memory_space<semaphore_mem>>)
      %dma_wait3A = arith.constant 0 : i32
      %dma_wait3A_71 = tpu.memref_slice %arg18[%add3A_23, %dma_wait3A] : memref<10240x128xf32, #tpu.memory_space<vmem_shared>> -> memref<64x128xf32, #tpu.memory_space<vmem_shared>>
      %dma_wait3A_72 = arith.constant 0 : i32
      %dma_wait3A_73 = tpu.memref_slice %arg18[%add3A_23, %dma_wait3A_72] : memref<10240x128xf32, #tpu.memory_space<vmem_shared>> -> memref<64x128xf32, #tpu.memory_space<vmem_shared>>
      tpu.wait_dma2 semaphore(%run_scoped3A : memref<!tpu.dma_semaphore, #tpu.memory_space<semaphore_mem>>) src(%arg15 : memref<64x128xf32, #tpu.memory_space<vmem>>) dst(%dma_wait3A_73 : memref<64x128xf32, #tpu.memory_space<vmem_shared>>)
      tpu.yield
    }) : () -> ()
    %mul3A_24 = arith.constant 640 : i32
    %mul3A_25 = arith.muli %arg1, %mul3A_24 : i32
    %add3A_26 = arith.constant 256 : i32
    %add3A_27 = arith.addi %mul3A_25, %add3A_26 : i32
    "tpu.region"() ({
      %run_scoped3A = tpu.sem_alloc : memref<!tpu.dma_semaphore, #tpu.memory_space<semaphore_mem>>
      %dma_start3A = arith.constant 0 : i32
      %dma_start3A_68 = tpu.memref_slice %arg18[%add3A_27, %dma_start3A] : memref<10240x128xf32, #tpu.memory_space<vmem_shared>> -> memref<64x128xf32, #tpu.memory_space<vmem_shared>>
      %dma_start3A_69 = arith.constant 0 : i32
      %dma_start3A_70 = tpu.memref_slice %arg18[%add3A_27, %dma_start3A_69] : memref<10240x128xf32, #tpu.memory_space<vmem_shared>> -> memref<64x128xf32, #tpu.memory_space<vmem_shared>>
      tpu.enqueue_dma source(%arg15 : memref<64x128xf32, #tpu.memory_space<vmem>>) target(%dma_start3A_70 : memref<64x128xf32, #tpu.memory_space<vmem_shared>>) target_semaphore(%run_scoped3A : memref<!tpu.dma_semaphore, #tpu.memory_space<semaphore_mem>>)
      %dma_wait3A = arith.constant 0 : i32
      %dma_wait3A_71 = tpu.memref_slice %arg18[%add3A_27, %dma_wait3A] : memref<10240x128xf32, #tpu.memory_space<vmem_shared>> -> memref<64x128xf32, #tpu.memory_space<vmem_shared>>
      %dma_wait3A_72 = arith.constant 0 : i32
      %dma_wait3A_73 = tpu.memref_slice %arg18[%add3A_27, %dma_wait3A_72] : memref<10240x128xf32, #tpu.memory_space<vmem_shared>> -> memref<64x128xf32, #tpu.memory_space<vmem_shared>>
      tpu.wait_dma2 semaphore(%run_scoped3A : memref<!tpu.dma_semaphore, #tpu.memory_space<semaphore_mem>>) src(%arg15 : memref<64x128xf32, #tpu.memory_space<vmem>>) dst(%dma_wait3A_73 : memref<64x128xf32, #tpu.memory_space<vmem_shared>>)
      tpu.yield
    }) : () -> ()
    %mul3A_28 = arith.constant 640 : i32
    %mul3A_29 = arith.muli %arg1, %mul3A_28 : i32
    %add3A_30 = arith.constant 320 : i32
    %add3A_31 = arith.addi %mul3A_29, %add3A_30 : i32
    "tpu.region"() ({
      %run_scoped3A = tpu.sem_alloc : memref<!tpu.dma_semaphore, #tpu.memory_space<semaphore_mem>>
      %dma_start3A = arith.constant 0 : i32
      %dma_start3A_68 = tpu.memref_slice %arg18[%add3A_31, %dma_start3A] : memref<10240x128xf32, #tpu.memory_space<vmem_shared>> -> memref<64x128xf32, #tpu.memory_space<vmem_shared>>
      %dma_start3A_69 = arith.constant 0 : i32
      %dma_start3A_70 = tpu.memref_slice %arg18[%add3A_31, %dma_start3A_69] : memref<10240x128xf32, #tpu.memory_space<vmem_shared>> -> memref<64x128xf32, #tpu.memory_space<vmem_shared>>
      tpu.enqueue_dma source(%arg15 : memref<64x128xf32, #tpu.memory_space<vmem>>) target(%dma_start3A_70 : memref<64x128xf32, #tpu.memory_space<vmem_shared>>) target_semaphore(%run_scoped3A : memref<!tpu.dma_semaphore, #tpu.memory_space<semaphore_mem>>)
      %dma_wait3A = arith.constant 0 : i32
      %dma_wait3A_71 = tpu.memref_slice %arg18[%add3A_31, %dma_wait3A] : memref<10240x128xf32, #tpu.memory_space<vmem_shared>> -> memref<64x128xf32, #tpu.memory_space<vmem_shared>>
      %dma_wait3A_72 = arith.constant 0 : i32
      %dma_wait3A_73 = tpu.memref_slice %arg18[%add3A_31, %dma_wait3A_72] : memref<10240x128xf32, #tpu.memory_space<vmem_shared>> -> memref<64x128xf32, #tpu.memory_space<vmem_shared>>
      tpu.wait_dma2 semaphore(%run_scoped3A : memref<!tpu.dma_semaphore, #tpu.memory_space<semaphore_mem>>) src(%arg15 : memref<64x128xf32, #tpu.memory_space<vmem>>) dst(%dma_wait3A_73 : memref<64x128xf32, #tpu.memory_space<vmem_shared>>)
      tpu.yield
    }) : () -> ()
    %mul3A_32 = arith.constant 640 : i32
    %mul3A_33 = arith.muli %arg1, %mul3A_32 : i32
    %add3A_34 = arith.constant 384 : i32
    %add3A_35 = arith.addi %mul3A_33, %add3A_34 : i32
    "tpu.region"() ({
      %run_scoped3A = tpu.sem_alloc : memref<!tpu.dma_semaphore, #tpu.memory_space<semaphore_mem>>
      %dma_start3A = arith.constant 0 : i32
      %dma_start3A_68 = tpu.memref_slice %arg18[%add3A_35, %dma_start3A] : memref<10240x128xf32, #tpu.memory_space<vmem_shared>> -> memref<64x128xf32, #tpu.memory_space<vmem_shared>>
      %dma_start3A_69 = arith.constant 0 : i32
      %dma_start3A_70 = tpu.memref_slice %arg18[%add3A_35, %dma_start3A_69] : memref<10240x128xf32, #tpu.memory_space<vmem_shared>> -> memref<64x128xf32, #tpu.memory_space<vmem_shared>>
      tpu.enqueue_dma source(%arg15 : memref<64x128xf32, #tpu.memory_space<vmem>>) target(%dma_start3A_70 : memref<64x128xf32, #tpu.memory_space<vmem_shared>>) target_semaphore(%run_scoped3A : memref<!tpu.dma_semaphore, #tpu.memory_space<semaphore_mem>>)
      %dma_wait3A = arith.constant 0 : i32
      %dma_wait3A_71 = tpu.memref_slice %arg18[%add3A_35, %dma_wait3A] : memref<10240x128xf32, #tpu.memory_space<vmem_shared>> -> memref<64x128xf32, #tpu.memory_space<vmem_shared>>
      %dma_wait3A_72 = arith.constant 0 : i32
      %dma_wait3A_73 = tpu.memref_slice %arg18[%add3A_35, %dma_wait3A_72] : memref<10240x128xf32, #tpu.memory_space<vmem_shared>> -> memref<64x128xf32, #tpu.memory_space<vmem_shared>>
      tpu.wait_dma2 semaphore(%run_scoped3A : memref<!tpu.dma_semaphore, #tpu.memory_space<semaphore_mem>>) src(%arg15 : memref<64x128xf32, #tpu.memory_space<vmem>>) dst(%dma_wait3A_73 : memref<64x128xf32, #tpu.memory_space<vmem_shared>>)
      tpu.yield
    }) : () -> ()
    %mul3A_36 = arith.constant 640 : i32
    %mul3A_37 = arith.muli %arg1, %mul3A_36 : i32
    %add3A_38 = arith.constant 448 : i32
    %add3A_39 = arith.addi %mul3A_37, %add3A_38 : i32
    "tpu.region"() ({
      %run_scoped3A = tpu.sem_alloc : memref<!tpu.dma_semaphore, #tpu.memory_space<semaphore_mem>>
      %dma_start3A = arith.constant 0 : i32
      %dma_start3A_68 = tpu.memref_slice %arg18[%add3A_39, %dma_start3A] : memref<10240x128xf32, #tpu.memory_space<vmem_shared>> -> memref<64x128xf32, #tpu.memory_space<vmem_shared>>
      %dma_start3A_69 = arith.constant 0 : i32
      %dma_start3A_70 = tpu.memref_slice %arg18[%add3A_39, %dma_start3A_69] : memref<10240x128xf32, #tpu.memory_space<vmem_shared>> -> memref<64x128xf32, #tpu.memory_space<vmem_shared>>
      tpu.enqueue_dma source(%arg15 : memref<64x128xf32, #tpu.memory_space<vmem>>) target(%dma_start3A_70 : memref<64x128xf32, #tpu.memory_space<vmem_shared>>) target_semaphore(%run_scoped3A : memref<!tpu.dma_semaphore, #tpu.memory_space<semaphore_mem>>)
      %dma_wait3A = arith.constant 0 : i32
      %dma_wait3A_71 = tpu.memref_slice %arg18[%add3A_39, %dma_wait3A] : memref<10240x128xf32, #tpu.memory_space<vmem_shared>> -> memref<64x128xf32, #tpu.memory_space<vmem_shared>>
      %dma_wait3A_72 = arith.constant 0 : i32
      %dma_wait3A_73 = tpu.memref_slice %arg18[%add3A_39, %dma_wait3A_72] : memref<10240x128xf32, #tpu.memory_space<vmem_shared>> -> memref<64x128xf32, #tpu.memory_space<vmem_shared>>
      tpu.wait_dma2 semaphore(%run_scoped3A : memref<!tpu.dma_semaphore, #tpu.memory_space<semaphore_mem>>) src(%arg15 : memref<64x128xf32, #tpu.memory_space<vmem>>) dst(%dma_wait3A_73 : memref<64x128xf32, #tpu.memory_space<vmem_shared>>)
      tpu.yield
    }) : () -> ()
    %mul3A_40 = arith.constant 640 : i32
    %mul3A_41 = arith.muli %arg1, %mul3A_40 : i32
    %add3A_42 = arith.constant 512 : i32
    %add3A_43 = arith.addi %mul3A_41, %add3A_42 : i32
    "tpu.region"() ({
      %run_scoped3A = tpu.sem_alloc : memref<!tpu.dma_semaphore, #tpu.memory_space<semaphore_mem>>
      %dma_start3A = arith.constant 0 : i32
      %dma_start3A_68 = tpu.memref_slice %arg18[%add3A_43, %dma_start3A] : memref<10240x128xf32, #tpu.memory_space<vmem_shared>> -> memref<64x128xf32, #tpu.memory_space<vmem_shared>>
      %dma_start3A_69 = arith.constant 0 : i32
      %dma_start3A_70 = tpu.memref_slice %arg18[%add3A_43, %dma_start3A_69] : memref<10240x128xf32, #tpu.memory_space<vmem_shared>> -> memref<64x128xf32, #tpu.memory_space<vmem_shared>>
      tpu.enqueue_dma source(%arg15 : memref<64x128xf32, #tpu.memory_space<vmem>>) target(%dma_start3A_70 : memref<64x128xf32, #tpu.memory_space<vmem_shared>>) target_semaphore(%run_scoped3A : memref<!tpu.dma_semaphore, #tpu.memory_space<semaphore_mem>>)
      %dma_wait3A = arith.constant 0 : i32
      %dma_wait3A_71 = tpu.memref_slice %arg18[%add3A_43, %dma_wait3A] : memref<10240x128xf32, #tpu.memory_space<vmem_shared>> -> memref<64x128xf32, #tpu.memory_space<vmem_shared>>
      %dma_wait3A_72 = arith.constant 0 : i32
      %dma_wait3A_73 = tpu.memref_slice %arg18[%add3A_43, %dma_wait3A_72] : memref<10240x128xf32, #tpu.memory_space<vmem_shared>> -> memref<64x128xf32, #tpu.memory_space<vmem_shared>>
      tpu.wait_dma2 semaphore(%run_scoped3A : memref<!tpu.dma_semaphore, #tpu.memory_space<semaphore_mem>>) src(%arg15 : memref<64x128xf32, #tpu.memory_space<vmem>>) dst(%dma_wait3A_73 : memref<64x128xf32, #tpu.memory_space<vmem_shared>>)
      tpu.yield
    }) : () -> ()
    %mul3A_44 = arith.constant 640 : i32
    %mul3A_45 = arith.muli %arg1, %mul3A_44 : i32
    %add3A_46 = arith.constant 576 : i32
    %add3A_47 = arith.addi %mul3A_45, %add3A_46 : i32
    "tpu.region"() ({
      %run_scoped3A = tpu.sem_alloc : memref<!tpu.dma_semaphore, #tpu.memory_space<semaphore_mem>>
      %dma_start3A = arith.constant 0 : i32
      %dma_start3A_68 = tpu.memref_slice %arg18[%add3A_47, %dma_start3A] : memref<10240x128xf32, #tpu.memory_space<vmem_shared>> -> memref<64x128xf32, #tpu.memory_space<vmem_shared>>
      %dma_start3A_69 = arith.constant 0 : i32
      %dma_start3A_70 = tpu.memref_slice %arg18[%add3A_47, %dma_start3A_69] : memref<10240x128xf32, #tpu.memory_space<vmem_shared>> -> memref<64x128xf32, #tpu.memory_space<vmem_shared>>
      tpu.enqueue_dma source(%arg15 : memref<64x128xf32, #tpu.memory_space<vmem>>) target(%dma_start3A_70 : memref<64x128xf32, #tpu.memory_space<vmem_shared>>) target_semaphore(%run_scoped3A : memref<!tpu.dma_semaphore, #tpu.memory_space<semaphore_mem>>)
      %dma_wait3A = arith.constant 0 : i32
      %dma_wait3A_71 = tpu.memref_slice %arg18[%add3A_47, %dma_wait3A] : memref<10240x128xf32, #tpu.memory_space<vmem_shared>> -> memref<64x128xf32, #tpu.memory_space<vmem_shared>>
      %dma_wait3A_72 = arith.constant 0 : i32
      %dma_wait3A_73 = tpu.memref_slice %arg18[%add3A_47, %dma_wait3A_72] : memref<10240x128xf32, #tpu.memory_space<vmem_shared>> -> memref<64x128xf32, #tpu.memory_space<vmem_shared>>
      tpu.wait_dma2 semaphore(%run_scoped3A : memref<!tpu.dma_semaphore, #tpu.memory_space<semaphore_mem>>) src(%arg15 : memref<64x128xf32, #tpu.memory_space<vmem>>) dst(%dma_wait3A_73 : memref<64x128xf32, #tpu.memory_space<vmem_shared>>)
      tpu.yield
    }) : () -> ()
    %lt3A = arith.constant 8 : i32
    %lt3A_48 = arith.cmpi slt, %arg1, %lt3A : i32
    %convert_element_type3A = arith.extui %lt3A_48 : i1 to i32
    %cond3A = arith.constant 0 : i32
    %cond3A_49 = arith.cmpi ne, %convert_element_type3A, %cond3A : i32
    scf.if %cond3A_49 {
      %mul3A_68 = arith.constant 40 : i32
      %mul3A_69 = arith.muli %arg1, %mul3A_68 : i32
      "tpu.region"() ({
        %run_scoped3A = tpu.sem_alloc : memref<!tpu.dma_semaphore, #tpu.memory_space<semaphore_mem>>
        %dma_start3A = arith.constant 0 : i32
        %dma_start3A_70 = arith.constant 0 : i32
        %dma_start3A_71 = tpu.memref_slice %arg17[%dma_start3A, %dma_start3A_70] : memref<64x128xf32, #tpu.memory_space<vmem>> -> memref<40x128xf32, #tpu.memory_space<vmem>>
        %dma_start3A_72 = arith.constant 0 : i32
        %dma_start3A_73 = tpu.memref_slice %arg19[%mul3A_69, %dma_start3A_72] : memref<320x128xf32, #tpu.memory_space<vmem_shared>> -> memref<40x128xf32, #tpu.memory_space<vmem_shared>>
        %dma_start3A_74 = arith.constant 0 : i32
        %dma_start3A_75 = tpu.memref_slice %arg19[%mul3A_69, %dma_start3A_74] : memref<320x128xf32, #tpu.memory_space<vmem_shared>> -> memref<40x128xf32, #tpu.memory_space<vmem_shared>>
        %dma_start3A_76 = arith.constant 0 : i32
        %dma_start3A_77 = arith.constant 0 : i32
        %dma_start3A_78 = tpu.memref_slice %arg17[%dma_start3A_76, %dma_start3A_77] : memref<64x128xf32, #tpu.memory_space<vmem>> -> memref<40x128xf32, #tpu.memory_space<vmem>>
        tpu.enqueue_dma source(%dma_start3A_78 : memref<40x128xf32, #tpu.memory_space<vmem>>) target(%dma_start3A_75 : memref<40x128xf32, #tpu.memory_space<vmem_shared>>) target_semaphore(%run_scoped3A : memref<!tpu.dma_semaphore, #tpu.memory_space<semaphore_mem>>)
        %dma_wait3A = arith.constant 0 : i32
        %dma_wait3A_79 = arith.constant 0 : i32
        %dma_wait3A_80 = tpu.memref_slice %arg17[%dma_wait3A, %dma_wait3A_79] : memref<64x128xf32, #tpu.memory_space<vmem>> -> memref<40x128xf32, #tpu.memory_space<vmem>>
        %dma_wait3A_81 = arith.constant 0 : i32
        %dma_wait3A_82 = tpu.memref_slice %arg19[%mul3A_69, %dma_wait3A_81] : memref<320x128xf32, #tpu.memory_space<vmem_shared>> -> memref<40x128xf32, #tpu.memory_space<vmem_shared>>
        %dma_wait3A_83 = arith.constant 0 : i32
        %dma_wait3A_84 = tpu.memref_slice %arg19[%mul3A_69, %dma_wait3A_83] : memref<320x128xf32, #tpu.memory_space<vmem_shared>> -> memref<40x128xf32, #tpu.memory_space<vmem_shared>>
        %dma_wait3A_85 = arith.constant 0 : i32
        %dma_wait3A_86 = arith.constant 0 : i32
        %dma_wait3A_87 = tpu.memref_slice %arg17[%dma_wait3A_85, %dma_wait3A_86] : memref<64x128xf32, #tpu.memory_space<vmem>> -> memref<40x128xf32, #tpu.memory_space<vmem>>
        tpu.wait_dma2 semaphore(%run_scoped3A : memref<!tpu.dma_semaphore, #tpu.memory_space<semaphore_mem>>) src(%dma_wait3A_87 : memref<40x128xf32, #tpu.memory_space<vmem>>) dst(%dma_wait3A_84 : memref<40x128xf32, #tpu.memory_space<vmem_shared>>)
        tpu.yield
      }) : () -> ()
    } else {
    }
    %barrier3A = arith.constant 0 : index
    tpu.barrier barrier_id(%barrier3A)
    %scan3A_50 = arith.constant 0 : i32
    %scan3A_51 = arith.constant 0 : i32
    %scan3A_52 = arith.constant 157 : i32
    %scan3A_53 = arith.addi %scan3A_51, %scan3A_52 : i32
    %scan3A_54 = arith.constant 1 : i32
    %scan3A_55 = scf.for %scan3A_68 = %scan3A_51 to %scan3A_53 step %scan3A_54 iter_args(%scan3A_69 = %scan3A_50) -> (i32)  : i32 {
      %mul3A_70 = arith.constant 10048 : i32
      %mul3A_71 = arith.muli %add3A, %mul3A_70 : i32
      %mul3A_72 = arith.constant 64 : i32
      %mul3A_73 = arith.muli %scan3A_68, %mul3A_72 : i32
      %add3A_74 = arith.addi %mul3A_71, %mul3A_73 : i32
      "tpu.region"() ({
        %run_scoped3A = tpu.sem_alloc : memref<!tpu.dma_semaphore, #tpu.memory_space<semaphore_mem>>
        %dma_start3A_106 = tpu.memref_slice %arg5[%add3A_74] : memref<321536xi32, #tpu.memory_space<hbm>> -> memref<64xi32, #tpu.memory_space<hbm>>
        %dma_start3A_107 = tpu.memref_slice %arg5[%add3A_74] : memref<321536xi32, #tpu.memory_space<hbm>> -> memref<64xi32, #tpu.memory_space<hbm>>
        tpu.enqueue_dma source(%dma_start3A_107 : memref<64xi32, #tpu.memory_space<hbm>>) target(%arg10 : memref<64xi32, #tpu.memory_space<vmem>>) target_semaphore(%run_scoped3A : memref<!tpu.dma_semaphore, #tpu.memory_space<semaphore_mem>>)
        %dma_wait3A_108 = tpu.memref_slice %arg5[%add3A_74] : memref<321536xi32, #tpu.memory_space<hbm>> -> memref<64xi32, #tpu.memory_space<hbm>>
        %dma_wait3A_109 = tpu.memref_slice %arg5[%add3A_74] : memref<321536xi32, #tpu.memory_space<hbm>> -> memref<64xi32, #tpu.memory_space<hbm>>
        tpu.wait_dma2 semaphore(%run_scoped3A : memref<!tpu.dma_semaphore, #tpu.memory_space<semaphore_mem>>) src(%dma_wait3A_109 : memref<64xi32, #tpu.memory_space<hbm>>) dst(%arg10 : memref<64xi32, #tpu.memory_space<vmem>>)
        tpu.yield
      }) : () -> ()
      "tpu.region"() ({
        %run_scoped3A = tpu.sem_alloc : memref<!tpu.dma_semaphore, #tpu.memory_space<semaphore_mem>>
        %dma_start3A_106 = tpu.memref_slice %arg6[%add3A_74] : memref<321536xi32, #tpu.memory_space<hbm>> -> memref<64xi32, #tpu.memory_space<hbm>>
        %dma_start3A_107 = tpu.memref_slice %arg6[%add3A_74] : memref<321536xi32, #tpu.memory_space<hbm>> -> memref<64xi32, #tpu.memory_space<hbm>>
        tpu.enqueue_dma source(%dma_start3A_107 : memref<64xi32, #tpu.memory_space<hbm>>) target(%arg11 : memref<64xi32, #tpu.memory_space<vmem>>) target_semaphore(%run_scoped3A : memref<!tpu.dma_semaphore, #tpu.memory_space<semaphore_mem>>)
        %dma_wait3A_108 = tpu.memref_slice %arg6[%add3A_74] : memref<321536xi32, #tpu.memory_space<hbm>> -> memref<64xi32, #tpu.memory_space<hbm>>
        %dma_wait3A_109 = tpu.memref_slice %arg6[%add3A_74] : memref<321536xi32, #tpu.memory_space<hbm>> -> memref<64xi32, #tpu.memory_space<hbm>>
        tpu.wait_dma2 semaphore(%run_scoped3A : memref<!tpu.dma_semaphore, #tpu.memory_space<semaphore_mem>>) src(%dma_wait3A_109 : memref<64xi32, #tpu.memory_space<hbm>>) dst(%arg11 : memref<64xi32, #tpu.memory_space<vmem>>)
        tpu.yield
      }) : () -> ()
      "tpu.region"() ({
        %run_scoped3A = tpu.sem_alloc : memref<!tpu.dma_semaphore, #tpu.memory_space<semaphore_mem>>
        %dma_start3A_106 = arith.constant 0 : i32
        %dma_start3A_107 = tpu.memref_slice %arg7[%add3A_74, %dma_start3A_106] : memref<321536x16xf32, #tpu.memory_space<hbm>> -> memref<64x16xf32, #tpu.memory_space<hbm>>
        %dma_start3A_108 = arith.constant 0 : i32
        %dma_start3A_109 = tpu.memref_slice %arg7[%add3A_74, %dma_start3A_108] : memref<321536x16xf32, #tpu.memory_space<hbm>> -> memref<64x16xf32, #tpu.memory_space<hbm>>
        tpu.enqueue_dma source(%dma_start3A_109 : memref<64x16xf32, #tpu.memory_space<hbm>>) target(%arg16 : memref<64x16xf32, #tpu.memory_space<vmem>>) target_semaphore(%run_scoped3A : memref<!tpu.dma_semaphore, #tpu.memory_space<semaphore_mem>>)
        %dma_wait3A_110 = arith.constant 0 : i32
        %dma_wait3A_111 = tpu.memref_slice %arg7[%add3A_74, %dma_wait3A_110] : memref<321536x16xf32, #tpu.memory_space<hbm>> -> memref<64x16xf32, #tpu.memory_space<hbm>>
        %dma_wait3A_112 = arith.constant 0 : i32
        %dma_wait3A_113 = tpu.memref_slice %arg7[%add3A_74, %dma_wait3A_112] : memref<321536x16xf32, #tpu.memory_space<hbm>> -> memref<64x16xf32, #tpu.memory_space<hbm>>
        tpu.wait_dma2 semaphore(%run_scoped3A : memref<!tpu.dma_semaphore, #tpu.memory_space<semaphore_mem>>) src(%dma_wait3A_113 : memref<64x16xf32, #tpu.memory_space<hbm>>) dst(%arg16 : memref<64x16xf32, #tpu.memory_space<vmem>>)
        tpu.yield
      }) : () -> ()
      %dma_start3A = arith.constant 0 : i32
      %dma_start3A_75 = arith.constant 0 : i32
      %dma_start3A_76 = tpu.memref_slice %arg2[%dma_start3A, %dma_start3A_75] : memref<10240x128xf32, #tpu.memory_space<hbm>> -> memref<10240x128xf32, #tpu.memory_space<hbm>>
      tpu.enqueue_indirect_dma source(%dma_start3A_76 : memref<10240x128xf32, #tpu.memory_space<hbm>>) target(%arg13 : memref<64x128xf32, #tpu.memory_space<vmem>>) offsets(%arg11 : memref<64xi32, #tpu.memory_space<vmem>>) semaphore(%arg20 : memref<!tpu.dma_semaphore, #tpu.memory_space<semaphore_mem>>)
      %dma_start3A_77 = arith.constant 0 : i32
      %dma_start3A_78 = arith.constant 0 : i32
      %dma_start3A_79 = tpu.memref_slice %arg3[%dma_start3A_77, %dma_start3A_78] : memref<10240x128xf32, #tpu.memory_space<hbm>> -> memref<10240x128xf32, #tpu.memory_space<hbm>>
      tpu.enqueue_indirect_dma source(%dma_start3A_79 : memref<10240x128xf32, #tpu.memory_space<hbm>>) target(%arg14 : memref<64x128xf32, #tpu.memory_space<vmem>>) offsets(%arg10 : memref<64xi32, #tpu.memory_space<vmem>>) semaphore(%arg20 : memref<!tpu.dma_semaphore, #tpu.memory_space<semaphore_mem>>)
      %dma_start3A_80 = arith.constant 0 : i32
      %dma_start3A_81 = arith.constant 0 : i32
      %dma_start3A_82 = tpu.memref_slice %arg4[%dma_start3A_80, %dma_start3A_81] : memref<10240x128xf32, #tpu.memory_space<hbm>> -> memref<10240x128xf32, #tpu.memory_space<hbm>>
      tpu.enqueue_indirect_dma source(%dma_start3A_82 : memref<10240x128xf32, #tpu.memory_space<hbm>>) target(%arg15 : memref<64x128xf32, #tpu.memory_space<vmem>>) offsets(%arg10 : memref<64xi32, #tpu.memory_space<vmem>>) semaphore(%arg20 : memref<!tpu.dma_semaphore, #tpu.memory_space<semaphore_mem>>)
      %dma_wait3A = arith.constant 0 : i32
      %dma_wait3A_83 = arith.constant 0 : i32
      %dma_wait3A_84 = tpu.memref_slice %arg2[%dma_wait3A, %dma_wait3A_83] : memref<10240x128xf32, #tpu.memory_space<hbm>> -> memref<10240x128xf32, #tpu.memory_space<hbm>>
      tpu.wait_indirect_dma semaphore(%arg20 : memref<!tpu.dma_semaphore, #tpu.memory_space<semaphore_mem>>) src(%dma_wait3A_84 : memref<10240x128xf32, #tpu.memory_space<hbm>>) dst(%arg13 : memref<64x128xf32, #tpu.memory_space<vmem>>)
      %dma_wait3A_85 = arith.constant 0 : i32
      %dma_wait3A_86 = arith.constant 0 : i32
      %dma_wait3A_87 = tpu.memref_slice %arg3[%dma_wait3A_85, %dma_wait3A_86] : memref<10240x128xf32, #tpu.memory_space<hbm>> -> memref<10240x128xf32, #tpu.memory_space<hbm>>
      tpu.wait_indirect_dma semaphore(%arg20 : memref<!tpu.dma_semaphore, #tpu.memory_space<semaphore_mem>>) src(%dma_wait3A_87 : memref<10240x128xf32, #tpu.memory_space<hbm>>) dst(%arg14 : memref<64x128xf32, #tpu.memory_space<vmem>>)
      %dma_wait3A_88 = arith.constant 0 : i32
      %dma_wait3A_89 = arith.constant 0 : i32
      %dma_wait3A_90 = tpu.memref_slice %arg4[%dma_wait3A_88, %dma_wait3A_89] : memref<10240x128xf32, #tpu.memory_space<hbm>> -> memref<10240x128xf32, #tpu.memory_space<hbm>>
      tpu.wait_indirect_dma semaphore(%arg20 : memref<!tpu.dma_semaphore, #tpu.memory_space<semaphore_mem>>) src(%dma_wait3A_90 : memref<10240x128xf32, #tpu.memory_space<hbm>>) dst(%arg15 : memref<64x128xf32, #tpu.memory_space<vmem>>)
      %scan3A_91 = arith.constant 0 : i32
      %scan3A_92 = arith.constant 0 : i32
      %scan3A_93 = arith.constant 4 : i32
      %scan3A_94 = arith.addi %scan3A_92, %scan3A_93 : i32
      %scan3A_95 = arith.constant 1 : i32
      %scan3A_96 = scf.for %scan3A_106 = %scan3A_92 to %scan3A_94 step %scan3A_95 iter_args(%scan3A_107 = %scan3A_91) -> (i32)  : i32 {
        %mul3A_108 = arith.constant 16 : i32
        %mul3A_109 = arith.muli %scan3A_106, %mul3A_108 : i32
        %iota3A = tpu.iota {dimensions = array<i32: 0>} : vector<16xi32>
        %add3A_110 = vector.broadcast %mul3A_109 : i32 to vector<16xi32>
        %add3A_111 = arith.addi %add3A_110, %iota3A : vector<16xi32>
        %mul3A_112 = arith.constant 16 : i32
        %mul3A_113 = arith.muli %scan3A_106, %mul3A_112 : i32
        %get3A = arith.index_cast %mul3A_113 : i32 to index
        %get3A_114 = tpu.vector_load %arg11[%get3A] {strides = array<i32>} : memref<64xi32, #tpu.memory_space<vmem>>, vector<16xi32>,
        %shift_right_logical3A = arith.constant 5 : i32
        %shift_right_logical3A_115 = vector.broadcast %shift_right_logical3A : i32 to vector<16xi32>
        %shift_right_logical3A_116 = arith.shrui %get3A_114, %shift_right_logical3A_115 : vector<16xi32>
        %mul3A_117 = arith.constant 16 : i32
        %mul3A_118 = arith.muli %scan3A_106, %mul3A_117 : i32
        %swap3A = arith.index_cast %mul3A_118 : i32 to index
        %swap3A_119 = tpu.vector_load %arg12[%swap3A] {strides = array<i32>} : memref<64xi32, #tpu.memory_space<vmem>>, vector<16xi32>,
        tpu.vector_store %arg12[%swap3A], %shift_right_logical3A_116 {strides = array<i32>} : memref<64xi32, #tpu.memory_space<vmem>>, vector<16xi32>,
        %and3A = arith.constant 31 : i32
        %and3A_120 = vector.broadcast %and3A : i32 to vector<16xi32>
        %and3A_121 = arith.andi %get3A_114, %and3A_120 : vector<16xi32>
        %mul3A_122 = arith.constant 4 : i32
        %mul3A_123 = vector.broadcast %mul3A_122 : i32 to vector<16xi32>
        %mul3A_124 = arith.muli %and3A_121, %mul3A_123 : vector<16xi32>
        %broadcast_in_dim3A_125 = arith.constant 0 : i32
        %broadcast_in_dim3A_126 = vector.broadcast %broadcast_in_dim3A_125 : i32 to vector<16xi32>
        %gather3A = tpu.vector_load_idx %arg16[%add3A_111, %broadcast_in_dim3A_126] : memref<64x16xf32, #tpu.memory_space<vmem>>[vector<16xi32>, vector<16xi32>], vector<16xf32>,
        %broadcast_in_dim3A_127 = arith.constant 0.000000e+00 : f32
        %broadcast_in_dim3A_128 = vector.broadcast %broadcast_in_dim3A_127 : f32 to vector<16xf32>
        %broadcast_in_dim3A_129 = arith.constant 0.000000e+00 : f32
        %broadcast_in_dim3A_130 = vector.broadcast %broadcast_in_dim3A_129 : f32 to vector<16xf32>
        %broadcast_in_dim3A_131 = arith.constant 0.000000e+00 : f32
        %broadcast_in_dim3A_132 = vector.broadcast %broadcast_in_dim3A_131 : f32 to vector<16xf32>
        %broadcast_in_dim3A_133 = arith.constant 0.000000e+00 : f32
        %broadcast_in_dim3A_134 = vector.broadcast %broadcast_in_dim3A_133 : f32 to vector<16xf32>
        %broadcast_in_dim3A_135 = arith.constant 0 : i32
        %broadcast_in_dim3A_136 = vector.broadcast %broadcast_in_dim3A_135 : i32 to vector<16xi32>
        %gather3A_137 = tpu.vector_load_idx %arg13[%add3A_111, %broadcast_in_dim3A_136] : memref<64x128xf32, #tpu.memory_space<vmem>>[vector<16xi32>, vector<16xi32>], vector<16xf32>,
        %gather3A_138 = tpu.vector_load_idx %arg14[%add3A_111, %broadcast_in_dim3A_136] : memref<64x128xf32, #tpu.memory_space<vmem>>[vector<16xi32>, vector<16xi32>], vector<16xf32>,
        %mul3A_139 = arith.mulf %gather3A_137, %gather3A_138 : vector<16xf32>
        %add3A_140 = arith.addf %broadcast_in_dim3A_128, %mul3A_139 : vector<16xf32>
        %broadcast_in_dim3A_141 = arith.constant 1 : i32
        %broadcast_in_dim3A_142 = vector.broadcast %broadcast_in_dim3A_141 : i32 to vector<16xi32>
        %gather3A_143 = tpu.vector_load_idx %arg13[%add3A_111, %broadcast_in_dim3A_142] : memref<64x128xf32, #tpu.memory_space<vmem>>[vector<16xi32>, vector<16xi32>], vector<16xf32>,
        %gather3A_144 = tpu.vector_load_idx %arg14[%add3A_111, %broadcast_in_dim3A_142] : memref<64x128xf32, #tpu.memory_space<vmem>>[vector<16xi32>, vector<16xi32>], vector<16xf32>,
        %mul3A_145 = arith.mulf %gather3A_143, %gather3A_144 : vector<16xf32>
        %add3A_146 = arith.addf %broadcast_in_dim3A_130, %mul3A_145 : vector<16xf32>
        %broadcast_in_dim3A_147 = arith.constant 2 : i32
        %broadcast_in_dim3A_148 = vector.broadcast %broadcast_in_dim3A_147 : i32 to vector<16xi32>
        %gather3A_149 = tpu.vector_load_idx %arg13[%add3A_111, %broadcast_in_dim3A_148] : memref<64x128xf32, #tpu.memory_space<vmem>>[vector<16xi32>, vector<16xi32>], vector<16xf32>,
        %gather3A_150 = tpu.vector_load_idx %arg14[%add3A_111, %broadcast_in_dim3A_148] : memref<64x128xf32, #tpu.memory_space<vmem>>[vector<16xi32>, vector<16xi32>], vector<16xf32>,
        %mul3A_151 = arith.mulf %gather3A_149, %gather3A_150 : vector<16xf32>
        %add3A_152 = arith.addf %broadcast_in_dim3A_132, %mul3A_151 : vector<16xf32>
        %broadcast_in_dim3A_153 = arith.constant 3 : i32
        %broadcast_in_dim3A_154 = vector.broadcast %broadcast_in_dim3A_153 : i32 to vector<16xi32>
        %gather3A_155 = tpu.vector_load_idx %arg13[%add3A_111, %broadcast_in_dim3A_154] : memref<64x128xf32, #tpu.memory_space<vmem>>[vector<16xi32>, vector<16xi32>], vector<16xf32>,
        %gather3A_156 = tpu.vector_load_idx %arg14[%add3A_111, %broadcast_in_dim3A_154] : memref<64x128xf32, #tpu.memory_space<vmem>>[vector<16xi32>, vector<16xi32>], vector<16xf32>,
        %mul3A_157 = arith.mulf %gather3A_155, %gather3A_156 : vector<16xf32>
        %add3A_158 = arith.addf %broadcast_in_dim3A_134, %mul3A_157 : vector<16xf32>
        %broadcast_in_dim3A_159 = arith.constant 4 : i32
        %broadcast_in_dim3A_160 = vector.broadcast %broadcast_in_dim3A_159 : i32 to vector<16xi32>
        %gather3A_161 = tpu.vector_load_idx %arg13[%add3A_111, %broadcast_in_dim3A_160] : memref<64x128xf32, #tpu.memory_space<vmem>>[vector<16xi32>, vector<16xi32>], vector<16xf32>,
        %gather3A_162 = tpu.vector_load_idx %arg14[%add3A_111, %broadcast_in_dim3A_160] : memref<64x128xf32, #tpu.memory_space<vmem>>[vector<16xi32>, vector<16xi32>], vector<16xf32>,
        %mul3A_163 = arith.mulf %gather3A_161, %gather3A_162 : vector<16xf32>
        %add3A_164 = arith.addf %add3A_140, %mul3A_163 : vector<16xf32>
        %broadcast_in_dim3A_165 = arith.constant 5 : i32
        %broadcast_in_dim3A_166 = vector.broadcast %broadcast_in_dim3A_165 : i32 to vector<16xi32>
        %gather3A_167 = tpu.vector_load_idx %arg13[%add3A_111, %broadcast_in_dim3A_166] : memref<64x128xf32, #tpu.memory_space<vmem>>[vector<16xi32>, vector<16xi32>], vector<16xf32>,
        %gather3A_168 = tpu.vector_load_idx %arg14[%add3A_111, %broadcast_in_dim3A_166] : memref<64x128xf32, #tpu.memory_space<vmem>>[vector<16xi32>, vector<16xi32>], vector<16xf32>,
        %mul3A_169 = arith.mulf %gather3A_167, %gather3A_168 : vector<16xf32>
        %add3A_170 = arith.addf %add3A_146, %mul3A_169 : vector<16xf32>
        %broadcast_in_dim3A_171 = arith.constant 6 : i32
        %broadcast_in_dim3A_172 = vector.broadcast %broadcast_in_dim3A_171 : i32 to vector<16xi32>
        %gather3A_173 = tpu.vector_load_idx %arg13[%add3A_111, %broadcast_in_dim3A_172] : memref<64x128xf32, #tpu.memory_space<vmem>>[vector<16xi32>, vector<16xi32>], vector<16xf32>,
        %gather3A_174 = tpu.vector_load_idx %arg14[%add3A_111, %broadcast_in_dim3A_172] : memref<64x128xf32, #tpu.memory_space<vmem>>[vector<16xi32>, vector<16xi32>], vector<16xf32>,
        %mul3A_175 = arith.mulf %gather3A_173, %gather3A_174 : vector<16xf32>
        %add3A_176 = arith.addf %add3A_152, %mul3A_175 : vector<16xf32>
        %broadcast_in_dim3A_177 = arith.constant 7 : i32
        %broadcast_in_dim3A_178 = vector.broadcast %broadcast_in_dim3A_177 : i32 to vector<16xi32>
        %gather3A_179 = tpu.vector_load_idx %arg13[%add3A_111, %broadcast_in_dim3A_178] : memref<64x128xf32, #tpu.memory_space<vmem>>[vector<16xi32>, vector<16xi32>], vector<16xf32>,
        %gather3A_180 = tpu.vector_load_idx %arg14[%add3A_111, %broadcast_in_dim3A_178] : memref<64x128xf32, #tpu.memory_space<vmem>>[vector<16xi32>, vector<16xi32>], vector<16xf32>,
        %mul3A_181 = arith.mulf %gather3A_179, %gather3A_180 : vector<16xf32>
        %add3A_182 = arith.addf %add3A_158, %mul3A_181 : vector<16xf32>
        %broadcast_in_dim3A_183 = arith.constant 8 : i32
        %broadcast_in_dim3A_184 = vector.broadcast %broadcast_in_dim3A_183 : i32 to vector<16xi32>
        %gather3A_185 = tpu.vector_load_idx %arg13[%add3A_111, %broadcast_in_dim3A_184] : memref<64x128xf32, #tpu.memory_space<vmem>>[vector<16xi32>, vector<16xi32>], vector<16xf32>,
        %gather3A_186 = tpu.vector_load_idx %arg14[%add3A_111, %broadcast_in_dim3A_184] : memref<64x128xf32, #tpu.memory_space<vmem>>[vector<16xi32>, vector<16xi32>], vector<16xf32>,
        %mul3A_187 = arith.mulf %gather3A_185, %gather3A_186 : vector<16xf32>
        %add3A_188 = arith.addf %add3A_164, %mul3A_187 : vector<16xf32>
        %broadcast_in_dim3A_189 = arith.constant 9 : i32
        %broadcast_in_dim3A_190 = vector.broadcast %broadcast_in_dim3A_189 : i32 to vector<16xi32>
        %gather3A_191 = tpu.vector_load_idx %arg13[%add3A_111, %broadcast_in_dim3A_190] : memref<64x128xf32, #tpu.memory_space<vmem>>[vector<16xi32>, vector<16xi32>], vector<16xf32>,
        %gather3A_192 = tpu.vector_load_idx %arg14[%add3A_111, %broadcast_in_dim3A_190] : memref<64x128xf32, #tpu.memory_space<vmem>>[vector<16xi32>, vector<16xi32>], vector<16xf32>,
        %mul3A_193 = arith.mulf %gather3A_191, %gather3A_192 : vector<16xf32>
        %add3A_194 = arith.addf %add3A_170, %mul3A_193 : vector<16xf32>
        %broadcast_in_dim3A_195 = arith.constant 10 : i32
        %broadcast_in_dim3A_196 = vector.broadcast %broadcast_in_dim3A_195 : i32 to vector<16xi32>
        %gather3A_197 = tpu.vector_load_idx %arg13[%add3A_111, %broadcast_in_dim3A_196] : memref<64x128xf32, #tpu.memory_space<vmem>>[vector<16xi32>, vector<16xi32>], vector<16xf32>,
        %gather3A_198 = tpu.vector_load_idx %arg14[%add3A_111, %broadcast_in_dim3A_196] : memref<64x128xf32, #tpu.memory_space<vmem>>[vector<16xi32>, vector<16xi32>], vector<16xf32>,
        %mul3A_199 = arith.mulf %gather3A_197, %gather3A_198 : vector<16xf32>
        %add3A_200 = arith.addf %add3A_176, %mul3A_199 : vector<16xf32>
        %broadcast_in_dim3A_201 = arith.constant 11 : i32
        %broadcast_in_dim3A_202 = vector.broadcast %broadcast_in_dim3A_201 : i32 to vector<16xi32>
        %gather3A_203 = tpu.vector_load_idx %arg13[%add3A_111, %broadcast_in_dim3A_202] : memref<64x128xf32, #tpu.memory_space<vmem>>[vector<16xi32>, vector<16xi32>], vector<16xf32>,
        %gather3A_204 = tpu.vector_load_idx %arg14[%add3A_111, %broadcast_in_dim3A_202] : memref<64x128xf32, #tpu.memory_space<vmem>>[vector<16xi32>, vector<16xi32>], vector<16xf32>,
        %mul3A_205 = arith.mulf %gather3A_203, %gather3A_204 : vector<16xf32>
        %add3A_206 = arith.addf %add3A_182, %mul3A_205 : vector<16xf32>
        %broadcast_in_dim3A_207 = arith.constant 12 : i32
        %broadcast_in_dim3A_208 = vector.broadcast %broadcast_in_dim3A_207 : i32 to vector<16xi32>
        %gather3A_209 = tpu.vector_load_idx %arg13[%add3A_111, %broadcast_in_dim3A_208] : memref<64x128xf32, #tpu.memory_space<vmem>>[vector<16xi32>, vector<16xi32>], vector<16xf32>,
        %gather3A_210 = tpu.vector_load_idx %arg14[%add3A_111, %broadcast_in_dim3A_208] : memref<64x128xf32, #tpu.memory_space<vmem>>[vector<16xi32>, vector<16xi32>], vector<16xf32>,
        %mul3A_211 = arith.mulf %gather3A_209, %gather3A_210 : vector<16xf32>
        %add3A_212 = arith.addf %add3A_188, %mul3A_211 : vector<16xf32>
        %broadcast_in_dim3A_213 = arith.constant 13 : i32
        %broadcast_in_dim3A_214 = vector.broadcast %broadcast_in_dim3A_213 : i32 to vector<16xi32>
        %gather3A_215 = tpu.vector_load_idx %arg13[%add3A_111, %broadcast_in_dim3A_214] : memref<64x128xf32, #tpu.memory_space<vmem>>[vector<16xi32>, vector<16xi32>], vector<16xf32>,
        %gather3A_216 = tpu.vector_load_idx %arg14[%add3A_111, %broadcast_in_dim3A_214] : memref<64x128xf32, #tpu.memory_space<vmem>>[vector<16xi32>, vector<16xi32>], vector<16xf32>,
        %mul3A_217 = arith.mulf %gather3A_215, %gather3A_216 : vector<16xf32>
        %add3A_218 = arith.addf %add3A_194, %mul3A_217 : vector<16xf32>
        %broadcast_in_dim3A_219 = arith.constant 14 : i32
        %broadcast_in_dim3A_220 = vector.broadcast %broadcast_in_dim3A_219 : i32 to vector<16xi32>
        %gather3A_221 = tpu.vector_load_idx %arg13[%add3A_111, %broadcast_in_dim3A_220] : memref<64x128xf32, #tpu.memory_space<vmem>>[vector<16xi32>, vector<16xi32>], vector<16xf32>,
        %gather3A_222 = tpu.vector_load_idx %arg14[%add3A_111, %broadcast_in_dim3A_220] : memref<64x128xf32, #tpu.memory_space<vmem>>[vector<16xi32>, vector<16xi32>], vector<16xf32>,
        %mul3A_223 = arith.mulf %gather3A_221, %gather3A_222 : vector<16xf32>
        %add3A_224 = arith.addf %add3A_200, %mul3A_223 : vector<16xf32>
        %broadcast_in_dim3A_225 = arith.constant 15 : i32
        %broadcast_in_dim3A_226 = vector.broadcast %broadcast_in_dim3A_225 : i32 to vector<16xi32>
        %gather3A_227 = tpu.vector_load_idx %arg13[%add3A_111, %broadcast_in_dim3A_226] : memref<64x128xf32, #tpu.memory_space<vmem>>[vector<16xi32>, vector<16xi32>], vector<16xf32>,
        %gather3A_228 = tpu.vector_load_idx %arg14[%add3A_111, %broadcast_in_dim3A_226] : memref<64x128xf32, #tpu.memory_space<vmem>>[vector<16xi32>, vector<16xi32>], vector<16xf32>,
        %mul3A_229 = arith.mulf %gather3A_227, %gather3A_228 : vector<16xf32>
        %add3A_230 = arith.addf %add3A_206, %mul3A_229 : vector<16xf32>
        %broadcast_in_dim3A_231 = arith.constant 16 : i32
        %broadcast_in_dim3A_232 = vector.broadcast %broadcast_in_dim3A_231 : i32 to vector<16xi32>
        %gather3A_233 = tpu.vector_load_idx %arg13[%add3A_111, %broadcast_in_dim3A_232] : memref<64x128xf32, #tpu.memory_space<vmem>>[vector<16xi32>, vector<16xi32>], vector<16xf32>,
        %gather3A_234 = tpu.vector_load_idx %arg14[%add3A_111, %broadcast_in_dim3A_232] : memref<64x128xf32, #tpu.memory_space<vmem>>[vector<16xi32>, vector<16xi32>], vector<16xf32>,
        %mul3A_235 = arith.mulf %gather3A_233, %gather3A_234 : vector<16xf32>
        %add3A_236 = arith.addf %add3A_212, %mul3A_235 : vector<16xf32>
        %broadcast_in_dim3A_237 = arith.constant 17 : i32
        %broadcast_in_dim3A_238 = vector.broadcast %broadcast_in_dim3A_237 : i32 to vector<16xi32>
        %gather3A_239 = tpu.vector_load_idx %arg13[%add3A_111, %broadcast_in_dim3A_238] : memref<64x128xf32, #tpu.memory_space<vmem>>[vector<16xi32>, vector<16xi32>], vector<16xf32>,
        %gather3A_240 = tpu.vector_load_idx %arg14[%add3A_111, %broadcast_in_dim3A_238] : memref<64x128xf32, #tpu.memory_space<vmem>>[vector<16xi32>, vector<16xi32>], vector<16xf32>,
        %mul3A_241 = arith.mulf %gather3A_239, %gather3A_240 : vector<16xf32>
        %add3A_242 = arith.addf %add3A_218, %mul3A_241 : vector<16xf32>
        %broadcast_in_dim3A_243 = arith.constant 18 : i32
        %broadcast_in_dim3A_244 = vector.broadcast %broadcast_in_dim3A_243 : i32 to vector<16xi32>
        %gather3A_245 = tpu.vector_load_idx %arg13[%add3A_111, %broadcast_in_dim3A_244] : memref<64x128xf32, #tpu.memory_space<vmem>>[vector<16xi32>, vector<16xi32>], vector<16xf32>,
        %gather3A_246 = tpu.vector_load_idx %arg14[%add3A_111, %broadcast_in_dim3A_244] : memref<64x128xf32, #tpu.memory_space<vmem>>[vector<16xi32>, vector<16xi32>], vector<16xf32>,
        %mul3A_247 = arith.mulf %gather3A_245, %gather3A_246 : vector<16xf32>
        %add3A_248 = arith.addf %add3A_224, %mul3A_247 : vector<16xf32>
        %broadcast_in_dim3A_249 = arith.constant 19 : i32
        %broadcast_in_dim3A_250 = vector.broadcast %broadcast_in_dim3A_249 : i32 to vector<16xi32>
        %gather3A_251 = tpu.vector_load_idx %arg13[%add3A_111, %broadcast_in_dim3A_250] : memref<64x128xf32, #tpu.memory_space<vmem>>[vector<16xi32>, vector<16xi32>], vector<16xf32>,
        %gather3A_252 = tpu.vector_load_idx %arg14[%add3A_111, %broadcast_in_dim3A_250] : memref<64x128xf32, #tpu.memory_space<vmem>>[vector<16xi32>, vector<16xi32>], vector<16xf32>,
        %mul3A_253 = arith.mulf %gather3A_251, %gather3A_252 : vector<16xf32>
        %add3A_254 = arith.addf %add3A_230, %mul3A_253 : vector<16xf32>
        %broadcast_in_dim3A_255 = arith.constant 20 : i32
        %broadcast_in_dim3A_256 = vector.broadcast %broadcast_in_dim3A_255 : i32 to vector<16xi32>
        %gather3A_257 = tpu.vector_load_idx %arg13[%add3A_111, %broadcast_in_dim3A_256] : memref<64x128xf32, #tpu.memory_space<vmem>>[vector<16xi32>, vector<16xi32>], vector<16xf32>,
        %gather3A_258 = tpu.vector_load_idx %arg14[%add3A_111, %broadcast_in_dim3A_256] : memref<64x128xf32, #tpu.memory_space<vmem>>[vector<16xi32>, vector<16xi32>], vector<16xf32>,
        %mul3A_259 = arith.mulf %gather3A_257, %gather3A_258 : vector<16xf32>
        %add3A_260 = arith.addf %add3A_236, %mul3A_259 : vector<16xf32>
        %broadcast_in_dim3A_261 = arith.constant 21 : i32
        %broadcast_in_dim3A_262 = vector.broadcast %broadcast_in_dim3A_261 : i32 to vector<16xi32>
        %gather3A_263 = tpu.vector_load_idx %arg13[%add3A_111, %broadcast_in_dim3A_262] : memref<64x128xf32, #tpu.memory_space<vmem>>[vector<16xi32>, vector<16xi32>], vector<16xf32>,
        %gather3A_264 = tpu.vector_load_idx %arg14[%add3A_111, %broadcast_in_dim3A_262] : memref<64x128xf32, #tpu.memory_space<vmem>>[vector<16xi32>, vector<16xi32>], vector<16xf32>,
        %mul3A_265 = arith.mulf %gather3A_263, %gather3A_264 : vector<16xf32>
        %add3A_266 = arith.addf %add3A_242, %mul3A_265 : vector<16xf32>
        %broadcast_in_dim3A_267 = arith.constant 22 : i32
        %broadcast_in_dim3A_268 = vector.broadcast %broadcast_in_dim3A_267 : i32 to vector<16xi32>
        %gather3A_269 = tpu.vector_load_idx %arg13[%add3A_111, %broadcast_in_dim3A_268] : memref<64x128xf32, #tpu.memory_space<vmem>>[vector<16xi32>, vector<16xi32>], vector<16xf32>,
        %gather3A_270 = tpu.vector_load_idx %arg14[%add3A_111, %broadcast_in_dim3A_268] : memref<64x128xf32, #tpu.memory_space<vmem>>[vector<16xi32>, vector<16xi32>], vector<16xf32>,
        %mul3A_271 = arith.mulf %gather3A_269, %gather3A_270 : vector<16xf32>
        %add3A_272 = arith.addf %add3A_248, %mul3A_271 : vector<16xf32>
        %broadcast_in_dim3A_273 = arith.constant 23 : i32
        %broadcast_in_dim3A_274 = vector.broadcast %broadcast_in_dim3A_273 : i32 to vector<16xi32>
        %gather3A_275 = tpu.vector_load_idx %arg13[%add3A_111, %broadcast_in_dim3A_274] : memref<64x128xf32, #tpu.memory_space<vmem>>[vector<16xi32>, vector<16xi32>], vector<16xf32>,
        %gather3A_276 = tpu.vector_load_idx %arg14[%add3A_111, %broadcast_in_dim3A_274] : memref<64x128xf32, #tpu.memory_space<vmem>>[vector<16xi32>, vector<16xi32>], vector<16xf32>,
        %mul3A_277 = arith.mulf %gather3A_275, %gather3A_276 : vector<16xf32>
        %add3A_278 = arith.addf %add3A_254, %mul3A_277 : vector<16xf32>
        %broadcast_in_dim3A_279 = arith.constant 24 : i32
        %broadcast_in_dim3A_280 = vector.broadcast %broadcast_in_dim3A_279 : i32 to vector<16xi32>
        %gather3A_281 = tpu.vector_load_idx %arg13[%add3A_111, %broadcast_in_dim3A_280] : memref<64x128xf32, #tpu.memory_space<vmem>>[vector<16xi32>, vector<16xi32>], vector<16xf32>,
        %gather3A_282 = tpu.vector_load_idx %arg14[%add3A_111, %broadcast_in_dim3A_280] : memref<64x128xf32, #tpu.memory_space<vmem>>[vector<16xi32>, vector<16xi32>], vector<16xf32>,
        %mul3A_283 = arith.mulf %gather3A_281, %gather3A_282 : vector<16xf32>
        %add3A_284 = arith.addf %add3A_260, %mul3A_283 : vector<16xf32>
        %broadcast_in_dim3A_285 = arith.constant 25 : i32
        %broadcast_in_dim3A_286 = vector.broadcast %broadcast_in_dim3A_285 : i32 to vector<16xi32>
        %gather3A_287 = tpu.vector_load_idx %arg13[%add3A_111, %broadcast_in_dim3A_286] : memref<64x128xf32, #tpu.memory_space<vmem>>[vector<16xi32>, vector<16xi32>], vector<16xf32>,
        %gather3A_288 = tpu.vector_load_idx %arg14[%add3A_111, %broadcast_in_dim3A_286] : memref<64x128xf32, #tpu.memory_space<vmem>>[vector<16xi32>, vector<16xi32>], vector<16xf32>,
        %mul3A_289 = arith.mulf %gather3A_287, %gather3A_288 : vector<16xf32>
        %add3A_290 = arith.addf %add3A_266, %mul3A_289 : vector<16xf32>
        %broadcast_in_dim3A_291 = arith.constant 26 : i32
        %broadcast_in_dim3A_292 = vector.broadcast %broadcast_in_dim3A_291 : i32 to vector<16xi32>
        %gather3A_293 = tpu.vector_load_idx %arg13[%add3A_111, %broadcast_in_dim3A_292] : memref<64x128xf32, #tpu.memory_space<vmem>>[vector<16xi32>, vector<16xi32>], vector<16xf32>,
        %gather3A_294 = tpu.vector_load_idx %arg14[%add3A_111, %broadcast_in_dim3A_292] : memref<64x128xf32, #tpu.memory_space<vmem>>[vector<16xi32>, vector<16xi32>], vector<16xf32>,
        %mul3A_295 = arith.mulf %gather3A_293, %gather3A_294 : vector<16xf32>
        %add3A_296 = arith.addf %add3A_272, %mul3A_295 : vector<16xf32>
        %broadcast_in_dim3A_297 = arith.constant 27 : i32
        %broadcast_in_dim3A_298 = vector.broadcast %broadcast_in_dim3A_297 : i32 to vector<16xi32>
        %gather3A_299 = tpu.vector_load_idx %arg13[%add3A_111, %broadcast_in_dim3A_298] : memref<64x128xf32, #tpu.memory_space<vmem>>[vector<16xi32>, vector<16xi32>], vector<16xf32>,
        %gather3A_300 = tpu.vector_load_idx %arg14[%add3A_111, %broadcast_in_dim3A_298] : memref<64x128xf32, #tpu.memory_space<vmem>>[vector<16xi32>, vector<16xi32>], vector<16xf32>,
        %mul3A_301 = arith.mulf %gather3A_299, %gather3A_300 : vector<16xf32>
        %add3A_302 = arith.addf %add3A_278, %mul3A_301 : vector<16xf32>
        %broadcast_in_dim3A_303 = arith.constant 28 : i32
        %broadcast_in_dim3A_304 = vector.broadcast %broadcast_in_dim3A_303 : i32 to vector<16xi32>
        %gather3A_305 = tpu.vector_load_idx %arg13[%add3A_111, %broadcast_in_dim3A_304] : memref<64x128xf32, #tpu.memory_space<vmem>>[vector<16xi32>, vector<16xi32>], vector<16xf32>,
        %gather3A_306 = tpu.vector_load_idx %arg14[%add3A_111, %broadcast_in_dim3A_304] : memref<64x128xf32, #tpu.memory_space<vmem>>[vector<16xi32>, vector<16xi32>], vector<16xf32>,
        %mul3A_307 = arith.mulf %gather3A_305, %gather3A_306 : vector<16xf32>
        %add3A_308 = arith.addf %add3A_284, %mul3A_307 : vector<16xf32>
        %broadcast_in_dim3A_309 = arith.constant 29 : i32
        %broadcast_in_dim3A_310 = vector.broadcast %broadcast_in_dim3A_309 : i32 to vector<16xi32>
        %gather3A_311 = tpu.vector_load_idx %arg13[%add3A_111, %broadcast_in_dim3A_310] : memref<64x128xf32, #tpu.memory_space<vmem>>[vector<16xi32>, vector<16xi32>], vector<16xf32>,
        %gather3A_312 = tpu.vector_load_idx %arg14[%add3A_111, %broadcast_in_dim3A_310] : memref<64x128xf32, #tpu.memory_space<vmem>>[vector<16xi32>, vector<16xi32>], vector<16xf32>,
        %mul3A_313 = arith.mulf %gather3A_311, %gather3A_312 : vector<16xf32>
        %add3A_314 = arith.addf %add3A_290, %mul3A_313 : vector<16xf32>
        %broadcast_in_dim3A_315 = arith.constant 30 : i32
        %broadcast_in_dim3A_316 = vector.broadcast %broadcast_in_dim3A_315 : i32 to vector<16xi32>
        %gather3A_317 = tpu.vector_load_idx %arg13[%add3A_111, %broadcast_in_dim3A_316] : memref<64x128xf32, #tpu.memory_space<vmem>>[vector<16xi32>, vector<16xi32>], vector<16xf32>,
        %gather3A_318 = tpu.vector_load_idx %arg14[%add3A_111, %broadcast_in_dim3A_316] : memref<64x128xf32, #tpu.memory_space<vmem>>[vector<16xi32>, vector<16xi32>], vector<16xf32>,
        %mul3A_319 = arith.mulf %gather3A_317, %gather3A_318 : vector<16xf32>
        %add3A_320 = arith.addf %add3A_296, %mul3A_319 : vector<16xf32>
        %broadcast_in_dim3A_321 = arith.constant 31 : i32
        %broadcast_in_dim3A_322 = vector.broadcast %broadcast_in_dim3A_321 : i32 to vector<16xi32>
        %gather3A_323 = tpu.vector_load_idx %arg13[%add3A_111, %broadcast_in_dim3A_322] : memref<64x128xf32, #tpu.memory_space<vmem>>[vector<16xi32>, vector<16xi32>], vector<16xf32>,
        %gather3A_324 = tpu.vector_load_idx %arg14[%add3A_111, %broadcast_in_dim3A_322] : memref<64x128xf32, #tpu.memory_space<vmem>>[vector<16xi32>, vector<16xi32>], vector<16xf32>,
        %mul3A_325 = arith.mulf %gather3A_323, %gather3A_324 : vector<16xf32>
        %add3A_326 = arith.addf %add3A_302, %mul3A_325 : vector<16xf32>
        %add3A_327 = arith.addf %add3A_308, %add3A_314 : vector<16xf32>
        %add3A_328 = arith.addf %add3A_320, %add3A_326 : vector<16xf32>
        %add3A_329 = arith.addf %add3A_327, %add3A_328 : vector<16xf32>
        %mul3A_330 = arith.constant 0.176776692 : f32
        %mul3A_331 = vector.broadcast %mul3A_330 : f32 to vector<16xf32>
        %mul3A_332 = arith.mulf %add3A_329, %mul3A_331 : vector<16xf32>
        %add3A_333 = arith.addf %mul3A_332, %gather3A : vector<16xf32>
        %exp3A = math.exp %add3A_333 : vector<16xf32>
        %add3A_334 = arith.constant 0 : i32
        %add3A_335 = vector.broadcast %add3A_334 : i32 to vector<16xi32>
        %add3A_336 = arith.addi %mul3A_124, %add3A_335 : vector<16xi32>
        tpu.vector_store_idx %arg17[%add3A_111, %add3A_336], %exp3A : memref<64x128xf32, #tpu.memory_space<vmem>>[vector<16xi32>, vector<16xi32>], vector<16xf32>,
        %broadcast_in_dim3A_337 = arith.constant 0 : i32
        %broadcast_in_dim3A_338 = vector.broadcast %broadcast_in_dim3A_337 : i32 to vector<16xi32>
        %gather3A_339 = tpu.vector_load_idx %arg15[%add3A_111, %broadcast_in_dim3A_338] : memref<64x128xf32, #tpu.memory_space<vmem>>[vector<16xi32>, vector<16xi32>], vector<16xf32>,
        %mul3A_340 = arith.mulf %gather3A_339, %exp3A : vector<16xf32>
        tpu.vector_store_idx %arg15[%add3A_111, %broadcast_in_dim3A_338], %mul3A_340 : memref<64x128xf32, #tpu.memory_space<vmem>>[vector<16xi32>, vector<16xi32>], vector<16xf32>,
        %broadcast_in_dim3A_341 = arith.constant 1 : i32
        %broadcast_in_dim3A_342 = vector.broadcast %broadcast_in_dim3A_341 : i32 to vector<16xi32>
        %gather3A_343 = tpu.vector_load_idx %arg15[%add3A_111, %broadcast_in_dim3A_342] : memref<64x128xf32, #tpu.memory_space<vmem>>[vector<16xi32>, vector<16xi32>], vector<16xf32>,
        %mul3A_344 = arith.mulf %gather3A_343, %exp3A : vector<16xf32>
        tpu.vector_store_idx %arg15[%add3A_111, %broadcast_in_dim3A_342], %mul3A_344 : memref<64x128xf32, #tpu.memory_space<vmem>>[vector<16xi32>, vector<16xi32>], vector<16xf32>,
        %broadcast_in_dim3A_345 = arith.constant 2 : i32
        %broadcast_in_dim3A_346 = vector.broadcast %broadcast_in_dim3A_345 : i32 to vector<16xi32>
        %gather3A_347 = tpu.vector_load_idx %arg15[%add3A_111, %broadcast_in_dim3A_346] : memref<64x128xf32, #tpu.memory_space<vmem>>[vector<16xi32>, vector<16xi32>], vector<16xf32>,
        %mul3A_348 = arith.mulf %gather3A_347, %exp3A : vector<16xf32>
        tpu.vector_store_idx %arg15[%add3A_111, %broadcast_in_dim3A_346], %mul3A_348 : memref<64x128xf32, #tpu.memory_space<vmem>>[vector<16xi32>, vector<16xi32>], vector<16xf32>,
        %broadcast_in_dim3A_349 = arith.constant 3 : i32
        %broadcast_in_dim3A_350 = vector.broadcast %broadcast_in_dim3A_349 : i32 to vector<16xi32>
        %gather3A_351 = tpu.vector_load_idx %arg15[%add3A_111, %broadcast_in_dim3A_350] : memref<64x128xf32, #tpu.memory_space<vmem>>[vector<16xi32>, vector<16xi32>], vector<16xf32>,
        %mul3A_352 = arith.mulf %gather3A_351, %exp3A : vector<16xf32>
        tpu.vector_store_idx %arg15[%add3A_111, %broadcast_in_dim3A_350], %mul3A_352 : memref<64x128xf32, #tpu.memory_space<vmem>>[vector<16xi32>, vector<16xi32>], vector<16xf32>,
        %broadcast_in_dim3A_353 = arith.constant 4 : i32
        %broadcast_in_dim3A_354 = vector.broadcast %broadcast_in_dim3A_353 : i32 to vector<16xi32>
        %gather3A_355 = tpu.vector_load_idx %arg15[%add3A_111, %broadcast_in_dim3A_354] : memref<64x128xf32, #tpu.memory_space<vmem>>[vector<16xi32>, vector<16xi32>], vector<16xf32>,
        %mul3A_356 = arith.mulf %gather3A_355, %exp3A : vector<16xf32>
        tpu.vector_store_idx %arg15[%add3A_111, %broadcast_in_dim3A_354], %mul3A_356 : memref<64x128xf32, #tpu.memory_space<vmem>>[vector<16xi32>, vector<16xi32>], vector<16xf32>,
        %broadcast_in_dim3A_357 = arith.constant 5 : i32
        %broadcast_in_dim3A_358 = vector.broadcast %broadcast_in_dim3A_357 : i32 to vector<16xi32>
        %gather3A_359 = tpu.vector_load_idx %arg15[%add3A_111, %broadcast_in_dim3A_358] : memref<64x128xf32, #tpu.memory_space<vmem>>[vector<16xi32>, vector<16xi32>], vector<16xf32>,
        %mul3A_360 = arith.mulf %gather3A_359, %exp3A : vector<16xf32>
        tpu.vector_store_idx %arg15[%add3A_111, %broadcast_in_dim3A_358], %mul3A_360 : memref<64x128xf32, #tpu.memory_space<vmem>>[vector<16xi32>, vector<16xi32>], vector<16xf32>,
        %broadcast_in_dim3A_361 = arith.constant 6 : i32
        %broadcast_in_dim3A_362 = vector.broadcast %broadcast_in_dim3A_361 : i32 to vector<16xi32>
        %gather3A_363 = tpu.vector_load_idx %arg15[%add3A_111, %broadcast_in_dim3A_362] : memref<64x128xf32, #tpu.memory_space<vmem>>[vector<16xi32>, vector<16xi32>], vector<16xf32>,
        %mul3A_364 = arith.mulf %gather3A_363, %exp3A : vector<16xf32>
        tpu.vector_store_idx %arg15[%add3A_111, %broadcast_in_dim3A_362], %mul3A_364 : memref<64x128xf32, #tpu.memory_space<vmem>>[vector<16xi32>, vector<16xi32>], vector<16xf32>,
        %broadcast_in_dim3A_365 = arith.constant 7 : i32
        %broadcast_in_dim3A_366 = vector.broadcast %broadcast_in_dim3A_365 : i32 to vector<16xi32>
        %gather3A_367 = tpu.vector_load_idx %arg15[%add3A_111, %broadcast_in_dim3A_366] : memref<64x128xf32, #tpu.memory_space<vmem>>[vector<16xi32>, vector<16xi32>], vector<16xf32>,
        %mul3A_368 = arith.mulf %gather3A_367, %exp3A : vector<16xf32>
        tpu.vector_store_idx %arg15[%add3A_111, %broadcast_in_dim3A_366], %mul3A_368 : memref<64x128xf32, #tpu.memory_space<vmem>>[vector<16xi32>, vector<16xi32>], vector<16xf32>,
        %broadcast_in_dim3A_369 = arith.constant 8 : i32
        %broadcast_in_dim3A_370 = vector.broadcast %broadcast_in_dim3A_369 : i32 to vector<16xi32>
        %gather3A_371 = tpu.vector_load_idx %arg15[%add3A_111, %broadcast_in_dim3A_370] : memref<64x128xf32, #tpu.memory_space<vmem>>[vector<16xi32>, vector<16xi32>], vector<16xf32>,
        %mul3A_372 = arith.mulf %gather3A_371, %exp3A : vector<16xf32>
        tpu.vector_store_idx %arg15[%add3A_111, %broadcast_in_dim3A_370], %mul3A_372 : memref<64x128xf32, #tpu.memory_space<vmem>>[vector<16xi32>, vector<16xi32>], vector<16xf32>,
        %broadcast_in_dim3A_373 = arith.constant 9 : i32
        %broadcast_in_dim3A_374 = vector.broadcast %broadcast_in_dim3A_373 : i32 to vector<16xi32>
        %gather3A_375 = tpu.vector_load_idx %arg15[%add3A_111, %broadcast_in_dim3A_374] : memref<64x128xf32, #tpu.memory_space<vmem>>[vector<16xi32>, vector<16xi32>], vector<16xf32>,
        %mul3A_376 = arith.mulf %gather3A_375, %exp3A : vector<16xf32>
        tpu.vector_store_idx %arg15[%add3A_111, %broadcast_in_dim3A_374], %mul3A_376 : memref<64x128xf32, #tpu.memory_space<vmem>>[vector<16xi32>, vector<16xi32>], vector<16xf32>,
        %broadcast_in_dim3A_377 = arith.constant 10 : i32
        %broadcast_in_dim3A_378 = vector.broadcast %broadcast_in_dim3A_377 : i32 to vector<16xi32>
        %gather3A_379 = tpu.vector_load_idx %arg15[%add3A_111, %broadcast_in_dim3A_378] : memref<64x128xf32, #tpu.memory_space<vmem>>[vector<16xi32>, vector<16xi32>], vector<16xf32>,
        %mul3A_380 = arith.mulf %gather3A_379, %exp3A : vector<16xf32>
        tpu.vector_store_idx %arg15[%add3A_111, %broadcast_in_dim3A_378], %mul3A_380 : memref<64x128xf32, #tpu.memory_space<vmem>>[vector<16xi32>, vector<16xi32>], vector<16xf32>,
        %broadcast_in_dim3A_381 = arith.constant 11 : i32
        %broadcast_in_dim3A_382 = vector.broadcast %broadcast_in_dim3A_381 : i32 to vector<16xi32>
        %gather3A_383 = tpu.vector_load_idx %arg15[%add3A_111, %broadcast_in_dim3A_382] : memref<64x128xf32, #tpu.memory_space<vmem>>[vector<16xi32>, vector<16xi32>], vector<16xf32>,
        %mul3A_384 = arith.mulf %gather3A_383, %exp3A : vector<16xf32>
        tpu.vector_store_idx %arg15[%add3A_111, %broadcast_in_dim3A_382], %mul3A_384 : memref<64x128xf32, #tpu.memory_space<vmem>>[vector<16xi32>, vector<16xi32>], vector<16xf32>,
        %broadcast_in_dim3A_385 = arith.constant 12 : i32
        %broadcast_in_dim3A_386 = vector.broadcast %broadcast_in_dim3A_385 : i32 to vector<16xi32>
        %gather3A_387 = tpu.vector_load_idx %arg15[%add3A_111, %broadcast_in_dim3A_386] : memref<64x128xf32, #tpu.memory_space<vmem>>[vector<16xi32>, vector<16xi32>], vector<16xf32>,
        %mul3A_388 = arith.mulf %gather3A_387, %exp3A : vector<16xf32>
        tpu.vector_store_idx %arg15[%add3A_111, %broadcast_in_dim3A_386], %mul3A_388 : memref<64x128xf32, #tpu.memory_space<vmem>>[vector<16xi32>, vector<16xi32>], vector<16xf32>,
        %broadcast_in_dim3A_389 = arith.constant 13 : i32
        %broadcast_in_dim3A_390 = vector.broadcast %broadcast_in_dim3A_389 : i32 to vector<16xi32>
        %gather3A_391 = tpu.vector_load_idx %arg15[%add3A_111, %broadcast_in_dim3A_390] : memref<64x128xf32, #tpu.memory_space<vmem>>[vector<16xi32>, vector<16xi32>], vector<16xf32>,
        %mul3A_392 = arith.mulf %gather3A_391, %exp3A : vector<16xf32>
        tpu.vector_store_idx %arg15[%add3A_111, %broadcast_in_dim3A_390], %mul3A_392 : memref<64x128xf32, #tpu.memory_space<vmem>>[vector<16xi32>, vector<16xi32>], vector<16xf32>,
        %broadcast_in_dim3A_393 = arith.constant 14 : i32
        %broadcast_in_dim3A_394 = vector.broadcast %broadcast_in_dim3A_393 : i32 to vector<16xi32>
        %gather3A_395 = tpu.vector_load_idx %arg15[%add3A_111, %broadcast_in_dim3A_394] : memref<64x128xf32, #tpu.memory_space<vmem>>[vector<16xi32>, vector<16xi32>], vector<16xf32>,
        %mul3A_396 = arith.mulf %gather3A_395, %exp3A : vector<16xf32>
        tpu.vector_store_idx %arg15[%add3A_111, %broadcast_in_dim3A_394], %mul3A_396 : memref<64x128xf32, #tpu.memory_space<vmem>>[vector<16xi32>, vector<16xi32>], vector<16xf32>,
        %broadcast_in_dim3A_397 = arith.constant 15 : i32
        %broadcast_in_dim3A_398 = vector.broadcast %broadcast_in_dim3A_397 : i32 to vector<16xi32>
        %gather3A_399 = tpu.vector_load_idx %arg15[%add3A_111, %broadcast_in_dim3A_398] : memref<64x128xf32, #tpu.memory_space<vmem>>[vector<16xi32>, vector<16xi32>], vector<16xf32>,
        %mul3A_400 = arith.mulf %gather3A_399, %exp3A : vector<16xf32>
        tpu.vector_store_idx %arg15[%add3A_111, %broadcast_in_dim3A_398], %mul3A_400 : memref<64x128xf32, #tpu.memory_space<vmem>>[vector<16xi32>, vector<16xi32>], vector<16xf32>,
        %broadcast_in_dim3A_401 = arith.constant 16 : i32
        %broadcast_in_dim3A_402 = vector.broadcast %broadcast_in_dim3A_401 : i32 to vector<16xi32>
        %gather3A_403 = tpu.vector_load_idx %arg15[%add3A_111, %broadcast_in_dim3A_402] : memref<64x128xf32, #tpu.memory_space<vmem>>[vector<16xi32>, vector<16xi32>], vector<16xf32>,
        %mul3A_404 = arith.mulf %gather3A_403, %exp3A : vector<16xf32>
        tpu.vector_store_idx %arg15[%add3A_111, %broadcast_in_dim3A_402], %mul3A_404 : memref<64x128xf32, #tpu.memory_space<vmem>>[vector<16xi32>, vector<16xi32>], vector<16xf32>,
        %broadcast_in_dim3A_405 = arith.constant 17 : i32
        %broadcast_in_dim3A_406 = vector.broadcast %broadcast_in_dim3A_405 : i32 to vector<16xi32>
        %gather3A_407 = tpu.vector_load_idx %arg15[%add3A_111, %broadcast_in_dim3A_406] : memref<64x128xf32, #tpu.memory_space<vmem>>[vector<16xi32>, vector<16xi32>], vector<16xf32>,
        %mul3A_408 = arith.mulf %gather3A_407, %exp3A : vector<16xf32>
        tpu.vector_store_idx %arg15[%add3A_111, %broadcast_in_dim3A_406], %mul3A_408 : memref<64x128xf32, #tpu.memory_space<vmem>>[vector<16xi32>, vector<16xi32>], vector<16xf32>,
        %broadcast_in_dim3A_409 = arith.constant 18 : i32
        %broadcast_in_dim3A_410 = vector.broadcast %broadcast_in_dim3A_409 : i32 to vector<16xi32>
        %gather3A_411 = tpu.vector_load_idx %arg15[%add3A_111, %broadcast_in_dim3A_410] : memref<64x128xf32, #tpu.memory_space<vmem>>[vector<16xi32>, vector<16xi32>], vector<16xf32>,
        %mul3A_412 = arith.mulf %gather3A_411, %exp3A : vector<16xf32>
        tpu.vector_store_idx %arg15[%add3A_111, %broadcast_in_dim3A_410], %mul3A_412 : memref<64x128xf32, #tpu.memory_space<vmem>>[vector<16xi32>, vector<16xi32>], vector<16xf32>,
        %broadcast_in_dim3A_413 = arith.constant 19 : i32
        %broadcast_in_dim3A_414 = vector.broadcast %broadcast_in_dim3A_413 : i32 to vector<16xi32>
        %gather3A_415 = tpu.vector_load_idx %arg15[%add3A_111, %broadcast_in_dim3A_414] : memref<64x128xf32, #tpu.memory_space<vmem>>[vector<16xi32>, vector<16xi32>], vector<16xf32>,
        %mul3A_416 = arith.mulf %gather3A_415, %exp3A : vector<16xf32>
        tpu.vector_store_idx %arg15[%add3A_111, %broadcast_in_dim3A_414], %mul3A_416 : memref<64x128xf32, #tpu.memory_space<vmem>>[vector<16xi32>, vector<16xi32>], vector<16xf32>,
        %broadcast_in_dim3A_417 = arith.constant 20 : i32
        %broadcast_in_dim3A_418 = vector.broadcast %broadcast_in_dim3A_417 : i32 to vector<16xi32>
        %gather3A_419 = tpu.vector_load_idx %arg15[%add3A_111, %broadcast_in_dim3A_418] : memref<64x128xf32, #tpu.memory_space<vmem>>[vector<16xi32>, vector<16xi32>], vector<16xf32>,
        %mul3A_420 = arith.mulf %gather3A_419, %exp3A : vector<16xf32>
        tpu.vector_store_idx %arg15[%add3A_111, %broadcast_in_dim3A_418], %mul3A_420 : memref<64x128xf32, #tpu.memory_space<vmem>>[vector<16xi32>, vector<16xi32>], vector<16xf32>,
        %broadcast_in_dim3A_421 = arith.constant 21 : i32
        %broadcast_in_dim3A_422 = vector.broadcast %broadcast_in_dim3A_421 : i32 to vector<16xi32>
        %gather3A_423 = tpu.vector_load_idx %arg15[%add3A_111, %broadcast_in_dim3A_422] : memref<64x128xf32, #tpu.memory_space<vmem>>[vector<16xi32>, vector<16xi32>], vector<16xf32>,
        %mul3A_424 = arith.mulf %gather3A_423, %exp3A : vector<16xf32>
        tpu.vector_store_idx %arg15[%add3A_111, %broadcast_in_dim3A_422], %mul3A_424 : memref<64x128xf32, #tpu.memory_space<vmem>>[vector<16xi32>, vector<16xi32>], vector<16xf32>,
        %broadcast_in_dim3A_425 = arith.constant 22 : i32
        %broadcast_in_dim3A_426 = vector.broadcast %broadcast_in_dim3A_425 : i32 to vector<16xi32>
        %gather3A_427 = tpu.vector_load_idx %arg15[%add3A_111, %broadcast_in_dim3A_426] : memref<64x128xf32, #tpu.memory_space<vmem>>[vector<16xi32>, vector<16xi32>], vector<16xf32>,
        %mul3A_428 = arith.mulf %gather3A_427, %exp3A : vector<16xf32>
        tpu.vector_store_idx %arg15[%add3A_111, %broadcast_in_dim3A_426], %mul3A_428 : memref<64x128xf32, #tpu.memory_space<vmem>>[vector<16xi32>, vector<16xi32>], vector<16xf32>,
        %broadcast_in_dim3A_429 = arith.constant 23 : i32
        %broadcast_in_dim3A_430 = vector.broadcast %broadcast_in_dim3A_429 : i32 to vector<16xi32>
        %gather3A_431 = tpu.vector_load_idx %arg15[%add3A_111, %broadcast_in_dim3A_430] : memref<64x128xf32, #tpu.memory_space<vmem>>[vector<16xi32>, vector<16xi32>], vector<16xf32>,
        %mul3A_432 = arith.mulf %gather3A_431, %exp3A : vector<16xf32>
        tpu.vector_store_idx %arg15[%add3A_111, %broadcast_in_dim3A_430], %mul3A_432 : memref<64x128xf32, #tpu.memory_space<vmem>>[vector<16xi32>, vector<16xi32>], vector<16xf32>,
        %broadcast_in_dim3A_433 = arith.constant 24 : i32
        %broadcast_in_dim3A_434 = vector.broadcast %broadcast_in_dim3A_433 : i32 to vector<16xi32>
        %gather3A_435 = tpu.vector_load_idx %arg15[%add3A_111, %broadcast_in_dim3A_434] : memref<64x128xf32, #tpu.memory_space<vmem>>[vector<16xi32>, vector<16xi32>], vector<16xf32>,
        %mul3A_436 = arith.mulf %gather3A_435, %exp3A : vector<16xf32>
        tpu.vector_store_idx %arg15[%add3A_111, %broadcast_in_dim3A_434], %mul3A_436 : memref<64x128xf32, #tpu.memory_space<vmem>>[vector<16xi32>, vector<16xi32>], vector<16xf32>,
        %broadcast_in_dim3A_437 = arith.constant 25 : i32
        %broadcast_in_dim3A_438 = vector.broadcast %broadcast_in_dim3A_437 : i32 to vector<16xi32>
        %gather3A_439 = tpu.vector_load_idx %arg15[%add3A_111, %broadcast_in_dim3A_438] : memref<64x128xf32, #tpu.memory_space<vmem>>[vector<16xi32>, vector<16xi32>], vector<16xf32>,
        %mul3A_440 = arith.mulf %gather3A_439, %exp3A : vector<16xf32>
        tpu.vector_store_idx %arg15[%add3A_111, %broadcast_in_dim3A_438], %mul3A_440 : memref<64x128xf32, #tpu.memory_space<vmem>>[vector<16xi32>, vector<16xi32>], vector<16xf32>,
        %broadcast_in_dim3A_441 = arith.constant 26 : i32
        %broadcast_in_dim3A_442 = vector.broadcast %broadcast_in_dim3A_441 : i32 to vector<16xi32>
        %gather3A_443 = tpu.vector_load_idx %arg15[%add3A_111, %broadcast_in_dim3A_442] : memref<64x128xf32, #tpu.memory_space<vmem>>[vector<16xi32>, vector<16xi32>], vector<16xf32>,
        %mul3A_444 = arith.mulf %gather3A_443, %exp3A : vector<16xf32>
        tpu.vector_store_idx %arg15[%add3A_111, %broadcast_in_dim3A_442], %mul3A_444 : memref<64x128xf32, #tpu.memory_space<vmem>>[vector<16xi32>, vector<16xi32>], vector<16xf32>,
        %broadcast_in_dim3A_445 = arith.constant 27 : i32
        %broadcast_in_dim3A_446 = vector.broadcast %broadcast_in_dim3A_445 : i32 to vector<16xi32>
        %gather3A_447 = tpu.vector_load_idx %arg15[%add3A_111, %broadcast_in_dim3A_446] : memref<64x128xf32, #tpu.memory_space<vmem>>[vector<16xi32>, vector<16xi32>], vector<16xf32>,
        %mul3A_448 = arith.mulf %gather3A_447, %exp3A : vector<16xf32>
        tpu.vector_store_idx %arg15[%add3A_111, %broadcast_in_dim3A_446], %mul3A_448 : memref<64x128xf32, #tpu.memory_space<vmem>>[vector<16xi32>, vector<16xi32>], vector<16xf32>,
        %broadcast_in_dim3A_449 = arith.constant 28 : i32
        %broadcast_in_dim3A_450 = vector.broadcast %broadcast_in_dim3A_449 : i32 to vector<16xi32>
        %gather3A_451 = tpu.vector_load_idx %arg15[%add3A_111, %broadcast_in_dim3A_450] : memref<64x128xf32, #tpu.memory_space<vmem>>[vector<16xi32>, vector<16xi32>], vector<16xf32>,
        %mul3A_452 = arith.mulf %gather3A_451, %exp3A : vector<16xf32>
        tpu.vector_store_idx %arg15[%add3A_111, %broadcast_in_dim3A_450], %mul3A_452 : memref<64x128xf32, #tpu.memory_space<vmem>>[vector<16xi32>, vector<16xi32>], vector<16xf32>,
        %broadcast_in_dim3A_453 = arith.constant 29 : i32
        %broadcast_in_dim3A_454 = vector.broadcast %broadcast_in_dim3A_453 : i32 to vector<16xi32>
        %gather3A_455 = tpu.vector_load_idx %arg15[%add3A_111, %broadcast_in_dim3A_454] : memref<64x128xf32, #tpu.memory_space<vmem>>[vector<16xi32>, vector<16xi32>], vector<16xf32>,
        %mul3A_456 = arith.mulf %gather3A_455, %exp3A : vector<16xf32>
        tpu.vector_store_idx %arg15[%add3A_111, %broadcast_in_dim3A_454], %mul3A_456 : memref<64x128xf32, #tpu.memory_space<vmem>>[vector<16xi32>, vector<16xi32>], vector<16xf32>,
        %broadcast_in_dim3A_457 = arith.constant 30 : i32
        %broadcast_in_dim3A_458 = vector.broadcast %broadcast_in_dim3A_457 : i32 to vector<16xi32>
        %gather3A_459 = tpu.vector_load_idx %arg15[%add3A_111, %broadcast_in_dim3A_458] : memref<64x128xf32, #tpu.memory_space<vmem>>[vector<16xi32>, vector<16xi32>], vector<16xf32>,
        %mul3A_460 = arith.mulf %gather3A_459, %exp3A : vector<16xf32>
        tpu.vector_store_idx %arg15[%add3A_111, %broadcast_in_dim3A_458], %mul3A_460 : memref<64x128xf32, #tpu.memory_space<vmem>>[vector<16xi32>, vector<16xi32>], vector<16xf32>,
        %broadcast_in_dim3A_461 = arith.constant 31 : i32
        %broadcast_in_dim3A_462 = vector.broadcast %broadcast_in_dim3A_461 : i32 to vector<16xi32>
        %gather3A_463 = tpu.vector_load_idx %arg15[%add3A_111, %broadcast_in_dim3A_462] : memref<64x128xf32, #tpu.memory_space<vmem>>[vector<16xi32>, vector<16xi32>], vector<16xf32>,
        %mul3A_464 = arith.mulf %gather3A_463, %exp3A : vector<16xf32>
        tpu.vector_store_idx %arg15[%add3A_111, %broadcast_in_dim3A_462], %mul3A_464 : memref<64x128xf32, #tpu.memory_space<vmem>>[vector<16xi32>, vector<16xi32>], vector<16xf32>,
        %broadcast_in_dim3A_465 = arith.constant 1 : i32
        %broadcast_in_dim3A_466 = vector.broadcast %broadcast_in_dim3A_465 : i32 to vector<16xi32>
        %gather3A_467 = tpu.vector_load_idx %arg16[%add3A_111, %broadcast_in_dim3A_466] : memref<64x16xf32, #tpu.memory_space<vmem>>[vector<16xi32>, vector<16xi32>], vector<16xf32>,
        %broadcast_in_dim3A_468 = arith.constant 0.000000e+00 : f32
        %broadcast_in_dim3A_469 = vector.broadcast %broadcast_in_dim3A_468 : f32 to vector<16xf32>
        %broadcast_in_dim3A_470 = arith.constant 0.000000e+00 : f32
        %broadcast_in_dim3A_471 = vector.broadcast %broadcast_in_dim3A_470 : f32 to vector<16xf32>
        %broadcast_in_dim3A_472 = arith.constant 0.000000e+00 : f32
        %broadcast_in_dim3A_473 = vector.broadcast %broadcast_in_dim3A_472 : f32 to vector<16xf32>
        %broadcast_in_dim3A_474 = arith.constant 0.000000e+00 : f32
        %broadcast_in_dim3A_475 = vector.broadcast %broadcast_in_dim3A_474 : f32 to vector<16xf32>
        %broadcast_in_dim3A_476 = arith.constant 32 : i32
        %broadcast_in_dim3A_477 = vector.broadcast %broadcast_in_dim3A_476 : i32 to vector<16xi32>
        %gather3A_478 = tpu.vector_load_idx %arg13[%add3A_111, %broadcast_in_dim3A_477] : memref<64x128xf32, #tpu.memory_space<vmem>>[vector<16xi32>, vector<16xi32>], vector<16xf32>,
        %gather3A_479 = tpu.vector_load_idx %arg14[%add3A_111, %broadcast_in_dim3A_477] : memref<64x128xf32, #tpu.memory_space<vmem>>[vector<16xi32>, vector<16xi32>], vector<16xf32>,
        %mul3A_480 = arith.mulf %gather3A_478, %gather3A_479 : vector<16xf32>
        %add3A_481 = arith.addf %broadcast_in_dim3A_469, %mul3A_480 : vector<16xf32>
        %broadcast_in_dim3A_482 = arith.constant 33 : i32
        %broadcast_in_dim3A_483 = vector.broadcast %broadcast_in_dim3A_482 : i32 to vector<16xi32>
        %gather3A_484 = tpu.vector_load_idx %arg13[%add3A_111, %broadcast_in_dim3A_483] : memref<64x128xf32, #tpu.memory_space<vmem>>[vector<16xi32>, vector<16xi32>], vector<16xf32>,
        %gather3A_485 = tpu.vector_load_idx %arg14[%add3A_111, %broadcast_in_dim3A_483] : memref<64x128xf32, #tpu.memory_space<vmem>>[vector<16xi32>, vector<16xi32>], vector<16xf32>,
        %mul3A_486 = arith.mulf %gather3A_484, %gather3A_485 : vector<16xf32>
        %add3A_487 = arith.addf %broadcast_in_dim3A_471, %mul3A_486 : vector<16xf32>
        %broadcast_in_dim3A_488 = arith.constant 34 : i32
        %broadcast_in_dim3A_489 = vector.broadcast %broadcast_in_dim3A_488 : i32 to vector<16xi32>
        %gather3A_490 = tpu.vector_load_idx %arg13[%add3A_111, %broadcast_in_dim3A_489] : memref<64x128xf32, #tpu.memory_space<vmem>>[vector<16xi32>, vector<16xi32>], vector<16xf32>,
        %gather3A_491 = tpu.vector_load_idx %arg14[%add3A_111, %broadcast_in_dim3A_489] : memref<64x128xf32, #tpu.memory_space<vmem>>[vector<16xi32>, vector<16xi32>], vector<16xf32>,
        %mul3A_492 = arith.mulf %gather3A_490, %gather3A_491 : vector<16xf32>
        %add3A_493 = arith.addf %broadcast_in_dim3A_473, %mul3A_492 : vector<16xf32>
        %broadcast_in_dim3A_494 = arith.constant 35 : i32
        %broadcast_in_dim3A_495 = vector.broadcast %broadcast_in_dim3A_494 : i32 to vector<16xi32>
        %gather3A_496 = tpu.vector_load_idx %arg13[%add3A_111, %broadcast_in_dim3A_495] : memref<64x128xf32, #tpu.memory_space<vmem>>[vector<16xi32>, vector<16xi32>], vector<16xf32>,
        %gather3A_497 = tpu.vector_load_idx %arg14[%add3A_111, %broadcast_in_dim3A_495] : memref<64x128xf32, #tpu.memory_space<vmem>>[vector<16xi32>, vector<16xi32>], vector<16xf32>,
        %mul3A_498 = arith.mulf %gather3A_496, %gather3A_497 : vector<16xf32>
        %add3A_499 = arith.addf %broadcast_in_dim3A_475, %mul3A_498 : vector<16xf32>
        %broadcast_in_dim3A_500 = arith.constant 36 : i32
        %broadcast_in_dim3A_501 = vector.broadcast %broadcast_in_dim3A_500 : i32 to vector<16xi32>
        %gather3A_502 = tpu.vector_load_idx %arg13[%add3A_111, %broadcast_in_dim3A_501] : memref<64x128xf32, #tpu.memory_space<vmem>>[vector<16xi32>, vector<16xi32>], vector<16xf32>,
        %gather3A_503 = tpu.vector_load_idx %arg14[%add3A_111, %broadcast_in_dim3A_501] : memref<64x128xf32, #tpu.memory_space<vmem>>[vector<16xi32>, vector<16xi32>], vector<16xf32>,
        %mul3A_504 = arith.mulf %gather3A_502, %gather3A_503 : vector<16xf32>
        %add3A_505 = arith.addf %add3A_481, %mul3A_504 : vector<16xf32>
        %broadcast_in_dim3A_506 = arith.constant 37 : i32
        %broadcast_in_dim3A_507 = vector.broadcast %broadcast_in_dim3A_506 : i32 to vector<16xi32>
        %gather3A_508 = tpu.vector_load_idx %arg13[%add3A_111, %broadcast_in_dim3A_507] : memref<64x128xf32, #tpu.memory_space<vmem>>[vector<16xi32>, vector<16xi32>], vector<16xf32>,
        %gather3A_509 = tpu.vector_load_idx %arg14[%add3A_111, %broadcast_in_dim3A_507] : memref<64x128xf32, #tpu.memory_space<vmem>>[vector<16xi32>, vector<16xi32>], vector<16xf32>,
        %mul3A_510 = arith.mulf %gather3A_508, %gather3A_509 : vector<16xf32>
        %add3A_511 = arith.addf %add3A_487, %mul3A_510 : vector<16xf32>
        %broadcast_in_dim3A_512 = arith.constant 38 : i32
        %broadcast_in_dim3A_513 = vector.broadcast %broadcast_in_dim3A_512 : i32 to vector<16xi32>
        %gather3A_514 = tpu.vector_load_idx %arg13[%add3A_111, %broadcast_in_dim3A_513] : memref<64x128xf32, #tpu.memory_space<vmem>>[vector<16xi32>, vector<16xi32>], vector<16xf32>,
        %gather3A_515 = tpu.vector_load_idx %arg14[%add3A_111, %broadcast_in_dim3A_513] : memref<64x128xf32, #tpu.memory_space<vmem>>[vector<16xi32>, vector<16xi32>], vector<16xf32>,
        %mul3A_516 = arith.mulf %gather3A_514, %gather3A_515 : vector<16xf32>
        %add3A_517 = arith.addf %add3A_493, %mul3A_516 : vector<16xf32>
        %broadcast_in_dim3A_518 = arith.constant 39 : i32
        %broadcast_in_dim3A_519 = vector.broadcast %broadcast_in_dim3A_518 : i32 to vector<16xi32>
        %gather3A_520 = tpu.vector_load_idx %arg13[%add3A_111, %broadcast_in_dim3A_519] : memref<64x128xf32, #tpu.memory_space<vmem>>[vector<16xi32>, vector<16xi32>], vector<16xf32>,
        %gather3A_521 = tpu.vector_load_idx %arg14[%add3A_111, %broadcast_in_dim3A_519] : memref<64x128xf32, #tpu.memory_space<vmem>>[vector<16xi32>, vector<16xi32>], vector<16xf32>,
        %mul3A_522 = arith.mulf %gather3A_520, %gather3A_521 : vector<16xf32>
        %add3A_523 = arith.addf %add3A_499, %mul3A_522 : vector<16xf32>
        %broadcast_in_dim3A_524 = arith.constant 40 : i32
        %broadcast_in_dim3A_525 = vector.broadcast %broadcast_in_dim3A_524 : i32 to vector<16xi32>
        %gather3A_526 = tpu.vector_load_idx %arg13[%add3A_111, %broadcast_in_dim3A_525] : memref<64x128xf32, #tpu.memory_space<vmem>>[vector<16xi32>, vector<16xi32>], vector<16xf32>,
        %gather3A_527 = tpu.vector_load_idx %arg14[%add3A_111, %broadcast_in_dim3A_525] : memref<64x128xf32, #tpu.memory_space<vmem>>[vector<16xi32>, vector<16xi32>], vector<16xf32>,
        %mul3A_528 = arith.mulf %gather3A_526, %gather3A_527 : vector<16xf32>
        %add3A_529 = arith.addf %add3A_505, %mul3A_528 : vector<16xf32>
        %broadcast_in_dim3A_530 = arith.constant 41 : i32
        %broadcast_in_dim3A_531 = vector.broadcast %broadcast_in_dim3A_530 : i32 to vector<16xi32>
        %gather3A_532 = tpu.vector_load_idx %arg13[%add3A_111, %broadcast_in_dim3A_531] : memref<64x128xf32, #tpu.memory_space<vmem>>[vector<16xi32>, vector<16xi32>], vector<16xf32>,
        %gather3A_533 = tpu.vector_load_idx %arg14[%add3A_111, %broadcast_in_dim3A_531] : memref<64x128xf32, #tpu.memory_space<vmem>>[vector<16xi32>, vector<16xi32>], vector<16xf32>,
        %mul3A_534 = arith.mulf %gather3A_532, %gather3A_533 : vector<16xf32>
        %add3A_535 = arith.addf %add3A_511, %mul3A_534 : vector<16xf32>
        %broadcast_in_dim3A_536 = arith.constant 42 : i32
        %broadcast_in_dim3A_537 = vector.broadcast %broadcast_in_dim3A_536 : i32 to vector<16xi32>
        %gather3A_538 = tpu.vector_load_idx %arg13[%add3A_111, %broadcast_in_dim3A_537] : memref<64x128xf32, #tpu.memory_space<vmem>>[vector<16xi32>, vector<16xi32>], vector<16xf32>,
        %gather3A_539 = tpu.vector_load_idx %arg14[%add3A_111, %broadcast_in_dim3A_537] : memref<64x128xf32, #tpu.memory_space<vmem>>[vector<16xi32>, vector<16xi32>], vector<16xf32>,
        %mul3A_540 = arith.mulf %gather3A_538, %gather3A_539 : vector<16xf32>
        %add3A_541 = arith.addf %add3A_517, %mul3A_540 : vector<16xf32>
        %broadcast_in_dim3A_542 = arith.constant 43 : i32
        %broadcast_in_dim3A_543 = vector.broadcast %broadcast_in_dim3A_542 : i32 to vector<16xi32>
        %gather3A_544 = tpu.vector_load_idx %arg13[%add3A_111, %broadcast_in_dim3A_543] : memref<64x128xf32, #tpu.memory_space<vmem>>[vector<16xi32>, vector<16xi32>], vector<16xf32>,
        %gather3A_545 = tpu.vector_load_idx %arg14[%add3A_111, %broadcast_in_dim3A_543] : memref<64x128xf32, #tpu.memory_space<vmem>>[vector<16xi32>, vector<16xi32>], vector<16xf32>,
        %mul3A_546 = arith.mulf %gather3A_544, %gather3A_545 : vector<16xf32>
        %add3A_547 = arith.addf %add3A_523, %mul3A_546 : vector<16xf32>
        %broadcast_in_dim3A_548 = arith.constant 44 : i32
        %broadcast_in_dim3A_549 = vector.broadcast %broadcast_in_dim3A_548 : i32 to vector<16xi32>
        %gather3A_550 = tpu.vector_load_idx %arg13[%add3A_111, %broadcast_in_dim3A_549] : memref<64x128xf32, #tpu.memory_space<vmem>>[vector<16xi32>, vector<16xi32>], vector<16xf32>,
        %gather3A_551 = tpu.vector_load_idx %arg14[%add3A_111, %broadcast_in_dim3A_549] : memref<64x128xf32, #tpu.memory_space<vmem>>[vector<16xi32>, vector<16xi32>], vector<16xf32>,
        %mul3A_552 = arith.mulf %gather3A_550, %gather3A_551 : vector<16xf32>
        %add3A_553 = arith.addf %add3A_529, %mul3A_552 : vector<16xf32>
        %broadcast_in_dim3A_554 = arith.constant 45 : i32
        %broadcast_in_dim3A_555 = vector.broadcast %broadcast_in_dim3A_554 : i32 to vector<16xi32>
        %gather3A_556 = tpu.vector_load_idx %arg13[%add3A_111, %broadcast_in_dim3A_555] : memref<64x128xf32, #tpu.memory_space<vmem>>[vector<16xi32>, vector<16xi32>], vector<16xf32>,
        %gather3A_557 = tpu.vector_load_idx %arg14[%add3A_111, %broadcast_in_dim3A_555] : memref<64x128xf32, #tpu.memory_space<vmem>>[vector<16xi32>, vector<16xi32>], vector<16xf32>,
        %mul3A_558 = arith.mulf %gather3A_556, %gather3A_557 : vector<16xf32>
        %add3A_559 = arith.addf %add3A_535, %mul3A_558 : vector<16xf32>
        %broadcast_in_dim3A_560 = arith.constant 46 : i32
        %broadcast_in_dim3A_561 = vector.broadcast %broadcast_in_dim3A_560 : i32 to vector<16xi32>
        %gather3A_562 = tpu.vector_load_idx %arg13[%add3A_111, %broadcast_in_dim3A_561] : memref<64x128xf32, #tpu.memory_space<vmem>>[vector<16xi32>, vector<16xi32>], vector<16xf32>,
        %gather3A_563 = tpu.vector_load_idx %arg14[%add3A_111, %broadcast_in_dim3A_561] : memref<64x128xf32, #tpu.memory_space<vmem>>[vector<16xi32>, vector<16xi32>], vector<16xf32>,
        %mul3A_564 = arith.mulf %gather3A_562, %gather3A_563 : vector<16xf32>
        %add3A_565 = arith.addf %add3A_541, %mul3A_564 : vector<16xf32>
        %broadcast_in_dim3A_566 = arith.constant 47 : i32
        %broadcast_in_dim3A_567 = vector.broadcast %broadcast_in_dim3A_566 : i32 to vector<16xi32>
        %gather3A_568 = tpu.vector_load_idx %arg13[%add3A_111, %broadcast_in_dim3A_567] : memref<64x128xf32, #tpu.memory_space<vmem>>[vector<16xi32>, vector<16xi32>], vector<16xf32>,
        %gather3A_569 = tpu.vector_load_idx %arg14[%add3A_111, %broadcast_in_dim3A_567] : memref<64x128xf32, #tpu.memory_space<vmem>>[vector<16xi32>, vector<16xi32>], vector<16xf32>,
        %mul3A_570 = arith.mulf %gather3A_568, %gather3A_569 : vector<16xf32>
        %add3A_571 = arith.addf %add3A_547, %mul3A_570 : vector<16xf32>
        %broadcast_in_dim3A_572 = arith.constant 48 : i32
        %broadcast_in_dim3A_573 = vector.broadcast %broadcast_in_dim3A_572 : i32 to vector<16xi32>
        %gather3A_574 = tpu.vector_load_idx %arg13[%add3A_111, %broadcast_in_dim3A_573] : memref<64x128xf32, #tpu.memory_space<vmem>>[vector<16xi32>, vector<16xi32>], vector<16xf32>,
        %gather3A_575 = tpu.vector_load_idx %arg14[%add3A_111, %broadcast_in_dim3A_573] : memref<64x128xf32, #tpu.memory_space<vmem>>[vector<16xi32>, vector<16xi32>], vector<16xf32>,
        %mul3A_576 = arith.mulf %gather3A_574, %gather3A_575 : vector<16xf32>
        %add3A_577 = arith.addf %add3A_553, %mul3A_576 : vector<16xf32>
        %broadcast_in_dim3A_578 = arith.constant 49 : i32
        %broadcast_in_dim3A_579 = vector.broadcast %broadcast_in_dim3A_578 : i32 to vector<16xi32>
        %gather3A_580 = tpu.vector_load_idx %arg13[%add3A_111, %broadcast_in_dim3A_579] : memref<64x128xf32, #tpu.memory_space<vmem>>[vector<16xi32>, vector<16xi32>], vector<16xf32>,
        %gather3A_581 = tpu.vector_load_idx %arg14[%add3A_111, %broadcast_in_dim3A_579] : memref<64x128xf32, #tpu.memory_space<vmem>>[vector<16xi32>, vector<16xi32>], vector<16xf32>,
        %mul3A_582 = arith.mulf %gather3A_580, %gather3A_581 : vector<16xf32>
        %add3A_583 = arith.addf %add3A_559, %mul3A_582 : vector<16xf32>
        %broadcast_in_dim3A_584 = arith.constant 50 : i32
        %broadcast_in_dim3A_585 = vector.broadcast %broadcast_in_dim3A_584 : i32 to vector<16xi32>
        %gather3A_586 = tpu.vector_load_idx %arg13[%add3A_111, %broadcast_in_dim3A_585] : memref<64x128xf32, #tpu.memory_space<vmem>>[vector<16xi32>, vector<16xi32>], vector<16xf32>,
        %gather3A_587 = tpu.vector_load_idx %arg14[%add3A_111, %broadcast_in_dim3A_585] : memref<64x128xf32, #tpu.memory_space<vmem>>[vector<16xi32>, vector<16xi32>], vector<16xf32>,
        %mul3A_588 = arith.mulf %gather3A_586, %gather3A_587 : vector<16xf32>
        %add3A_589 = arith.addf %add3A_565, %mul3A_588 : vector<16xf32>
        %broadcast_in_dim3A_590 = arith.constant 51 : i32
        %broadcast_in_dim3A_591 = vector.broadcast %broadcast_in_dim3A_590 : i32 to vector<16xi32>
        %gather3A_592 = tpu.vector_load_idx %arg13[%add3A_111, %broadcast_in_dim3A_591] : memref<64x128xf32, #tpu.memory_space<vmem>>[vector<16xi32>, vector<16xi32>], vector<16xf32>,
        %gather3A_593 = tpu.vector_load_idx %arg14[%add3A_111, %broadcast_in_dim3A_591] : memref<64x128xf32, #tpu.memory_space<vmem>>[vector<16xi32>, vector<16xi32>], vector<16xf32>,
        %mul3A_594 = arith.mulf %gather3A_592, %gather3A_593 : vector<16xf32>
        %add3A_595 = arith.addf %add3A_571, %mul3A_594 : vector<16xf32>
        %broadcast_in_dim3A_596 = arith.constant 52 : i32
        %broadcast_in_dim3A_597 = vector.broadcast %broadcast_in_dim3A_596 : i32 to vector<16xi32>
        %gather3A_598 = tpu.vector_load_idx %arg13[%add3A_111, %broadcast_in_dim3A_597] : memref<64x128xf32, #tpu.memory_space<vmem>>[vector<16xi32>, vector<16xi32>], vector<16xf32>,
        %gather3A_599 = tpu.vector_load_idx %arg14[%add3A_111, %broadcast_in_dim3A_597] : memref<64x128xf32, #tpu.memory_space<vmem>>[vector<16xi32>, vector<16xi32>], vector<16xf32>,
        %mul3A_600 = arith.mulf %gather3A_598, %gather3A_599 : vector<16xf32>
        %add3A_601 = arith.addf %add3A_577, %mul3A_600 : vector<16xf32>
        %broadcast_in_dim3A_602 = arith.constant 53 : i32
        %broadcast_in_dim3A_603 = vector.broadcast %broadcast_in_dim3A_602 : i32 to vector<16xi32>
        %gather3A_604 = tpu.vector_load_idx %arg13[%add3A_111, %broadcast_in_dim3A_603] : memref<64x128xf32, #tpu.memory_space<vmem>>[vector<16xi32>, vector<16xi32>], vector<16xf32>,
        %gather3A_605 = tpu.vector_load_idx %arg14[%add3A_111, %broadcast_in_dim3A_603] : memref<64x128xf32, #tpu.memory_space<vmem>>[vector<16xi32>, vector<16xi32>], vector<16xf32>,
        %mul3A_606 = arith.mulf %gather3A_604, %gather3A_605 : vector<16xf32>
        %add3A_607 = arith.addf %add3A_583, %mul3A_606 : vector<16xf32>
        %broadcast_in_dim3A_608 = arith.constant 54 : i32
        %broadcast_in_dim3A_609 = vector.broadcast %broadcast_in_dim3A_608 : i32 to vector<16xi32>
        %gather3A_610 = tpu.vector_load_idx %arg13[%add3A_111, %broadcast_in_dim3A_609] : memref<64x128xf32, #tpu.memory_space<vmem>>[vector<16xi32>, vector<16xi32>], vector<16xf32>,
        %gather3A_611 = tpu.vector_load_idx %arg14[%add3A_111, %broadcast_in_dim3A_609] : memref<64x128xf32, #tpu.memory_space<vmem>>[vector<16xi32>, vector<16xi32>], vector<16xf32>,
        %mul3A_612 = arith.mulf %gather3A_610, %gather3A_611 : vector<16xf32>
        %add3A_613 = arith.addf %add3A_589, %mul3A_612 : vector<16xf32>
        %broadcast_in_dim3A_614 = arith.constant 55 : i32
        %broadcast_in_dim3A_615 = vector.broadcast %broadcast_in_dim3A_614 : i32 to vector<16xi32>
        %gather3A_616 = tpu.vector_load_idx %arg13[%add3A_111, %broadcast_in_dim3A_615] : memref<64x128xf32, #tpu.memory_space<vmem>>[vector<16xi32>, vector<16xi32>], vector<16xf32>,
        %gather3A_617 = tpu.vector_load_idx %arg14[%add3A_111, %broadcast_in_dim3A_615] : memref<64x128xf32, #tpu.memory_space<vmem>>[vector<16xi32>, vector<16xi32>], vector<16xf32>,
        %mul3A_618 = arith.mulf %gather3A_616, %gather3A_617 : vector<16xf32>
        %add3A_619 = arith.addf %add3A_595, %mul3A_618 : vector<16xf32>
        %broadcast_in_dim3A_620 = arith.constant 56 : i32
        %broadcast_in_dim3A_621 = vector.broadcast %broadcast_in_dim3A_620 : i32 to vector<16xi32>
        %gather3A_622 = tpu.vector_load_idx %arg13[%add3A_111, %broadcast_in_dim3A_621] : memref<64x128xf32, #tpu.memory_space<vmem>>[vector<16xi32>, vector<16xi32>], vector<16xf32>,
        %gather3A_623 = tpu.vector_load_idx %arg14[%add3A_111, %broadcast_in_dim3A_621] : memref<64x128xf32, #tpu.memory_space<vmem>>[vector<16xi32>, vector<16xi32>], vector<16xf32>,
        %mul3A_624 = arith.mulf %gather3A_622, %gather3A_623 : vector<16xf32>
        %add3A_625 = arith.addf %add3A_601, %mul3A_624 : vector<16xf32>
        %broadcast_in_dim3A_626 = arith.constant 57 : i32
        %broadcast_in_dim3A_627 = vector.broadcast %broadcast_in_dim3A_626 : i32 to vector<16xi32>
        %gather3A_628 = tpu.vector_load_idx %arg13[%add3A_111, %broadcast_in_dim3A_627] : memref<64x128xf32, #tpu.memory_space<vmem>>[vector<16xi32>, vector<16xi32>], vector<16xf32>,
        %gather3A_629 = tpu.vector_load_idx %arg14[%add3A_111, %broadcast_in_dim3A_627] : memref<64x128xf32, #tpu.memory_space<vmem>>[vector<16xi32>, vector<16xi32>], vector<16xf32>,
        %mul3A_630 = arith.mulf %gather3A_628, %gather3A_629 : vector<16xf32>
        %add3A_631 = arith.addf %add3A_607, %mul3A_630 : vector<16xf32>
        %broadcast_in_dim3A_632 = arith.constant 58 : i32
        %broadcast_in_dim3A_633 = vector.broadcast %broadcast_in_dim3A_632 : i32 to vector<16xi32>
        %gather3A_634 = tpu.vector_load_idx %arg13[%add3A_111, %broadcast_in_dim3A_633] : memref<64x128xf32, #tpu.memory_space<vmem>>[vector<16xi32>, vector<16xi32>], vector<16xf32>,
        %gather3A_635 = tpu.vector_load_idx %arg14[%add3A_111, %broadcast_in_dim3A_633] : memref<64x128xf32, #tpu.memory_space<vmem>>[vector<16xi32>, vector<16xi32>], vector<16xf32>,
        %mul3A_636 = arith.mulf %gather3A_634, %gather3A_635 : vector<16xf32>
        %add3A_637 = arith.addf %add3A_613, %mul3A_636 : vector<16xf32>
        %broadcast_in_dim3A_638 = arith.constant 59 : i32
        %broadcast_in_dim3A_639 = vector.broadcast %broadcast_in_dim3A_638 : i32 to vector<16xi32>
        %gather3A_640 = tpu.vector_load_idx %arg13[%add3A_111, %broadcast_in_dim3A_639] : memref<64x128xf32, #tpu.memory_space<vmem>>[vector<16xi32>, vector<16xi32>], vector<16xf32>,
        %gather3A_641 = tpu.vector_load_idx %arg14[%add3A_111, %broadcast_in_dim3A_639] : memref<64x128xf32, #tpu.memory_space<vmem>>[vector<16xi32>, vector<16xi32>], vector<16xf32>,
        %mul3A_642 = arith.mulf %gather3A_640, %gather3A_641 : vector<16xf32>
        %add3A_643 = arith.addf %add3A_619, %mul3A_642 : vector<16xf32>
        %broadcast_in_dim3A_644 = arith.constant 60 : i32
        %broadcast_in_dim3A_645 = vector.broadcast %broadcast_in_dim3A_644 : i32 to vector<16xi32>
        %gather3A_646 = tpu.vector_load_idx %arg13[%add3A_111, %broadcast_in_dim3A_645] : memref<64x128xf32, #tpu.memory_space<vmem>>[vector<16xi32>, vector<16xi32>], vector<16xf32>,
        %gather3A_647 = tpu.vector_load_idx %arg14[%add3A_111, %broadcast_in_dim3A_645] : memref<64x128xf32, #tpu.memory_space<vmem>>[vector<16xi32>, vector<16xi32>], vector<16xf32>,
        %mul3A_648 = arith.mulf %gather3A_646, %gather3A_647 : vector<16xf32>
        %add3A_649 = arith.addf %add3A_625, %mul3A_648 : vector<16xf32>
        %broadcast_in_dim3A_650 = arith.constant 61 : i32
        %broadcast_in_dim3A_651 = vector.broadcast %broadcast_in_dim3A_650 : i32 to vector<16xi32>
        %gather3A_652 = tpu.vector_load_idx %arg13[%add3A_111, %broadcast_in_dim3A_651] : memref<64x128xf32, #tpu.memory_space<vmem>>[vector<16xi32>, vector<16xi32>], vector<16xf32>,
        %gather3A_653 = tpu.vector_load_idx %arg14[%add3A_111, %broadcast_in_dim3A_651] : memref<64x128xf32, #tpu.memory_space<vmem>>[vector<16xi32>, vector<16xi32>], vector<16xf32>,
        %mul3A_654 = arith.mulf %gather3A_652, %gather3A_653 : vector<16xf32>
        %add3A_655 = arith.addf %add3A_631, %mul3A_654 : vector<16xf32>
        %broadcast_in_dim3A_656 = arith.constant 62 : i32
        %broadcast_in_dim3A_657 = vector.broadcast %broadcast_in_dim3A_656 : i32 to vector<16xi32>
        %gather3A_658 = tpu.vector_load_idx %arg13[%add3A_111, %broadcast_in_dim3A_657] : memref<64x128xf32, #tpu.memory_space<vmem>>[vector<16xi32>, vector<16xi32>], vector<16xf32>,
        %gather3A_659 = tpu.vector_load_idx %arg14[%add3A_111, %broadcast_in_dim3A_657] : memref<64x128xf32, #tpu.memory_space<vmem>>[vector<16xi32>, vector<16xi32>], vector<16xf32>,
        %mul3A_660 = arith.mulf %gather3A_658, %gather3A_659 : vector<16xf32>
        %add3A_661 = arith.addf %add3A_637, %mul3A_660 : vector<16xf32>
        %broadcast_in_dim3A_662 = arith.constant 63 : i32
        %broadcast_in_dim3A_663 = vector.broadcast %broadcast_in_dim3A_662 : i32 to vector<16xi32>
        %gather3A_664 = tpu.vector_load_idx %arg13[%add3A_111, %broadcast_in_dim3A_663] : memref<64x128xf32, #tpu.memory_space<vmem>>[vector<16xi32>, vector<16xi32>], vector<16xf32>,
        %gather3A_665 = tpu.vector_load_idx %arg14[%add3A_111, %broadcast_in_dim3A_663] : memref<64x128xf32, #tpu.memory_space<vmem>>[vector<16xi32>, vector<16xi32>], vector<16xf32>,
        %mul3A_666 = arith.mulf %gather3A_664, %gather3A_665 : vector<16xf32>
        %add3A_667 = arith.addf %add3A_643, %mul3A_666 : vector<16xf32>
        %add3A_668 = arith.addf %add3A_649, %add3A_655 : vector<16xf32>
        %add3A_669 = arith.addf %add3A_661, %add3A_667 : vector<16xf32>
        %add3A_670 = arith.addf %add3A_668, %add3A_669 : vector<16xf32>
        %mul3A_671 = arith.constant 0.176776692 : f32
        %mul3A_672 = vector.broadcast %mul3A_671 : f32 to vector<16xf32>
        %mul3A_673 = arith.mulf %add3A_670, %mul3A_672 : vector<16xf32>
        %add3A_674 = arith.addf %mul3A_673, %gather3A_467 : vector<16xf32>
        %exp3A_675 = math.exp %add3A_674 : vector<16xf32>
        %add3A_676 = arith.constant 1 : i32
        %add3A_677 = vector.broadcast %add3A_676 : i32 to vector<16xi32>
        %add3A_678 = arith.addi %mul3A_124, %add3A_677 : vector<16xi32>
        tpu.vector_store_idx %arg17[%add3A_111, %add3A_678], %exp3A_675 : memref<64x128xf32, #tpu.memory_space<vmem>>[vector<16xi32>, vector<16xi32>], vector<16xf32>,
        %broadcast_in_dim3A_679 = arith.constant 32 : i32
        %broadcast_in_dim3A_680 = vector.broadcast %broadcast_in_dim3A_679 : i32 to vector<16xi32>
        %gather3A_681 = tpu.vector_load_idx %arg15[%add3A_111, %broadcast_in_dim3A_680] : memref<64x128xf32, #tpu.memory_space<vmem>>[vector<16xi32>, vector<16xi32>], vector<16xf32>,
        %mul3A_682 = arith.mulf %gather3A_681, %exp3A_675 : vector<16xf32>
        tpu.vector_store_idx %arg15[%add3A_111, %broadcast_in_dim3A_680], %mul3A_682 : memref<64x128xf32, #tpu.memory_space<vmem>>[vector<16xi32>, vector<16xi32>], vector<16xf32>,
        %broadcast_in_dim3A_683 = arith.constant 33 : i32
        %broadcast_in_dim3A_684 = vector.broadcast %broadcast_in_dim3A_683 : i32 to vector<16xi32>
        %gather3A_685 = tpu.vector_load_idx %arg15[%add3A_111, %broadcast_in_dim3A_684] : memref<64x128xf32, #tpu.memory_space<vmem>>[vector<16xi32>, vector<16xi32>], vector<16xf32>,
        %mul3A_686 = arith.mulf %gather3A_685, %exp3A_675 : vector<16xf32>
        tpu.vector_store_idx %arg15[%add3A_111, %broadcast_in_dim3A_684], %mul3A_686 : memref<64x128xf32, #tpu.memory_space<vmem>>[vector<16xi32>, vector<16xi32>], vector<16xf32>,
        %broadcast_in_dim3A_687 = arith.constant 34 : i32
        %broadcast_in_dim3A_688 = vector.broadcast %broadcast_in_dim3A_687 : i32 to vector<16xi32>
        %gather3A_689 = tpu.vector_load_idx %arg15[%add3A_111, %broadcast_in_dim3A_688] : memref<64x128xf32, #tpu.memory_space<vmem>>[vector<16xi32>, vector<16xi32>], vector<16xf32>,
        %mul3A_690 = arith.mulf %gather3A_689, %exp3A_675 : vector<16xf32>
        tpu.vector_store_idx %arg15[%add3A_111, %broadcast_in_dim3A_688], %mul3A_690 : memref<64x128xf32, #tpu.memory_space<vmem>>[vector<16xi32>, vector<16xi32>], vector<16xf32>,
        %broadcast_in_dim3A_691 = arith.constant 35 : i32
        %broadcast_in_dim3A_692 = vector.broadcast %broadcast_in_dim3A_691 : i32 to vector<16xi32>
        %gather3A_693 = tpu.vector_load_idx %arg15[%add3A_111, %broadcast_in_dim3A_692] : memref<64x128xf32, #tpu.memory_space<vmem>>[vector<16xi32>, vector<16xi32>], vector<16xf32>,
        %mul3A_694 = arith.mulf %gather3A_693, %exp3A_675 : vector<16xf32>
        tpu.vector_store_idx %arg15[%add3A_111, %broadcast_in_dim3A_692], %mul3A_694 : memref<64x128xf32, #tpu.memory_space<vmem>>[vector<16xi32>, vector<16xi32>], vector<16xf32>,
        %broadcast_in_dim3A_695 = arith.constant 36 : i32
        %broadcast_in_dim3A_696 = vector.broadcast %broadcast_in_dim3A_695 : i32 to vector<16xi32>
        %gather3A_697 = tpu.vector_load_idx %arg15[%add3A_111, %broadcast_in_dim3A_696] : memref<64x128xf32, #tpu.memory_space<vmem>>[vector<16xi32>, vector<16xi32>], vector<16xf32>,
        %mul3A_698 = arith.mulf %gather3A_697, %exp3A_675 : vector<16xf32>
        tpu.vector_store_idx %arg15[%add3A_111, %broadcast_in_dim3A_696], %mul3A_698 : memref<64x128xf32, #tpu.memory_space<vmem>>[vector<16xi32>, vector<16xi32>], vector<16xf32>,
        %broadcast_in_dim3A_699 = arith.constant 37 : i32
        %broadcast_in_dim3A_700 = vector.broadcast %broadcast_in_dim3A_699 : i32 to vector<16xi32>
        %gather3A_701 = tpu.vector_load_idx %arg15[%add3A_111, %broadcast_in_dim3A_700] : memref<64x128xf32, #tpu.memory_space<vmem>>[vector<16xi32>, vector<16xi32>], vector<16xf32>,
        %mul3A_702 = arith.mulf %gather3A_701, %exp3A_675 : vector<16xf32>
        tpu.vector_store_idx %arg15[%add3A_111, %broadcast_in_dim3A_700], %mul3A_702 : memref<64x128xf32, #tpu.memory_space<vmem>>[vector<16xi32>, vector<16xi32>], vector<16xf32>,
        %broadcast_in_dim3A_703 = arith.constant 38 : i32
        %broadcast_in_dim3A_704 = vector.broadcast %broadcast_in_dim3A_703 : i32 to vector<16xi32>
        %gather3A_705 = tpu.vector_load_idx %arg15[%add3A_111, %broadcast_in_dim3A_704] : memref<64x128xf32, #tpu.memory_space<vmem>>[vector<16xi32>, vector<16xi32>], vector<16xf32>,
        %mul3A_706 = arith.mulf %gather3A_705, %exp3A_675 : vector<16xf32>
        tpu.vector_store_idx %arg15[%add3A_111, %broadcast_in_dim3A_704], %mul3A_706 : memref<64x128xf32, #tpu.memory_space<vmem>>[vector<16xi32>, vector<16xi32>], vector<16xf32>,
        %broadcast_in_dim3A_707 = arith.constant 39 : i32
        %broadcast_in_dim3A_708 = vector.broadcast %broadcast_in_dim3A_707 : i32 to vector<16xi32>
        %gather3A_709 = tpu.vector_load_idx %arg15[%add3A_111, %broadcast_in_dim3A_708] : memref<64x128xf32, #tpu.memory_space<vmem>>[vector<16xi32>, vector<16xi32>], vector<16xf32>,
        %mul3A_710 = arith.mulf %gather3A_709, %exp3A_675 : vector<16xf32>
        tpu.vector_store_idx %arg15[%add3A_111, %broadcast_in_dim3A_708], %mul3A_710 : memref<64x128xf32, #tpu.memory_space<vmem>>[vector<16xi32>, vector<16xi32>], vector<16xf32>,
        %broadcast_in_dim3A_711 = arith.constant 40 : i32
        %broadcast_in_dim3A_712 = vector.broadcast %broadcast_in_dim3A_711 : i32 to vector<16xi32>
        %gather3A_713 = tpu.vector_load_idx %arg15[%add3A_111, %broadcast_in_dim3A_712] : memref<64x128xf32, #tpu.memory_space<vmem>>[vector<16xi32>, vector<16xi32>], vector<16xf32>,
        %mul3A_714 = arith.mulf %gather3A_713, %exp3A_675 : vector<16xf32>
        tpu.vector_store_idx %arg15[%add3A_111, %broadcast_in_dim3A_712], %mul3A_714 : memref<64x128xf32, #tpu.memory_space<vmem>>[vector<16xi32>, vector<16xi32>], vector<16xf32>,
        %broadcast_in_dim3A_715 = arith.constant 41 : i32
        %broadcast_in_dim3A_716 = vector.broadcast %broadcast_in_dim3A_715 : i32 to vector<16xi32>
        %gather3A_717 = tpu.vector_load_idx %arg15[%add3A_111, %broadcast_in_dim3A_716] : memref<64x128xf32, #tpu.memory_space<vmem>>[vector<16xi32>, vector<16xi32>], vector<16xf32>,
        %mul3A_718 = arith.mulf %gather3A_717, %exp3A_675 : vector<16xf32>
        tpu.vector_store_idx %arg15[%add3A_111, %broadcast_in_dim3A_716], %mul3A_718 : memref<64x128xf32, #tpu.memory_space<vmem>>[vector<16xi32>, vector<16xi32>], vector<16xf32>,
        %broadcast_in_dim3A_719 = arith.constant 42 : i32
        %broadcast_in_dim3A_720 = vector.broadcast %broadcast_in_dim3A_719 : i32 to vector<16xi32>
        %gather3A_721 = tpu.vector_load_idx %arg15[%add3A_111, %broadcast_in_dim3A_720] : memref<64x128xf32, #tpu.memory_space<vmem>>[vector<16xi32>, vector<16xi32>], vector<16xf32>,
        %mul3A_722 = arith.mulf %gather3A_721, %exp3A_675 : vector<16xf32>
        tpu.vector_store_idx %arg15[%add3A_111, %broadcast_in_dim3A_720], %mul3A_722 : memref<64x128xf32, #tpu.memory_space<vmem>>[vector<16xi32>, vector<16xi32>], vector<16xf32>,
        %broadcast_in_dim3A_723 = arith.constant 43 : i32
        %broadcast_in_dim3A_724 = vector.broadcast %broadcast_in_dim3A_723 : i32 to vector<16xi32>
        %gather3A_725 = tpu.vector_load_idx %arg15[%add3A_111, %broadcast_in_dim3A_724] : memref<64x128xf32, #tpu.memory_space<vmem>>[vector<16xi32>, vector<16xi32>], vector<16xf32>,
        %mul3A_726 = arith.mulf %gather3A_725, %exp3A_675 : vector<16xf32>
        tpu.vector_store_idx %arg15[%add3A_111, %broadcast_in_dim3A_724], %mul3A_726 : memref<64x128xf32, #tpu.memory_space<vmem>>[vector<16xi32>, vector<16xi32>], vector<16xf32>,
        %broadcast_in_dim3A_727 = arith.constant 44 : i32
        %broadcast_in_dim3A_728 = vector.broadcast %broadcast_in_dim3A_727 : i32 to vector<16xi32>
        %gather3A_729 = tpu.vector_load_idx %arg15[%add3A_111, %broadcast_in_dim3A_728] : memref<64x128xf32, #tpu.memory_space<vmem>>[vector<16xi32>, vector<16xi32>], vector<16xf32>,
        %mul3A_730 = arith.mulf %gather3A_729, %exp3A_675 : vector<16xf32>
        tpu.vector_store_idx %arg15[%add3A_111, %broadcast_in_dim3A_728], %mul3A_730 : memref<64x128xf32, #tpu.memory_space<vmem>>[vector<16xi32>, vector<16xi32>], vector<16xf32>,
        %broadcast_in_dim3A_731 = arith.constant 45 : i32
        %broadcast_in_dim3A_732 = vector.broadcast %broadcast_in_dim3A_731 : i32 to vector<16xi32>
        %gather3A_733 = tpu.vector_load_idx %arg15[%add3A_111, %broadcast_in_dim3A_732] : memref<64x128xf32, #tpu.memory_space<vmem>>[vector<16xi32>, vector<16xi32>], vector<16xf32>,
        %mul3A_734 = arith.mulf %gather3A_733, %exp3A_675 : vector<16xf32>
        tpu.vector_store_idx %arg15[%add3A_111, %broadcast_in_dim3A_732], %mul3A_734 : memref<64x128xf32, #tpu.memory_space<vmem>>[vector<16xi32>, vector<16xi32>], vector<16xf32>,
        %broadcast_in_dim3A_735 = arith.constant 46 : i32
        %broadcast_in_dim3A_736 = vector.broadcast %broadcast_in_dim3A_735 : i32 to vector<16xi32>
        %gather3A_737 = tpu.vector_load_idx %arg15[%add3A_111, %broadcast_in_dim3A_736] : memref<64x128xf32, #tpu.memory_space<vmem>>[vector<16xi32>, vector<16xi32>], vector<16xf32>,
        %mul3A_738 = arith.mulf %gather3A_737, %exp3A_675 : vector<16xf32>
        tpu.vector_store_idx %arg15[%add3A_111, %broadcast_in_dim3A_736], %mul3A_738 : memref<64x128xf32, #tpu.memory_space<vmem>>[vector<16xi32>, vector<16xi32>], vector<16xf32>,
        %broadcast_in_dim3A_739 = arith.constant 47 : i32
        %broadcast_in_dim3A_740 = vector.broadcast %broadcast_in_dim3A_739 : i32 to vector<16xi32>
        %gather3A_741 = tpu.vector_load_idx %arg15[%add3A_111, %broadcast_in_dim3A_740] : memref<64x128xf32, #tpu.memory_space<vmem>>[vector<16xi32>, vector<16xi32>], vector<16xf32>,
        %mul3A_742 = arith.mulf %gather3A_741, %exp3A_675 : vector<16xf32>
        tpu.vector_store_idx %arg15[%add3A_111, %broadcast_in_dim3A_740], %mul3A_742 : memref<64x128xf32, #tpu.memory_space<vmem>>[vector<16xi32>, vector<16xi32>], vector<16xf32>,
        %broadcast_in_dim3A_743 = arith.constant 48 : i32
        %broadcast_in_dim3A_744 = vector.broadcast %broadcast_in_dim3A_743 : i32 to vector<16xi32>
        %gather3A_745 = tpu.vector_load_idx %arg15[%add3A_111, %broadcast_in_dim3A_744] : memref<64x128xf32, #tpu.memory_space<vmem>>[vector<16xi32>, vector<16xi32>], vector<16xf32>,
        %mul3A_746 = arith.mulf %gather3A_745, %exp3A_675 : vector<16xf32>
        tpu.vector_store_idx %arg15[%add3A_111, %broadcast_in_dim3A_744], %mul3A_746 : memref<64x128xf32, #tpu.memory_space<vmem>>[vector<16xi32>, vector<16xi32>], vector<16xf32>,
        %broadcast_in_dim3A_747 = arith.constant 49 : i32
        %broadcast_in_dim3A_748 = vector.broadcast %broadcast_in_dim3A_747 : i32 to vector<16xi32>
        %gather3A_749 = tpu.vector_load_idx %arg15[%add3A_111, %broadcast_in_dim3A_748] : memref<64x128xf32, #tpu.memory_space<vmem>>[vector<16xi32>, vector<16xi32>], vector<16xf32>,
        %mul3A_750 = arith.mulf %gather3A_749, %exp3A_675 : vector<16xf32>
        tpu.vector_store_idx %arg15[%add3A_111, %broadcast_in_dim3A_748], %mul3A_750 : memref<64x128xf32, #tpu.memory_space<vmem>>[vector<16xi32>, vector<16xi32>], vector<16xf32>,
        %broadcast_in_dim3A_751 = arith.constant 50 : i32
        %broadcast_in_dim3A_752 = vector.broadcast %broadcast_in_dim3A_751 : i32 to vector<16xi32>
        %gather3A_753 = tpu.vector_load_idx %arg15[%add3A_111, %broadcast_in_dim3A_752] : memref<64x128xf32, #tpu.memory_space<vmem>>[vector<16xi32>, vector<16xi32>], vector<16xf32>,
        %mul3A_754 = arith.mulf %gather3A_753, %exp3A_675 : vector<16xf32>
        tpu.vector_store_idx %arg15[%add3A_111, %broadcast_in_dim3A_752], %mul3A_754 : memref<64x128xf32, #tpu.memory_space<vmem>>[vector<16xi32>, vector<16xi32>], vector<16xf32>,
        %broadcast_in_dim3A_755 = arith.constant 51 : i32
        %broadcast_in_dim3A_756 = vector.broadcast %broadcast_in_dim3A_755 : i32 to vector<16xi32>
        %gather3A_757 = tpu.vector_load_idx %arg15[%add3A_111, %broadcast_in_dim3A_756] : memref<64x128xf32, #tpu.memory_space<vmem>>[vector<16xi32>, vector<16xi32>], vector<16xf32>,
        %mul3A_758 = arith.mulf %gather3A_757, %exp3A_675 : vector<16xf32>
        tpu.vector_store_idx %arg15[%add3A_111, %broadcast_in_dim3A_756], %mul3A_758 : memref<64x128xf32, #tpu.memory_space<vmem>>[vector<16xi32>, vector<16xi32>], vector<16xf32>,
        %broadcast_in_dim3A_759 = arith.constant 52 : i32
        %broadcast_in_dim3A_760 = vector.broadcast %broadcast_in_dim3A_759 : i32 to vector<16xi32>
        %gather3A_761 = tpu.vector_load_idx %arg15[%add3A_111, %broadcast_in_dim3A_760] : memref<64x128xf32, #tpu.memory_space<vmem>>[vector<16xi32>, vector<16xi32>], vector<16xf32>,
        %mul3A_762 = arith.mulf %gather3A_761, %exp3A_675 : vector<16xf32>
        tpu.vector_store_idx %arg15[%add3A_111, %broadcast_in_dim3A_760], %mul3A_762 : memref<64x128xf32, #tpu.memory_space<vmem>>[vector<16xi32>, vector<16xi32>], vector<16xf32>,
        %broadcast_in_dim3A_763 = arith.constant 53 : i32
        %broadcast_in_dim3A_764 = vector.broadcast %broadcast_in_dim3A_763 : i32 to vector<16xi32>
        %gather3A_765 = tpu.vector_load_idx %arg15[%add3A_111, %broadcast_in_dim3A_764] : memref<64x128xf32, #tpu.memory_space<vmem>>[vector<16xi32>, vector<16xi32>], vector<16xf32>,
        %mul3A_766 = arith.mulf %gather3A_765, %exp3A_675 : vector<16xf32>
        tpu.vector_store_idx %arg15[%add3A_111, %broadcast_in_dim3A_764], %mul3A_766 : memref<64x128xf32, #tpu.memory_space<vmem>>[vector<16xi32>, vector<16xi32>], vector<16xf32>,
        %broadcast_in_dim3A_767 = arith.constant 54 : i32
        %broadcast_in_dim3A_768 = vector.broadcast %broadcast_in_dim3A_767 : i32 to vector<16xi32>
        %gather3A_769 = tpu.vector_load_idx %arg15[%add3A_111, %broadcast_in_dim3A_768] : memref<64x128xf32, #tpu.memory_space<vmem>>[vector<16xi32>, vector<16xi32>], vector<16xf32>,
        %mul3A_770 = arith.mulf %gather3A_769, %exp3A_675 : vector<16xf32>
        tpu.vector_store_idx %arg15[%add3A_111, %broadcast_in_dim3A_768], %mul3A_770 : memref<64x128xf32, #tpu.memory_space<vmem>>[vector<16xi32>, vector<16xi32>], vector<16xf32>,
        %broadcast_in_dim3A_771 = arith.constant 55 : i32
        %broadcast_in_dim3A_772 = vector.broadcast %broadcast_in_dim3A_771 : i32 to vector<16xi32>
        %gather3A_773 = tpu.vector_load_idx %arg15[%add3A_111, %broadcast_in_dim3A_772] : memref<64x128xf32, #tpu.memory_space<vmem>>[vector<16xi32>, vector<16xi32>], vector<16xf32>,
        %mul3A_774 = arith.mulf %gather3A_773, %exp3A_675 : vector<16xf32>
        tpu.vector_store_idx %arg15[%add3A_111, %broadcast_in_dim3A_772], %mul3A_774 : memref<64x128xf32, #tpu.memory_space<vmem>>[vector<16xi32>, vector<16xi32>], vector<16xf32>,
        %broadcast_in_dim3A_775 = arith.constant 56 : i32
        %broadcast_in_dim3A_776 = vector.broadcast %broadcast_in_dim3A_775 : i32 to vector<16xi32>
        %gather3A_777 = tpu.vector_load_idx %arg15[%add3A_111, %broadcast_in_dim3A_776] : memref<64x128xf32, #tpu.memory_space<vmem>>[vector<16xi32>, vector<16xi32>], vector<16xf32>,
        %mul3A_778 = arith.mulf %gather3A_777, %exp3A_675 : vector<16xf32>
        tpu.vector_store_idx %arg15[%add3A_111, %broadcast_in_dim3A_776], %mul3A_778 : memref<64x128xf32, #tpu.memory_space<vmem>>[vector<16xi32>, vector<16xi32>], vector<16xf32>,
        %broadcast_in_dim3A_779 = arith.constant 57 : i32
        %broadcast_in_dim3A_780 = vector.broadcast %broadcast_in_dim3A_779 : i32 to vector<16xi32>
        %gather3A_781 = tpu.vector_load_idx %arg15[%add3A_111, %broadcast_in_dim3A_780] : memref<64x128xf32, #tpu.memory_space<vmem>>[vector<16xi32>, vector<16xi32>], vector<16xf32>,
        %mul3A_782 = arith.mulf %gather3A_781, %exp3A_675 : vector<16xf32>
        tpu.vector_store_idx %arg15[%add3A_111, %broadcast_in_dim3A_780], %mul3A_782 : memref<64x128xf32, #tpu.memory_space<vmem>>[vector<16xi32>, vector<16xi32>], vector<16xf32>,
        %broadcast_in_dim3A_783 = arith.constant 58 : i32
        %broadcast_in_dim3A_784 = vector.broadcast %broadcast_in_dim3A_783 : i32 to vector<16xi32>
        %gather3A_785 = tpu.vector_load_idx %arg15[%add3A_111, %broadcast_in_dim3A_784] : memref<64x128xf32, #tpu.memory_space<vmem>>[vector<16xi32>, vector<16xi32>], vector<16xf32>,
        %mul3A_786 = arith.mulf %gather3A_785, %exp3A_675 : vector<16xf32>
        tpu.vector_store_idx %arg15[%add3A_111, %broadcast_in_dim3A_784], %mul3A_786 : memref<64x128xf32, #tpu.memory_space<vmem>>[vector<16xi32>, vector<16xi32>], vector<16xf32>,
        %broadcast_in_dim3A_787 = arith.constant 59 : i32
        %broadcast_in_dim3A_788 = vector.broadcast %broadcast_in_dim3A_787 : i32 to vector<16xi32>
        %gather3A_789 = tpu.vector_load_idx %arg15[%add3A_111, %broadcast_in_dim3A_788] : memref<64x128xf32, #tpu.memory_space<vmem>>[vector<16xi32>, vector<16xi32>], vector<16xf32>,
        %mul3A_790 = arith.mulf %gather3A_789, %exp3A_675 : vector<16xf32>
        tpu.vector_store_idx %arg15[%add3A_111, %broadcast_in_dim3A_788], %mul3A_790 : memref<64x128xf32, #tpu.memory_space<vmem>>[vector<16xi32>, vector<16xi32>], vector<16xf32>,
        %broadcast_in_dim3A_791 = arith.constant 60 : i32
        %broadcast_in_dim3A_792 = vector.broadcast %broadcast_in_dim3A_791 : i32 to vector<16xi32>
        %gather3A_793 = tpu.vector_load_idx %arg15[%add3A_111, %broadcast_in_dim3A_792] : memref<64x128xf32, #tpu.memory_space<vmem>>[vector<16xi32>, vector<16xi32>], vector<16xf32>,
        %mul3A_794 = arith.mulf %gather3A_793, %exp3A_675 : vector<16xf32>
        tpu.vector_store_idx %arg15[%add3A_111, %broadcast_in_dim3A_792], %mul3A_794 : memref<64x128xf32, #tpu.memory_space<vmem>>[vector<16xi32>, vector<16xi32>], vector<16xf32>,
        %broadcast_in_dim3A_795 = arith.constant 61 : i32
        %broadcast_in_dim3A_796 = vector.broadcast %broadcast_in_dim3A_795 : i32 to vector<16xi32>
        %gather3A_797 = tpu.vector_load_idx %arg15[%add3A_111, %broadcast_in_dim3A_796] : memref<64x128xf32, #tpu.memory_space<vmem>>[vector<16xi32>, vector<16xi32>], vector<16xf32>,
        %mul3A_798 = arith.mulf %gather3A_797, %exp3A_675 : vector<16xf32>
        tpu.vector_store_idx %arg15[%add3A_111, %broadcast_in_dim3A_796], %mul3A_798 : memref<64x128xf32, #tpu.memory_space<vmem>>[vector<16xi32>, vector<16xi32>], vector<16xf32>,
        %broadcast_in_dim3A_799 = arith.constant 62 : i32
        %broadcast_in_dim3A_800 = vector.broadcast %broadcast_in_dim3A_799 : i32 to vector<16xi32>
        %gather3A_801 = tpu.vector_load_idx %arg15[%add3A_111, %broadcast_in_dim3A_800] : memref<64x128xf32, #tpu.memory_space<vmem>>[vector<16xi32>, vector<16xi32>], vector<16xf32>,
        %mul3A_802 = arith.mulf %gather3A_801, %exp3A_675 : vector<16xf32>
        tpu.vector_store_idx %arg15[%add3A_111, %broadcast_in_dim3A_800], %mul3A_802 : memref<64x128xf32, #tpu.memory_space<vmem>>[vector<16xi32>, vector<16xi32>], vector<16xf32>,
        %broadcast_in_dim3A_803 = arith.constant 63 : i32
        %broadcast_in_dim3A_804 = vector.broadcast %broadcast_in_dim3A_803 : i32 to vector<16xi32>
        %gather3A_805 = tpu.vector_load_idx %arg15[%add3A_111, %broadcast_in_dim3A_804] : memref<64x128xf32, #tpu.memory_space<vmem>>[vector<16xi32>, vector<16xi32>], vector<16xf32>,
        %mul3A_806 = arith.mulf %gather3A_805, %exp3A_675 : vector<16xf32>
        tpu.vector_store_idx %arg15[%add3A_111, %broadcast_in_dim3A_804], %mul3A_806 : memref<64x128xf32, #tpu.memory_space<vmem>>[vector<16xi32>, vector<16xi32>], vector<16xf32>,
        %broadcast_in_dim3A_807 = arith.constant 2 : i32
        %broadcast_in_dim3A_808 = vector.broadcast %broadcast_in_dim3A_807 : i32 to vector<16xi32>
        %gather3A_809 = tpu.vector_load_idx %arg16[%add3A_111, %broadcast_in_dim3A_808] : memref<64x16xf32, #tpu.memory_space<vmem>>[vector<16xi32>, vector<16xi32>], vector<16xf32>,
        %broadcast_in_dim3A_810 = arith.constant 0.000000e+00 : f32
        %broadcast_in_dim3A_811 = vector.broadcast %broadcast_in_dim3A_810 : f32 to vector<16xf32>
        %broadcast_in_dim3A_812 = arith.constant 0.000000e+00 : f32
        %broadcast_in_dim3A_813 = vector.broadcast %broadcast_in_dim3A_812 : f32 to vector<16xf32>
        %broadcast_in_dim3A_814 = arith.constant 0.000000e+00 : f32
        %broadcast_in_dim3A_815 = vector.broadcast %broadcast_in_dim3A_814 : f32 to vector<16xf32>
        %broadcast_in_dim3A_816 = arith.constant 0.000000e+00 : f32
        %broadcast_in_dim3A_817 = vector.broadcast %broadcast_in_dim3A_816 : f32 to vector<16xf32>
        %broadcast_in_dim3A_818 = arith.constant 64 : i32
        %broadcast_in_dim3A_819 = vector.broadcast %broadcast_in_dim3A_818 : i32 to vector<16xi32>
        %gather3A_820 = tpu.vector_load_idx %arg13[%add3A_111, %broadcast_in_dim3A_819] : memref<64x128xf32, #tpu.memory_space<vmem>>[vector<16xi32>, vector<16xi32>], vector<16xf32>,
        %gather3A_821 = tpu.vector_load_idx %arg14[%add3A_111, %broadcast_in_dim3A_819] : memref<64x128xf32, #tpu.memory_space<vmem>>[vector<16xi32>, vector<16xi32>], vector<16xf32>,
        %mul3A_822 = arith.mulf %gather3A_820, %gather3A_821 : vector<16xf32>
        %add3A_823 = arith.addf %broadcast_in_dim3A_811, %mul3A_822 : vector<16xf32>
        %broadcast_in_dim3A_824 = arith.constant 65 : i32
        %broadcast_in_dim3A_825 = vector.broadcast %broadcast_in_dim3A_824 : i32 to vector<16xi32>
        %gather3A_826 = tpu.vector_load_idx %arg13[%add3A_111, %broadcast_in_dim3A_825] : memref<64x128xf32, #tpu.memory_space<vmem>>[vector<16xi32>, vector<16xi32>], vector<16xf32>,
        %gather3A_827 = tpu.vector_load_idx %arg14[%add3A_111, %broadcast_in_dim3A_825] : memref<64x128xf32, #tpu.memory_space<vmem>>[vector<16xi32>, vector<16xi32>], vector<16xf32>,
        %mul3A_828 = arith.mulf %gather3A_826, %gather3A_827 : vector<16xf32>
        %add3A_829 = arith.addf %broadcast_in_dim3A_813, %mul3A_828 : vector<16xf32>
        %broadcast_in_dim3A_830 = arith.constant 66 : i32
        %broadcast_in_dim3A_831 = vector.broadcast %broadcast_in_dim3A_830 : i32 to vector<16xi32>
        %gather3A_832 = tpu.vector_load_idx %arg13[%add3A_111, %broadcast_in_dim3A_831] : memref<64x128xf32, #tpu.memory_space<vmem>>[vector<16xi32>, vector<16xi32>], vector<16xf32>,
        %gather3A_833 = tpu.vector_load_idx %arg14[%add3A_111, %broadcast_in_dim3A_831] : memref<64x128xf32, #tpu.memory_space<vmem>>[vector<16xi32>, vector<16xi32>], vector<16xf32>,
        %mul3A_834 = arith.mulf %gather3A_832, %gather3A_833 : vector<16xf32>
        %add3A_835 = arith.addf %broadcast_in_dim3A_815, %mul3A_834 : vector<16xf32>
        %broadcast_in_dim3A_836 = arith.constant 67 : i32
        %broadcast_in_dim3A_837 = vector.broadcast %broadcast_in_dim3A_836 : i32 to vector<16xi32>
        %gather3A_838 = tpu.vector_load_idx %arg13[%add3A_111, %broadcast_in_dim3A_837] : memref<64x128xf32, #tpu.memory_space<vmem>>[vector<16xi32>, vector<16xi32>], vector<16xf32>,
        %gather3A_839 = tpu.vector_load_idx %arg14[%add3A_111, %broadcast_in_dim3A_837] : memref<64x128xf32, #tpu.memory_space<vmem>>[vector<16xi32>, vector<16xi32>], vector<16xf32>,
        %mul3A_840 = arith.mulf %gather3A_838, %gather3A_839 : vector<16xf32>
        %add3A_841 = arith.addf %broadcast_in_dim3A_817, %mul3A_840 : vector<16xf32>
        %broadcast_in_dim3A_842 = arith.constant 68 : i32
        %broadcast_in_dim3A_843 = vector.broadcast %broadcast_in_dim3A_842 : i32 to vector<16xi32>
        %gather3A_844 = tpu.vector_load_idx %arg13[%add3A_111, %broadcast_in_dim3A_843] : memref<64x128xf32, #tpu.memory_space<vmem>>[vector<16xi32>, vector<16xi32>], vector<16xf32>,
        %gather3A_845 = tpu.vector_load_idx %arg14[%add3A_111, %broadcast_in_dim3A_843] : memref<64x128xf32, #tpu.memory_space<vmem>>[vector<16xi32>, vector<16xi32>], vector<16xf32>,
        %mul3A_846 = arith.mulf %gather3A_844, %gather3A_845 : vector<16xf32>
        %add3A_847 = arith.addf %add3A_823, %mul3A_846 : vector<16xf32>
        %broadcast_in_dim3A_848 = arith.constant 69 : i32
        %broadcast_in_dim3A_849 = vector.broadcast %broadcast_in_dim3A_848 : i32 to vector<16xi32>
        %gather3A_850 = tpu.vector_load_idx %arg13[%add3A_111, %broadcast_in_dim3A_849] : memref<64x128xf32, #tpu.memory_space<vmem>>[vector<16xi32>, vector<16xi32>], vector<16xf32>,
        %gather3A_851 = tpu.vector_load_idx %arg14[%add3A_111, %broadcast_in_dim3A_849] : memref<64x128xf32, #tpu.memory_space<vmem>>[vector<16xi32>, vector<16xi32>], vector<16xf32>,
        %mul3A_852 = arith.mulf %gather3A_850, %gather3A_851 : vector<16xf32>
        %add3A_853 = arith.addf %add3A_829, %mul3A_852 : vector<16xf32>
        %broadcast_in_dim3A_854 = arith.constant 70 : i32
        %broadcast_in_dim3A_855 = vector.broadcast %broadcast_in_dim3A_854 : i32 to vector<16xi32>
        %gather3A_856 = tpu.vector_load_idx %arg13[%add3A_111, %broadcast_in_dim3A_855] : memref<64x128xf32, #tpu.memory_space<vmem>>[vector<16xi32>, vector<16xi32>], vector<16xf32>,
        %gather3A_857 = tpu.vector_load_idx %arg14[%add3A_111, %broadcast_in_dim3A_855] : memref<64x128xf32, #tpu.memory_space<vmem>>[vector<16xi32>, vector<16xi32>], vector<16xf32>,
        %mul3A_858 = arith.mulf %gather3A_856, %gather3A_857 : vector<16xf32>
        %add3A_859 = arith.addf %add3A_835, %mul3A_858 : vector<16xf32>
        %broadcast_in_dim3A_860 = arith.constant 71 : i32
        %broadcast_in_dim3A_861 = vector.broadcast %broadcast_in_dim3A_860 : i32 to vector<16xi32>
        %gather3A_862 = tpu.vector_load_idx %arg13[%add3A_111, %broadcast_in_dim3A_861] : memref<64x128xf32, #tpu.memory_space<vmem>>[vector<16xi32>, vector<16xi32>], vector<16xf32>,
        %gather3A_863 = tpu.vector_load_idx %arg14[%add3A_111, %broadcast_in_dim3A_861] : memref<64x128xf32, #tpu.memory_space<vmem>>[vector<16xi32>, vector<16xi32>], vector<16xf32>,
        %mul3A_864 = arith.mulf %gather3A_862, %gather3A_863 : vector<16xf32>
        %add3A_865 = arith.addf %add3A_841, %mul3A_864 : vector<16xf32>
        %broadcast_in_dim3A_866 = arith.constant 72 : i32
        %broadcast_in_dim3A_867 = vector.broadcast %broadcast_in_dim3A_866 : i32 to vector<16xi32>
        %gather3A_868 = tpu.vector_load_idx %arg13[%add3A_111, %broadcast_in_dim3A_867] : memref<64x128xf32, #tpu.memory_space<vmem>>[vector<16xi32>, vector<16xi32>], vector<16xf32>,
        %gather3A_869 = tpu.vector_load_idx %arg14[%add3A_111, %broadcast_in_dim3A_867] : memref<64x128xf32, #tpu.memory_space<vmem>>[vector<16xi32>, vector<16xi32>], vector<16xf32>,
        %mul3A_870 = arith.mulf %gather3A_868, %gather3A_869 : vector<16xf32>
        %add3A_871 = arith.addf %add3A_847, %mul3A_870 : vector<16xf32>
        %broadcast_in_dim3A_872 = arith.constant 73 : i32
        %broadcast_in_dim3A_873 = vector.broadcast %broadcast_in_dim3A_872 : i32 to vector<16xi32>
        %gather3A_874 = tpu.vector_load_idx %arg13[%add3A_111, %broadcast_in_dim3A_873] : memref<64x128xf32, #tpu.memory_space<vmem>>[vector<16xi32>, vector<16xi32>], vector<16xf32>,
        %gather3A_875 = tpu.vector_load_idx %arg14[%add3A_111, %broadcast_in_dim3A_873] : memref<64x128xf32, #tpu.memory_space<vmem>>[vector<16xi32>, vector<16xi32>], vector<16xf32>,
        %mul3A_876 = arith.mulf %gather3A_874, %gather3A_875 : vector<16xf32>
        %add3A_877 = arith.addf %add3A_853, %mul3A_876 : vector<16xf32>
        %broadcast_in_dim3A_878 = arith.constant 74 : i32
        %broadcast_in_dim3A_879 = vector.broadcast %broadcast_in_dim3A_878 : i32 to vector<16xi32>
        %gather3A_880 = tpu.vector_load_idx %arg13[%add3A_111, %broadcast_in_dim3A_879] : memref<64x128xf32, #tpu.memory_space<vmem>>[vector<16xi32>, vector<16xi32>], vector<16xf32>,
        %gather3A_881 = tpu.vector_load_idx %arg14[%add3A_111, %broadcast_in_dim3A_879] : memref<64x128xf32, #tpu.memory_space<vmem>>[vector<16xi32>, vector<16xi32>], vector<16xf32>,
        %mul3A_882 = arith.mulf %gather3A_880, %gather3A_881 : vector<16xf32>
        %add3A_883 = arith.addf %add3A_859, %mul3A_882 : vector<16xf32>
        %broadcast_in_dim3A_884 = arith.constant 75 : i32
        %broadcast_in_dim3A_885 = vector.broadcast %broadcast_in_dim3A_884 : i32 to vector<16xi32>
        %gather3A_886 = tpu.vector_load_idx %arg13[%add3A_111, %broadcast_in_dim3A_885] : memref<64x128xf32, #tpu.memory_space<vmem>>[vector<16xi32>, vector<16xi32>], vector<16xf32>,
        %gather3A_887 = tpu.vector_load_idx %arg14[%add3A_111, %broadcast_in_dim3A_885] : memref<64x128xf32, #tpu.memory_space<vmem>>[vector<16xi32>, vector<16xi32>], vector<16xf32>,
        %mul3A_888 = arith.mulf %gather3A_886, %gather3A_887 : vector<16xf32>
        %add3A_889 = arith.addf %add3A_865, %mul3A_888 : vector<16xf32>
        %broadcast_in_dim3A_890 = arith.constant 76 : i32
        %broadcast_in_dim3A_891 = vector.broadcast %broadcast_in_dim3A_890 : i32 to vector<16xi32>
        %gather3A_892 = tpu.vector_load_idx %arg13[%add3A_111, %broadcast_in_dim3A_891] : memref<64x128xf32, #tpu.memory_space<vmem>>[vector<16xi32>, vector<16xi32>], vector<16xf32>,
        %gather3A_893 = tpu.vector_load_idx %arg14[%add3A_111, %broadcast_in_dim3A_891] : memref<64x128xf32, #tpu.memory_space<vmem>>[vector<16xi32>, vector<16xi32>], vector<16xf32>,
        %mul3A_894 = arith.mulf %gather3A_892, %gather3A_893 : vector<16xf32>
        %add3A_895 = arith.addf %add3A_871, %mul3A_894 : vector<16xf32>
        %broadcast_in_dim3A_896 = arith.constant 77 : i32
        %broadcast_in_dim3A_897 = vector.broadcast %broadcast_in_dim3A_896 : i32 to vector<16xi32>
        %gather3A_898 = tpu.vector_load_idx %arg13[%add3A_111, %broadcast_in_dim3A_897] : memref<64x128xf32, #tpu.memory_space<vmem>>[vector<16xi32>, vector<16xi32>], vector<16xf32>,
        %gather3A_899 = tpu.vector_load_idx %arg14[%add3A_111, %broadcast_in_dim3A_897] : memref<64x128xf32, #tpu.memory_space<vmem>>[vector<16xi32>, vector<16xi32>], vector<16xf32>,
        %mul3A_900 = arith.mulf %gather3A_898, %gather3A_899 : vector<16xf32>
        %add3A_901 = arith.addf %add3A_877, %mul3A_900 : vector<16xf32>
        %broadcast_in_dim3A_902 = arith.constant 78 : i32
        %broadcast_in_dim3A_903 = vector.broadcast %broadcast_in_dim3A_902 : i32 to vector<16xi32>
        %gather3A_904 = tpu.vector_load_idx %arg13[%add3A_111, %broadcast_in_dim3A_903] : memref<64x128xf32, #tpu.memory_space<vmem>>[vector<16xi32>, vector<16xi32>], vector<16xf32>,
        %gather3A_905 = tpu.vector_load_idx %arg14[%add3A_111, %broadcast_in_dim3A_903] : memref<64x128xf32, #tpu.memory_space<vmem>>[vector<16xi32>, vector<16xi32>], vector<16xf32>,
        %mul3A_906 = arith.mulf %gather3A_904, %gather3A_905 : vector<16xf32>
        %add3A_907 = arith.addf %add3A_883, %mul3A_906 : vector<16xf32>
        %broadcast_in_dim3A_908 = arith.constant 79 : i32
        %broadcast_in_dim3A_909 = vector.broadcast %broadcast_in_dim3A_908 : i32 to vector<16xi32>
        %gather3A_910 = tpu.vector_load_idx %arg13[%add3A_111, %broadcast_in_dim3A_909] : memref<64x128xf32, #tpu.memory_space<vmem>>[vector<16xi32>, vector<16xi32>], vector<16xf32>,
        %gather3A_911 = tpu.vector_load_idx %arg14[%add3A_111, %broadcast_in_dim3A_909] : memref<64x128xf32, #tpu.memory_space<vmem>>[vector<16xi32>, vector<16xi32>], vector<16xf32>,
        %mul3A_912 = arith.mulf %gather3A_910, %gather3A_911 : vector<16xf32>
        %add3A_913 = arith.addf %add3A_889, %mul3A_912 : vector<16xf32>
        %broadcast_in_dim3A_914 = arith.constant 80 : i32
        %broadcast_in_dim3A_915 = vector.broadcast %broadcast_in_dim3A_914 : i32 to vector<16xi32>
        %gather3A_916 = tpu.vector_load_idx %arg13[%add3A_111, %broadcast_in_dim3A_915] : memref<64x128xf32, #tpu.memory_space<vmem>>[vector<16xi32>, vector<16xi32>], vector<16xf32>,
        %gather3A_917 = tpu.vector_load_idx %arg14[%add3A_111, %broadcast_in_dim3A_915] : memref<64x128xf32, #tpu.memory_space<vmem>>[vector<16xi32>, vector<16xi32>], vector<16xf32>,
        %mul3A_918 = arith.mulf %gather3A_916, %gather3A_917 : vector<16xf32>
        %add3A_919 = arith.addf %add3A_895, %mul3A_918 : vector<16xf32>
        %broadcast_in_dim3A_920 = arith.constant 81 : i32
        %broadcast_in_dim3A_921 = vector.broadcast %broadcast_in_dim3A_920 : i32 to vector<16xi32>
        %gather3A_922 = tpu.vector_load_idx %arg13[%add3A_111, %broadcast_in_dim3A_921] : memref<64x128xf32, #tpu.memory_space<vmem>>[vector<16xi32>, vector<16xi32>], vector<16xf32>,
        %gather3A_923 = tpu.vector_load_idx %arg14[%add3A_111, %broadcast_in_dim3A_921] : memref<64x128xf32, #tpu.memory_space<vmem>>[vector<16xi32>, vector<16xi32>], vector<16xf32>,
        %mul3A_924 = arith.mulf %gather3A_922, %gather3A_923 : vector<16xf32>
        %add3A_925 = arith.addf %add3A_901, %mul3A_924 : vector<16xf32>
        %broadcast_in_dim3A_926 = arith.constant 82 : i32
        %broadcast_in_dim3A_927 = vector.broadcast %broadcast_in_dim3A_926 : i32 to vector<16xi32>
        %gather3A_928 = tpu.vector_load_idx %arg13[%add3A_111, %broadcast_in_dim3A_927] : memref<64x128xf32, #tpu.memory_space<vmem>>[vector<16xi32>, vector<16xi32>], vector<16xf32>,
        %gather3A_929 = tpu.vector_load_idx %arg14[%add3A_111, %broadcast_in_dim3A_927] : memref<64x128xf32, #tpu.memory_space<vmem>>[vector<16xi32>, vector<16xi32>], vector<16xf32>,
        %mul3A_930 = arith.mulf %gather3A_928, %gather3A_929 : vector<16xf32>
        %add3A_931 = arith.addf %add3A_907, %mul3A_930 : vector<16xf32>
        %broadcast_in_dim3A_932 = arith.constant 83 : i32
        %broadcast_in_dim3A_933 = vector.broadcast %broadcast_in_dim3A_932 : i32 to vector<16xi32>
        %gather3A_934 = tpu.vector_load_idx %arg13[%add3A_111, %broadcast_in_dim3A_933] : memref<64x128xf32, #tpu.memory_space<vmem>>[vector<16xi32>, vector<16xi32>], vector<16xf32>,
        %gather3A_935 = tpu.vector_load_idx %arg14[%add3A_111, %broadcast_in_dim3A_933] : memref<64x128xf32, #tpu.memory_space<vmem>>[vector<16xi32>, vector<16xi32>], vector<16xf32>,
        %mul3A_936 = arith.mulf %gather3A_934, %gather3A_935 : vector<16xf32>
        %add3A_937 = arith.addf %add3A_913, %mul3A_936 : vector<16xf32>
        %broadcast_in_dim3A_938 = arith.constant 84 : i32
        %broadcast_in_dim3A_939 = vector.broadcast %broadcast_in_dim3A_938 : i32 to vector<16xi32>
        %gather3A_940 = tpu.vector_load_idx %arg13[%add3A_111, %broadcast_in_dim3A_939] : memref<64x128xf32, #tpu.memory_space<vmem>>[vector<16xi32>, vector<16xi32>], vector<16xf32>,
        %gather3A_941 = tpu.vector_load_idx %arg14[%add3A_111, %broadcast_in_dim3A_939] : memref<64x128xf32, #tpu.memory_space<vmem>>[vector<16xi32>, vector<16xi32>], vector<16xf32>,
        %mul3A_942 = arith.mulf %gather3A_940, %gather3A_941 : vector<16xf32>
        %add3A_943 = arith.addf %add3A_919, %mul3A_942 : vector<16xf32>
        %broadcast_in_dim3A_944 = arith.constant 85 : i32
        %broadcast_in_dim3A_945 = vector.broadcast %broadcast_in_dim3A_944 : i32 to vector<16xi32>
        %gather3A_946 = tpu.vector_load_idx %arg13[%add3A_111, %broadcast_in_dim3A_945] : memref<64x128xf32, #tpu.memory_space<vmem>>[vector<16xi32>, vector<16xi32>], vector<16xf32>,
        %gather3A_947 = tpu.vector_load_idx %arg14[%add3A_111, %broadcast_in_dim3A_945] : memref<64x128xf32, #tpu.memory_space<vmem>>[vector<16xi32>, vector<16xi32>], vector<16xf32>,
        %mul3A_948 = arith.mulf %gather3A_946, %gather3A_947 : vector<16xf32>
        %add3A_949 = arith.addf %add3A_925, %mul3A_948 : vector<16xf32>
        %broadcast_in_dim3A_950 = arith.constant 86 : i32
        %broadcast_in_dim3A_951 = vector.broadcast %broadcast_in_dim3A_950 : i32 to vector<16xi32>
        %gather3A_952 = tpu.vector_load_idx %arg13[%add3A_111, %broadcast_in_dim3A_951] : memref<64x128xf32, #tpu.memory_space<vmem>>[vector<16xi32>, vector<16xi32>], vector<16xf32>,
        %gather3A_953 = tpu.vector_load_idx %arg14[%add3A_111, %broadcast_in_dim3A_951] : memref<64x128xf32, #tpu.memory_space<vmem>>[vector<16xi32>, vector<16xi32>], vector<16xf32>,
        %mul3A_954 = arith.mulf %gather3A_952, %gather3A_953 : vector<16xf32>
        %add3A_955 = arith.addf %add3A_931, %mul3A_954 : vector<16xf32>
        %broadcast_in_dim3A_956 = arith.constant 87 : i32
        %broadcast_in_dim3A_957 = vector.broadcast %broadcast_in_dim3A_956 : i32 to vector<16xi32>
        %gather3A_958 = tpu.vector_load_idx %arg13[%add3A_111, %broadcast_in_dim3A_957] : memref<64x128xf32, #tpu.memory_space<vmem>>[vector<16xi32>, vector<16xi32>], vector<16xf32>,
        %gather3A_959 = tpu.vector_load_idx %arg14[%add3A_111, %broadcast_in_dim3A_957] : memref<64x128xf32, #tpu.memory_space<vmem>>[vector<16xi32>, vector<16xi32>], vector<16xf32>,
        %mul3A_960 = arith.mulf %gather3A_958, %gather3A_959 : vector<16xf32>
        %add3A_961 = arith.addf %add3A_937, %mul3A_960 : vector<16xf32>
        %broadcast_in_dim3A_962 = arith.constant 88 : i32
        %broadcast_in_dim3A_963 = vector.broadcast %broadcast_in_dim3A_962 : i32 to vector<16xi32>
        %gather3A_964 = tpu.vector_load_idx %arg13[%add3A_111, %broadcast_in_dim3A_963] : memref<64x128xf32, #tpu.memory_space<vmem>>[vector<16xi32>, vector<16xi32>], vector<16xf32>,
        %gather3A_965 = tpu.vector_load_idx %arg14[%add3A_111, %broadcast_in_dim3A_963] : memref<64x128xf32, #tpu.memory_space<vmem>>[vector<16xi32>, vector<16xi32>], vector<16xf32>,
        %mul3A_966 = arith.mulf %gather3A_964, %gather3A_965 : vector<16xf32>
        %add3A_967 = arith.addf %add3A_943, %mul3A_966 : vector<16xf32>
        %broadcast_in_dim3A_968 = arith.constant 89 : i32
        %broadcast_in_dim3A_969 = vector.broadcast %broadcast_in_dim3A_968 : i32 to vector<16xi32>
        %gather3A_970 = tpu.vector_load_idx %arg13[%add3A_111, %broadcast_in_dim3A_969] : memref<64x128xf32, #tpu.memory_space<vmem>>[vector<16xi32>, vector<16xi32>], vector<16xf32>,
        %gather3A_971 = tpu.vector_load_idx %arg14[%add3A_111, %broadcast_in_dim3A_969] : memref<64x128xf32, #tpu.memory_space<vmem>>[vector<16xi32>, vector<16xi32>], vector<16xf32>,
        %mul3A_972 = arith.mulf %gather3A_970, %gather3A_971 : vector<16xf32>
        %add3A_973 = arith.addf %add3A_949, %mul3A_972 : vector<16xf32>
        %broadcast_in_dim3A_974 = arith.constant 90 : i32
        %broadcast_in_dim3A_975 = vector.broadcast %broadcast_in_dim3A_974 : i32 to vector<16xi32>
        %gather3A_976 = tpu.vector_load_idx %arg13[%add3A_111, %broadcast_in_dim3A_975] : memref<64x128xf32, #tpu.memory_space<vmem>>[vector<16xi32>, vector<16xi32>], vector<16xf32>,
        %gather3A_977 = tpu.vector_load_idx %arg14[%add3A_111, %broadcast_in_dim3A_975] : memref<64x128xf32, #tpu.memory_space<vmem>>[vector<16xi32>, vector<16xi32>], vector<16xf32>,
        %mul3A_978 = arith.mulf %gather3A_976, %gather3A_977 : vector<16xf32>
        %add3A_979 = arith.addf %add3A_955, %mul3A_978 : vector<16xf32>
        %broadcast_in_dim3A_980 = arith.constant 91 : i32
        %broadcast_in_dim3A_981 = vector.broadcast %broadcast_in_dim3A_980 : i32 to vector<16xi32>
        %gather3A_982 = tpu.vector_load_idx %arg13[%add3A_111, %broadcast_in_dim3A_981] : memref<64x128xf32, #tpu.memory_space<vmem>>[vector<16xi32>, vector<16xi32>], vector<16xf32>,
        %gather3A_983 = tpu.vector_load_idx %arg14[%add3A_111, %broadcast_in_dim3A_981] : memref<64x128xf32, #tpu.memory_space<vmem>>[vector<16xi32>, vector<16xi32>], vector<16xf32>,
        %mul3A_984 = arith.mulf %gather3A_982, %gather3A_983 : vector<16xf32>
        %add3A_985 = arith.addf %add3A_961, %mul3A_984 : vector<16xf32>
        %broadcast_in_dim3A_986 = arith.constant 92 : i32
        %broadcast_in_dim3A_987 = vector.broadcast %broadcast_in_dim3A_986 : i32 to vector<16xi32>
        %gather3A_988 = tpu.vector_load_idx %arg13[%add3A_111, %broadcast_in_dim3A_987] : memref<64x128xf32, #tpu.memory_space<vmem>>[vector<16xi32>, vector<16xi32>], vector<16xf32>,
        %gather3A_989 = tpu.vector_load_idx %arg14[%add3A_111, %broadcast_in_dim3A_987] : memref<64x128xf32, #tpu.memory_space<vmem>>[vector<16xi32>, vector<16xi32>], vector<16xf32>,
        %mul3A_990 = arith.mulf %gather3A_988, %gather3A_989 : vector<16xf32>
        %add3A_991 = arith.addf %add3A_967, %mul3A_990 : vector<16xf32>
        %broadcast_in_dim3A_992 = arith.constant 93 : i32
        %broadcast_in_dim3A_993 = vector.broadcast %broadcast_in_dim3A_992 : i32 to vector<16xi32>
        %gather3A_994 = tpu.vector_load_idx %arg13[%add3A_111, %broadcast_in_dim3A_993] : memref<64x128xf32, #tpu.memory_space<vmem>>[vector<16xi32>, vector<16xi32>], vector<16xf32>,
        %gather3A_995 = tpu.vector_load_idx %arg14[%add3A_111, %broadcast_in_dim3A_993] : memref<64x128xf32, #tpu.memory_space<vmem>>[vector<16xi32>, vector<16xi32>], vector<16xf32>,
        %mul3A_996 = arith.mulf %gather3A_994, %gather3A_995 : vector<16xf32>
        %add3A_997 = arith.addf %add3A_973, %mul3A_996 : vector<16xf32>
        %broadcast_in_dim3A_998 = arith.constant 94 : i32
        %broadcast_in_dim3A_999 = vector.broadcast %broadcast_in_dim3A_998 : i32 to vector<16xi32>
        %gather3A_1000 = tpu.vector_load_idx %arg13[%add3A_111, %broadcast_in_dim3A_999] : memref<64x128xf32, #tpu.memory_space<vmem>>[vector<16xi32>, vector<16xi32>], vector<16xf32>,
        %gather3A_1001 = tpu.vector_load_idx %arg14[%add3A_111, %broadcast_in_dim3A_999] : memref<64x128xf32, #tpu.memory_space<vmem>>[vector<16xi32>, vector<16xi32>], vector<16xf32>,
        %mul3A_1002 = arith.mulf %gather3A_1000, %gather3A_1001 : vector<16xf32>
        %add3A_1003 = arith.addf %add3A_979, %mul3A_1002 : vector<16xf32>
        %broadcast_in_dim3A_1004 = arith.constant 95 : i32
        %broadcast_in_dim3A_1005 = vector.broadcast %broadcast_in_dim3A_1004 : i32 to vector<16xi32>
        %gather3A_1006 = tpu.vector_load_idx %arg13[%add3A_111, %broadcast_in_dim3A_1005] : memref<64x128xf32, #tpu.memory_space<vmem>>[vector<16xi32>, vector<16xi32>], vector<16xf32>,
        %gather3A_1007 = tpu.vector_load_idx %arg14[%add3A_111, %broadcast_in_dim3A_1005] : memref<64x128xf32, #tpu.memory_space<vmem>>[vector<16xi32>, vector<16xi32>], vector<16xf32>,
        %mul3A_1008 = arith.mulf %gather3A_1006, %gather3A_1007 : vector<16xf32>
        %add3A_1009 = arith.addf %add3A_985, %mul3A_1008 : vector<16xf32>
        %add3A_1010 = arith.addf %add3A_991, %add3A_997 : vector<16xf32>
        %add3A_1011 = arith.addf %add3A_1003, %add3A_1009 : vector<16xf32>
        %add3A_1012 = arith.addf %add3A_1010, %add3A_1011 : vector<16xf32>
        %mul3A_1013 = arith.constant 0.176776692 : f32
        %mul3A_1014 = vector.broadcast %mul3A_1013 : f32 to vector<16xf32>
        %mul3A_1015 = arith.mulf %add3A_1012, %mul3A_1014 : vector<16xf32>
        %add3A_1016 = arith.addf %mul3A_1015, %gather3A_809 : vector<16xf32>
        %exp3A_1017 = math.exp %add3A_1016 : vector<16xf32>
        %add3A_1018 = arith.constant 2 : i32
        %add3A_1019 = vector.broadcast %add3A_1018 : i32 to vector<16xi32>
        %add3A_1020 = arith.addi %mul3A_124, %add3A_1019 : vector<16xi32>
        tpu.vector_store_idx %arg17[%add3A_111, %add3A_1020], %exp3A_1017 : memref<64x128xf32, #tpu.memory_space<vmem>>[vector<16xi32>, vector<16xi32>], vector<16xf32>,
        %broadcast_in_dim3A_1021 = arith.constant 64 : i32
        %broadcast_in_dim3A_1022 = vector.broadcast %broadcast_in_dim3A_1021 : i32 to vector<16xi32>
        %gather3A_1023 = tpu.vector_load_idx %arg15[%add3A_111, %broadcast_in_dim3A_1022] : memref<64x128xf32, #tpu.memory_space<vmem>>[vector<16xi32>, vector<16xi32>], vector<16xf32>,
        %mul3A_1024 = arith.mulf %gather3A_1023, %exp3A_1017 : vector<16xf32>
        tpu.vector_store_idx %arg15[%add3A_111, %broadcast_in_dim3A_1022], %mul3A_1024 : memref<64x128xf32, #tpu.memory_space<vmem>>[vector<16xi32>, vector<16xi32>], vector<16xf32>,
        %broadcast_in_dim3A_1025 = arith.constant 65 : i32
        %broadcast_in_dim3A_1026 = vector.broadcast %broadcast_in_dim3A_1025 : i32 to vector<16xi32>
        %gather3A_1027 = tpu.vector_load_idx %arg15[%add3A_111, %broadcast_in_dim3A_1026] : memref<64x128xf32, #tpu.memory_space<vmem>>[vector<16xi32>, vector<16xi32>], vector<16xf32>,
        %mul3A_1028 = arith.mulf %gather3A_1027, %exp3A_1017 : vector<16xf32>
        tpu.vector_store_idx %arg15[%add3A_111, %broadcast_in_dim3A_1026], %mul3A_1028 : memref<64x128xf32, #tpu.memory_space<vmem>>[vector<16xi32>, vector<16xi32>], vector<16xf32>,
        %broadcast_in_dim3A_1029 = arith.constant 66 : i32
        %broadcast_in_dim3A_1030 = vector.broadcast %broadcast_in_dim3A_1029 : i32 to vector<16xi32>
        %gather3A_1031 = tpu.vector_load_idx %arg15[%add3A_111, %broadcast_in_dim3A_1030] : memref<64x128xf32, #tpu.memory_space<vmem>>[vector<16xi32>, vector<16xi32>], vector<16xf32>,
        %mul3A_1032 = arith.mulf %gather3A_1031, %exp3A_1017 : vector<16xf32>
        tpu.vector_store_idx %arg15[%add3A_111, %broadcast_in_dim3A_1030], %mul3A_1032 : memref<64x128xf32, #tpu.memory_space<vmem>>[vector<16xi32>, vector<16xi32>], vector<16xf32>,
        %broadcast_in_dim3A_1033 = arith.constant 67 : i32
        %broadcast_in_dim3A_1034 = vector.broadcast %broadcast_in_dim3A_1033 : i32 to vector<16xi32>
        %gather3A_1035 = tpu.vector_load_idx %arg15[%add3A_111, %broadcast_in_dim3A_1034] : memref<64x128xf32, #tpu.memory_space<vmem>>[vector<16xi32>, vector<16xi32>], vector<16xf32>,
        %mul3A_1036 = arith.mulf %gather3A_1035, %exp3A_1017 : vector<16xf32>
        tpu.vector_store_idx %arg15[%add3A_111, %broadcast_in_dim3A_1034], %mul3A_1036 : memref<64x128xf32, #tpu.memory_space<vmem>>[vector<16xi32>, vector<16xi32>], vector<16xf32>,
        %broadcast_in_dim3A_1037 = arith.constant 68 : i32
        %broadcast_in_dim3A_1038 = vector.broadcast %broadcast_in_dim3A_1037 : i32 to vector<16xi32>
        %gather3A_1039 = tpu.vector_load_idx %arg15[%add3A_111, %broadcast_in_dim3A_1038] : memref<64x128xf32, #tpu.memory_space<vmem>>[vector<16xi32>, vector<16xi32>], vector<16xf32>,
        %mul3A_1040 = arith.mulf %gather3A_1039, %exp3A_1017 : vector<16xf32>
        tpu.vector_store_idx %arg15[%add3A_111, %broadcast_in_dim3A_1038], %mul3A_1040 : memref<64x128xf32, #tpu.memory_space<vmem>>[vector<16xi32>, vector<16xi32>], vector<16xf32>,
        %broadcast_in_dim3A_1041 = arith.constant 69 : i32
        %broadcast_in_dim3A_1042 = vector.broadcast %broadcast_in_dim3A_1041 : i32 to vector<16xi32>
        %gather3A_1043 = tpu.vector_load_idx %arg15[%add3A_111, %broadcast_in_dim3A_1042] : memref<64x128xf32, #tpu.memory_space<vmem>>[vector<16xi32>, vector<16xi32>], vector<16xf32>,
        %mul3A_1044 = arith.mulf %gather3A_1043, %exp3A_1017 : vector<16xf32>
        tpu.vector_store_idx %arg15[%add3A_111, %broadcast_in_dim3A_1042], %mul3A_1044 : memref<64x128xf32, #tpu.memory_space<vmem>>[vector<16xi32>, vector<16xi32>], vector<16xf32>,
        %broadcast_in_dim3A_1045 = arith.constant 70 : i32
        %broadcast_in_dim3A_1046 = vector.broadcast %broadcast_in_dim3A_1045 : i32 to vector<16xi32>
        %gather3A_1047 = tpu.vector_load_idx %arg15[%add3A_111, %broadcast_in_dim3A_1046] : memref<64x128xf32, #tpu.memory_space<vmem>>[vector<16xi32>, vector<16xi32>], vector<16xf32>,
        %mul3A_1048 = arith.mulf %gather3A_1047, %exp3A_1017 : vector<16xf32>
        tpu.vector_store_idx %arg15[%add3A_111, %broadcast_in_dim3A_1046], %mul3A_1048 : memref<64x128xf32, #tpu.memory_space<vmem>>[vector<16xi32>, vector<16xi32>], vector<16xf32>,
        %broadcast_in_dim3A_1049 = arith.constant 71 : i32
        %broadcast_in_dim3A_1050 = vector.broadcast %broadcast_in_dim3A_1049 : i32 to vector<16xi32>
        %gather3A_1051 = tpu.vector_load_idx %arg15[%add3A_111, %broadcast_in_dim3A_1050] : memref<64x128xf32, #tpu.memory_space<vmem>>[vector<16xi32>, vector<16xi32>], vector<16xf32>,
        %mul3A_1052 = arith.mulf %gather3A_1051, %exp3A_1017 : vector<16xf32>
        tpu.vector_store_idx %arg15[%add3A_111, %broadcast_in_dim3A_1050], %mul3A_1052 : memref<64x128xf32, #tpu.memory_space<vmem>>[vector<16xi32>, vector<16xi32>], vector<16xf32>,
        %broadcast_in_dim3A_1053 = arith.constant 72 : i32
        %broadcast_in_dim3A_1054 = vector.broadcast %broadcast_in_dim3A_1053 : i32 to vector<16xi32>
        %gather3A_1055 = tpu.vector_load_idx %arg15[%add3A_111, %broadcast_in_dim3A_1054] : memref<64x128xf32, #tpu.memory_space<vmem>>[vector<16xi32>, vector<16xi32>], vector<16xf32>,
        %mul3A_1056 = arith.mulf %gather3A_1055, %exp3A_1017 : vector<16xf32>
        tpu.vector_store_idx %arg15[%add3A_111, %broadcast_in_dim3A_1054], %mul3A_1056 : memref<64x128xf32, #tpu.memory_space<vmem>>[vector<16xi32>, vector<16xi32>], vector<16xf32>,
        %broadcast_in_dim3A_1057 = arith.constant 73 : i32
        %broadcast_in_dim3A_1058 = vector.broadcast %broadcast_in_dim3A_1057 : i32 to vector<16xi32>
        %gather3A_1059 = tpu.vector_load_idx %arg15[%add3A_111, %broadcast_in_dim3A_1058] : memref<64x128xf32, #tpu.memory_space<vmem>>[vector<16xi32>, vector<16xi32>], vector<16xf32>,
        %mul3A_1060 = arith.mulf %gather3A_1059, %exp3A_1017 : vector<16xf32>
        tpu.vector_store_idx %arg15[%add3A_111, %broadcast_in_dim3A_1058], %mul3A_1060 : memref<64x128xf32, #tpu.memory_space<vmem>>[vector<16xi32>, vector<16xi32>], vector<16xf32>,
        %broadcast_in_dim3A_1061 = arith.constant 74 : i32
        %broadcast_in_dim3A_1062 = vector.broadcast %broadcast_in_dim3A_1061 : i32 to vector<16xi32>
        %gather3A_1063 = tpu.vector_load_idx %arg15[%add3A_111, %broadcast_in_dim3A_1062] : memref<64x128xf32, #tpu.memory_space<vmem>>[vector<16xi32>, vector<16xi32>], vector<16xf32>,
        %mul3A_1064 = arith.mulf %gather3A_1063, %exp3A_1017 : vector<16xf32>
        tpu.vector_store_idx %arg15[%add3A_111, %broadcast_in_dim3A_1062], %mul3A_1064 : memref<64x128xf32, #tpu.memory_space<vmem>>[vector<16xi32>, vector<16xi32>], vector<16xf32>,
        %broadcast_in_dim3A_1065 = arith.constant 75 : i32
        %broadcast_in_dim3A_1066 = vector.broadcast %broadcast_in_dim3A_1065 : i32 to vector<16xi32>
        %gather3A_1067 = tpu.vector_load_idx %arg15[%add3A_111, %broadcast_in_dim3A_1066] : memref<64x128xf32, #tpu.memory_space<vmem>>[vector<16xi32>, vector<16xi32>], vector<16xf32>,
        %mul3A_1068 = arith.mulf %gather3A_1067, %exp3A_1017 : vector<16xf32>
        tpu.vector_store_idx %arg15[%add3A_111, %broadcast_in_dim3A_1066], %mul3A_1068 : memref<64x128xf32, #tpu.memory_space<vmem>>[vector<16xi32>, vector<16xi32>], vector<16xf32>,
        %broadcast_in_dim3A_1069 = arith.constant 76 : i32
        %broadcast_in_dim3A_1070 = vector.broadcast %broadcast_in_dim3A_1069 : i32 to vector<16xi32>
        %gather3A_1071 = tpu.vector_load_idx %arg15[%add3A_111, %broadcast_in_dim3A_1070] : memref<64x128xf32, #tpu.memory_space<vmem>>[vector<16xi32>, vector<16xi32>], vector<16xf32>,
        %mul3A_1072 = arith.mulf %gather3A_1071, %exp3A_1017 : vector<16xf32>
        tpu.vector_store_idx %arg15[%add3A_111, %broadcast_in_dim3A_1070], %mul3A_1072 : memref<64x128xf32, #tpu.memory_space<vmem>>[vector<16xi32>, vector<16xi32>], vector<16xf32>,
        %broadcast_in_dim3A_1073 = arith.constant 77 : i32
        %broadcast_in_dim3A_1074 = vector.broadcast %broadcast_in_dim3A_1073 : i32 to vector<16xi32>
        %gather3A_1075 = tpu.vector_load_idx %arg15[%add3A_111, %broadcast_in_dim3A_1074] : memref<64x128xf32, #tpu.memory_space<vmem>>[vector<16xi32>, vector<16xi32>], vector<16xf32>,
        %mul3A_1076 = arith.mulf %gather3A_1075, %exp3A_1017 : vector<16xf32>
        tpu.vector_store_idx %arg15[%add3A_111, %broadcast_in_dim3A_1074], %mul3A_1076 : memref<64x128xf32, #tpu.memory_space<vmem>>[vector<16xi32>, vector<16xi32>], vector<16xf32>,
        %broadcast_in_dim3A_1077 = arith.constant 78 : i32
        %broadcast_in_dim3A_1078 = vector.broadcast %broadcast_in_dim3A_1077 : i32 to vector<16xi32>
        %gather3A_1079 = tpu.vector_load_idx %arg15[%add3A_111, %broadcast_in_dim3A_1078] : memref<64x128xf32, #tpu.memory_space<vmem>>[vector<16xi32>, vector<16xi32>], vector<16xf32>,
        %mul3A_1080 = arith.mulf %gather3A_1079, %exp3A_1017 : vector<16xf32>
        tpu.vector_store_idx %arg15[%add3A_111, %broadcast_in_dim3A_1078], %mul3A_1080 : memref<64x128xf32, #tpu.memory_space<vmem>>[vector<16xi32>, vector<16xi32>], vector<16xf32>,
        %broadcast_in_dim3A_1081 = arith.constant 79 : i32
        %broadcast_in_dim3A_1082 = vector.broadcast %broadcast_in_dim3A_1081 : i32 to vector<16xi32>
        %gather3A_1083 = tpu.vector_load_idx %arg15[%add3A_111, %broadcast_in_dim3A_1082] : memref<64x128xf32, #tpu.memory_space<vmem>>[vector<16xi32>, vector<16xi32>], vector<16xf32>,
        %mul3A_1084 = arith.mulf %gather3A_1083, %exp3A_1017 : vector<16xf32>
        tpu.vector_store_idx %arg15[%add3A_111, %broadcast_in_dim3A_1082], %mul3A_1084 : memref<64x128xf32, #tpu.memory_space<vmem>>[vector<16xi32>, vector<16xi32>], vector<16xf32>,
        %broadcast_in_dim3A_1085 = arith.constant 80 : i32
        %broadcast_in_dim3A_1086 = vector.broadcast %broadcast_in_dim3A_1085 : i32 to vector<16xi32>
        %gather3A_1087 = tpu.vector_load_idx %arg15[%add3A_111, %broadcast_in_dim3A_1086] : memref<64x128xf32, #tpu.memory_space<vmem>>[vector<16xi32>, vector<16xi32>], vector<16xf32>,
        %mul3A_1088 = arith.mulf %gather3A_1087, %exp3A_1017 : vector<16xf32>
        tpu.vector_store_idx %arg15[%add3A_111, %broadcast_in_dim3A_1086], %mul3A_1088 : memref<64x128xf32, #tpu.memory_space<vmem>>[vector<16xi32>, vector<16xi32>], vector<16xf32>,
        %broadcast_in_dim3A_1089 = arith.constant 81 : i32
        %broadcast_in_dim3A_1090 = vector.broadcast %broadcast_in_dim3A_1089 : i32 to vector<16xi32>
        %gather3A_1091 = tpu.vector_load_idx %arg15[%add3A_111, %broadcast_in_dim3A_1090] : memref<64x128xf32, #tpu.memory_space<vmem>>[vector<16xi32>, vector<16xi32>], vector<16xf32>,
        %mul3A_1092 = arith.mulf %gather3A_1091, %exp3A_1017 : vector<16xf32>
        tpu.vector_store_idx %arg15[%add3A_111, %broadcast_in_dim3A_1090], %mul3A_1092 : memref<64x128xf32, #tpu.memory_space<vmem>>[vector<16xi32>, vector<16xi32>], vector<16xf32>,
        %broadcast_in_dim3A_1093 = arith.constant 82 : i32
        %broadcast_in_dim3A_1094 = vector.broadcast %broadcast_in_dim3A_1093 : i32 to vector<16xi32>
        %gather3A_1095 = tpu.vector_load_idx %arg15[%add3A_111, %broadcast_in_dim3A_1094] : memref<64x128xf32, #tpu.memory_space<vmem>>[vector<16xi32>, vector<16xi32>], vector<16xf32>,
        %mul3A_1096 = arith.mulf %gather3A_1095, %exp3A_1017 : vector<16xf32>
        tpu.vector_store_idx %arg15[%add3A_111, %broadcast_in_dim3A_1094], %mul3A_1096 : memref<64x128xf32, #tpu.memory_space<vmem>>[vector<16xi32>, vector<16xi32>], vector<16xf32>,
        %broadcast_in_dim3A_1097 = arith.constant 83 : i32
        %broadcast_in_dim3A_1098 = vector.broadcast %broadcast_in_dim3A_1097 : i32 to vector<16xi32>
        %gather3A_1099 = tpu.vector_load_idx %arg15[%add3A_111, %broadcast_in_dim3A_1098] : memref<64x128xf32, #tpu.memory_space<vmem>>[vector<16xi32>, vector<16xi32>], vector<16xf32>,
        %mul3A_1100 = arith.mulf %gather3A_1099, %exp3A_1017 : vector<16xf32>
        tpu.vector_store_idx %arg15[%add3A_111, %broadcast_in_dim3A_1098], %mul3A_1100 : memref<64x128xf32, #tpu.memory_space<vmem>>[vector<16xi32>, vector<16xi32>], vector<16xf32>,
        %broadcast_in_dim3A_1101 = arith.constant 84 : i32
        %broadcast_in_dim3A_1102 = vector.broadcast %broadcast_in_dim3A_1101 : i32 to vector<16xi32>
        %gather3A_1103 = tpu.vector_load_idx %arg15[%add3A_111, %broadcast_in_dim3A_1102] : memref<64x128xf32, #tpu.memory_space<vmem>>[vector<16xi32>, vector<16xi32>], vector<16xf32>,
        %mul3A_1104 = arith.mulf %gather3A_1103, %exp3A_1017 : vector<16xf32>
        tpu.vector_store_idx %arg15[%add3A_111, %broadcast_in_dim3A_1102], %mul3A_1104 : memref<64x128xf32, #tpu.memory_space<vmem>>[vector<16xi32>, vector<16xi32>], vector<16xf32>,
        %broadcast_in_dim3A_1105 = arith.constant 85 : i32
        %broadcast_in_dim3A_1106 = vector.broadcast %broadcast_in_dim3A_1105 : i32 to vector<16xi32>
        %gather3A_1107 = tpu.vector_load_idx %arg15[%add3A_111, %broadcast_in_dim3A_1106] : memref<64x128xf32, #tpu.memory_space<vmem>>[vector<16xi32>, vector<16xi32>], vector<16xf32>,
        %mul3A_1108 = arith.mulf %gather3A_1107, %exp3A_1017 : vector<16xf32>
        tpu.vector_store_idx %arg15[%add3A_111, %broadcast_in_dim3A_1106], %mul3A_1108 : memref<64x128xf32, #tpu.memory_space<vmem>>[vector<16xi32>, vector<16xi32>], vector<16xf32>,
        %broadcast_in_dim3A_1109 = arith.constant 86 : i32
        %broadcast_in_dim3A_1110 = vector.broadcast %broadcast_in_dim3A_1109 : i32 to vector<16xi32>
        %gather3A_1111 = tpu.vector_load_idx %arg15[%add3A_111, %broadcast_in_dim3A_1110] : memref<64x128xf32, #tpu.memory_space<vmem>>[vector<16xi32>, vector<16xi32>], vector<16xf32>,
        %mul3A_1112 = arith.mulf %gather3A_1111, %exp3A_1017 : vector<16xf32>
        tpu.vector_store_idx %arg15[%add3A_111, %broadcast_in_dim3A_1110], %mul3A_1112 : memref<64x128xf32, #tpu.memory_space<vmem>>[vector<16xi32>, vector<16xi32>], vector<16xf32>,
        %broadcast_in_dim3A_1113 = arith.constant 87 : i32
        %broadcast_in_dim3A_1114 = vector.broadcast %broadcast_in_dim3A_1113 : i32 to vector<16xi32>
        %gather3A_1115 = tpu.vector_load_idx %arg15[%add3A_111, %broadcast_in_dim3A_1114] : memref<64x128xf32, #tpu.memory_space<vmem>>[vector<16xi32>, vector<16xi32>], vector<16xf32>,
        %mul3A_1116 = arith.mulf %gather3A_1115, %exp3A_1017 : vector<16xf32>
        tpu.vector_store_idx %arg15[%add3A_111, %broadcast_in_dim3A_1114], %mul3A_1116 : memref<64x128xf32, #tpu.memory_space<vmem>>[vector<16xi32>, vector<16xi32>], vector<16xf32>,
        %broadcast_in_dim3A_1117 = arith.constant 88 : i32
        %broadcast_in_dim3A_1118 = vector.broadcast %broadcast_in_dim3A_1117 : i32 to vector<16xi32>
        %gather3A_1119 = tpu.vector_load_idx %arg15[%add3A_111, %broadcast_in_dim3A_1118] : memref<64x128xf32, #tpu.memory_space<vmem>>[vector<16xi32>, vector<16xi32>], vector<16xf32>,
        %mul3A_1120 = arith.mulf %gather3A_1119, %exp3A_1017 : vector<16xf32>
        tpu.vector_store_idx %arg15[%add3A_111, %broadcast_in_dim3A_1118], %mul3A_1120 : memref<64x128xf32, #tpu.memory_space<vmem>>[vector<16xi32>, vector<16xi32>], vector<16xf32>,
        %broadcast_in_dim3A_1121 = arith.constant 89 : i32
        %broadcast_in_dim3A_1122 = vector.broadcast %broadcast_in_dim3A_1121 : i32 to vector<16xi32>
        %gather3A_1123 = tpu.vector_load_idx %arg15[%add3A_111, %broadcast_in_dim3A_1122] : memref<64x128xf32, #tpu.memory_space<vmem>>[vector<16xi32>, vector<16xi32>], vector<16xf32>,
        %mul3A_1124 = arith.mulf %gather3A_1123, %exp3A_1017 : vector<16xf32>
        tpu.vector_store_idx %arg15[%add3A_111, %broadcast_in_dim3A_1122], %mul3A_1124 : memref<64x128xf32, #tpu.memory_space<vmem>>[vector<16xi32>, vector<16xi32>], vector<16xf32>,
        %broadcast_in_dim3A_1125 = arith.constant 90 : i32
        %broadcast_in_dim3A_1126 = vector.broadcast %broadcast_in_dim3A_1125 : i32 to vector<16xi32>
        %gather3A_1127 = tpu.vector_load_idx %arg15[%add3A_111, %broadcast_in_dim3A_1126] : memref<64x128xf32, #tpu.memory_space<vmem>>[vector<16xi32>, vector<16xi32>], vector<16xf32>,
        %mul3A_1128 = arith.mulf %gather3A_1127, %exp3A_1017 : vector<16xf32>
        tpu.vector_store_idx %arg15[%add3A_111, %broadcast_in_dim3A_1126], %mul3A_1128 : memref<64x128xf32, #tpu.memory_space<vmem>>[vector<16xi32>, vector<16xi32>], vector<16xf32>,
        %broadcast_in_dim3A_1129 = arith.constant 91 : i32
        %broadcast_in_dim3A_1130 = vector.broadcast %broadcast_in_dim3A_1129 : i32 to vector<16xi32>
        %gather3A_1131 = tpu.vector_load_idx %arg15[%add3A_111, %broadcast_in_dim3A_1130] : memref<64x128xf32, #tpu.memory_space<vmem>>[vector<16xi32>, vector<16xi32>], vector<16xf32>,
        %mul3A_1132 = arith.mulf %gather3A_1131, %exp3A_1017 : vector<16xf32>
        tpu.vector_store_idx %arg15[%add3A_111, %broadcast_in_dim3A_1130], %mul3A_1132 : memref<64x128xf32, #tpu.memory_space<vmem>>[vector<16xi32>, vector<16xi32>], vector<16xf32>,
        %broadcast_in_dim3A_1133 = arith.constant 92 : i32
        %broadcast_in_dim3A_1134 = vector.broadcast %broadcast_in_dim3A_1133 : i32 to vector<16xi32>
        %gather3A_1135 = tpu.vector_load_idx %arg15[%add3A_111, %broadcast_in_dim3A_1134] : memref<64x128xf32, #tpu.memory_space<vmem>>[vector<16xi32>, vector<16xi32>], vector<16xf32>,
        %mul3A_1136 = arith.mulf %gather3A_1135, %exp3A_1017 : vector<16xf32>
        tpu.vector_store_idx %arg15[%add3A_111, %broadcast_in_dim3A_1134], %mul3A_1136 : memref<64x128xf32, #tpu.memory_space<vmem>>[vector<16xi32>, vector<16xi32>], vector<16xf32>,
        %broadcast_in_dim3A_1137 = arith.constant 93 : i32
        %broadcast_in_dim3A_1138 = vector.broadcast %broadcast_in_dim3A_1137 : i32 to vector<16xi32>
        %gather3A_1139 = tpu.vector_load_idx %arg15[%add3A_111, %broadcast_in_dim3A_1138] : memref<64x128xf32, #tpu.memory_space<vmem>>[vector<16xi32>, vector<16xi32>], vector<16xf32>,
        %mul3A_1140 = arith.mulf %gather3A_1139, %exp3A_1017 : vector<16xf32>
        tpu.vector_store_idx %arg15[%add3A_111, %broadcast_in_dim3A_1138], %mul3A_1140 : memref<64x128xf32, #tpu.memory_space<vmem>>[vector<16xi32>, vector<16xi32>], vector<16xf32>,
        %broadcast_in_dim3A_1141 = arith.constant 94 : i32
        %broadcast_in_dim3A_1142 = vector.broadcast %broadcast_in_dim3A_1141 : i32 to vector<16xi32>
        %gather3A_1143 = tpu.vector_load_idx %arg15[%add3A_111, %broadcast_in_dim3A_1142] : memref<64x128xf32, #tpu.memory_space<vmem>>[vector<16xi32>, vector<16xi32>], vector<16xf32>,
        %mul3A_1144 = arith.mulf %gather3A_1143, %exp3A_1017 : vector<16xf32>
        tpu.vector_store_idx %arg15[%add3A_111, %broadcast_in_dim3A_1142], %mul3A_1144 : memref<64x128xf32, #tpu.memory_space<vmem>>[vector<16xi32>, vector<16xi32>], vector<16xf32>,
        %broadcast_in_dim3A_1145 = arith.constant 95 : i32
        %broadcast_in_dim3A_1146 = vector.broadcast %broadcast_in_dim3A_1145 : i32 to vector<16xi32>
        %gather3A_1147 = tpu.vector_load_idx %arg15[%add3A_111, %broadcast_in_dim3A_1146] : memref<64x128xf32, #tpu.memory_space<vmem>>[vector<16xi32>, vector<16xi32>], vector<16xf32>,
        %mul3A_1148 = arith.mulf %gather3A_1147, %exp3A_1017 : vector<16xf32>
        tpu.vector_store_idx %arg15[%add3A_111, %broadcast_in_dim3A_1146], %mul3A_1148 : memref<64x128xf32, #tpu.memory_space<vmem>>[vector<16xi32>, vector<16xi32>], vector<16xf32>,
        %broadcast_in_dim3A_1149 = arith.constant 3 : i32
        %broadcast_in_dim3A_1150 = vector.broadcast %broadcast_in_dim3A_1149 : i32 to vector<16xi32>
        %gather3A_1151 = tpu.vector_load_idx %arg16[%add3A_111, %broadcast_in_dim3A_1150] : memref<64x16xf32, #tpu.memory_space<vmem>>[vector<16xi32>, vector<16xi32>], vector<16xf32>,
        %broadcast_in_dim3A_1152 = arith.constant 0.000000e+00 : f32
        %broadcast_in_dim3A_1153 = vector.broadcast %broadcast_in_dim3A_1152 : f32 to vector<16xf32>
        %broadcast_in_dim3A_1154 = arith.constant 0.000000e+00 : f32
        %broadcast_in_dim3A_1155 = vector.broadcast %broadcast_in_dim3A_1154 : f32 to vector<16xf32>
        %broadcast_in_dim3A_1156 = arith.constant 0.000000e+00 : f32
        %broadcast_in_dim3A_1157 = vector.broadcast %broadcast_in_dim3A_1156 : f32 to vector<16xf32>
        %broadcast_in_dim3A_1158 = arith.constant 0.000000e+00 : f32
        %broadcast_in_dim3A_1159 = vector.broadcast %broadcast_in_dim3A_1158 : f32 to vector<16xf32>
        %broadcast_in_dim3A_1160 = arith.constant 96 : i32
        %broadcast_in_dim3A_1161 = vector.broadcast %broadcast_in_dim3A_1160 : i32 to vector<16xi32>
        %gather3A_1162 = tpu.vector_load_idx %arg13[%add3A_111, %broadcast_in_dim3A_1161] : memref<64x128xf32, #tpu.memory_space<vmem>>[vector<16xi32>, vector<16xi32>], vector<16xf32>,
        %gather3A_1163 = tpu.vector_load_idx %arg14[%add3A_111, %broadcast_in_dim3A_1161] : memref<64x128xf32, #tpu.memory_space<vmem>>[vector<16xi32>, vector<16xi32>], vector<16xf32>,
        %mul3A_1164 = arith.mulf %gather3A_1162, %gather3A_1163 : vector<16xf32>
        %add3A_1165 = arith.addf %broadcast_in_dim3A_1153, %mul3A_1164 : vector<16xf32>
        %broadcast_in_dim3A_1166 = arith.constant 97 : i32
        %broadcast_in_dim3A_1167 = vector.broadcast %broadcast_in_dim3A_1166 : i32 to vector<16xi32>
        %gather3A_1168 = tpu.vector_load_idx %arg13[%add3A_111, %broadcast_in_dim3A_1167] : memref<64x128xf32, #tpu.memory_space<vmem>>[vector<16xi32>, vector<16xi32>], vector<16xf32>,
        %gather3A_1169 = tpu.vector_load_idx %arg14[%add3A_111, %broadcast_in_dim3A_1167] : memref<64x128xf32, #tpu.memory_space<vmem>>[vector<16xi32>, vector<16xi32>], vector<16xf32>,
        %mul3A_1170 = arith.mulf %gather3A_1168, %gather3A_1169 : vector<16xf32>
        %add3A_1171 = arith.addf %broadcast_in_dim3A_1155, %mul3A_1170 : vector<16xf32>
        %broadcast_in_dim3A_1172 = arith.constant 98 : i32
        %broadcast_in_dim3A_1173 = vector.broadcast %broadcast_in_dim3A_1172 : i32 to vector<16xi32>
        %gather3A_1174 = tpu.vector_load_idx %arg13[%add3A_111, %broadcast_in_dim3A_1173] : memref<64x128xf32, #tpu.memory_space<vmem>>[vector<16xi32>, vector<16xi32>], vector<16xf32>,
        %gather3A_1175 = tpu.vector_load_idx %arg14[%add3A_111, %broadcast_in_dim3A_1173] : memref<64x128xf32, #tpu.memory_space<vmem>>[vector<16xi32>, vector<16xi32>], vector<16xf32>,
        %mul3A_1176 = arith.mulf %gather3A_1174, %gather3A_1175 : vector<16xf32>
        %add3A_1177 = arith.addf %broadcast_in_dim3A_1157, %mul3A_1176 : vector<16xf32>
        %broadcast_in_dim3A_1178 = arith.constant 99 : i32
        %broadcast_in_dim3A_1179 = vector.broadcast %broadcast_in_dim3A_1178 : i32 to vector<16xi32>
        %gather3A_1180 = tpu.vector_load_idx %arg13[%add3A_111, %broadcast_in_dim3A_1179] : memref<64x128xf32, #tpu.memory_space<vmem>>[vector<16xi32>, vector<16xi32>], vector<16xf32>,
        %gather3A_1181 = tpu.vector_load_idx %arg14[%add3A_111, %broadcast_in_dim3A_1179] : memref<64x128xf32, #tpu.memory_space<vmem>>[vector<16xi32>, vector<16xi32>], vector<16xf32>,
        %mul3A_1182 = arith.mulf %gather3A_1180, %gather3A_1181 : vector<16xf32>
        %add3A_1183 = arith.addf %broadcast_in_dim3A_1159, %mul3A_1182 : vector<16xf32>
        %broadcast_in_dim3A_1184 = arith.constant 100 : i32
        %broadcast_in_dim3A_1185 = vector.broadcast %broadcast_in_dim3A_1184 : i32 to vector<16xi32>
        %gather3A_1186 = tpu.vector_load_idx %arg13[%add3A_111, %broadcast_in_dim3A_1185] : memref<64x128xf32, #tpu.memory_space<vmem>>[vector<16xi32>, vector<16xi32>], vector<16xf32>,
        %gather3A_1187 = tpu.vector_load_idx %arg14[%add3A_111, %broadcast_in_dim3A_1185] : memref<64x128xf32, #tpu.memory_space<vmem>>[vector<16xi32>, vector<16xi32>], vector<16xf32>,
        %mul3A_1188 = arith.mulf %gather3A_1186, %gather3A_1187 : vector<16xf32>
        %add3A_1189 = arith.addf %add3A_1165, %mul3A_1188 : vector<16xf32>
        %broadcast_in_dim3A_1190 = arith.constant 101 : i32
        %broadcast_in_dim3A_1191 = vector.broadcast %broadcast_in_dim3A_1190 : i32 to vector<16xi32>
        %gather3A_1192 = tpu.vector_load_idx %arg13[%add3A_111, %broadcast_in_dim3A_1191] : memref<64x128xf32, #tpu.memory_space<vmem>>[vector<16xi32>, vector<16xi32>], vector<16xf32>,
        %gather3A_1193 = tpu.vector_load_idx %arg14[%add3A_111, %broadcast_in_dim3A_1191] : memref<64x128xf32, #tpu.memory_space<vmem>>[vector<16xi32>, vector<16xi32>], vector<16xf32>,
        %mul3A_1194 = arith.mulf %gather3A_1192, %gather3A_1193 : vector<16xf32>
        %add3A_1195 = arith.addf %add3A_1171, %mul3A_1194 : vector<16xf32>
        %broadcast_in_dim3A_1196 = arith.constant 102 : i32
        %broadcast_in_dim3A_1197 = vector.broadcast %broadcast_in_dim3A_1196 : i32 to vector<16xi32>
        %gather3A_1198 = tpu.vector_load_idx %arg13[%add3A_111, %broadcast_in_dim3A_1197] : memref<64x128xf32, #tpu.memory_space<vmem>>[vector<16xi32>, vector<16xi32>], vector<16xf32>,
        %gather3A_1199 = tpu.vector_load_idx %arg14[%add3A_111, %broadcast_in_dim3A_1197] : memref<64x128xf32, #tpu.memory_space<vmem>>[vector<16xi32>, vector<16xi32>], vector<16xf32>,
        %mul3A_1200 = arith.mulf %gather3A_1198, %gather3A_1199 : vector<16xf32>
        %add3A_1201 = arith.addf %add3A_1177, %mul3A_1200 : vector<16xf32>
        %broadcast_in_dim3A_1202 = arith.constant 103 : i32
        %broadcast_in_dim3A_1203 = vector.broadcast %broadcast_in_dim3A_1202 : i32 to vector<16xi32>
        %gather3A_1204 = tpu.vector_load_idx %arg13[%add3A_111, %broadcast_in_dim3A_1203] : memref<64x128xf32, #tpu.memory_space<vmem>>[vector<16xi32>, vector<16xi32>], vector<16xf32>,
        %gather3A_1205 = tpu.vector_load_idx %arg14[%add3A_111, %broadcast_in_dim3A_1203] : memref<64x128xf32, #tpu.memory_space<vmem>>[vector<16xi32>, vector<16xi32>], vector<16xf32>,
        %mul3A_1206 = arith.mulf %gather3A_1204, %gather3A_1205 : vector<16xf32>
        %add3A_1207 = arith.addf %add3A_1183, %mul3A_1206 : vector<16xf32>
        %broadcast_in_dim3A_1208 = arith.constant 104 : i32
        %broadcast_in_dim3A_1209 = vector.broadcast %broadcast_in_dim3A_1208 : i32 to vector<16xi32>
        %gather3A_1210 = tpu.vector_load_idx %arg13[%add3A_111, %broadcast_in_dim3A_1209] : memref<64x128xf32, #tpu.memory_space<vmem>>[vector<16xi32>, vector<16xi32>], vector<16xf32>,
        %gather3A_1211 = tpu.vector_load_idx %arg14[%add3A_111, %broadcast_in_dim3A_1209] : memref<64x128xf32, #tpu.memory_space<vmem>>[vector<16xi32>, vector<16xi32>], vector<16xf32>,
        %mul3A_1212 = arith.mulf %gather3A_1210, %gather3A_1211 : vector<16xf32>
        %add3A_1213 = arith.addf %add3A_1189, %mul3A_1212 : vector<16xf32>
        %broadcast_in_dim3A_1214 = arith.constant 105 : i32
        %broadcast_in_dim3A_1215 = vector.broadcast %broadcast_in_dim3A_1214 : i32 to vector<16xi32>
        %gather3A_1216 = tpu.vector_load_idx %arg13[%add3A_111, %broadcast_in_dim3A_1215] : memref<64x128xf32, #tpu.memory_space<vmem>>[vector<16xi32>, vector<16xi32>], vector<16xf32>,
        %gather3A_1217 = tpu.vector_load_idx %arg14[%add3A_111, %broadcast_in_dim3A_1215] : memref<64x128xf32, #tpu.memory_space<vmem>>[vector<16xi32>, vector<16xi32>], vector<16xf32>,
        %mul3A_1218 = arith.mulf %gather3A_1216, %gather3A_1217 : vector<16xf32>
        %add3A_1219 = arith.addf %add3A_1195, %mul3A_1218 : vector<16xf32>
        %broadcast_in_dim3A_1220 = arith.constant 106 : i32
        %broadcast_in_dim3A_1221 = vector.broadcast %broadcast_in_dim3A_1220 : i32 to vector<16xi32>
        %gather3A_1222 = tpu.vector_load_idx %arg13[%add3A_111, %broadcast_in_dim3A_1221] : memref<64x128xf32, #tpu.memory_space<vmem>>[vector<16xi32>, vector<16xi32>], vector<16xf32>,
        %gather3A_1223 = tpu.vector_load_idx %arg14[%add3A_111, %broadcast_in_dim3A_1221] : memref<64x128xf32, #tpu.memory_space<vmem>>[vector<16xi32>, vector<16xi32>], vector<16xf32>,
        %mul3A_1224 = arith.mulf %gather3A_1222, %gather3A_1223 : vector<16xf32>
        %add3A_1225 = arith.addf %add3A_1201, %mul3A_1224 : vector<16xf32>
        %broadcast_in_dim3A_1226 = arith.constant 107 : i32
        %broadcast_in_dim3A_1227 = vector.broadcast %broadcast_in_dim3A_1226 : i32 to vector<16xi32>
        %gather3A_1228 = tpu.vector_load_idx %arg13[%add3A_111, %broadcast_in_dim3A_1227] : memref<64x128xf32, #tpu.memory_space<vmem>>[vector<16xi32>, vector<16xi32>], vector<16xf32>,
        %gather3A_1229 = tpu.vector_load_idx %arg14[%add3A_111, %broadcast_in_dim3A_1227] : memref<64x128xf32, #tpu.memory_space<vmem>>[vector<16xi32>, vector<16xi32>], vector<16xf32>,
        %mul3A_1230 = arith.mulf %gather3A_1228, %gather3A_1229 : vector<16xf32>
        %add3A_1231 = arith.addf %add3A_1207, %mul3A_1230 : vector<16xf32>
        %broadcast_in_dim3A_1232 = arith.constant 108 : i32
        %broadcast_in_dim3A_1233 = vector.broadcast %broadcast_in_dim3A_1232 : i32 to vector<16xi32>
        %gather3A_1234 = tpu.vector_load_idx %arg13[%add3A_111, %broadcast_in_dim3A_1233] : memref<64x128xf32, #tpu.memory_space<vmem>>[vector<16xi32>, vector<16xi32>], vector<16xf32>,
        %gather3A_1235 = tpu.vector_load_idx %arg14[%add3A_111, %broadcast_in_dim3A_1233] : memref<64x128xf32, #tpu.memory_space<vmem>>[vector<16xi32>, vector<16xi32>], vector<16xf32>,
        %mul3A_1236 = arith.mulf %gather3A_1234, %gather3A_1235 : vector<16xf32>
        %add3A_1237 = arith.addf %add3A_1213, %mul3A_1236 : vector<16xf32>
        %broadcast_in_dim3A_1238 = arith.constant 109 : i32
        %broadcast_in_dim3A_1239 = vector.broadcast %broadcast_in_dim3A_1238 : i32 to vector<16xi32>
        %gather3A_1240 = tpu.vector_load_idx %arg13[%add3A_111, %broadcast_in_dim3A_1239] : memref<64x128xf32, #tpu.memory_space<vmem>>[vector<16xi32>, vector<16xi32>], vector<16xf32>,
        %gather3A_1241 = tpu.vector_load_idx %arg14[%add3A_111, %broadcast_in_dim3A_1239] : memref<64x128xf32, #tpu.memory_space<vmem>>[vector<16xi32>, vector<16xi32>], vector<16xf32>,
        %mul3A_1242 = arith.mulf %gather3A_1240, %gather3A_1241 : vector<16xf32>
        %add3A_1243 = arith.addf %add3A_1219, %mul3A_1242 : vector<16xf32>
        %broadcast_in_dim3A_1244 = arith.constant 110 : i32
        %broadcast_in_dim3A_1245 = vector.broadcast %broadcast_in_dim3A_1244 : i32 to vector<16xi32>
        %gather3A_1246 = tpu.vector_load_idx %arg13[%add3A_111, %broadcast_in_dim3A_1245] : memref<64x128xf32, #tpu.memory_space<vmem>>[vector<16xi32>, vector<16xi32>], vector<16xf32>,
        %gather3A_1247 = tpu.vector_load_idx %arg14[%add3A_111, %broadcast_in_dim3A_1245] : memref<64x128xf32, #tpu.memory_space<vmem>>[vector<16xi32>, vector<16xi32>], vector<16xf32>,
        %mul3A_1248 = arith.mulf %gather3A_1246, %gather3A_1247 : vector<16xf32>
        %add3A_1249 = arith.addf %add3A_1225, %mul3A_1248 : vector<16xf32>
        %broadcast_in_dim3A_1250 = arith.constant 111 : i32
        %broadcast_in_dim3A_1251 = vector.broadcast %broadcast_in_dim3A_1250 : i32 to vector<16xi32>
        %gather3A_1252 = tpu.vector_load_idx %arg13[%add3A_111, %broadcast_in_dim3A_1251] : memref<64x128xf32, #tpu.memory_space<vmem>>[vector<16xi32>, vector<16xi32>], vector<16xf32>,
        %gather3A_1253 = tpu.vector_load_idx %arg14[%add3A_111, %broadcast_in_dim3A_1251] : memref<64x128xf32, #tpu.memory_space<vmem>>[vector<16xi32>, vector<16xi32>], vector<16xf32>,
        %mul3A_1254 = arith.mulf %gather3A_1252, %gather3A_1253 : vector<16xf32>
        %add3A_1255 = arith.addf %add3A_1231, %mul3A_1254 : vector<16xf32>
        %broadcast_in_dim3A_1256 = arith.constant 112 : i32
        %broadcast_in_dim3A_1257 = vector.broadcast %broadcast_in_dim3A_1256 : i32 to vector<16xi32>
        %gather3A_1258 = tpu.vector_load_idx %arg13[%add3A_111, %broadcast_in_dim3A_1257] : memref<64x128xf32, #tpu.memory_space<vmem>>[vector<16xi32>, vector<16xi32>], vector<16xf32>,
        %gather3A_1259 = tpu.vector_load_idx %arg14[%add3A_111, %broadcast_in_dim3A_1257] : memref<64x128xf32, #tpu.memory_space<vmem>>[vector<16xi32>, vector<16xi32>], vector<16xf32>,
        %mul3A_1260 = arith.mulf %gather3A_1258, %gather3A_1259 : vector<16xf32>
        %add3A_1261 = arith.addf %add3A_1237, %mul3A_1260 : vector<16xf32>
        %broadcast_in_dim3A_1262 = arith.constant 113 : i32
        %broadcast_in_dim3A_1263 = vector.broadcast %broadcast_in_dim3A_1262 : i32 to vector<16xi32>
        %gather3A_1264 = tpu.vector_load_idx %arg13[%add3A_111, %broadcast_in_dim3A_1263] : memref<64x128xf32, #tpu.memory_space<vmem>>[vector<16xi32>, vector<16xi32>], vector<16xf32>,
        %gather3A_1265 = tpu.vector_load_idx %arg14[%add3A_111, %broadcast_in_dim3A_1263] : memref<64x128xf32, #tpu.memory_space<vmem>>[vector<16xi32>, vector<16xi32>], vector<16xf32>,
        %mul3A_1266 = arith.mulf %gather3A_1264, %gather3A_1265 : vector<16xf32>
        %add3A_1267 = arith.addf %add3A_1243, %mul3A_1266 : vector<16xf32>
        %broadcast_in_dim3A_1268 = arith.constant 114 : i32
        %broadcast_in_dim3A_1269 = vector.broadcast %broadcast_in_dim3A_1268 : i32 to vector<16xi32>
        %gather3A_1270 = tpu.vector_load_idx %arg13[%add3A_111, %broadcast_in_dim3A_1269] : memref<64x128xf32, #tpu.memory_space<vmem>>[vector<16xi32>, vector<16xi32>], vector<16xf32>,
        %gather3A_1271 = tpu.vector_load_idx %arg14[%add3A_111, %broadcast_in_dim3A_1269] : memref<64x128xf32, #tpu.memory_space<vmem>>[vector<16xi32>, vector<16xi32>], vector<16xf32>,
        %mul3A_1272 = arith.mulf %gather3A_1270, %gather3A_1271 : vector<16xf32>
        %add3A_1273 = arith.addf %add3A_1249, %mul3A_1272 : vector<16xf32>
        %broadcast_in_dim3A_1274 = arith.constant 115 : i32
        %broadcast_in_dim3A_1275 = vector.broadcast %broadcast_in_dim3A_1274 : i32 to vector<16xi32>
        %gather3A_1276 = tpu.vector_load_idx %arg13[%add3A_111, %broadcast_in_dim3A_1275] : memref<64x128xf32, #tpu.memory_space<vmem>>[vector<16xi32>, vector<16xi32>], vector<16xf32>,
        %gather3A_1277 = tpu.vector_load_idx %arg14[%add3A_111, %broadcast_in_dim3A_1275] : memref<64x128xf32, #tpu.memory_space<vmem>>[vector<16xi32>, vector<16xi32>], vector<16xf32>,
        %mul3A_1278 = arith.mulf %gather3A_1276, %gather3A_1277 : vector<16xf32>
        %add3A_1279 = arith.addf %add3A_1255, %mul3A_1278 : vector<16xf32>
        %broadcast_in_dim3A_1280 = arith.constant 116 : i32
        %broadcast_in_dim3A_1281 = vector.broadcast %broadcast_in_dim3A_1280 : i32 to vector<16xi32>
        %gather3A_1282 = tpu.vector_load_idx %arg13[%add3A_111, %broadcast_in_dim3A_1281] : memref<64x128xf32, #tpu.memory_space<vmem>>[vector<16xi32>, vector<16xi32>], vector<16xf32>,
        %gather3A_1283 = tpu.vector_load_idx %arg14[%add3A_111, %broadcast_in_dim3A_1281] : memref<64x128xf32, #tpu.memory_space<vmem>>[vector<16xi32>, vector<16xi32>], vector<16xf32>,
        %mul3A_1284 = arith.mulf %gather3A_1282, %gather3A_1283 : vector<16xf32>
        %add3A_1285 = arith.addf %add3A_1261, %mul3A_1284 : vector<16xf32>
        %broadcast_in_dim3A_1286 = arith.constant 117 : i32
        %broadcast_in_dim3A_1287 = vector.broadcast %broadcast_in_dim3A_1286 : i32 to vector<16xi32>
        %gather3A_1288 = tpu.vector_load_idx %arg13[%add3A_111, %broadcast_in_dim3A_1287] : memref<64x128xf32, #tpu.memory_space<vmem>>[vector<16xi32>, vector<16xi32>], vector<16xf32>,
        %gather3A_1289 = tpu.vector_load_idx %arg14[%add3A_111, %broadcast_in_dim3A_1287] : memref<64x128xf32, #tpu.memory_space<vmem>>[vector<16xi32>, vector<16xi32>], vector<16xf32>,
        %mul3A_1290 = arith.mulf %gather3A_1288, %gather3A_1289 : vector<16xf32>
        %add3A_1291 = arith.addf %add3A_1267, %mul3A_1290 : vector<16xf32>
        %broadcast_in_dim3A_1292 = arith.constant 118 : i32
        %broadcast_in_dim3A_1293 = vector.broadcast %broadcast_in_dim3A_1292 : i32 to vector<16xi32>
        %gather3A_1294 = tpu.vector_load_idx %arg13[%add3A_111, %broadcast_in_dim3A_1293] : memref<64x128xf32, #tpu.memory_space<vmem>>[vector<16xi32>, vector<16xi32>], vector<16xf32>,
        %gather3A_1295 = tpu.vector_load_idx %arg14[%add3A_111, %broadcast_in_dim3A_1293] : memref<64x128xf32, #tpu.memory_space<vmem>>[vector<16xi32>, vector<16xi32>], vector<16xf32>,
        %mul3A_1296 = arith.mulf %gather3A_1294, %gather3A_1295 : vector<16xf32>
        %add3A_1297 = arith.addf %add3A_1273, %mul3A_1296 : vector<16xf32>
        %broadcast_in_dim3A_1298 = arith.constant 119 : i32
        %broadcast_in_dim3A_1299 = vector.broadcast %broadcast_in_dim3A_1298 : i32 to vector<16xi32>
        %gather3A_1300 = tpu.vector_load_idx %arg13[%add3A_111, %broadcast_in_dim3A_1299] : memref<64x128xf32, #tpu.memory_space<vmem>>[vector<16xi32>, vector<16xi32>], vector<16xf32>,
        %gather3A_1301 = tpu.vector_load_idx %arg14[%add3A_111, %broadcast_in_dim3A_1299] : memref<64x128xf32, #tpu.memory_space<vmem>>[vector<16xi32>, vector<16xi32>], vector<16xf32>,
        %mul3A_1302 = arith.mulf %gather3A_1300, %gather3A_1301 : vector<16xf32>
        %add3A_1303 = arith.addf %add3A_1279, %mul3A_1302 : vector<16xf32>
        %broadcast_in_dim3A_1304 = arith.constant 120 : i32
        %broadcast_in_dim3A_1305 = vector.broadcast %broadcast_in_dim3A_1304 : i32 to vector<16xi32>
        %gather3A_1306 = tpu.vector_load_idx %arg13[%add3A_111, %broadcast_in_dim3A_1305] : memref<64x128xf32, #tpu.memory_space<vmem>>[vector<16xi32>, vector<16xi32>], vector<16xf32>,
        %gather3A_1307 = tpu.vector_load_idx %arg14[%add3A_111, %broadcast_in_dim3A_1305] : memref<64x128xf32, #tpu.memory_space<vmem>>[vector<16xi32>, vector<16xi32>], vector<16xf32>,
        %mul3A_1308 = arith.mulf %gather3A_1306, %gather3A_1307 : vector<16xf32>
        %add3A_1309 = arith.addf %add3A_1285, %mul3A_1308 : vector<16xf32>
        %broadcast_in_dim3A_1310 = arith.constant 121 : i32
        %broadcast_in_dim3A_1311 = vector.broadcast %broadcast_in_dim3A_1310 : i32 to vector<16xi32>
        %gather3A_1312 = tpu.vector_load_idx %arg13[%add3A_111, %broadcast_in_dim3A_1311] : memref<64x128xf32, #tpu.memory_space<vmem>>[vector<16xi32>, vector<16xi32>], vector<16xf32>,
        %gather3A_1313 = tpu.vector_load_idx %arg14[%add3A_111, %broadcast_in_dim3A_1311] : memref<64x128xf32, #tpu.memory_space<vmem>>[vector<16xi32>, vector<16xi32>], vector<16xf32>,
        %mul3A_1314 = arith.mulf %gather3A_1312, %gather3A_1313 : vector<16xf32>
        %add3A_1315 = arith.addf %add3A_1291, %mul3A_1314 : vector<16xf32>
        %broadcast_in_dim3A_1316 = arith.constant 122 : i32
        %broadcast_in_dim3A_1317 = vector.broadcast %broadcast_in_dim3A_1316 : i32 to vector<16xi32>
        %gather3A_1318 = tpu.vector_load_idx %arg13[%add3A_111, %broadcast_in_dim3A_1317] : memref<64x128xf32, #tpu.memory_space<vmem>>[vector<16xi32>, vector<16xi32>], vector<16xf32>,
        %gather3A_1319 = tpu.vector_load_idx %arg14[%add3A_111, %broadcast_in_dim3A_1317] : memref<64x128xf32, #tpu.memory_space<vmem>>[vector<16xi32>, vector<16xi32>], vector<16xf32>,
        %mul3A_1320 = arith.mulf %gather3A_1318, %gather3A_1319 : vector<16xf32>
        %add3A_1321 = arith.addf %add3A_1297, %mul3A_1320 : vector<16xf32>
        %broadcast_in_dim3A_1322 = arith.constant 123 : i32
        %broadcast_in_dim3A_1323 = vector.broadcast %broadcast_in_dim3A_1322 : i32 to vector<16xi32>
        %gather3A_1324 = tpu.vector_load_idx %arg13[%add3A_111, %broadcast_in_dim3A_1323] : memref<64x128xf32, #tpu.memory_space<vmem>>[vector<16xi32>, vector<16xi32>], vector<16xf32>,
        %gather3A_1325 = tpu.vector_load_idx %arg14[%add3A_111, %broadcast_in_dim3A_1323] : memref<64x128xf32, #tpu.memory_space<vmem>>[vector<16xi32>, vector<16xi32>], vector<16xf32>,
        %mul3A_1326 = arith.mulf %gather3A_1324, %gather3A_1325 : vector<16xf32>
        %add3A_1327 = arith.addf %add3A_1303, %mul3A_1326 : vector<16xf32>
        %broadcast_in_dim3A_1328 = arith.constant 124 : i32
        %broadcast_in_dim3A_1329 = vector.broadcast %broadcast_in_dim3A_1328 : i32 to vector<16xi32>
        %gather3A_1330 = tpu.vector_load_idx %arg13[%add3A_111, %broadcast_in_dim3A_1329] : memref<64x128xf32, #tpu.memory_space<vmem>>[vector<16xi32>, vector<16xi32>], vector<16xf32>,
        %gather3A_1331 = tpu.vector_load_idx %arg14[%add3A_111, %broadcast_in_dim3A_1329] : memref<64x128xf32, #tpu.memory_space<vmem>>[vector<16xi32>, vector<16xi32>], vector<16xf32>,
        %mul3A_1332 = arith.mulf %gather3A_1330, %gather3A_1331 : vector<16xf32>
        %add3A_1333 = arith.addf %add3A_1309, %mul3A_1332 : vector<16xf32>
        %broadcast_in_dim3A_1334 = arith.constant 125 : i32
        %broadcast_in_dim3A_1335 = vector.broadcast %broadcast_in_dim3A_1334 : i32 to vector<16xi32>
        %gather3A_1336 = tpu.vector_load_idx %arg13[%add3A_111, %broadcast_in_dim3A_1335] : memref<64x128xf32, #tpu.memory_space<vmem>>[vector<16xi32>, vector<16xi32>], vector<16xf32>,
        %gather3A_1337 = tpu.vector_load_idx %arg14[%add3A_111, %broadcast_in_dim3A_1335] : memref<64x128xf32, #tpu.memory_space<vmem>>[vector<16xi32>, vector<16xi32>], vector<16xf32>,
        %mul3A_1338 = arith.mulf %gather3A_1336, %gather3A_1337 : vector<16xf32>
        %add3A_1339 = arith.addf %add3A_1315, %mul3A_1338 : vector<16xf32>
        %broadcast_in_dim3A_1340 = arith.constant 126 : i32
        %broadcast_in_dim3A_1341 = vector.broadcast %broadcast_in_dim3A_1340 : i32 to vector<16xi32>
        %gather3A_1342 = tpu.vector_load_idx %arg13[%add3A_111, %broadcast_in_dim3A_1341] : memref<64x128xf32, #tpu.memory_space<vmem>>[vector<16xi32>, vector<16xi32>], vector<16xf32>,
        %gather3A_1343 = tpu.vector_load_idx %arg14[%add3A_111, %broadcast_in_dim3A_1341] : memref<64x128xf32, #tpu.memory_space<vmem>>[vector<16xi32>, vector<16xi32>], vector<16xf32>,
        %mul3A_1344 = arith.mulf %gather3A_1342, %gather3A_1343 : vector<16xf32>
        %add3A_1345 = arith.addf %add3A_1321, %mul3A_1344 : vector<16xf32>
        %broadcast_in_dim3A_1346 = arith.constant 127 : i32
        %broadcast_in_dim3A_1347 = vector.broadcast %broadcast_in_dim3A_1346 : i32 to vector<16xi32>
        %gather3A_1348 = tpu.vector_load_idx %arg13[%add3A_111, %broadcast_in_dim3A_1347] : memref<64x128xf32, #tpu.memory_space<vmem>>[vector<16xi32>, vector<16xi32>], vector<16xf32>,
        %gather3A_1349 = tpu.vector_load_idx %arg14[%add3A_111, %broadcast_in_dim3A_1347] : memref<64x128xf32, #tpu.memory_space<vmem>>[vector<16xi32>, vector<16xi32>], vector<16xf32>,
        %mul3A_1350 = arith.mulf %gather3A_1348, %gather3A_1349 : vector<16xf32>
        %add3A_1351 = arith.addf %add3A_1327, %mul3A_1350 : vector<16xf32>
        %add3A_1352 = arith.addf %add3A_1333, %add3A_1339 : vector<16xf32>
        %add3A_1353 = arith.addf %add3A_1345, %add3A_1351 : vector<16xf32>
        %add3A_1354 = arith.addf %add3A_1352, %add3A_1353 : vector<16xf32>
        %mul3A_1355 = arith.constant 0.176776692 : f32
        %mul3A_1356 = vector.broadcast %mul3A_1355 : f32 to vector<16xf32>
        %mul3A_1357 = arith.mulf %add3A_1354, %mul3A_1356 : vector<16xf32>
        %add3A_1358 = arith.addf %mul3A_1357, %gather3A_1151 : vector<16xf32>
        %exp3A_1359 = math.exp %add3A_1358 : vector<16xf32>
        %add3A_1360 = arith.constant 3 : i32
        %add3A_1361 = vector.broadcast %add3A_1360 : i32 to vector<16xi32>
        %add3A_1362 = arith.addi %mul3A_124, %add3A_1361 : vector<16xi32>
        tpu.vector_store_idx %arg17[%add3A_111, %add3A_1362], %exp3A_1359 : memref<64x128xf32, #tpu.memory_space<vmem>>[vector<16xi32>, vector<16xi32>], vector<16xf32>,
        %broadcast_in_dim3A_1363 = arith.constant 96 : i32
        %broadcast_in_dim3A_1364 = vector.broadcast %broadcast_in_dim3A_1363 : i32 to vector<16xi32>
        %gather3A_1365 = tpu.vector_load_idx %arg15[%add3A_111, %broadcast_in_dim3A_1364] : memref<64x128xf32, #tpu.memory_space<vmem>>[vector<16xi32>, vector<16xi32>], vector<16xf32>,
        %mul3A_1366 = arith.mulf %gather3A_1365, %exp3A_1359 : vector<16xf32>
        tpu.vector_store_idx %arg15[%add3A_111, %broadcast_in_dim3A_1364], %mul3A_1366 : memref<64x128xf32, #tpu.memory_space<vmem>>[vector<16xi32>, vector<16xi32>], vector<16xf32>,
        %broadcast_in_dim3A_1367 = arith.constant 97 : i32
        %broadcast_in_dim3A_1368 = vector.broadcast %broadcast_in_dim3A_1367 : i32 to vector<16xi32>
        %gather3A_1369 = tpu.vector_load_idx %arg15[%add3A_111, %broadcast_in_dim3A_1368] : memref<64x128xf32, #tpu.memory_space<vmem>>[vector<16xi32>, vector<16xi32>], vector<16xf32>,
        %mul3A_1370 = arith.mulf %gather3A_1369, %exp3A_1359 : vector<16xf32>
        tpu.vector_store_idx %arg15[%add3A_111, %broadcast_in_dim3A_1368], %mul3A_1370 : memref<64x128xf32, #tpu.memory_space<vmem>>[vector<16xi32>, vector<16xi32>], vector<16xf32>,
        %broadcast_in_dim3A_1371 = arith.constant 98 : i32
        %broadcast_in_dim3A_1372 = vector.broadcast %broadcast_in_dim3A_1371 : i32 to vector<16xi32>
        %gather3A_1373 = tpu.vector_load_idx %arg15[%add3A_111, %broadcast_in_dim3A_1372] : memref<64x128xf32, #tpu.memory_space<vmem>>[vector<16xi32>, vector<16xi32>], vector<16xf32>,
        %mul3A_1374 = arith.mulf %gather3A_1373, %exp3A_1359 : vector<16xf32>
        tpu.vector_store_idx %arg15[%add3A_111, %broadcast_in_dim3A_1372], %mul3A_1374 : memref<64x128xf32, #tpu.memory_space<vmem>>[vector<16xi32>, vector<16xi32>], vector<16xf32>,
        %broadcast_in_dim3A_1375 = arith.constant 99 : i32
        %broadcast_in_dim3A_1376 = vector.broadcast %broadcast_in_dim3A_1375 : i32 to vector<16xi32>
        %gather3A_1377 = tpu.vector_load_idx %arg15[%add3A_111, %broadcast_in_dim3A_1376] : memref<64x128xf32, #tpu.memory_space<vmem>>[vector<16xi32>, vector<16xi32>], vector<16xf32>,
        %mul3A_1378 = arith.mulf %gather3A_1377, %exp3A_1359 : vector<16xf32>
        tpu.vector_store_idx %arg15[%add3A_111, %broadcast_in_dim3A_1376], %mul3A_1378 : memref<64x128xf32, #tpu.memory_space<vmem>>[vector<16xi32>, vector<16xi32>], vector<16xf32>,
        %broadcast_in_dim3A_1379 = arith.constant 100 : i32
        %broadcast_in_dim3A_1380 = vector.broadcast %broadcast_in_dim3A_1379 : i32 to vector<16xi32>
        %gather3A_1381 = tpu.vector_load_idx %arg15[%add3A_111, %broadcast_in_dim3A_1380] : memref<64x128xf32, #tpu.memory_space<vmem>>[vector<16xi32>, vector<16xi32>], vector<16xf32>,
        %mul3A_1382 = arith.mulf %gather3A_1381, %exp3A_1359 : vector<16xf32>
        tpu.vector_store_idx %arg15[%add3A_111, %broadcast_in_dim3A_1380], %mul3A_1382 : memref<64x128xf32, #tpu.memory_space<vmem>>[vector<16xi32>, vector<16xi32>], vector<16xf32>,
        %broadcast_in_dim3A_1383 = arith.constant 101 : i32
        %broadcast_in_dim3A_1384 = vector.broadcast %broadcast_in_dim3A_1383 : i32 to vector<16xi32>
        %gather3A_1385 = tpu.vector_load_idx %arg15[%add3A_111, %broadcast_in_dim3A_1384] : memref<64x128xf32, #tpu.memory_space<vmem>>[vector<16xi32>, vector<16xi32>], vector<16xf32>,
        %mul3A_1386 = arith.mulf %gather3A_1385, %exp3A_1359 : vector<16xf32>
        tpu.vector_store_idx %arg15[%add3A_111, %broadcast_in_dim3A_1384], %mul3A_1386 : memref<64x128xf32, #tpu.memory_space<vmem>>[vector<16xi32>, vector<16xi32>], vector<16xf32>,
        %broadcast_in_dim3A_1387 = arith.constant 102 : i32
        %broadcast_in_dim3A_1388 = vector.broadcast %broadcast_in_dim3A_1387 : i32 to vector<16xi32>
        %gather3A_1389 = tpu.vector_load_idx %arg15[%add3A_111, %broadcast_in_dim3A_1388] : memref<64x128xf32, #tpu.memory_space<vmem>>[vector<16xi32>, vector<16xi32>], vector<16xf32>,
        %mul3A_1390 = arith.mulf %gather3A_1389, %exp3A_1359 : vector<16xf32>
        tpu.vector_store_idx %arg15[%add3A_111, %broadcast_in_dim3A_1388], %mul3A_1390 : memref<64x128xf32, #tpu.memory_space<vmem>>[vector<16xi32>, vector<16xi32>], vector<16xf32>,
        %broadcast_in_dim3A_1391 = arith.constant 103 : i32
        %broadcast_in_dim3A_1392 = vector.broadcast %broadcast_in_dim3A_1391 : i32 to vector<16xi32>
        %gather3A_1393 = tpu.vector_load_idx %arg15[%add3A_111, %broadcast_in_dim3A_1392] : memref<64x128xf32, #tpu.memory_space<vmem>>[vector<16xi32>, vector<16xi32>], vector<16xf32>,
        %mul3A_1394 = arith.mulf %gather3A_1393, %exp3A_1359 : vector<16xf32>
        tpu.vector_store_idx %arg15[%add3A_111, %broadcast_in_dim3A_1392], %mul3A_1394 : memref<64x128xf32, #tpu.memory_space<vmem>>[vector<16xi32>, vector<16xi32>], vector<16xf32>,
        %broadcast_in_dim3A_1395 = arith.constant 104 : i32
        %broadcast_in_dim3A_1396 = vector.broadcast %broadcast_in_dim3A_1395 : i32 to vector<16xi32>
        %gather3A_1397 = tpu.vector_load_idx %arg15[%add3A_111, %broadcast_in_dim3A_1396] : memref<64x128xf32, #tpu.memory_space<vmem>>[vector<16xi32>, vector<16xi32>], vector<16xf32>,
        %mul3A_1398 = arith.mulf %gather3A_1397, %exp3A_1359 : vector<16xf32>
        tpu.vector_store_idx %arg15[%add3A_111, %broadcast_in_dim3A_1396], %mul3A_1398 : memref<64x128xf32, #tpu.memory_space<vmem>>[vector<16xi32>, vector<16xi32>], vector<16xf32>,
        %broadcast_in_dim3A_1399 = arith.constant 105 : i32
        %broadcast_in_dim3A_1400 = vector.broadcast %broadcast_in_dim3A_1399 : i32 to vector<16xi32>
        %gather3A_1401 = tpu.vector_load_idx %arg15[%add3A_111, %broadcast_in_dim3A_1400] : memref<64x128xf32, #tpu.memory_space<vmem>>[vector<16xi32>, vector<16xi32>], vector<16xf32>,
        %mul3A_1402 = arith.mulf %gather3A_1401, %exp3A_1359 : vector<16xf32>
        tpu.vector_store_idx %arg15[%add3A_111, %broadcast_in_dim3A_1400], %mul3A_1402 : memref<64x128xf32, #tpu.memory_space<vmem>>[vector<16xi32>, vector<16xi32>], vector<16xf32>,
        %broadcast_in_dim3A_1403 = arith.constant 106 : i32
        %broadcast_in_dim3A_1404 = vector.broadcast %broadcast_in_dim3A_1403 : i32 to vector<16xi32>
        %gather3A_1405 = tpu.vector_load_idx %arg15[%add3A_111, %broadcast_in_dim3A_1404] : memref<64x128xf32, #tpu.memory_space<vmem>>[vector<16xi32>, vector<16xi32>], vector<16xf32>,
        %mul3A_1406 = arith.mulf %gather3A_1405, %exp3A_1359 : vector<16xf32>
        tpu.vector_store_idx %arg15[%add3A_111, %broadcast_in_dim3A_1404], %mul3A_1406 : memref<64x128xf32, #tpu.memory_space<vmem>>[vector<16xi32>, vector<16xi32>], vector<16xf32>,
        %broadcast_in_dim3A_1407 = arith.constant 107 : i32
        %broadcast_in_dim3A_1408 = vector.broadcast %broadcast_in_dim3A_1407 : i32 to vector<16xi32>
        %gather3A_1409 = tpu.vector_load_idx %arg15[%add3A_111, %broadcast_in_dim3A_1408] : memref<64x128xf32, #tpu.memory_space<vmem>>[vector<16xi32>, vector<16xi32>], vector<16xf32>,
        %mul3A_1410 = arith.mulf %gather3A_1409, %exp3A_1359 : vector<16xf32>
        tpu.vector_store_idx %arg15[%add3A_111, %broadcast_in_dim3A_1408], %mul3A_1410 : memref<64x128xf32, #tpu.memory_space<vmem>>[vector<16xi32>, vector<16xi32>], vector<16xf32>,
        %broadcast_in_dim3A_1411 = arith.constant 108 : i32
        %broadcast_in_dim3A_1412 = vector.broadcast %broadcast_in_dim3A_1411 : i32 to vector<16xi32>
        %gather3A_1413 = tpu.vector_load_idx %arg15[%add3A_111, %broadcast_in_dim3A_1412] : memref<64x128xf32, #tpu.memory_space<vmem>>[vector<16xi32>, vector<16xi32>], vector<16xf32>,
        %mul3A_1414 = arith.mulf %gather3A_1413, %exp3A_1359 : vector<16xf32>
        tpu.vector_store_idx %arg15[%add3A_111, %broadcast_in_dim3A_1412], %mul3A_1414 : memref<64x128xf32, #tpu.memory_space<vmem>>[vector<16xi32>, vector<16xi32>], vector<16xf32>,
        %broadcast_in_dim3A_1415 = arith.constant 109 : i32
        %broadcast_in_dim3A_1416 = vector.broadcast %broadcast_in_dim3A_1415 : i32 to vector<16xi32>
        %gather3A_1417 = tpu.vector_load_idx %arg15[%add3A_111, %broadcast_in_dim3A_1416] : memref<64x128xf32, #tpu.memory_space<vmem>>[vector<16xi32>, vector<16xi32>], vector<16xf32>,
        %mul3A_1418 = arith.mulf %gather3A_1417, %exp3A_1359 : vector<16xf32>
        tpu.vector_store_idx %arg15[%add3A_111, %broadcast_in_dim3A_1416], %mul3A_1418 : memref<64x128xf32, #tpu.memory_space<vmem>>[vector<16xi32>, vector<16xi32>], vector<16xf32>,
        %broadcast_in_dim3A_1419 = arith.constant 110 : i32
        %broadcast_in_dim3A_1420 = vector.broadcast %broadcast_in_dim3A_1419 : i32 to vector<16xi32>
        %gather3A_1421 = tpu.vector_load_idx %arg15[%add3A_111, %broadcast_in_dim3A_1420] : memref<64x128xf32, #tpu.memory_space<vmem>>[vector<16xi32>, vector<16xi32>], vector<16xf32>,
        %mul3A_1422 = arith.mulf %gather3A_1421, %exp3A_1359 : vector<16xf32>
        tpu.vector_store_idx %arg15[%add3A_111, %broadcast_in_dim3A_1420], %mul3A_1422 : memref<64x128xf32, #tpu.memory_space<vmem>>[vector<16xi32>, vector<16xi32>], vector<16xf32>,
        %broadcast_in_dim3A_1423 = arith.constant 111 : i32
        %broadcast_in_dim3A_1424 = vector.broadcast %broadcast_in_dim3A_1423 : i32 to vector<16xi32>
        %gather3A_1425 = tpu.vector_load_idx %arg15[%add3A_111, %broadcast_in_dim3A_1424] : memref<64x128xf32, #tpu.memory_space<vmem>>[vector<16xi32>, vector<16xi32>], vector<16xf32>,
        %mul3A_1426 = arith.mulf %gather3A_1425, %exp3A_1359 : vector<16xf32>
        tpu.vector_store_idx %arg15[%add3A_111, %broadcast_in_dim3A_1424], %mul3A_1426 : memref<64x128xf32, #tpu.memory_space<vmem>>[vector<16xi32>, vector<16xi32>], vector<16xf32>,
        %broadcast_in_dim3A_1427 = arith.constant 112 : i32
        %broadcast_in_dim3A_1428 = vector.broadcast %broadcast_in_dim3A_1427 : i32 to vector<16xi32>
        %gather3A_1429 = tpu.vector_load_idx %arg15[%add3A_111, %broadcast_in_dim3A_1428] : memref<64x128xf32, #tpu.memory_space<vmem>>[vector<16xi32>, vector<16xi32>], vector<16xf32>,
        %mul3A_1430 = arith.mulf %gather3A_1429, %exp3A_1359 : vector<16xf32>
        tpu.vector_store_idx %arg15[%add3A_111, %broadcast_in_dim3A_1428], %mul3A_1430 : memref<64x128xf32, #tpu.memory_space<vmem>>[vector<16xi32>, vector<16xi32>], vector<16xf32>,
        %broadcast_in_dim3A_1431 = arith.constant 113 : i32
        %broadcast_in_dim3A_1432 = vector.broadcast %broadcast_in_dim3A_1431 : i32 to vector<16xi32>
        %gather3A_1433 = tpu.vector_load_idx %arg15[%add3A_111, %broadcast_in_dim3A_1432] : memref<64x128xf32, #tpu.memory_space<vmem>>[vector<16xi32>, vector<16xi32>], vector<16xf32>,
        %mul3A_1434 = arith.mulf %gather3A_1433, %exp3A_1359 : vector<16xf32>
        tpu.vector_store_idx %arg15[%add3A_111, %broadcast_in_dim3A_1432], %mul3A_1434 : memref<64x128xf32, #tpu.memory_space<vmem>>[vector<16xi32>, vector<16xi32>], vector<16xf32>,
        %broadcast_in_dim3A_1435 = arith.constant 114 : i32
        %broadcast_in_dim3A_1436 = vector.broadcast %broadcast_in_dim3A_1435 : i32 to vector<16xi32>
        %gather3A_1437 = tpu.vector_load_idx %arg15[%add3A_111, %broadcast_in_dim3A_1436] : memref<64x128xf32, #tpu.memory_space<vmem>>[vector<16xi32>, vector<16xi32>], vector<16xf32>,
        %mul3A_1438 = arith.mulf %gather3A_1437, %exp3A_1359 : vector<16xf32>
        tpu.vector_store_idx %arg15[%add3A_111, %broadcast_in_dim3A_1436], %mul3A_1438 : memref<64x128xf32, #tpu.memory_space<vmem>>[vector<16xi32>, vector<16xi32>], vector<16xf32>,
        %broadcast_in_dim3A_1439 = arith.constant 115 : i32
        %broadcast_in_dim3A_1440 = vector.broadcast %broadcast_in_dim3A_1439 : i32 to vector<16xi32>
        %gather3A_1441 = tpu.vector_load_idx %arg15[%add3A_111, %broadcast_in_dim3A_1440] : memref<64x128xf32, #tpu.memory_space<vmem>>[vector<16xi32>, vector<16xi32>], vector<16xf32>,
        %mul3A_1442 = arith.mulf %gather3A_1441, %exp3A_1359 : vector<16xf32>
        tpu.vector_store_idx %arg15[%add3A_111, %broadcast_in_dim3A_1440], %mul3A_1442 : memref<64x128xf32, #tpu.memory_space<vmem>>[vector<16xi32>, vector<16xi32>], vector<16xf32>,
        %broadcast_in_dim3A_1443 = arith.constant 116 : i32
        %broadcast_in_dim3A_1444 = vector.broadcast %broadcast_in_dim3A_1443 : i32 to vector<16xi32>
        %gather3A_1445 = tpu.vector_load_idx %arg15[%add3A_111, %broadcast_in_dim3A_1444] : memref<64x128xf32, #tpu.memory_space<vmem>>[vector<16xi32>, vector<16xi32>], vector<16xf32>,
        %mul3A_1446 = arith.mulf %gather3A_1445, %exp3A_1359 : vector<16xf32>
        tpu.vector_store_idx %arg15[%add3A_111, %broadcast_in_dim3A_1444], %mul3A_1446 : memref<64x128xf32, #tpu.memory_space<vmem>>[vector<16xi32>, vector<16xi32>], vector<16xf32>,
        %broadcast_in_dim3A_1447 = arith.constant 117 : i32
        %broadcast_in_dim3A_1448 = vector.broadcast %broadcast_in_dim3A_1447 : i32 to vector<16xi32>
        %gather3A_1449 = tpu.vector_load_idx %arg15[%add3A_111, %broadcast_in_dim3A_1448] : memref<64x128xf32, #tpu.memory_space<vmem>>[vector<16xi32>, vector<16xi32>], vector<16xf32>,
        %mul3A_1450 = arith.mulf %gather3A_1449, %exp3A_1359 : vector<16xf32>
        tpu.vector_store_idx %arg15[%add3A_111, %broadcast_in_dim3A_1448], %mul3A_1450 : memref<64x128xf32, #tpu.memory_space<vmem>>[vector<16xi32>, vector<16xi32>], vector<16xf32>,
        %broadcast_in_dim3A_1451 = arith.constant 118 : i32
        %broadcast_in_dim3A_1452 = vector.broadcast %broadcast_in_dim3A_1451 : i32 to vector<16xi32>
        %gather3A_1453 = tpu.vector_load_idx %arg15[%add3A_111, %broadcast_in_dim3A_1452] : memref<64x128xf32, #tpu.memory_space<vmem>>[vector<16xi32>, vector<16xi32>], vector<16xf32>,
        %mul3A_1454 = arith.mulf %gather3A_1453, %exp3A_1359 : vector<16xf32>
        tpu.vector_store_idx %arg15[%add3A_111, %broadcast_in_dim3A_1452], %mul3A_1454 : memref<64x128xf32, #tpu.memory_space<vmem>>[vector<16xi32>, vector<16xi32>], vector<16xf32>,
        %broadcast_in_dim3A_1455 = arith.constant 119 : i32
        %broadcast_in_dim3A_1456 = vector.broadcast %broadcast_in_dim3A_1455 : i32 to vector<16xi32>
        %gather3A_1457 = tpu.vector_load_idx %arg15[%add3A_111, %broadcast_in_dim3A_1456] : memref<64x128xf32, #tpu.memory_space<vmem>>[vector<16xi32>, vector<16xi32>], vector<16xf32>,
        %mul3A_1458 = arith.mulf %gather3A_1457, %exp3A_1359 : vector<16xf32>
        tpu.vector_store_idx %arg15[%add3A_111, %broadcast_in_dim3A_1456], %mul3A_1458 : memref<64x128xf32, #tpu.memory_space<vmem>>[vector<16xi32>, vector<16xi32>], vector<16xf32>,
        %broadcast_in_dim3A_1459 = arith.constant 120 : i32
        %broadcast_in_dim3A_1460 = vector.broadcast %broadcast_in_dim3A_1459 : i32 to vector<16xi32>
        %gather3A_1461 = tpu.vector_load_idx %arg15[%add3A_111, %broadcast_in_dim3A_1460] : memref<64x128xf32, #tpu.memory_space<vmem>>[vector<16xi32>, vector<16xi32>], vector<16xf32>,
        %mul3A_1462 = arith.mulf %gather3A_1461, %exp3A_1359 : vector<16xf32>
        tpu.vector_store_idx %arg15[%add3A_111, %broadcast_in_dim3A_1460], %mul3A_1462 : memref<64x128xf32, #tpu.memory_space<vmem>>[vector<16xi32>, vector<16xi32>], vector<16xf32>,
        %broadcast_in_dim3A_1463 = arith.constant 121 : i32
        %broadcast_in_dim3A_1464 = vector.broadcast %broadcast_in_dim3A_1463 : i32 to vector<16xi32>
        %gather3A_1465 = tpu.vector_load_idx %arg15[%add3A_111, %broadcast_in_dim3A_1464] : memref<64x128xf32, #tpu.memory_space<vmem>>[vector<16xi32>, vector<16xi32>], vector<16xf32>,
        %mul3A_1466 = arith.mulf %gather3A_1465, %exp3A_1359 : vector<16xf32>
        tpu.vector_store_idx %arg15[%add3A_111, %broadcast_in_dim3A_1464], %mul3A_1466 : memref<64x128xf32, #tpu.memory_space<vmem>>[vector<16xi32>, vector<16xi32>], vector<16xf32>,
        %broadcast_in_dim3A_1467 = arith.constant 122 : i32
        %broadcast_in_dim3A_1468 = vector.broadcast %broadcast_in_dim3A_1467 : i32 to vector<16xi32>
        %gather3A_1469 = tpu.vector_load_idx %arg15[%add3A_111, %broadcast_in_dim3A_1468] : memref<64x128xf32, #tpu.memory_space<vmem>>[vector<16xi32>, vector<16xi32>], vector<16xf32>,
        %mul3A_1470 = arith.mulf %gather3A_1469, %exp3A_1359 : vector<16xf32>
        tpu.vector_store_idx %arg15[%add3A_111, %broadcast_in_dim3A_1468], %mul3A_1470 : memref<64x128xf32, #tpu.memory_space<vmem>>[vector<16xi32>, vector<16xi32>], vector<16xf32>,
        %broadcast_in_dim3A_1471 = arith.constant 123 : i32
        %broadcast_in_dim3A_1472 = vector.broadcast %broadcast_in_dim3A_1471 : i32 to vector<16xi32>
        %gather3A_1473 = tpu.vector_load_idx %arg15[%add3A_111, %broadcast_in_dim3A_1472] : memref<64x128xf32, #tpu.memory_space<vmem>>[vector<16xi32>, vector<16xi32>], vector<16xf32>,
        %mul3A_1474 = arith.mulf %gather3A_1473, %exp3A_1359 : vector<16xf32>
        tpu.vector_store_idx %arg15[%add3A_111, %broadcast_in_dim3A_1472], %mul3A_1474 : memref<64x128xf32, #tpu.memory_space<vmem>>[vector<16xi32>, vector<16xi32>], vector<16xf32>,
        %broadcast_in_dim3A_1475 = arith.constant 124 : i32
        %broadcast_in_dim3A_1476 = vector.broadcast %broadcast_in_dim3A_1475 : i32 to vector<16xi32>
        %gather3A_1477 = tpu.vector_load_idx %arg15[%add3A_111, %broadcast_in_dim3A_1476] : memref<64x128xf32, #tpu.memory_space<vmem>>[vector<16xi32>, vector<16xi32>], vector<16xf32>,
        %mul3A_1478 = arith.mulf %gather3A_1477, %exp3A_1359 : vector<16xf32>
        tpu.vector_store_idx %arg15[%add3A_111, %broadcast_in_dim3A_1476], %mul3A_1478 : memref<64x128xf32, #tpu.memory_space<vmem>>[vector<16xi32>, vector<16xi32>], vector<16xf32>,
        %broadcast_in_dim3A_1479 = arith.constant 125 : i32
        %broadcast_in_dim3A_1480 = vector.broadcast %broadcast_in_dim3A_1479 : i32 to vector<16xi32>
        %gather3A_1481 = tpu.vector_load_idx %arg15[%add3A_111, %broadcast_in_dim3A_1480] : memref<64x128xf32, #tpu.memory_space<vmem>>[vector<16xi32>, vector<16xi32>], vector<16xf32>,
        %mul3A_1482 = arith.mulf %gather3A_1481, %exp3A_1359 : vector<16xf32>
        tpu.vector_store_idx %arg15[%add3A_111, %broadcast_in_dim3A_1480], %mul3A_1482 : memref<64x128xf32, #tpu.memory_space<vmem>>[vector<16xi32>, vector<16xi32>], vector<16xf32>,
        %broadcast_in_dim3A_1483 = arith.constant 126 : i32
        %broadcast_in_dim3A_1484 = vector.broadcast %broadcast_in_dim3A_1483 : i32 to vector<16xi32>
        %gather3A_1485 = tpu.vector_load_idx %arg15[%add3A_111, %broadcast_in_dim3A_1484] : memref<64x128xf32, #tpu.memory_space<vmem>>[vector<16xi32>, vector<16xi32>], vector<16xf32>,
        %mul3A_1486 = arith.mulf %gather3A_1485, %exp3A_1359 : vector<16xf32>
        tpu.vector_store_idx %arg15[%add3A_111, %broadcast_in_dim3A_1484], %mul3A_1486 : memref<64x128xf32, #tpu.memory_space<vmem>>[vector<16xi32>, vector<16xi32>], vector<16xf32>,
        %broadcast_in_dim3A_1487 = arith.constant 127 : i32
        %broadcast_in_dim3A_1488 = vector.broadcast %broadcast_in_dim3A_1487 : i32 to vector<16xi32>
        %gather3A_1489 = tpu.vector_load_idx %arg15[%add3A_111, %broadcast_in_dim3A_1488] : memref<64x128xf32, #tpu.memory_space<vmem>>[vector<16xi32>, vector<16xi32>], vector<16xf32>,
        %mul3A_1490 = arith.mulf %gather3A_1489, %exp3A_1359 : vector<16xf32>
        tpu.vector_store_idx %arg15[%add3A_111, %broadcast_in_dim3A_1488], %mul3A_1490 : memref<64x128xf32, #tpu.memory_space<vmem>>[vector<16xi32>, vector<16xi32>], vector<16xf32>,
        %scan3A_1491 = arith.constant 0 : i32
        scf.yield %scan3A_1491 : i32
      }
      %scan3A_97 = arith.constant 4 : i32
      "tpu.region"() ({
        %run_scoped3A = tpu.sem_alloc : memref<!tpu.dma_semaphore, #tpu.memory_space<semaphore_mem>>
        %dma_start3A_106 = arith.constant 0 : i32
        %dma_start3A_107 = arith.constant 0 : i32
        %dma_start3A_108 = tpu.memref_slice %arg18[%dma_start3A_106, %dma_start3A_107] : memref<10240x128xf32, #tpu.memory_space<vmem_shared>> -> memref<10240x128xf32, #tpu.memory_space<vmem_shared>>
        tpu.enqueue_indirect_dma source(%arg15 : memref<64x128xf32, #tpu.memory_space<vmem>>) target(%dma_start3A_108 : memref<10240x128xf32, #tpu.memory_space<vmem_shared>>) offsets(%arg11 : memref<64xi32, #tpu.memory_space<vmem>>) semaphore(%run_scoped3A : memref<!tpu.dma_semaphore, #tpu.memory_space<semaphore_mem>>) {add = true}
        %dma_wait3A_109 = arith.constant 0 : i32
        %dma_wait3A_110 = arith.constant 0 : i32
        %dma_wait3A_111 = tpu.memref_slice %arg18[%dma_wait3A_109, %dma_wait3A_110] : memref<10240x128xf32, #tpu.memory_space<vmem_shared>> -> memref<10240x128xf32, #tpu.memory_space<vmem_shared>>
        tpu.wait_indirect_dma semaphore(%run_scoped3A : memref<!tpu.dma_semaphore, #tpu.memory_space<semaphore_mem>>) src(%arg15 : memref<64x128xf32, #tpu.memory_space<vmem>>) dst(%dma_wait3A_111 : memref<10240x128xf32, #tpu.memory_space<vmem_shared>>)
        tpu.yield
      }) : () -> ()
      "tpu.region"() ({
        %run_scoped3A = tpu.sem_alloc : memref<!tpu.dma_semaphore, #tpu.memory_space<semaphore_mem>>
        %dma_start3A_106 = arith.constant 0 : i32
        %dma_start3A_107 = arith.constant 0 : i32
        %dma_start3A_108 = tpu.memref_slice %arg19[%dma_start3A_106, %dma_start3A_107] : memref<320x128xf32, #tpu.memory_space<vmem_shared>> -> memref<320x128xf32, #tpu.memory_space<vmem_shared>>
        tpu.enqueue_indirect_dma source(%arg17 : memref<64x128xf32, #tpu.memory_space<vmem>>) target(%dma_start3A_108 : memref<320x128xf32, #tpu.memory_space<vmem_shared>>) offsets(%arg12 : memref<64xi32, #tpu.memory_space<vmem>>) semaphore(%run_scoped3A : memref<!tpu.dma_semaphore, #tpu.memory_space<semaphore_mem>>) {add = true}
        %dma_wait3A_109 = arith.constant 0 : i32
        %dma_wait3A_110 = arith.constant 0 : i32
        %dma_wait3A_111 = tpu.memref_slice %arg19[%dma_wait3A_109, %dma_wait3A_110] : memref<320x128xf32, #tpu.memory_space<vmem_shared>> -> memref<320x128xf32, #tpu.memory_space<vmem_shared>>
        tpu.wait_indirect_dma semaphore(%run_scoped3A : memref<!tpu.dma_semaphore, #tpu.memory_space<semaphore_mem>>) src(%arg17 : memref<64x128xf32, #tpu.memory_space<vmem>>) dst(%dma_wait3A_111 : memref<320x128xf32, #tpu.memory_space<vmem_shared>>)
        tpu.yield
      }) : () -> ()
      %scan3A_98 = arith.constant 0 : i32
      %scan3A_99 = arith.constant 0 : i32
      %scan3A_100 = arith.constant 4 : i32
      %scan3A_101 = arith.addi %scan3A_99, %scan3A_100 : i32
      %scan3A_102 = arith.constant 1 : i32
      %scan3A_103 = scf.for %scan3A_106 = %scan3A_99 to %scan3A_101 step %scan3A_102 iter_args(%scan3A_107 = %scan3A_98) -> (i32)  : i32 {
        %mul3A_108 = arith.constant 16 : i32
        %mul3A_109 = arith.muli %scan3A_106, %mul3A_108 : i32
        %iota3A = tpu.iota {dimensions = array<i32: 0>} : vector<16xi32>
        %add3A_110 = vector.broadcast %mul3A_109 : i32 to vector<16xi32>
        %add3A_111 = arith.addi %add3A_110, %iota3A : vector<16xi32>
        %mul3A_112 = arith.constant 16 : i32
        %mul3A_113 = arith.muli %scan3A_106, %mul3A_112 : i32
        %get3A = arith.index_cast %mul3A_113 : i32 to index
        %get3A_114 = tpu.vector_load %arg11[%get3A] {strides = array<i32>} : memref<64xi32, #tpu.memory_space<vmem>>, vector<16xi32>,
        %and3A = arith.constant 31 : i32
        %and3A_115 = vector.broadcast %and3A : i32 to vector<16xi32>
        %and3A_116 = arith.andi %get3A_114, %and3A_115 : vector<16xi32>
        %mul3A_117 = arith.constant 4 : i32
        %mul3A_118 = vector.broadcast %mul3A_117 : i32 to vector<16xi32>
        %mul3A_119 = arith.muli %and3A_116, %mul3A_118 : vector<16xi32>
        %add3A_120 = arith.constant 0 : i32
        %add3A_121 = vector.broadcast %add3A_120 : i32 to vector<16xi32>
        %add3A_122 = arith.addi %mul3A_119, %add3A_121 : vector<16xi32>
        tpu.vector_store_idx %arg17[%add3A_111, %add3A_122], %broadcast_in_dim3A_1 : memref<64x128xf32, #tpu.memory_space<vmem>>[vector<16xi32>, vector<16xi32>], vector<16xf32>,
        %add3A_123 = arith.constant 1 : i32
        %add3A_124 = vector.broadcast %add3A_123 : i32 to vector<16xi32>
        %add3A_125 = arith.addi %mul3A_119, %add3A_124 : vector<16xi32>
        tpu.vector_store_idx %arg17[%add3A_111, %add3A_125], %broadcast_in_dim3A_1 : memref<64x128xf32, #tpu.memory_space<vmem>>[vector<16xi32>, vector<16xi32>], vector<16xf32>,
        %add3A_126 = arith.constant 2 : i32
        %add3A_127 = vector.broadcast %add3A_126 : i32 to vector<16xi32>
        %add3A_128 = arith.addi %mul3A_119, %add3A_127 : vector<16xi32>
        tpu.vector_store_idx %arg17[%add3A_111, %add3A_128], %broadcast_in_dim3A_1 : memref<64x128xf32, #tpu.memory_space<vmem>>[vector<16xi32>, vector<16xi32>], vector<16xf32>,
        %add3A_129 = arith.constant 3 : i32
        %add3A_130 = vector.broadcast %add3A_129 : i32 to vector<16xi32>
        %add3A_131 = arith.addi %mul3A_119, %add3A_130 : vector<16xi32>
        tpu.vector_store_idx %arg17[%add3A_111, %add3A_131], %broadcast_in_dim3A_1 : memref<64x128xf32, #tpu.memory_space<vmem>>[vector<16xi32>, vector<16xi32>], vector<16xf32>,
        %scan3A_132 = arith.constant 0 : i32
        scf.yield %scan3A_132 : i32
      }
      %scan3A_104 = arith.constant 4 : i32
      %scan3A_105 = arith.constant 0 : i32
      scf.yield %scan3A_105 : i32
    }
    %scan3A_56 = arith.constant 157 : i32
    %barrier3A_57 = arith.constant 0 : index
    tpu.barrier barrier_id(%barrier3A_57)
    %mul3A_58 = arith.constant 640 : i32
    %mul3A_59 = arith.muli %arg1, %mul3A_58 : i32
    %mul3A_60 = arith.constant 10240 : i32
    %mul3A_61 = arith.muli %arg0, %mul3A_60 : i32
    %add3A_62 = arith.addi %mul3A_61, %mul3A_59 : i32
    "tpu.region"() ({
      %run_scoped3A = tpu.sem_alloc : memref<!tpu.dma_semaphore, #tpu.memory_space<semaphore_mem>>
      %dma_start3A = arith.constant 0 : i32
      %dma_start3A_68 = tpu.memref_slice %arg8[%add3A_62, %dma_start3A] : memref<20480x128xf32, #tpu.memory_space<hbm>> -> memref<640x128xf32, #tpu.memory_space<hbm>>
      %dma_start3A_69 = arith.constant 0 : i32
      %dma_start3A_70 = tpu.memref_slice %arg18[%mul3A_59, %dma_start3A_69] : memref<10240x128xf32, #tpu.memory_space<vmem_shared>> -> memref<640x128xf32, #tpu.memory_space<vmem_shared>>
      tpu.enqueue_dma source(%dma_start3A_70 : memref<640x128xf32, #tpu.memory_space<vmem_shared>>) target(%dma_start3A_68 : memref<640x128xf32, #tpu.memory_space<hbm>>) target_semaphore(%run_scoped3A : memref<!tpu.dma_semaphore, #tpu.memory_space<semaphore_mem>>)
      %dma_wait3A = arith.constant 0 : i32
      %dma_wait3A_71 = tpu.memref_slice %arg8[%add3A_62, %dma_wait3A] : memref<20480x128xf32, #tpu.memory_space<hbm>> -> memref<640x128xf32, #tpu.memory_space<hbm>>
      %dma_wait3A_72 = arith.constant 0 : i32
      %dma_wait3A_73 = tpu.memref_slice %arg18[%mul3A_59, %dma_wait3A_72] : memref<10240x128xf32, #tpu.memory_space<vmem_shared>> -> memref<640x128xf32, #tpu.memory_space<vmem_shared>>
      tpu.wait_dma2 semaphore(%run_scoped3A : memref<!tpu.dma_semaphore, #tpu.memory_space<semaphore_mem>>) src(%dma_wait3A_73 : memref<640x128xf32, #tpu.memory_space<vmem_shared>>) dst(%dma_wait3A_71 : memref<640x128xf32, #tpu.memory_space<hbm>>)
      tpu.yield
    }) : () -> ()
    %lt3A_63 = arith.constant 8 : i32
    %lt3A_64 = arith.cmpi slt, %arg1, %lt3A_63 : i32
    %convert_element_type3A_65 = arith.extui %lt3A_64 : i1 to i32
    %cond3A_66 = arith.constant 0 : i32
    %cond3A_67 = arith.cmpi ne, %convert_element_type3A_65, %cond3A_66 : i32
    scf.if %cond3A_67 {
      %mul3A_68 = arith.constant 40 : i32
      %mul3A_69 = arith.muli %arg1, %mul3A_68 : i32
      %mul3A_70 = arith.constant 320 : i32
      %mul3A_71 = arith.muli %arg0, %mul3A_70 : i32
      %add3A_72 = arith.addi %mul3A_71, %mul3A_69 : i32
      "tpu.region"() ({
        %run_scoped3A = tpu.sem_alloc : memref<!tpu.dma_semaphore, #tpu.memory_space<semaphore_mem>>
        %dma_start3A = arith.constant 0 : i32
        %dma_start3A_73 = tpu.memref_slice %arg9[%add3A_72, %dma_start3A] : memref<640x128xf32, #tpu.memory_space<hbm>> -> memref<40x128xf32, #tpu.memory_space<hbm>>
        %dma_start3A_74 = arith.constant 0 : i32
        %dma_start3A_75 = tpu.memref_slice %arg19[%mul3A_69, %dma_start3A_74] : memref<320x128xf32, #tpu.memory_space<vmem_shared>> -> memref<40x128xf32, #tpu.memory_space<vmem_shared>>
        tpu.enqueue_dma source(%dma_start3A_75 : memref<40x128xf32, #tpu.memory_space<vmem_shared>>) target(%dma_start3A_73 : memref<40x128xf32, #tpu.memory_space<hbm>>) target_semaphore(%run_scoped3A : memref<!tpu.dma_semaphore, #tpu.memory_space<semaphore_mem>>)
        %dma_wait3A = arith.constant 0 : i32
        %dma_wait3A_76 = tpu.memref_slice %arg9[%add3A_72, %dma_wait3A] : memref<640x128xf32, #tpu.memory_space<hbm>> -> memref<40x128xf32, #tpu.memory_space<hbm>>
        %dma_wait3A_77 = arith.constant 0 : i32
        %dma_wait3A_78 = tpu.memref_slice %arg19[%mul3A_69, %dma_wait3A_77] : memref<320x128xf32, #tpu.memory_space<vmem_shared>> -> memref<40x128xf32, #tpu.memory_space<vmem_shared>>
        tpu.wait_dma2 semaphore(%run_scoped3A : memref<!tpu.dma_semaphore, #tpu.memory_space<semaphore_mem>>) src(%dma_wait3A_78 : memref<40x128xf32, #tpu.memory_space<vmem_shared>>) dst(%dma_wait3A_76 : memref<40x128xf32, #tpu.memory_space<hbm>>)
        tpu.yield
      }) : () -> ()
    } else {
    }
    return
  }
}

module attributes {stable_mosaic.version = 14 : i64} {
  func.func @_proj_body(%arg0: i32, %arg1: memref<512x128xf32, #tpu.memory_space<vmem>>, %arg2: memref<512x128xf32, #tpu.memory_space<vmem>>, %arg3: memref<128x128xf32, #tpu.memory_space<vmem>>, %arg4: memref<128x128xf32, #tpu.memory_space<vmem>>, %arg5: memref<128x128xf32, #tpu.memory_space<vmem>>, %arg6: memref<512x128xf32, #tpu.memory_space<vmem>>, %arg7: memref<512x128xf32, #tpu.memory_space<vmem>>, %arg8: memref<512x128xf32, #tpu.memory_space<vmem>>) attributes {dimension_semantics = [#tpu.dimension_semantics<arbitrary>], iteration_bounds = array<i64: 20>, scalar_prefetch = 0 : i64, scratch_operands = 0 : i64, tpu.core_type = #tpu.core_type<tc>, window_params = [{transform_indices = @transform_0, window_bounds = array<i64: 512, 128>}, {transform_indices = @transform_1, window_bounds = array<i64: 512, 128>}, {pipeline_mode = #tpu.pipeline_mode<synchronous>, transform_indices = @transform_2, window_bounds = array<i64: 128, 128>}, {pipeline_mode = #tpu.pipeline_mode<synchronous>, transform_indices = @transform_3, window_bounds = array<i64: 128, 128>}, {pipeline_mode = #tpu.pipeline_mode<synchronous>, transform_indices = @transform_4, window_bounds = array<i64: 128, 128>}, {transform_indices = @transform_5, window_bounds = array<i64: 512, 128>}, {transform_indices = @transform_6, window_bounds = array<i64: 512, 128>}, {transform_indices = @transform_7, window_bounds = array<i64: 512, 128>}]} {
    %get3A = arith.constant 0 : index
    %get3A_0 = arith.constant 0 : index
    %get3A_1 = vector.load %arg1[%get3A, %get3A_0] : memref<512x128xf32, #tpu.memory_space<vmem>>, vector<512x128xf32>
    %get3A_2 = arith.constant 0 : index
    %get3A_3 = arith.constant 0 : index
    %get3A_4 = vector.load %arg3[%get3A_2, %get3A_3] : memref<128x128xf32, #tpu.memory_space<vmem>>, vector<128x128xf32>
    %dot_general3A = arith.constant dense<0.000000e+00> : vector<512x128xf32>
    %dot_general3A_5 = tpu.matmul %get3A_1, %get3A_4, %dot_general3A {dimension_numbers = #tpu.dot_dimension_numbers<[1], [0], [0], [1], [0, 0, 1, 1], [], []>, transpose_lhs_hint = false} : vector<512x128xf32>, vector<128x128xf32>, vector<512x128xf32> -> vector<512x128xf32>
    %swap3A = arith.constant 0 : index
    %swap3A_6 = arith.constant 0 : index
    %swap3A_7 = vector.load %arg6[%swap3A, %swap3A_6] : memref<512x128xf32, #tpu.memory_space<vmem>>, vector<512x128xf32>
    tpu.vector_store %arg6[%swap3A, %swap3A_6], %dot_general3A_5 {strides = array<i32>} : memref<512x128xf32, #tpu.memory_space<vmem>>, vector<512x128xf32>,
    %get3A_8 = arith.constant 0 : index
    %get3A_9 = arith.constant 0 : index
    %get3A_10 = vector.load %arg2[%get3A_8, %get3A_9] : memref<512x128xf32, #tpu.memory_space<vmem>>, vector<512x128xf32>
    %get3A_11 = arith.constant 0 : index
    %get3A_12 = arith.constant 0 : index
    %get3A_13 = vector.load %arg4[%get3A_11, %get3A_12] : memref<128x128xf32, #tpu.memory_space<vmem>>, vector<128x128xf32>
    %dot_general3A_14 = arith.constant dense<0.000000e+00> : vector<512x128xf32>
    %dot_general3A_15 = tpu.matmul %get3A_10, %get3A_13, %dot_general3A_14 {dimension_numbers = #tpu.dot_dimension_numbers<[1], [0], [0], [1], [0, 0, 1, 1], [], []>, transpose_lhs_hint = false} : vector<512x128xf32>, vector<128x128xf32>, vector<512x128xf32> -> vector<512x128xf32>
    %swap3A_16 = arith.constant 0 : index
    %swap3A_17 = arith.constant 0 : index
    %swap3A_18 = vector.load %arg7[%swap3A_16, %swap3A_17] : memref<512x128xf32, #tpu.memory_space<vmem>>, vector<512x128xf32>
    tpu.vector_store %arg7[%swap3A_16, %swap3A_17], %dot_general3A_15 {strides = array<i32>} : memref<512x128xf32, #tpu.memory_space<vmem>>, vector<512x128xf32>,
    %get3A_19 = arith.constant 0 : index
    %get3A_20 = arith.constant 0 : index
    %get3A_21 = vector.load %arg2[%get3A_19, %get3A_20] : memref<512x128xf32, #tpu.memory_space<vmem>>, vector<512x128xf32>
    %get3A_22 = arith.constant 0 : index
    %get3A_23 = arith.constant 0 : index
    %get3A_24 = vector.load %arg5[%get3A_22, %get3A_23] : memref<128x128xf32, #tpu.memory_space<vmem>>, vector<128x128xf32>
    %dot_general3A_25 = arith.constant dense<0.000000e+00> : vector<512x128xf32>
    %dot_general3A_26 = tpu.matmul %get3A_21, %get3A_24, %dot_general3A_25 {dimension_numbers = #tpu.dot_dimension_numbers<[1], [0], [0], [1], [0, 0, 1, 1], [], []>, transpose_lhs_hint = false} : vector<512x128xf32>, vector<128x128xf32>, vector<512x128xf32> -> vector<512x128xf32>
    %swap3A_27 = arith.constant 0 : index
    %swap3A_28 = arith.constant 0 : index
    %swap3A_29 = vector.load %arg8[%swap3A_27, %swap3A_28] : memref<512x128xf32, #tpu.memory_space<vmem>>, vector<512x128xf32>
    tpu.vector_store %arg8[%swap3A_27, %swap3A_28], %dot_general3A_26 {strides = array<i32>} : memref<512x128xf32, #tpu.memory_space<vmem>>, vector<512x128xf32>,
    return
  }
  func.func @transform_0(%arg0: i32) -> (i32, i32) {
    %c0_i32 = arith.constant 0 : i32
    %c0_i32_0 = arith.constant 0 : i32
    return %arg0, %c0_i32 : i32, i32
  }
  func.func @transform_1(%arg0: i32) -> (i32, i32) {
    %c0_i32 = arith.constant 0 : i32
    %c0_i32_0 = arith.constant 0 : i32
    return %arg0, %c0_i32 : i32, i32
  }
  func.func @transform_2(%arg0: i32) -> (i32, i32) {
    %c0_i32 = arith.constant 0 : i32
    %c0_i32_0 = arith.constant 0 : i32
    %c0_i32_1 = arith.constant 0 : i32
    return %c0_i32, %c0_i32_0 : i32, i32
  }
  func.func @transform_3(%arg0: i32) -> (i32, i32) {
    %c0_i32 = arith.constant 0 : i32
    %c0_i32_0 = arith.constant 0 : i32
    %c0_i32_1 = arith.constant 0 : i32
    return %c0_i32, %c0_i32_0 : i32, i32
  }
  func.func @transform_4(%arg0: i32) -> (i32, i32) {
    %c0_i32 = arith.constant 0 : i32
    %c0_i32_0 = arith.constant 0 : i32
    %c0_i32_1 = arith.constant 0 : i32
    return %c0_i32, %c0_i32_0 : i32, i32
  }
  func.func @transform_5(%arg0: i32) -> (i32, i32) {
    %c0_i32 = arith.constant 0 : i32
    %c0_i32_0 = arith.constant 0 : i32
    return %arg0, %c0_i32 : i32, i32
  }
  func.func @transform_6(%arg0: i32) -> (i32, i32) {
    %c0_i32 = arith.constant 0 : i32
    %c0_i32_0 = arith.constant 0 : i32
    return %arg0, %c0_i32 : i32, i32
  }
  func.func @transform_7(%arg0: i32) -> (i32, i32) {
    %c0_i32 = arith.constant 0 : i32
    %c0_i32_0 = arith.constant 0 : i32
    return %arg0, %c0_i32 : i32, i32
  }
}

module attributes {stable_mosaic.version = 14 : i64} {
  func.func @_rbf_body(%arg0: i32, %arg1: memref<2048x16xf32, #tpu.memory_space<vmem>>, %arg2: memref<16x16xf32, #tpu.memory_space<vmem>>, %arg3: memref<2048x16xf32, #tpu.memory_space<vmem>>) attributes {dimension_semantics = [#tpu.dimension_semantics<arbitrary>], iteration_bounds = array<i64: 157>, scalar_prefetch = 0 : i64, scratch_operands = 0 : i64, tpu.core_type = #tpu.core_type<tc>, window_params = [{transform_indices = @transform_0, window_bounds = array<i64: 2048, 16>}, {pipeline_mode = #tpu.pipeline_mode<synchronous>, transform_indices = @transform_1, window_bounds = array<i64: 16, 16>}, {transform_indices = @transform_2, window_bounds = array<i64: 2048, 16>}]} {
    %get3A = arith.constant 0 : index
    %get3A_0 = arith.constant 0 : index
    %get3A_1 = vector.load %arg1[%get3A, %get3A_0] : memref<2048x16xf32, #tpu.memory_space<vmem>>, vector<2048x16xf32>
    %get3A_2 = arith.constant 0 : index
    %get3A_3 = arith.constant 0 : index
    %get3A_4 = vector.load %arg2[%get3A_2, %get3A_3] : memref<16x16xf32, #tpu.memory_space<vmem>>, vector<16x16xf32>
    %dot_general3A = arith.constant dense<0.000000e+00> : vector<2048x16xf32>
    %dot_general3A_5 = tpu.matmul %get3A_1, %get3A_4, %dot_general3A {dimension_numbers = #tpu.dot_dimension_numbers<[1], [0], [0], [1], [0, 0, 1, 1], [], []>, transpose_lhs_hint = false} : vector<2048x16xf32>, vector<16x16xf32>, vector<2048x16xf32> -> vector<2048x16xf32>
    %swap3A = arith.constant 0 : index
    %swap3A_6 = arith.constant 0 : index
    %swap3A_7 = vector.load %arg3[%swap3A, %swap3A_6] : memref<2048x16xf32, #tpu.memory_space<vmem>>, vector<2048x16xf32>
    tpu.vector_store %arg3[%swap3A, %swap3A_6], %dot_general3A_5 {strides = array<i32>} : memref<2048x16xf32, #tpu.memory_space<vmem>>, vector<2048x16xf32>,
    return
  }
  func.func @transform_0(%arg0: i32) -> (i32, i32) {
    %c0_i32 = arith.constant 0 : i32
    %c0_i32_0 = arith.constant 0 : i32
    return %arg0, %c0_i32 : i32, i32
  }
  func.func @transform_1(%arg0: i32) -> (i32, i32) {
    %c0_i32 = arith.constant 0 : i32
    %c0_i32_0 = arith.constant 0 : i32
    %c0_i32_1 = arith.constant 0 : i32
    return %c0_i32, %c0_i32_0 : i32, i32
  }
  func.func @transform_2(%arg0: i32) -> (i32, i32) {
    %c0_i32 = arith.constant 0 : i32
    %c0_i32_0 = arith.constant 0 : i32
    return %arg0, %c0_i32 : i32, i32
  }
}

module attributes {stable_mosaic.version = 14 : i64} {
  func.func @_mlp_body(%arg0: i32, %arg1: memref<1000x128xf32, #tpu.memory_space<vmem>>, %arg2: memref<1000x128xf32, #tpu.memory_space<vmem>>, %arg3: memref<1000x128xf32, #tpu.memory_space<vmem>>, %arg4: memref<1000x16xf32, #tpu.memory_space<vmem>>, %arg5: memref<1000x16xf32, #tpu.memory_space<vmem>>, %arg6: memref<128x128xf32, #tpu.memory_space<vmem>>, %arg7: memref<128x128xf32, #tpu.memory_space<vmem>>, %arg8: memref<128x128xf32, #tpu.memory_space<vmem>>, %arg9: memref<1x128xf32, #tpu.memory_space<vmem>>, %arg10: memref<1x128xf32, #tpu.memory_space<vmem>>, %arg11: memref<1x128xf32, #tpu.memory_space<vmem>>, %arg12: memref<1x128xf32, #tpu.memory_space<vmem>>, %arg13: memref<1000x128xf32, #tpu.memory_space<vmem>>) attributes {dimension_semantics = [#tpu.dimension_semantics<arbitrary>], iteration_bounds = array<i64: 10>, scalar_prefetch = 0 : i64, scratch_operands = 0 : i64, tpu.core_type = #tpu.core_type<tc>, window_params = [{transform_indices = @transform_0, window_bounds = array<i64: 1000, 128>}, {transform_indices = @transform_1, window_bounds = array<i64: 1000, 128>}, {transform_indices = @transform_2, window_bounds = array<i64: 1000, 128>}, {transform_indices = @transform_3, window_bounds = array<i64: 1000, 16>}, {transform_indices = @transform_4, window_bounds = array<i64: 1000, 16>}, {pipeline_mode = #tpu.pipeline_mode<synchronous>, transform_indices = @transform_5, window_bounds = array<i64: 128, 128>}, {pipeline_mode = #tpu.pipeline_mode<synchronous>, transform_indices = @transform_6, window_bounds = array<i64: 128, 128>}, {pipeline_mode = #tpu.pipeline_mode<synchronous>, transform_indices = @transform_7, window_bounds = array<i64: 128, 128>}, {pipeline_mode = #tpu.pipeline_mode<synchronous>, transform_indices = @transform_8, window_bounds = array<i64: 1, 128>}, {pipeline_mode = #tpu.pipeline_mode<synchronous>, transform_indices = @transform_9, window_bounds = array<i64: 1, 128>}, {pipeline_mode = #tpu.pipeline_mode<synchronous>, transform_indices = @transform_10, window_bounds = array<i64: 1, 128>}, {pipeline_mode = #tpu.pipeline_mode<synchronous>, transform_indices = @transform_11, window_bounds = array<i64: 1, 128>}, {transform_indices = @transform_12, window_bounds = array<i64: 1000, 128>}]} {
    %get3A = arith.constant 0 : index
    %get3A_0 = arith.constant 0 : index
    %get3A_1 = vector.load %arg4[%get3A, %get3A_0] : memref<1000x16xf32, #tpu.memory_space<vmem>>, vector<1000x16xf32>
    %get3A_2 = arith.constant 0 : index
    %get3A_3 = arith.constant 0 : index
    %get3A_4 = vector.load %arg5[%get3A_2, %get3A_3] : memref<1000x16xf32, #tpu.memory_space<vmem>>, vector<1000x16xf32>
    %add3A = arith.addf %get3A_1, %get3A_4 : vector<1000x16xf32>
    %add3A_5 = arith.constant 1.000000e-30 : f32
    %add3A_6 = vector.broadcast %add3A_5 : f32 to vector<1000x16xf32>
    %add3A_7 = arith.addf %add3A, %add3A_6 : vector<1000x16xf32>
    %div3A = arith.constant 1.000000e+00 : f32
    %div3A_8 = vector.broadcast %div3A : f32 to vector<1000x16xf32>
    %div3A_9 = arith.divf %div3A_8, %add3A_7 : vector<1000x16xf32>
    %get3A_10 = arith.constant 0 : index
    %get3A_11 = arith.constant 0 : index
    %get3A_12 = vector.load %arg2[%get3A_10, %get3A_11] : memref<1000x128xf32, #tpu.memory_space<vmem>>, vector<1000x128xf32>
    %get3A_13 = arith.constant 0 : index
    %get3A_14 = arith.constant 0 : index
    %get3A_15 = vector.load %arg3[%get3A_13, %get3A_14] : memref<1000x128xf32, #tpu.memory_space<vmem>>, vector<1000x128xf32>
    %add3A_16 = arith.addf %get3A_12, %get3A_15 : vector<1000x128xf32>
    %slice3A = vector.extract_strided_slice %div3A_9 {offsets = [0, 0], sizes = [1000, 1], strides = [1, 1]} : vector<1000x16xf32> to vector<1000x1xf32>
    %broadcast_in_dim3A = vector.shape_cast %slice3A : vector<1000x1xf32> to vector<1000x1xf32>
    %broadcast_in_dim3A_17 = vector.broadcast %broadcast_in_dim3A : vector<1000x1xf32> to vector<1000x32xf32>
    %slice3A_18 = vector.extract_strided_slice %div3A_9 {offsets = [0, 1], sizes = [1000, 1], strides = [1, 1]} : vector<1000x16xf32> to vector<1000x1xf32>
    %broadcast_in_dim3A_19 = vector.shape_cast %slice3A_18 : vector<1000x1xf32> to vector<1000x1xf32>
    %broadcast_in_dim3A_20 = vector.broadcast %broadcast_in_dim3A_19 : vector<1000x1xf32> to vector<1000x32xf32>
    %slice3A_21 = vector.extract_strided_slice %div3A_9 {offsets = [0, 2], sizes = [1000, 1], strides = [1, 1]} : vector<1000x16xf32> to vector<1000x1xf32>
    %broadcast_in_dim3A_22 = vector.shape_cast %slice3A_21 : vector<1000x1xf32> to vector<1000x1xf32>
    %broadcast_in_dim3A_23 = vector.broadcast %broadcast_in_dim3A_22 : vector<1000x1xf32> to vector<1000x32xf32>
    %slice3A_24 = vector.extract_strided_slice %div3A_9 {offsets = [0, 3], sizes = [1000, 1], strides = [1, 1]} : vector<1000x16xf32> to vector<1000x1xf32>
    %broadcast_in_dim3A_25 = vector.shape_cast %slice3A_24 : vector<1000x1xf32> to vector<1000x1xf32>
    %broadcast_in_dim3A_26 = vector.broadcast %broadcast_in_dim3A_25 : vector<1000x1xf32> to vector<1000x32xf32>
    %concatenate3A = tpu.concatenate %broadcast_in_dim3A_17, %broadcast_in_dim3A_20, %broadcast_in_dim3A_23, %broadcast_in_dim3A_26 in 1 : vector<1000x32xf32>, vector<1000x32xf32>, vector<1000x32xf32>, vector<1000x32xf32> -> vector<1000x128xf32>
    %mul3A = arith.mulf %add3A_16, %concatenate3A : vector<1000x128xf32>
    %get3A_27 = arith.constant 0 : index
    %get3A_28 = arith.constant 0 : index
    %get3A_29 = vector.load %arg1[%get3A_27, %get3A_28] : memref<1000x128xf32, #tpu.memory_space<vmem>>, vector<1000x128xf32>
    %get3A_30 = arith.constant 0 : index
    %get3A_31 = arith.constant 0 : index
    %get3A_32 = vector.load %arg6[%get3A_30, %get3A_31] : memref<128x128xf32, #tpu.memory_space<vmem>>, vector<128x128xf32>
    %dot_general3A = arith.constant dense<0.000000e+00> : vector<1000x128xf32>
    %dot_general3A_33 = tpu.matmul %get3A_29, %get3A_32, %dot_general3A {dimension_numbers = #tpu.dot_dimension_numbers<[1], [0], [0], [1], [0, 0, 1, 1], [], []>, transpose_lhs_hint = false} : vector<1000x128xf32>, vector<128x128xf32>, vector<1000x128xf32> -> vector<1000x128xf32>
    %get3A_34 = arith.constant 0 : index
    %get3A_35 = arith.constant 0 : index
    %get3A_36 = vector.load %arg7[%get3A_34, %get3A_35] : memref<128x128xf32, #tpu.memory_space<vmem>>, vector<128x128xf32>
    %dot_general3A_37 = arith.constant dense<0.000000e+00> : vector<1000x128xf32>
    %dot_general3A_38 = tpu.matmul %mul3A, %get3A_36, %dot_general3A_37 {dimension_numbers = #tpu.dot_dimension_numbers<[1], [0], [0], [1], [0, 0, 1, 1], [], []>, transpose_lhs_hint = false} : vector<1000x128xf32>, vector<128x128xf32>, vector<1000x128xf32> -> vector<1000x128xf32>
    %add3A_39 = arith.addf %dot_general3A_33, %dot_general3A_38 : vector<1000x128xf32>
    %get3A_40 = arith.constant 0 : index
    %get3A_41 = arith.constant 0 : index
    %get3A_42 = vector.load %arg9[%get3A_40, %get3A_41] : memref<1x128xf32, #tpu.memory_space<vmem>>, vector<1x128xf32>
    %add3A_43 = vector.broadcast %get3A_42 : vector<1x128xf32> to vector<1000x128xf32>
    %add3A_44 = arith.addf %add3A_39, %add3A_43 : vector<1000x128xf32>
    %max3A = arith.constant 0.000000e+00 : f32
    %max3A_45 = vector.broadcast %max3A : f32 to vector<1000x128xf32>
    %max3A_46 = arith.maximumf %add3A_44, %max3A_45 : vector<1000x128xf32>
    %get3A_47 = arith.constant 0 : index
    %get3A_48 = arith.constant 0 : index
    %get3A_49 = vector.load %arg8[%get3A_47, %get3A_48] : memref<128x128xf32, #tpu.memory_space<vmem>>, vector<128x128xf32>
    %dot_general3A_50 = arith.constant dense<0.000000e+00> : vector<1000x128xf32>
    %dot_general3A_51 = tpu.matmul %max3A_46, %get3A_49, %dot_general3A_50 {dimension_numbers = #tpu.dot_dimension_numbers<[1], [0], [0], [1], [0, 0, 1, 1], [], []>, transpose_lhs_hint = false} : vector<1000x128xf32>, vector<128x128xf32>, vector<1000x128xf32> -> vector<1000x128xf32>
    %get3A_52 = arith.constant 0 : index
    %get3A_53 = arith.constant 0 : index
    %get3A_54 = vector.load %arg10[%get3A_52, %get3A_53] : memref<1x128xf32, #tpu.memory_space<vmem>>, vector<1x128xf32>
    %add3A_55 = vector.broadcast %get3A_54 : vector<1x128xf32> to vector<1000x128xf32>
    %add3A_56 = arith.addf %dot_general3A_51, %add3A_55 : vector<1000x128xf32>
    %add3A_57 = arith.addf %get3A_29, %add3A_56 : vector<1000x128xf32>
    %reduce_sum3A = arith.constant dense<0.000000e+00> : vector<1000xf32>
    %reduce_sum3A_58 = vector.multi_reduction <add>, %add3A_57, %reduce_sum3A [1] : vector<1000x128xf32> to vector<1000xf32>
    %broadcast_in_dim3A_59 = vector.shape_cast %reduce_sum3A_58 : vector<1000xf32> to vector<1000x1xf32>
    %div3A_60 = arith.constant 1.280000e+02 : f32
    %div3A_61 = vector.broadcast %div3A_60 : f32 to vector<1000x1xf32>
    %div3A_62 = arith.divf %broadcast_in_dim3A_59, %div3A_61 : vector<1000x1xf32>
    %sub3A = vector.broadcast %div3A_62 : vector<1000x1xf32> to vector<1000x128xf32>
    %sub3A_63 = arith.subf %add3A_57, %sub3A : vector<1000x128xf32>
    %mul3A_64 = arith.mulf %sub3A_63, %sub3A_63 : vector<1000x128xf32>
    %reduce_sum3A_65 = arith.constant dense<0.000000e+00> : vector<1000xf32>
    %reduce_sum3A_66 = vector.multi_reduction <add>, %mul3A_64, %reduce_sum3A_65 [1] : vector<1000x128xf32> to vector<1000xf32>
    %broadcast_in_dim3A_67 = vector.shape_cast %reduce_sum3A_66 : vector<1000xf32> to vector<1000x1xf32>
    %div3A_68 = arith.constant 1.280000e+02 : f32
    %div3A_69 = vector.broadcast %div3A_68 : f32 to vector<1000x1xf32>
    %div3A_70 = arith.divf %broadcast_in_dim3A_67, %div3A_69 : vector<1000x1xf32>
    %add3A_71 = arith.constant 9.99999974E-6 : f32
    %add3A_72 = vector.broadcast %add3A_71 : f32 to vector<1000x1xf32>
    %add3A_73 = arith.addf %div3A_70, %add3A_72 : vector<1000x1xf32>
    %rsqrt3A = math.rsqrt %add3A_73 : vector<1000x1xf32>
    %mul3A_74 = vector.broadcast %rsqrt3A : vector<1000x1xf32> to vector<1000x128xf32>
    %mul3A_75 = arith.mulf %sub3A_63, %mul3A_74 : vector<1000x128xf32>
    %get3A_76 = arith.constant 0 : index
    %get3A_77 = arith.constant 0 : index
    %get3A_78 = vector.load %arg11[%get3A_76, %get3A_77] : memref<1x128xf32, #tpu.memory_space<vmem>>, vector<1x128xf32>
    %mul3A_79 = vector.broadcast %get3A_78 : vector<1x128xf32> to vector<1000x128xf32>
    %mul3A_80 = arith.mulf %mul3A_75, %mul3A_79 : vector<1000x128xf32>
    %get3A_81 = arith.constant 0 : index
    %get3A_82 = arith.constant 0 : index
    %get3A_83 = vector.load %arg12[%get3A_81, %get3A_82] : memref<1x128xf32, #tpu.memory_space<vmem>>, vector<1x128xf32>
    %add3A_84 = vector.broadcast %get3A_83 : vector<1x128xf32> to vector<1000x128xf32>
    %add3A_85 = arith.addf %mul3A_80, %add3A_84 : vector<1000x128xf32>
    %swap3A = arith.constant 0 : index
    %swap3A_86 = arith.constant 0 : index
    %swap3A_87 = vector.load %arg13[%swap3A, %swap3A_86] : memref<1000x128xf32, #tpu.memory_space<vmem>>, vector<1000x128xf32>
    tpu.vector_store %arg13[%swap3A, %swap3A_86], %add3A_85 {strides = array<i32>} : memref<1000x128xf32, #tpu.memory_space<vmem>>, vector<1000x128xf32>,
    return
  }
  func.func @transform_0(%arg0: i32) -> (i32, i32) {
    %c0_i32 = arith.constant 0 : i32
    %c0_i32_0 = arith.constant 0 : i32
    return %arg0, %c0_i32 : i32, i32
  }
  func.func @transform_1(%arg0: i32) -> (i32, i32) {
    %c0_i32 = arith.constant 0 : i32
    %c0_i32_0 = arith.constant 0 : i32
    return %arg0, %c0_i32 : i32, i32
  }
  func.func @transform_2(%arg0: i32) -> (i32, i32) {
    %c0_i32 = arith.constant 0 : i32
    %c0_i32_0 = arith.constant 0 : i32
    return %arg0, %c0_i32 : i32, i32
  }
  func.func @transform_3(%arg0: i32) -> (i32, i32) {
    %c0_i32 = arith.constant 0 : i32
    %c0_i32_0 = arith.constant 0 : i32
    return %arg0, %c0_i32 : i32, i32
  }
  func.func @transform_4(%arg0: i32) -> (i32, i32) {
    %c0_i32 = arith.constant 0 : i32
    %c0_i32_0 = arith.constant 0 : i32
    return %arg0, %c0_i32 : i32, i32
  }
  func.func @transform_5(%arg0: i32) -> (i32, i32) {
    %c0_i32 = arith.constant 0 : i32
    %c0_i32_0 = arith.constant 0 : i32
    %c0_i32_1 = arith.constant 0 : i32
    return %c0_i32, %c0_i32_0 : i32, i32
  }
  func.func @transform_6(%arg0: i32) -> (i32, i32) {
    %c0_i32 = arith.constant 0 : i32
    %c0_i32_0 = arith.constant 0 : i32
    %c0_i32_1 = arith.constant 0 : i32
    return %c0_i32, %c0_i32_0 : i32, i32
  }
  func.func @transform_7(%arg0: i32) -> (i32, i32) {
    %c0_i32 = arith.constant 0 : i32
    %c0_i32_0 = arith.constant 0 : i32
    %c0_i32_1 = arith.constant 0 : i32
    return %c0_i32, %c0_i32_0 : i32, i32
  }
  func.func @transform_8(%arg0: i32) -> (i32, i32) {
    %c0_i32 = arith.constant 0 : i32
    %c0_i32_0 = arith.constant 0 : i32
    %c0_i32_1 = arith.constant 0 : i32
    return %c0_i32, %c0_i32_0 : i32, i32
  }
  func.func @transform_9(%arg0: i32) -> (i32, i32) {
    %c0_i32 = arith.constant 0 : i32
    %c0_i32_0 = arith.constant 0 : i32
    %c0_i32_1 = arith.constant 0 : i32
    return %c0_i32, %c0_i32_0 : i32, i32
  }
  func.func @transform_10(%arg0: i32) -> (i32, i32) {
    %c0_i32 = arith.constant 0 : i32
    %c0_i32_0 = arith.constant 0 : i32
    %c0_i32_1 = arith.constant 0 : i32
    return %c0_i32, %c0_i32_0 : i32, i32
  }
  func.func @transform_11(%arg0: i32) -> (i32, i32) {
    %c0_i32 = arith.constant 0 : i32
    %c0_i32_0 = arith.constant 0 : i32
    %c0_i32_1 = arith.constant 0 : i32
    return %c0_i32, %c0_i32_0 : i32, i32
  }
  func.func @transform_12(%arg0: i32) -> (i32, i32) {
    %c0_i32 = arith.constant 0 : i32
    %c0_i32_0 = arith.constant 0 : i32
    return %arg0, %c0_i32 : i32, i32
  }
}

</mosaic_0001>

<sc_bundles>
// kernel: kernel.6.cloned.1.call-start
scs
__scs_entry_jumppad:
0x0: {  	(pc) =	sbr.rel $0x88, $3  }
0x1: {  	(tag) =	ssettag $0x0;
	lr =	simm.s32 $0x1  }
0x2: {  	[smem:$0x3F93] =	sst lr;
	_ =	strace $0xD0000000  }
0x3: {  	_ = 	snop  }
0x4: {  	_ = 	snop  }
0x5: {  	_ = 	snop  }
0x6: {  	_ = 	snop  }
0x7: {  	_ = 	snop  }
__scs_overlays_trampoline_lowered:
0x8: {  	[smem:$0x3FA2] =	sst s0  }
0x9: {  	[smem:$0x3FA3] =	sst s1  }
0xa: {  	[smem:$0x3FA4] =	sst s2  }
0xb: {  	[smem:$0x3FA5] =	sst s3  }
0xc: {  	[smem:$0x3FA6] =	sst s4  }
0xd: {  	[smem:$0x3FA7] =	sst s5  }
0xe: {  	[smem:$0x3FA8] =	sst s6  }
0xf: {  	[smem:$0x3FA9] =	sst s7  }
0x10: {  	[smem:$0x3FAA] =	sst s8  }
0x11: {  	[smem:$0x3FAB] =	sst s9;
	s0 =	simm.s32 @!p0 $0x0  }
0x12: {  	s1 =	sld [smem:$0x3F91];
	s0 =	simm.s32 @p0 $0x1  }
0x13: {  	[smem:$0x3FAC] =	sst s0;
	s0 =	simm.s32 @!p1 $0x0  }
0x14: {  	s2 =	sld [smem:$0x3F90];
	s0 =	simm.s32 @p1 $0x1  }
0x15: {  	[smem:$0x3FAD] =	sst s0;
	s0 =	simm.s32 @!p2 $0x0  }
0x16: {  	s3 =	sld [smem:$0x3FDB];
	s0 =	simm.s32 @p2 $0x1  }
0x17: {  	s4 =	simm.s32 $0x1BF5;
	[smem:$0x3FAF] =	sst s0  }
0x18: {  	s0 =	sld [smem:$0x3F92];
	_ =	swait.ge [sflag:s4], $0x0  }
0x19: {  	s7 =	sld [smem:$0x3F93]  }
0x1a: {  	s8 =	sadd.s32 $0xFFFFE003, lr  }
0x1b: {  	s9 =	sadd.s32 $0xFFFFFEF7, lr;
	s5 =	simm.s32 $0xFFFFFFFF;
	p2 =	slt.u32 s8, $0xFFFFF086  }
0x1c: {  	p1 =	slt.u32 s9, $0xF7A;
	s5 =	simm.s32 @!p2 $0x0  }
0x1d: {  	s5 =	simm.s32 @p1 $0x1;
	p0 =	seq.s32 s7, s2  }
0x1e: {  	s7 =	smul.u32 @!p0 $0xF7A, s2;
	p2 =	seq.s32 @!p0 s5, $0x0  }
0x1f: {  	s9 =	smul.u32 $0xF7A, s1;
	s8 =	simm.s32 @!p0 $0x1BF5;
	p2 =	por !p2, p0  }
0x20: {  	[sflag:s8] =	ssyncset.s32 @!p0 $0xFFFFF086;
	s6 =	sadd.s32 @!p0 s3, s7;
	s7 =	simm.s32 @!p0 $0x108  }
0x21: {  	s3 =	sadd.s32 s3, s9;
	s6 =	sadd.s32 @!p0 $0x88, s6;
	s7 =	simm.s32 @p2 $0x1082  }
0x22: {  	[simem:s7], [sflag:s8] =	dma.local @!p0 [hbm:s6], $0xF7A  }
0x23: {  	s9 =	sor.u32 $0xD0000000, s2;
	s6 =	simm.s32 $0x108;
	_ =	swait.ge @!p0 [sflag:s8], $0x0  }
0x24: {  	s3 =	sadd.s32 $0x88, s3;
	s6 =	simm.s32 @!p1 $0x1082;
	[sflag:s4] =	ssyncset.s32 $0xFFFFF086  }
0x25: {  	[simem:s6], [sflag:s4] =	dma.local [hbm:s3], $0xF7A  }
0x26: {  	[smem:$0x3F93] =	sst s1;
	(tag) =	ssettag s2;
	_ =	strace s9  }
0x27: {  	s1 =	sld [smem:$0x3FA3]  }
0x28: {  	s2 =	sld [smem:$0x3FA4]  }
0x29: {  	s4 =	sld [smem:$0x3FA6]  }
0x2a: {  	p0 =	seq.s32 s5, $0x0;
	s5 =	sld [smem:$0x3FA7]  }
0x2b: {  	s6 =	sld [smem:$0x3FA8]  }
0x2c: {  	s7 =	sld [smem:$0x3FA9]  }
0x2d: {  	s3 =	simm.s32 $0x108;
	s8 =	sld [smem:$0x3FAA]  }
0x2e: {  	s3 =	simm.s32 @!p0 $0x1082;
	s9 =	sld [smem:$0x3FAB]  }
0x2f: {  	lr =	sadd.s32 s0, s3;
	s0 =	sld [smem:$0x3FA2]  }
0x30: {  	s3 =	sld [smem:$0x3FA5]  }
0x31: {  	[smem:$0x3FAE] =	sst s10  }
0x32: {  	s10 =	sld [smem:$0x3FAC];
	_ =	sdelay $0x3  }
0x33: {  	p0 =	seq.s32 s10, $0x1;
	s10 =	sld [smem:$0x3FAE];
	_ =	sdelay $0x3  }
0x34: {  	[smem:$0x3FAE] =	sst s10  }
0x35: {  	s10 =	sld [smem:$0x3FAD];
	_ =	sdelay $0x3  }
0x36: {  	p1 =	seq.s32 s10, $0x1;
	s10 =	sld [smem:$0x3FAE];
	_ =	sdelay $0x3  }
0x37: {  	[smem:$0x3FAE] =	sst s10  }
0x38: {  	s10 =	sld [smem:$0x3FAF]  }
0x39: {  	_ = 	snop;
	(pc) =	sbr.ind lr, $3  }
0x3a: {  	_ = 	snop  }
0x3b: {  	_ = 	snop  }
0x3c: {  	p2 =	seq.s32 s10, $0x1;
	s10 =	sld [smem:$0x3FAE]  }
0x3d: {  	_ =	shalt  }
0x3e: {  	_ =	shalt  }
0x3f: {  	_ =	shalt  }
0x40: {  	_ =	shalt  }
0x41: {  	_ =	shalt  }
0x42: {  	_ =	shalt  }
0x43: {  	_ =	shalt  }
0x44: {  	_ =	shalt  }
0x45: {  	_ =	shalt  }
0x46: {  	_ =	shalt  }
0x47: {  	_ =	shalt  }
0x48: {  	_ =	shalt  }
0x49: {  	_ =	shalt  }
0x4a: {  	_ =	shalt  }
0x4b: {  	_ =	shalt  }
0x4c: {  	_ =	shalt  }
0x4d: {  	_ =	shalt  }
0x4e: {  	_ =	shalt  }
0x4f: {  	_ =	shalt  }
0x50: {  	_ =	shalt  }
0x51: {  	_ =	shalt  }
0x52: {  	_ =	shalt  }
0x53: {  	_ =	shalt  }
0x54: {  	_ =	shalt  }
0x55: {  	_ =	shalt  }
0x56: {  	_ =	shalt  }
0x57: {  	_ =	shalt  }
0x58: {  	_ =	shalt  }
0x59: {  	_ =	shalt  }
0x5a: {  	_ =	shalt  }
0x5b: {  	_ =	shalt  }
0x5c: {  	_ =	shalt  }
0x5d: {  	_ =	shalt  }
0x5e: {  	_ =	shalt  }
0x5f: {  	_ =	shalt  }
0x60: {  	_ =	shalt  }
0x61: {  	_ =	shalt  }
0x62: {  	_ =	shalt  }
0x63: {  	_ =	shalt  }
0x64: {  	_ =	shalt  }
0x65: {  	_ =	shalt  }
0x66: {  	_ =	shalt  }
0x67: {  	_ =	shalt  }
0x68: {  	_ =	shalt  }
0x69: {  	_ =	shalt  }
0x6a: {  	_ =	shalt  }
0x6b: {  	_ =	shalt  }
0x6c: {  	_ =	shalt  }
0x6d: {  	_ =	shalt  }
0x6e: {  	_ =	shalt  }
0x6f: {  	_ =	shalt  }
0x70: {  	_ =	shalt  }
0x71: {  	_ =	shalt  }
0x72: {  	_ =	shalt  }
0x73: {  	_ =	shalt  }
0x74: {  	_ =	shalt  }
0x75: {  	_ =	shalt  }
0x76: {  	_ =	shalt  }
0x77: {  	_ =	shalt  }
0x78: {  	_ =	shalt  }
0x79: {  	_ =	shalt  }
0x7a: {  	_ =	shalt  }
0x7b: {  	_ =	shalt  }
0x7c: {  	_ =	shalt  }
0x7d: {  	_ =	shalt  }
0x7e: {  	_ =	shalt  }
0x7f: {  	_ =	shalt  }
0x80: {  	_ =	shalt  }
0x81: {  	_ =	shalt  }
0x82: {  	_ =	shalt  }
0x83: {  	_ =	shalt  }
0x84: {  	_ =	shalt  }
0x85: {  	_ =	shalt  }
0x86: {  	_ =	shalt  }
0x87: {  	_ =	shalt  }
.Lfunc_end0:
.L_simem_size_0:
called_computation_lowered:
.L_overlay_start_0:
0x88: {  	s2 =	sld [smem:$0x3FD9]  }
0x89: {  	s3 =	sld [smem:$0x3FFE];
	_ =	sdelay $0x1  }
0x8a: {  	s1 =	srdreg.scid  }
0x8b: {  	s0 =	sand.u32 $0x1, s1  }
0x8c: {  	s17 =	sshll.u32 s0, $0xA;
	s2 =	sadd.s32 s3, s2  }
0x8d: {  	s2 =	sadd.s32 s2, s17  }
0x8e: {  	[smem:$0x3FBA] =	sst s2  }
0x8f: {  	_ = 	snop  }
0x90: {  	s2 =	sld [smem:$0x3FD0];
	(tm) =	ssettm $0x1  }
0x91: {  	s18 =	sld [smem:$0x3FFB];
	_ =	sdelay $0x3  }
0x92: {  	_ =	strace s18  }
0x93: {  	s3 =	sld [smem:$0x3FFC];
	_ =	sdelay $0x3  }
0x94: {  	_ =	strace s3  }
0x95: {  	s3 =	sld [smem:$0x3FFD];
	_ =	sdelay $0x3  }
0x96: {  	_ =	strace s3  }
0x97: {  	_ =	strace $0x8FFFFFFF  }
0x98: {  	s19 =	sld [smem:$0x3FDB];
	_ =	sdelay $0x1  }
0x99: {  	s4 =	simm.s32 $_scs_section_size  }
0x9a: {  	s5 =	simm.s32 $_size__tile_overlayer_lowered;
	s6 =	simm.s32 $_tile_overlayer_lowered  }
0x9b: {  	s22 =	simm.s32 $0x1BFF;
	s21 =	sshll.u32 s6, $0x1;
	s3 =	sadd.s32 s4, s19  }
0x9c: {  	s7 =	simm.s32 $0x0;
	s20 =	sshll.u32 s5, $0x1;
	s5 =	sadd.s32 s21, s3  }
0x9d: {  	[timem:s7], [sflag:s22] =	dma.local [hbm:s5], s20  }
0x9e: {  	_ =	swait.ge [sflag:s22], s20  }
0x9f: {  	s4 =	ssub.s32 $0x0, s20;
	[sflag:s22] =	ssyncset.done $0x0  }
0xa0: {  	[sflag:s22] =	ssyncadd.s32 s4;
	_ =	sdelay $0x1  }
0xa1: {  	s23 =	simm.s32 $0x1B8B  }
0xa2: {  	_ =	swait.ge [sflag:s23], $0x1  }
0xa3: {  	[sflag:s23] =	ssyncset.done $0x0  }
0xa4: {  	s25 =	simm.s32 $0x1B8E;
	s24 =	sld [smem:$0x3FFE];
	[sflag:s23] =	ssyncadd.s32 $0xFFFFFFFF  }
0xa5: {  	s26 =	simm.s32 $execute0_lowered;
	[smem:$0x3FD2] =	sst s25  }
0xa6: {  	s5 =	sshll.u32 s26, $0x1;
	_ =	strace $0x80000046;
	[dreg:$0x1] =	wrdreg $0xFFFFFFFF  }
0xa7: {  	s28 =	simm.s32 $_size_execute0_lowered;
	s3 =	sadd.s32 s3, s5;
	[dreg:$0x0] =	wrdreg $0x0  }
0xa8: {  	s5 =	sshll.u32 s28, $0x1;
	[dreg:$0x2] =	wrdreg s3  }
0xa9: {  	[dreg:$0x3] =	wrdreg s5  }
0xaa: {  	[dreg:$0x4] =	wrdreg $0xC0  }
0xab: {  	_ =	task [dreg:s7], $0x5FFFF  }
0xac: {  	[dreg:$0x1] =	wrdreg $0xFFFFFFFF  }
0xad: {  	[dreg:$0x0] =	wrdreg $0x60  }
0xae: {  	[dreg:$0x2] =	wrdreg s24  }
0xaf: {  	[dreg:$0x3] =	wrdreg s2  }
0xb0: {  	[dreg:$0x4] =	wrdreg $0xA1800  }
0xb1: {  	[dreg:$0x5] =	wrdreg $0x1E1800  }
0xb2: {  	[dreg:$0x6] =	wrdreg $0x9  }
0xb3: {  	_ =	task.clear_ibuf [dreg:s7], $0x7FFFF;
	_ =	strace $0x90000046  }
0xb4: {  	s29 =	simm.s32 $0x9;
	_ =	strace $0x80000048  }
0xb5: {  	_ =	swait.ge [sflag:s29], $0x1  }
0xb6: {  	[sflag:s29] =	ssyncadd.s32 $0xFFFFFFFF  }
0xb7: {  	_ =	strace $0x90000048  }
0xb8: {  	_ =	sfence  }
0xb9: {  	s30 =	sld [smem:$0x0];
	_ =	sdelay $0x2  }
0xba: {  	s31 =	sshll.u32 s1, $0xD;
	s1 =	sshrl.u32 s1, $0x2  }
0xbb: {  	s3 =	sand.u32 $0x4000, s31;
	s1 =	sadd.s32 s1, s30  }
0xbc: {  	s0 =	sor.u32 s3, s0;
	s1 =	sshll.u32 s1, $0x11  }
0xbd: {  	s0 =	sor.u32 s1, s0  }
0xbe: {  	s0 =	sadd.s32 $0x8F2B, s0  }
0xbf: {  	[sflag:s0] =	ssyncadd.remote.s32 $0x1  }
0xc0: {  	_ =	sfence.sel $0xFFFF  }
0xc1: {  	[dreg:$0x0] =	wrdreg $0xFFFFFFFF;
	(pc) =	sbr.abs _section_cstart, $3  }
0xc2: {  	[dreg:$0x1] =	wrdreg $0xFFFFFFFF  }
0xc3: {  	_ =	task.clear_ibuf [dreg:s7], $0x2FFFF;
	_ =	strace $0x9FFFFFFF  }
0xc4: {  	(tm) =	ssettm $0x7FFFFFFF  }
0xc5: {  	_ =	shalt  }
tec
execute0_lowered:
.L_overlay_start_1:
0x0: {  	(tag) =	ssettag $0x1  }
0x1: {  	s0 =	rddreg [dreg:$0x0]  }
0x2: {  	s1 =	rddreg [dreg:$0x1]  }
0x3: {  	s3 =	rddreg [dreg:$0x2]  }
0x4: {  	s4 =	rddreg [dreg:$0x3]  }
0x5: {  	s2 =	srdreg.scid;
	s15 =	stileid.u32  }
0x6: {  	s5 =	simm.s32 $0x0;
	s28 =	simm.s32 $0x2;
	s11 =	smul.u32 $0x2800, s15  }
0x7: {  	s29 =	simm.s32 $0x6180;
	s30 =	simm.s32 $0x40;
	s14 =	smul.u32 $0x280, s15  }
0x8: {  	s31 =	simm.s32 $0x180;
	s2 =	sand.u32 $0x1, s2;
	s16 =	smul.u32 $0x50000, s15  }
0x9: {  	[smem:$0x7FF] =	sst s5;
	s6 =	sadd.s32 $0x4600, s0;
	s12 =	smul.u32 $0x28000, s2  }
0xa: {  	s7 =	sadd.s32 $0x2C600, s0;
	s8 =	sadd.s32 $0x5FC00, s0;
	s13 =	smul.u32 $0x1400, s2  }
0xb: {  	s9 =	sadd.s32 $0x55E00, s0;
	s10 =	sadd.s32 $0xA1FE00, s0;
	s21 =	smul.u32 $0x5000, s15  }
0xc: {  	s11 =	sadd.s32 s11, s12;
	s14 =	sadd.s32 s14, s13;
	s13 =	sshrl.u32 s16, $0x2  }
0xd: {  	p0 =	sgt.u32 s15, $0x7;
	s17 =	sadd.s32 s11, s0;
	s11 =	sadd.s32 s13, s3  }
0xe: {  	_ =	strace $0x80000047;
	s18 =	ssub.s32 $0x2, s2;
	s13 =	sadd.s32 $0x2000, s11  }
0xf: {  	s2 =	sshll.u32 s2, $0x4;
	s20 =	sadd.s32 $0x4000, s11;
	[dreg:$0x5] =	wrdreg s13  }
0x10: {  	s19 =	sshrl.u32 s18, $0x1;
	s16 =	sadd.s32 $0x6000, s11;
	[dreg:$0x6] =	wrdreg s20  }
0x11: {  	s2 =	sor.u32 s15, s2;
	s22 =	sadd.s32 $0x8000, s11;
	[dreg:$0x7] =	wrdreg s16  }
0x12: {  	s12 =	ssub.s32 s18, s19;
	s23 =	sadd.s32 $0xA000, s11;
	[dreg:$0x8] =	wrdreg s22  }
0x13: {  	s0 =	sadd.s32 s14, s0;
	s24 =	sadd.s32 $0xC000, s11;
	[dreg:$0x9] =	wrdreg s23  }
0x14: {  	s14 =	simm.s32 $0x100;
	s25 =	sadd.s32 $0xE000, s11;
	[dreg:$0xa] =	wrdreg s24  }
0x15: {  	s26 =	sadd.s32 $0x10000, s11;
	[dreg:$0xb] =	wrdreg s25;
	s13 =	sshrl.u32 s21, $0x2  }
0x16: {  	v1 =	vlaneseq.u32;
	[dreg:$0xc] =	wrdreg s26;
	s20 =	sadd.s32 $0x12000, s11;
	s22 =	smul.u32 $0x2740, s2  }
0x17: {  	v6 =	vmul.u32 $0x80, v1;
	s23 =	sadd.s32 $0x8A400, s17;
	s24 =	sadd.s32 $0x87C00, s0;
	s25 =	smax.u32 s12, $0x1  }
0x18: {  	s26 =	simm.s32 $0x4180;
	s0 =	simm.s32 $0x2180;
	s2 =	simm.s32 $0x1  }
0x19: {  	v5 =	vimm.f32 $0.0e+00;
	[tilespmem:$0x1FFF0] =	vst v6;
	s12 =	simm.s32 $0x8180;
	s21 =	sadd.s32 s13, s4;
	s13 =	simm.s32 $0x80  }
.LBB2_1:
0x1a: {  	s15 =	simm.s32 $0x0;
	s16 =	simm.s32 $0x200  }
.LBB2_2:
0x1b: {  	p1 =	sne.s32 s16, $0x7E00;
	[tilespmem:s15+$0x81F0] =	vst v5  }
0x1c: {  	[tilespmem:s15+$0x4180] =	vst v5  }
0x1d: {  	[tilespmem:s15+$0x8180] =	vst v5  }
0x1e: {  	[tilespmem:s15+$0x4190] =	vst v5  }
0x1f: {  	[tilespmem:s15+$0x8190] =	vst v5  }
0x20: {  	[tilespmem:s15+$0x41A0] =	vst v5  }
0x21: {  	[tilespmem:s15+$0x81A0] =	vst v5  }
0x22: {  	[tilespmem:s15+$0x41B0] =	vst v5  }
0x23: {  	[tilespmem:s15+$0x81B0] =	vst v5  }
0x24: {  	[tilespmem:s15+$0x41C0] =	vst v5  }
0x25: {  	[tilespmem:s15+$0x81C0] =	vst v5  }
.Ltmp0:
0x26: {  	[tilespmem:s15+$0x41D0] =	vst v5;
	(pc) =	sbr.rel @p1 .LBB2_2-.Ltmp0, $4  }
0x27: {  	[tilespmem:s15+$0x81D0] =	vst v5  }
0x28: {  	[tilespmem:s15+$0x41E0] =	vst v5  }
0x29: {  	[tilespmem:s15+$0x81E0] =	vst v5  }
0x2a: {  	[tilespmem:s15+$0x41F0] =	vst v5;
	s15 =	sshra.s32 s16, $0x2;
	s16 =	sadd.s32 $0x200, s16  }
0x2b: {  	[tilespmem:s15+$0x81F0] =	vst v5  }
0x2c: {  	[tilespmem:s15+$0x4180] =	vst v5  }
0x2d: {  	[tilespmem:s15+$0x8180] =	vst v5  }
0x2e: {  	[tilespmem:s15+$0x4190] =	vst v5  }
0x2f: {  	[tilespmem:s15+$0x8190] =	vst v5  }
0x30: {  	[tilespmem:s15+$0x41A0] =	vst v5  }
0x31: {  	[tilespmem:s15+$0x81A0] =	vst v5  }
0x32: {  	[tilespmem:s15+$0x41B0] =	vst v5  }
0x33: {  	[tilespmem:s15+$0x81B0] =	vst v5  }
0x34: {  	[tilespmem:s15+$0x41C0] =	vst v5  }
0x35: {  	[tilespmem:s15+$0x81C0] =	vst v5  }
0x36: {  	[tilespmem:s15+$0x41D0] =	vst v5  }
0x37: {  	[tilespmem:s15+$0x81D0] =	vst v5  }
0x38: {  	[tilespmem:s15+$0x41E0] =	vst v5  }
0x39: {  	[tilespmem:s15+$0x81E0] =	vst v5  }
0x3a: {  	[tilespmem:s15+$0x41F0] =	vst v5  }
0x3b: {  	[spmem:s11] =	stream.linear.scatter [tilespmem:s26], [sflag:$0x2], $0x2000, $0x38;
	[tilespmem:$0x1EB80] =	vst v63  }
0x3c: {  	_ =	swait.ge [sflag:s28], $0x2000  }
0x3d: {  	[sflag:s28] =	ssyncset.done $0x0  }
0x3e: {  	s16 =	rddreg [dreg:$0x5];
	[sflag:s28] =	ssyncadd.s32 $0xFFFFE000  }
0x3f: {  	[spmem:s16] =	stream.linear.scatter [tilespmem:s26], [sflag:$0x2], $0x2000, $0x38;
	[tilespmem:$0x1EB80] =	vst v63  }
0x40: {  	_ =	swait.ge [sflag:s28], $0x2000  }
0x41: {  	[sflag:s28] =	ssyncset.done $0x0  }
0x42: {  	s17 =	rddreg [dreg:$0x6];
	[sflag:s28] =	ssyncadd.s32 $0xFFFFE000  }
0x43: {  	[spmem:s17] =	stream.linear.scatter [tilespmem:s26], [sflag:$0x2], $0x2000, $0x38;
	[tilespmem:$0x1EB80] =	vst v63  }
0x44: {  	_ =	swait.ge [sflag:s28], $0x2000  }
0x45: {  	[sflag:s28] =	ssyncset.done $0x0  }
0x46: {  	s18 =	rddreg [dreg:$0x7];
	[sflag:s28] =	ssyncadd.s32 $0xFFFFE000  }
0x47: {  	[spmem:s18] =	stream.linear.scatter [tilespmem:s26], [sflag:$0x2], $0x2000, $0x38;
	[tilespmem:$0x1EB80] =	vst v63  }
0x48: {  	_ =	swait.ge [sflag:s28], $0x2000  }
0x49: {  	[sflag:s28] =	ssyncset.done $0x0  }
0x4a: {  	s19 =	rddreg [dreg:$0x8];
	[sflag:s28] =	ssyncadd.s32 $0xFFFFE000  }
0x4b: {  	[spmem:s19] =	stream.linear.scatter [tilespmem:s26], [sflag:$0x2], $0x2000, $0x38;
	[tilespmem:$0x1EB80] =	vst v63  }
0x4c: {  	_ =	swait.ge [sflag:s28], $0x2000  }
0x4d: {  	[sflag:s28] =	ssyncset.done $0x0  }
0x4e: {  	s16 =	rddreg [dreg:$0x9];
	[sflag:s28] =	ssyncadd.s32 $0xFFFFE000  }
0x4f: {  	[spmem:s16] =	stream.linear.scatter [tilespmem:s26], [sflag:$0x2], $0x2000, $0x38;
	[tilespmem:$0x1EB80] =	vst v63  }
0x50: {  	_ =	swait.ge [sflag:s28], $0x2000  }
0x51: {  	[sflag:s28] =	ssyncset.done $0x0  }
0x52: {  	s17 =	rddreg [dreg:$0xa];
	[sflag:s28] =	ssyncadd.s32 $0xFFFFE000  }
0x53: {  	[spmem:s17] =	stream.linear.scatter [tilespmem:s26], [sflag:$0x2], $0x2000, $0x38;
	[tilespmem:$0x1EB80] =	vst v63  }
0x54: {  	_ =	swait.ge [sflag:s28], $0x2000  }
0x55: {  	[sflag:s28] =	ssyncset.done $0x0  }
0x56: {  	s18 =	rddreg [dreg:$0xb];
	[sflag:s28] =	ssyncadd.s32 $0xFFFFE000  }
0x57: {  	[spmem:s18] =	stream.linear.scatter [tilespmem:s26], [sflag:$0x2], $0x2000, $0x38;
	[tilespmem:$0x1EB80] =	vst v63  }
0x58: {  	_ =	swait.ge [sflag:s28], $0x2000  }
0x59: {  	[sflag:s28] =	ssyncset.done $0x0  }
0x5a: {  	s19 =	rddreg [dreg:$0xc];
	[sflag:s28] =	ssyncadd.s32 $0xFFFFE000  }
0x5b: {  	[spmem:s19] =	stream.linear.scatter [tilespmem:s26], [sflag:$0x2], $0x2000, $0x38;
	[tilespmem:$0x1EB80] =	vst v63  }
0x5c: {  	_ =	swait.ge [sflag:s28], $0x2000  }
0x5d: {  	[sflag:s28] =	ssyncset.done $0x0  }
0x5e: {  	[sflag:s28] =	ssyncadd.s32 $0xFFFFE000  }
0x5f: {  	[spmem:s20] =	stream.linear.scatter [tilespmem:s26], [sflag:$0x2], $0x2000, $0x38;
	[tilespmem:$0x1EB80] =	vst v63  }
0x60: {  	_ =	swait.ge [sflag:s28], $0x2000  }
0x61: {  	[sflag:s28] =	ssyncset.done $0x0  }
0x62: {  	s15 =	simm.s32 @!p0 $0x8180;
	[sflag:s28] =	ssyncadd.s32 $0xFFFFE000  }
0x63: {  	[spmem:s21] =	stream.linear.scatter @!p0 [tilespmem:s15], [sflag:$0x2], $0x1400, $0x38;
	[tilespmem:$0x1EB80] =	vst v63  }
0x64: {  	s15 =	simm.s32 @!p0 $0x2  }
0x65: {  	_ =	swait.ge @!p0 [sflag:s15], $0x1400  }
0x66: {  	[sflag:s15] =	ssyncset.done @!p0 $0x0  }
0x67: {  	[sflag:s15] =	ssyncadd.s32 @!p0 $0xFFFFEC00  }
0x68: {  	s16 =	simm.s32 $0x0;
	s15 =	simm.s32 $0x0;
	[bflag:$0x0] =	sbarrier.arrive $0xFFFF  }
.LBB2_4:
0x69: {  	s17 =	sshll.u32 s16, $0x6  }
0x6a: {  	s18 =	sadd.s32 s22, s17  }
0x6b: {  	s17 =	sshrl.u32 s18, $0x3  }
0x6c: {  	s19 =	sadd.s32 s1, s17  }
0x6d: {  	[tilespmem:s15], [sflag:$0x2] =	stream.linear.gather [hbm4b:s19+s15], $0x40, $0x38;
	[tilespmem:$0x1EB80] =	vst v63  }
0x6e: {  	_ =	swait.ge [sflag:s28], $0x40  }
0x6f: {  	[sflag:s28] =	ssyncset.done $0x0  }
0x70: {  	s19 =	sadd.s32 s9, s17;
	s17 =	simm.s32 $0x80;
	[sflag:s28] =	ssyncadd.s32 $0xFFFFFFC0  }
0x71: {  	[tilespmem:s17], [sflag:$0x2] =	stream.linear.gather [hbm4b:s19+s15], $0x40, $0x38;
	[tilespmem:$0x1EB80] =	vst v63  }
0x72: {  	_ =	swait.ge [sflag:s28], $0x40  }
0x73: {  	s18 =	sshll.u32 s18, $0x4;
	[sflag:s28] =	ssyncset.done $0x0  }
0x74: {  	s18 =	sadd.s32 s10, s18;
	[sflag:s28] =	ssyncadd.s32 $0xFFFFFFC0  }
0x75: {  	[tilespmem:s29], [sflag:$0x2] =	stream.linear.gather [hbm4b:s18+s15], $0x2000, $0x38;
	[tilespmem:$0x1EB80] =	vst v63  }
0x76: {  	_ =	swait.ge [sflag:s28], $0x2000  }
0x77: {  	[sflag:s28] =	ssyncset.done $0x0  }
0x78: {  	[sflag:s28] =	ssyncadd.s32 $0xFFFFE000  }
0x79: {  	[tilespmem:s31], [sflag:$0x1] =	stream.indirect.gather [hbm4b:s6+s30], $0x80, s17, s30, $0xb8;
	[tilespmem:$0x1EB80] =	vst v63  }
0x7a: {  	_ = 	snop  }
0x7b: {  	[tilespmem:s0], [sflag:$0x1] =	stream.indirect.gather [hbm4b:s7+s30], $0x80, s15, s30, $0xb8;
	[tilespmem:$0x1EB80] =	vst v63  }
0x7c: {  	_ = 	snop  }
0x7d: {  	[tilespmem:s26], [sflag:$0x1] =	stream.indirect.gather [hbm4b:s8+s30], $0x80, s15, s30, $0xb8;
	[tilespmem:$0x1EB80] =	vst v63  }
0x7e: {  	_ =	swait.ge [sflag:s2], $0x2000  }
0x7f: {  	[sflag:s2] =	ssyncset.done $0x0  }
0x80: {  	[sflag:s2] =	ssyncadd.s32 $0xFFFFE000  }
0x81: {  	_ =	swait.ge [sflag:s2], $0x2000  }
0x82: {  	[sflag:s2] =	ssyncset.done $0x0  }
0x83: {  	[sflag:s2] =	ssyncadd.s32 $0xFFFFE000  }
0x84: {  	_ =	swait.ge [sflag:s2], $0x2000  }
0x85: {  	[sflag:s2] =	ssyncset.done $0x0  }
0x86: {  	s19 =	simm.s32 $0x0;
	s18 =	simm.s32 $0x100;
	[sflag:s2] =	ssyncadd.s32 $0xFFFFE000  }
.LBB2_5:
0x87: {  	_ =	sdelay $0x1  }
0x88: {  	v2 =	vmov s19;
	v0 =	vld [tilespmem:s17+$0x0]  }
0x89: {  	v2 =	vshll.u32 v2, $0x7  }
0x8a: {  	v3 =	vor.u32 v6, v2;
	_ =	sdelay $0x2  }
0x8b: {  	v24 =	vshrl.u32 v0, $0x5;
	v4 =	vor.u32 $0x1, v3  }
0x8c: {  	[tilespmem:s18+$0x0] =	vst v24  }
0x8d: {  	v1 =	vor.u32 $0x2, v3;
	v25 =	vld.idx.msk [tilespmem:v3+s29+$0x0], $0xffff  }
0x8e: {  	v29 =	vld.idx.msk [tilespmem:v3+s31+$0x0], $0xffff  }
0x8f: {  	v26 =	vor.u32 $0x3, v3;
	v30 =	vld.idx.msk [tilespmem:v3+s0+$0x0], $0xffff  }
0x90: {  	v31 =	vld.idx.msk [tilespmem:v4+s31+$0x0], $0xffff  }
0x91: {  	v7 =	vor.u32 $0x4, v3;
	v33 =	vld.idx.msk [tilespmem:v4+s0+$0x0], $0xffff  }
0x92: {  	v2 =	vld.idx.msk [tilespmem:v1+s31+$0x0], $0xffff  }
0x93: {  	v8 =	vor.u32 $0x5, v3;
	[tilespmem:$0x1FE30] =	vst v4;
	v4 =	vld.idx.msk [tilespmem:v1+s0+$0x0], $0xffff  }
0x94: {  	[tilespmem:$0x1FEF0] =	vst v1;
	v1 =	vld.idx.msk [tilespmem:v26+s31+$0x0], $0xffff  }
0x95: {  	[tilespmem:$0x1FD70] =	vst v0;
	v9 =	vor.u32 $0x6, v3;
	v0 =	vld.idx.msk [tilespmem:v26+s0+$0x0], $0xffff  }
0x96: {  	v38 =	vld.idx.msk [tilespmem:v7+s31+$0x0], $0xffff  }
0x97: {  	v10 =	vor.u32 $0x7, v3;
	v39 =	vld.idx.msk [tilespmem:v7+s0+$0x0], $0xffff  }
0x98: {  	v40 =	vld.idx.msk [tilespmem:v8+s31+$0x0], $0xffff  }
0x99: {  	v11 =	vor.u32 $0x8, v3;
	v41 =	vld.idx.msk [tilespmem:v8+s0+$0x0], $0xffff  }
0x9a: {  	v42 =	vld.idx.msk [tilespmem:v9+s31+$0x0], $0xffff  }
0x9b: {  	v12 =	vor.u32 $0x9, v3;
	v43 =	vld.idx.msk [tilespmem:v9+s0+$0x0], $0xffff  }
0x9c: {  	v34 =	vld.idx.msk [tilespmem:v10+s31+$0x0], $0xffff  }
0x9d: {  	v13 =	vor.u32 $0xA, v3;
	v45 =	vld.idx.msk [tilespmem:v10+s0+$0x0], $0xffff  }
0x9e: {  	v46 =	vld.idx.msk [tilespmem:v11+s31+$0x0], $0xffff  }
0x9f: {  	v14 =	vor.u32 $0xB, v3;
	v47 =	vld.idx.msk [tilespmem:v11+s0+$0x0], $0xffff  }
0xa0: {  	v48 =	vld.idx.msk [tilespmem:v12+s31+$0x0], $0xffff  }
0xa1: {  	v15 =	vor.u32 $0xC, v3;
	v49 =	vld.idx.msk [tilespmem:v12+s0+$0x0], $0xffff  }
0xa2: {  	v62 =	vld.idx.msk [tilespmem:v13+s31+$0x0], $0xffff  }
0xa3: {  	v16 =	vor.u32 $0xD, v3;
	v35 =	vld.idx.msk [tilespmem:v13+s0+$0x0], $0xffff  }
0xa4: {  	v27 =	vld.idx.msk [tilespmem:v14+s31+$0x0], $0xffff  }
0xa5: {  	v17 =	vor.u32 $0xE, v3;
	v53 =	vld.idx.msk [tilespmem:v14+s0+$0x0], $0xffff  }
0xa6: {  	v28 =	vld.idx.msk [tilespmem:v15+s31+$0x0], $0xffff  }
0xa7: {  	v18 =	vor.u32 $0xF, v3;
	v32 =	vld.idx.msk [tilespmem:v15+s0+$0x0], $0xffff  }
0xa8: {  	v56 =	vld.idx.msk [tilespmem:v16+s31+$0x0], $0xffff  }
0xa9: {  	v19 =	vor.u32 $0x10, v3;
	v57 =	vld.idx.msk [tilespmem:v16+s0+$0x0], $0xffff  }
0xaa: {  	v58 =	vld.idx.msk [tilespmem:v17+s31+$0x0], $0xffff  }
0xab: {  	v20 =	vor.u32 $0x11, v3;
	v59 =	vld.idx.msk [tilespmem:v17+s0+$0x0], $0xffff  }
0xac: {  	v36 =	vld.idx.msk [tilespmem:v18+s31+$0x0], $0xffff  }
0xad: {  	v21 =	vor.u32 $0x12, v3;
	v37 =	vld.idx.msk [tilespmem:v18+s0+$0x0], $0xffff  }
0xae: {  	v22 =	vor.u32 $0x13, v3;
	v44 =	vld.idx.msk [tilespmem:v19+s31+$0x0], $0xffff  }
0xaf: {  	v24 =	vor.u32 $0x15, v3;
	v63 =	vld.idx.msk [tilespmem:v19+s0+$0x0], $0xffff  }
0xb0: {  	v54 =	vld.idx.msk [tilespmem:v20+s31+$0x0], $0xffff  }
0xb1: {  	v50 =	vld.idx.msk [tilespmem:v20+s0+$0x0], $0xffff  }
0xb2: {  	v60 =	vld.idx.msk [tilespmem:v21+s31+$0x0], $0xffff  }
0xb3: {  	v23 =	vor.u32 $0x14, v3;
	v6 =	vld.idx.msk [tilespmem:v22+s0+$0x0], $0xffff  }
0xb4: {  	v55 =	vld.idx.msk [tilespmem:v24+s31+$0x0], $0xffff  }
0xb5: {  	[tilespmem:$0x1FFD0] =	vst v26;
	v26 =	vor.u32 $0x17, v3;
	v51 =	vld.idx.msk [tilespmem:v24+s0+$0x0], $0xffff  }
0xb6: {  	[tilespmem:$0x1FD40] =	vst v37;
	v37 =	vld.idx.msk [tilespmem:v21+s0+$0x0], $0xffff  }
0xb7: {  	[tilespmem:$0x1FD30] =	vst v36;
	v36 =	vld.idx.msk [tilespmem:v22+s31+$0x0], $0xffff  }
0xb8: {  	[tilespmem:$0x1FD50] =	vst v44;
	v44 =	vld.idx.msk [tilespmem:v23+s31+$0x0], $0xffff  }
0xb9: {  	[tilespmem:$0x1FD20] =	vst v32;
	v32 =	vld.idx.msk [tilespmem:v23+s0+$0x0], $0xffff  }
0xba: {  	[tilespmem:$0x1FD60] =	vst v25;
	v25 =	vor.u32 $0x16, v3;
	v5 =	vld.idx.msk [tilespmem:v26+s31+$0x0], $0xffff  }
0xbb: {  	[tilespmem:$0x1FCF0] =	vst v0;
	v31 =	vmul.f32 v33, v31;
	v33 =	vmul.f32 v39, v38;
	v38 =	vld.idx.msk [tilespmem:v26+s0+$0x0], $0xffff  }
0xbc: {  	v30 =	vmul.f32 v30, v29;
	v29 =	vor.u32 $0x1A, v3;
	[tilespmem:$0x1FD00] =	vst v27;
	v0 =	vmul.f32 v4, v2;
	v2 =	vld [tilespmem:$0x1FCF0]  }
0xbd: {  	[tilespmem:$0x1FD10] =	vst v28;
	v48 =	vmul.f32 v49, v48;
	v49 =	vld [tilespmem:$0x1FD00]  }
0xbe: {  	v27 =	vor.u32 $0x18, v3;
	v35 =	vmul.f32 v35, v62;
	v62 =	vld [tilespmem:$0x1FD10]  }
0xbf: {  	v61 =	vld.idx.msk [tilespmem:v25+s31+$0x0], $0xffff  }
0xc0: {  	v39 =	vmul.f32 v41, v40;
	v40 =	vadd.f32 $0.0e+00, v30;
	v52 =	vld.idx.msk [tilespmem:v25+s0+$0x0], $0xffff  }
0xc1: {  	v28 =	vor.u32 $0x19, v3;
	v34 =	vmul.f32 v45, v34;
	v45 =	vld.idx.msk [tilespmem:v29+s31+$0x0], $0xffff  }
0xc2: {  	v40 =	vadd.f32 v33, v40;
	v33 =	vmul.f32 v43, v42;
	v43 =	vmul.f32 v47, v46;
	v47 =	vld.idx.msk [tilespmem:v29+s0+$0x0], $0xffff  }
0xc3: {  	v30 =	vor.u32 $0x1B, v3;
	v41 =	vld.idx.msk [tilespmem:v27+s31+$0x0], $0xffff  }
0xc4: {  	v46 =	vmul.f32 v53, v49;
	v53 =	vld [tilespmem:$0x1FD20]  }
0xc5: {  	v0 =	vadd.f32 $0.0e+00, v0;
	v4 =	vld.idx.msk [tilespmem:v27+s0+$0x0], $0xffff  }
0xc6: {  	v31 =	vadd.f32 $0.0e+00, v31;
	v42 =	vld.idx.msk [tilespmem:v28+s0+$0x0], $0xffff  }
0xc7: {  	v0 =	vadd.f32 v33, v0;
	v33 =	vor.u32 $0x1D, v3;
	v1 =	vmul.f32 v2, v1;
	v2 =	vld.idx.msk [tilespmem:v28+s31+$0x0], $0xffff  }
0xc8: {  	v39 =	vadd.f32 v39, v31;
	v40 =	vadd.f32 v43, v40;
	v43 =	vld.idx.msk [tilespmem:v30+s31+$0x0], $0xffff  }
0xc9: {  	v31 =	vor.u32 $0x1C, v3;
	v49 =	vmul.f32 v53, v62;
	v62 =	vmul.f32 v59, v58;
	v58 =	vld [tilespmem:$0x1FD30]  }
0xca: {  	v39 =	vadd.f32 v48, v39;
	v59 =	vld [tilespmem:$0x1FD40]  }
0xcb: {  	v48 =	vld.idx.msk [tilespmem:v30+s0+$0x0], $0xffff;
	v0 =	vadd.f32 v35, v0;
	v35 =	vor.u32 $0x1F, v3;
	v1 =	vadd.f32 $0.0e+00, v1  }
0xcc: {  	v50 =	vmul.f32 v50, v54;
	v54 =	vld.idx.msk [tilespmem:v33+s0+$0x0], $0xffff  }
0xcd: {  	v1 =	vadd.f32 v34, v1;
	v34 =	vor.u32 $0x1E, v3;
	v0 =	vadd.f32 v62, v0;
	v62 =	vld [tilespmem:$0x1FD50]  }
0xce: {  	v53 =	vmul.f32 v57, v56;
	v56 =	vld.idx.msk [tilespmem:v31+s31+$0x0], $0xffff  }
0xcf: {  	v57 =	vld.idx.msk [tilespmem:v31+s0+$0x0], $0xffff;
	v1 =	vadd.f32 v46, v1;
	v40 =	vadd.f32 v49, v40;
	v49 =	vmul.f32 v59, v58  }
0xd0: {  	v37 =	vmul.f32 v37, v60;
	v60 =	vld.idx.msk [tilespmem:v35+s31+$0x0], $0xffff;
	v39 =	vadd.f32 v53, v39  }
0xd1: {  	v6 =	vmul.f32 v6, v36;
	v32 =	vmul.f32 v32, v44;
	v53 =	vld.idx.msk [tilespmem:v33+s31+$0x0], $0xffff;
	v1 =	vadd.f32 v49, v1  }
0xd2: {  	v39 =	vadd.f32 v50, v39;
	v0 =	vadd.f32 v37, v0;
	v58 =	vld.idx.msk [tilespmem:v34+s31+$0x0], $0xffff;
	v46 =	vmul.f32 v63, v62  }
0xd3: {  	v59 =	vld.idx.msk [tilespmem:v34+s0+$0x0], $0xffff;
	v62 =	vmul.f32 v52, v61;
	v1 =	vadd.f32 v6, v1;
	v6 =	vmul.f32 v51, v55  }
0xd4: {  	v5 =	vmul.f32 v38, v5;
	v4 =	vmul.f32 v4, v41;
	v63 =	vld.idx.msk [tilespmem:v35+s0+$0x0], $0xffff;
	v40 =	vadd.f32 v46, v40  }
0xd5: {  	v2 =	vmul.f32 v42, v2;
	v0 =	vadd.f32 v62, v0;
	v6 =	vadd.f32 v6, v39  }
0xd6: {  	v32 =	vadd.f32 v32, v40;
	v1 =	vadd.f32 v5, v1;
	v5 =	vmul.f32 v47, v45  }
0xd7: {  	v41 =	vmul.f32 v54, v53;
	v2 =	vadd.f32 v2, v6;
	v6 =	vmul.f32 v48, v43  }
0xd8: {  	v4 =	vadd.f32 v4, v32;
	v0 =	vadd.f32 v5, v0;
	v5 =	vmul.f32 v57, v56  }
0xd9: {  	v42 =	vmul.f32 v63, v60;
	v1 =	vadd.f32 v6, v1;
	v6 =	vmul.f32 v59, v58  }
0xda: {  	v4 =	vadd.f32 v5, v4;
	v2 =	vadd.f32 v41, v2  }
0xdb: {  	v0 =	vadd.f32 v6, v0;
	v1 =	vadd.f32 v42, v1;
	_ =	sdelay $0x1  }
0xdc: {  	v2 =	vadd.f32 v2, v4;
	v0 =	vadd.f32 v1, v0  }
0xdd: {  	v43 =	vld [tilespmem:$0x1FD60]  }
0xde: {  	v0 =	vadd.f32 v0, v2;
	_ =	sdelay $0x1  }
0xdf: {  	v0 =	vmul.f32 $1.767766920e-01, v0;
	_ =	sdelay $0x1  }
0xe0: {  	v0 =	vadd.f32 v0, v43;
	_ =	sdelay $0x1  }
0xe1: {  	v44 =	vld [tilespmem:$0x1FD70];
	v0 =	vmul.f32 $1.442695020e+00, v0;
	_ =	sdelay $0x1  }
0xe2: {  	(erf) = vpow2.f32 v0;
	_ =	sdelay $0x2  }
0xe3: {  	v0 =	vshll.u32 v44, $0x2  }
0xe4: {  	v0 =	vand.u32 $0x7C, v0  }
0xe5: {  	v45 =	vor.u32 v3, v0;
	_ =	sdelay $0x3  }
0xe6: {  	v46 =	vpop (erf)  }
0xe7: {  	v47 =	vld [tilespmem:$0x1FE30];
	[tilespmem:v45+s12+$0x0] =	vst.idx.msk $0xffff, v46  }
0xe8: {  	v1 =	vld.idx.msk [tilespmem:v3+s26+$0x0], $0xffff;
	_ =	sdelay $0x4  }
0xe9: {  	v1 =	vmul.f32 v46, v1;
	_ =	sdelay $0x1  }
0xea: {  	v48 =	vld [tilespmem:$0x1FEF0];
	[tilespmem:v3+s26+$0x0] =	vst.idx.msk $0xffff, v1  }
0xeb: {  	v1 =	vld.idx.msk [tilespmem:v47+s26+$0x0], $0xffff;
	_ =	sdelay $0x4  }
0xec: {  	v1 =	vmul.f32 v46, v1;
	_ =	sdelay $0x1  }
0xed: {  	v49 =	vld [tilespmem:$0x1FFD0];
	[tilespmem:v47+s26+$0x0] =	vst.idx.msk $0xffff, v1  }
0xee: {  	v1 =	vld.idx.msk [tilespmem:v48+s26+$0x0], $0xffff;
	_ =	sdelay $0x4  }
0xef: {  	v1 =	vmul.f32 v46, v1;
	_ =	sdelay $0x1  }
0xf0: {  	[tilespmem:v48+s26+$0x0] =	vst.idx.msk $0xffff, v1  }
0xf1: {  	v1 =	vld.idx.msk [tilespmem:v49+s26+$0x0], $0xffff;
	_ =	sdelay $0x4  }
0xf2: {  	v1 =	vmul.f32 v46, v1;
	_ =	sdelay $0x1  }
0xf3: {  	[tilespmem:v49+s26+$0x0] =	vst.idx.msk $0xffff, v1  }
0xf4: {  	v1 =	vld.idx.msk [tilespmem:v7+s26+$0x0], $0xffff;
	_ =	sdelay $0x4  }
0xf5: {  	v1 =	vmul.f32 v1, v46;
	_ =	sdelay $0x1  }
0xf6: {  	[tilespmem:v7+s26+$0x0] =	vst.idx.msk $0xffff, v1  }
0xf7: {  	v1 =	vld.idx.msk [tilespmem:v8+s26+$0x0], $0xffff;
	_ =	sdelay $0x4  }
0xf8: {  	v1 =	vmul.f32 v1, v46;
	_ =	sdelay $0x1  }
0xf9: {  	[tilespmem:v8+s26+$0x0] =	vst.idx.msk $0xffff, v1  }
0xfa: {  	v1 =	vld.idx.msk [tilespmem:v9+s26+$0x0], $0xffff;
	_ =	sdelay $0x4  }
0xfb: {  	v1 =	vmul.f32 v1, v46;
	_ =	sdelay $0x1  }
0xfc: {  	[tilespmem:v9+s26+$0x0] =	vst.idx.msk $0xffff, v1  }
0xfd: {  	v1 =	vld.idx.msk [tilespmem:v10+s26+$0x0], $0xffff;
	_ =	sdelay $0x4  }
0xfe: {  	v1 =	vmul.f32 v1, v46;
	_ =	sdelay $0x1  }
0xff: {  	[tilespmem:v10+s26+$0x0] =	vst.idx.msk $0xffff, v1  }
0x100: {  	v1 =	vld.idx.msk [tilespmem:v11+s26+$0x0], $0xffff;
	_ =	sdelay $0x4  }
0x101: {  	v1 =	vmul.f32 v1, v46;
	_ =	sdelay $0x1  }
0x102: {  	[tilespmem:v11+s26+$0x0] =	vst.idx.msk $0xffff, v1  }
0x103: {  	v1 =	vld.idx.msk [tilespmem:v12+s26+$0x0], $0xffff;
	_ =	sdelay $0x4  }
0x104: {  	v1 =	vmul.f32 v1, v46;
	_ =	sdelay $0x1  }
0x105: {  	[tilespmem:v12+s26+$0x0] =	vst.idx.msk $0xffff, v1  }
0x106: {  	v1 =	vld.idx.msk [tilespmem:v13+s26+$0x0], $0xffff;
	_ =	sdelay $0x4  }
0x107: {  	v1 =	vmul.f32 v1, v46;
	_ =	sdelay $0x1  }
0x108: {  	[tilespmem:v13+s26+$0x0] =	vst.idx.msk $0xffff, v1  }
0x109: {  	v1 =	vld.idx.msk [tilespmem:v14+s26+$0x0], $0xffff;
	_ =	sdelay $0x4  }
0x10a: {  	v1 =	vmul.f32 v1, v46;
	_ =	sdelay $0x1  }
0x10b: {  	[tilespmem:v14+s26+$0x0] =	vst.idx.msk $0xffff, v1  }
0x10c: {  	v1 =	vld.idx.msk [tilespmem:v15+s26+$0x0], $0xffff;
	_ =	sdelay $0x4  }
0x10d: {  	v1 =	vmul.f32 v1, v46;
	_ =	sdelay $0x1  }
0x10e: {  	[tilespmem:v15+s26+$0x0] =	vst.idx.msk $0xffff, v1  }
0x10f: {  	v1 =	vld.idx.msk [tilespmem:v16+s26+$0x0], $0xffff;
	_ =	sdelay $0x4  }
0x110: {  	v1 =	vmul.f32 v1, v46;
	_ =	sdelay $0x1  }
0x111: {  	[tilespmem:v16+s26+$0x0] =	vst.idx.msk $0xffff, v1  }
0x112: {  	v1 =	vld.idx.msk [tilespmem:v17+s26+$0x0], $0xffff;
	_ =	sdelay $0x4  }
0x113: {  	v1 =	vmul.f32 v1, v46;
	_ =	sdelay $0x1  }
0x114: {  	[tilespmem:v17+s26+$0x0] =	vst.idx.msk $0xffff, v1  }
0x115: {  	v1 =	vld.idx.msk [tilespmem:v18+s26+$0x0], $0xffff;
	_ =	sdelay $0x4  }
0x116: {  	v1 =	vmul.f32 v1, v46;
	_ =	sdelay $0x1  }
0x117: {  	[tilespmem:v18+s26+$0x0] =	vst.idx.msk $0xffff, v1  }
0x118: {  	v1 =	vld.idx.msk [tilespmem:v19+s26+$0x0], $0xffff;
	_ =	sdelay $0x4  }
0x119: {  	v1 =	vmul.f32 v1, v46;
	_ =	sdelay $0x1  }
0x11a: {  	[tilespmem:v19+s26+$0x0] =	vst.idx.msk $0xffff, v1  }
0x11b: {  	v1 =	vld.idx.msk [tilespmem:v20+s26+$0x0], $0xffff;
	_ =	sdelay $0x4  }
0x11c: {  	v1 =	vmul.f32 v1, v46;
	_ =	sdelay $0x1  }
0x11d: {  	[tilespmem:v20+s26+$0x0] =	vst.idx.msk $0xffff, v1  }
0x11e: {  	v1 =	vld.idx.msk [tilespmem:v21+s26+$0x0], $0xffff;
	_ =	sdelay $0x4  }
0x11f: {  	v1 =	vmul.f32 v1, v46  }
0x120: {  	[tilespmem:$0x1FFE0] =	vst v45  }
0x121: {  	[tilespmem:v21+s26+$0x0] =	vst.idx.msk $0xffff, v1  }
0x122: {  	v1 =	vld.idx.msk [tilespmem:v22+s26+$0x0], $0xffff;
	_ =	sdelay $0x4  }
0x123: {  	v1 =	vmul.f32 v1, v46;
	_ =	sdelay $0x1  }
0x124: {  	[tilespmem:v22+s26+$0x0] =	vst.idx.msk $0xffff, v1  }
0x125: {  	v1 =	vld.idx.msk [tilespmem:v23+s26+$0x0], $0xffff;
	_ =	sdelay $0x4  }
0x126: {  	v1 =	vmul.f32 v1, v46;
	_ =	sdelay $0x1  }
0x127: {  	[tilespmem:v23+s26+$0x0] =	vst.idx.msk $0xffff, v1  }
0x128: {  	v1 =	vld.idx.msk [tilespmem:v24+s26+$0x0], $0xffff;
	_ =	sdelay $0x4  }
0x129: {  	v1 =	vmul.f32 v1, v46;
	_ =	sdelay $0x1  }
0x12a: {  	[tilespmem:v24+s26+$0x0] =	vst.idx.msk $0xffff, v1  }
0x12b: {  	v1 =	vld.idx.msk [tilespmem:v25+s26+$0x0], $0xffff;
	_ =	sdelay $0x4  }
0x12c: {  	v1 =	vmul.f32 v1, v46;
	_ =	sdelay $0x1  }
0x12d: {  	[tilespmem:v25+s26+$0x0] =	vst.idx.msk $0xffff, v1  }
0x12e: {  	v1 =	vld.idx.msk [tilespmem:v26+s26+$0x0], $0xffff;
	_ =	sdelay $0x4  }
0x12f: {  	v1 =	vmul.f32 v1, v46;
	_ =	sdelay $0x1  }
0x130: {  	[tilespmem:v26+s26+$0x0] =	vst.idx.msk $0xffff, v1  }
0x131: {  	v1 =	vld.idx.msk [tilespmem:v27+s26+$0x0], $0xffff;
	_ =	sdelay $0x4  }
0x132: {  	v1 =	vmul.f32 v1, v46;
	_ =	sdelay $0x1  }
0x133: {  	[tilespmem:v27+s26+$0x0] =	vst.idx.msk $0xffff, v1  }
0x134: {  	v1 =	vld.idx.msk [tilespmem:v28+s26+$0x0], $0xffff;
	_ =	sdelay $0x4  }
0x135: {  	v1 =	vmul.f32 v1, v46;
	_ =	sdelay $0x1  }
0x136: {  	[tilespmem:v28+s26+$0x0] =	vst.idx.msk $0xffff, v1  }
0x137: {  	v1 =	vld.idx.msk [tilespmem:v29+s26+$0x0], $0xffff;
	_ =	sdelay $0x4  }
0x138: {  	v1 =	vmul.f32 v1, v46;
	_ =	sdelay $0x1  }
0x139: {  	[tilespmem:v29+s26+$0x0] =	vst.idx.msk $0xffff, v1  }
0x13a: {  	v1 =	vld.idx.msk [tilespmem:v30+s26+$0x0], $0xffff;
	_ =	sdelay $0x4  }
0x13b: {  	v1 =	vmul.f32 v1, v46;
	_ =	sdelay $0x1  }
0x13c: {  	[tilespmem:v30+s26+$0x0] =	vst.idx.msk $0xffff, v1  }
0x13d: {  	v1 =	vld.idx.msk [tilespmem:v31+s26+$0x0], $0xffff;
	_ =	sdelay $0x4  }
0x13e: {  	v1 =	vmul.f32 v1, v46;
	_ =	sdelay $0x1  }
0x13f: {  	[tilespmem:v31+s26+$0x0] =	vst.idx.msk $0xffff, v1  }
0x140: {  	v1 =	vld.idx.msk [tilespmem:v33+s26+$0x0], $0xffff;
	_ =	sdelay $0x4  }
0x141: {  	v1 =	vmul.f32 v1, v46;
	_ =	sdelay $0x1  }
0x142: {  	[tilespmem:v33+s26+$0x0] =	vst.idx.msk $0xffff, v1  }
0x143: {  	v1 =	vld.idx.msk [tilespmem:v34+s26+$0x0], $0xffff;
	_ =	sdelay $0x4  }
0x144: {  	v1 =	vmul.f32 v1, v46;
	_ =	sdelay $0x1  }
0x145: {  	[tilespmem:v34+s26+$0x0] =	vst.idx.msk $0xffff, v1  }
0x146: {  	v1 =	vld.idx.msk [tilespmem:v35+s26+$0x0], $0xffff;
	_ =	sdelay $0x2  }
0x147: {  	v32 =	vor.u32 $0x20, v3;
	_ =	sdelay $0x1  }
0x148: {  	v31 =	vor.u32 $0x21, v3;
	v0 =	vmul.f32 v1, v46;
	_ =	sdelay $0x1  }
0x149: {  	v7 =	vor.u32 $0x22, v3;
	[tilespmem:v35+s26+$0x0] =	vst.idx.msk $0xffff, v0  }
0x14a: {  	v34 =	vld.idx.msk [tilespmem:v32+s31+$0x0], $0xffff  }
0x14b: {  	v8 =	vor.u32 $0x23, v3;
	v6 =	vld.idx.msk [tilespmem:v32+s0+$0x0], $0xffff  }
0x14c: {  	v2 =	vld.idx.msk [tilespmem:v31+s31+$0x0], $0xffff  }
0x14d: {  	v9 =	vor.u32 $0x24, v3;
	v5 =	vld.idx.msk [tilespmem:v31+s0+$0x0], $0xffff  }
0x14e: {  	v0 =	vld.idx.msk [tilespmem:v7+s31+$0x0], $0xffff  }
0x14f: {  	v10 =	vor.u32 $0x25, v3;
	v4 =	vld.idx.msk [tilespmem:v7+s0+$0x0], $0xffff  }
0x150: {  	v1 =	vld.idx.msk [tilespmem:v8+s31+$0x0], $0xffff  }
0x151: {  	v11 =	vor.u32 $0x26, v3;
	v50 =	vld.idx.msk [tilespmem:v8+s0+$0x0], $0xffff  }
0x152: {  	v33 =	vld.idx.msk [tilespmem:v9+s31+$0x0], $0xffff  }
0x153: {  	v12 =	vor.u32 $0x27, v3;
	v37 =	vld.idx.msk [tilespmem:v9+s0+$0x0], $0xffff  }
0x154: {  	v38 =	vld.idx.msk [tilespmem:v10+s31+$0x0], $0xffff  }
0x155: {  	v13 =	vor.u32 $0x28, v3;
	v39 =	vld.idx.msk [tilespmem:v10+s0+$0x0], $0xffff  }
0x156: {  	v52 =	vld.idx.msk [tilespmem:v11+s31+$0x0], $0xffff  }
0x157: {  	v14 =	vor.u32 $0x29, v3;
	v35 =	vld.idx.msk [tilespmem:v11+s0+$0x0], $0xffff  }
0x158: {  	v61 =	vld.idx.msk [tilespmem:v12+s31+$0x0], $0xffff  }
0x159: {  	v15 =	vor.u32 $0x2A, v3;
	v36 =	vld.idx.msk [tilespmem:v12+s0+$0x0], $0xffff  }
0x15a: {  	v44 =	vld.idx.msk [tilespmem:v13+s31+$0x0], $0xffff  }
0x15b: {  	v16 =	vor.u32 $0x2B, v3;
	v45 =	vld.idx.msk [tilespmem:v13+s0+$0x0], $0xffff  }
0x15c: {  	v53 =	vld.idx.msk [tilespmem:v14+s31+$0x0], $0xffff  }
0x15d: {  	v17 =	vor.u32 $0x2C, v3;
	v47 =	vld.idx.msk [tilespmem:v14+s0+$0x0], $0xffff  }
0x15e: {  	v51 =	vld.idx.msk [tilespmem:v15+s31+$0x0], $0xffff  }
0x15f: {  	v20 =	vor.u32 $0x2F, v3;
	v54 =	vld.idx.msk [tilespmem:v15+s0+$0x0], $0xffff  }
0x160: {  	v55 =	vld.idx.msk [tilespmem:v16+s31+$0x0], $0xffff  }
0x161: {  	v21 =	vor.u32 $0x30, v3;
	v60 =	vld.idx.msk [tilespmem:v16+s0+$0x0], $0xffff  }
0x162: {  	v56 =	vld.idx.msk [tilespmem:v17+s31+$0x0], $0xffff  }
0x163: {  	v22 =	vor.u32 $0x31, v3;
	v57 =	vld.idx.msk [tilespmem:v17+s0+$0x0], $0xffff  }
0x164: {  	v23 =	vld.idx.msk [tilespmem:v20+s31+$0x0], $0xffff  }
0x165: {  	v25 =	vor.u32 $0x34, v3;
	v58 =	vld.idx.msk [tilespmem:v20+s0+$0x0], $0xffff  }
0x166: {  	v26 =	vor.u32 $0x35, v3;
	v24 =	vld.idx.msk [tilespmem:v21+s31+$0x0], $0xffff  }
0x167: {  	v59 =	vld.idx.msk [tilespmem:v21+s0+$0x0], $0xffff  }
0x168: {  	v28 =	vor.u32 $0x37, v3;
	v62 =	vld.idx.msk [tilespmem:v22+s31+$0x0], $0xffff  }
0x169: {  	v63 =	vld.idx.msk [tilespmem:v22+s0+$0x0], $0xffff  }
0x16a: {  	v18 =	vor.u32 $0x2D, v3;
	v46 =	vld.idx.msk [tilespmem:v25+s0+$0x0], $0xffff  }
0x16b: {  	v29 =	vld.idx.msk [tilespmem:v26+s31+$0x0], $0xffff  }
0x16c: {  	v49 =	vld.idx.msk [tilespmem:v26+s0+$0x0], $0xffff  }
0x16d: {  	v19 =	vor.u32 $0x2E, v3;
	v41 =	vld.idx.msk [tilespmem:v28+s31+$0x0], $0xffff  }
0x16e: {  	v40 =	vld.idx.msk [tilespmem:v28+s0+$0x0], $0xffff;
	[tilespmem:$0x1FD80] =	vst v50  }
0x16f: {  	[tilespmem:$0x1FDA0] =	vst v54;
	v54 =	vld.idx.msk [tilespmem:v18+s31+$0x0], $0xffff  }
0x170: {  	v27 =	vor.u32 $0x36, v3;
	[tilespmem:$0x1FD90] =	vst v51;
	v0 =	vmul.f32 v4, v0;
	v4 =	vld [tilespmem:$0x1FD80]  }
0x171: {  	[tilespmem:$0x1FDB0] =	vst v55;
	v55 =	vld.idx.msk [tilespmem:v18+s0+$0x0], $0xffff  }
0x172: {  	v30 =	vor.u32 $0x39, v3;
	[tilespmem:$0x1FDC0] =	vst v56;
	v56 =	vld.idx.msk [tilespmem:v19+s31+$0x0], $0xffff;
	v6 =	vmul.f32 v6, v34  }
0x173: {  	[tilespmem:$0x1FDD0] =	vst v57;
	v57 =	vld.idx.msk [tilespmem:v19+s0+$0x0], $0xffff  }
0x174: {  	[tilespmem:$0x1FDE0] =	vst v23;
	v51 =	vld.idx.msk [tilespmem:v25+s31+$0x0], $0xffff;
	v37 =	vmul.f32 v37, v33;
	v6 =	vadd.f32 $0.0e+00, v6  }
0x175: {  	[tilespmem:$0x1FDF0] =	vst v58;
	v23 =	vor.u32 $0x32, v3;
	v58 =	vld.idx.msk [tilespmem:v27+s31+$0x0], $0xffff;
	v1 =	vmul.f32 v4, v1  }
0x176: {  	v50 =	vld.idx.msk [tilespmem:v27+s0+$0x0], $0xffff;
	v0 =	vadd.f32 $0.0e+00, v0;
	v6 =	vadd.f32 v37, v6;
	v37 =	vmul.f32 v35, v52  }
0x177: {  	[tilespmem:$0x1FE00] =	vst v24;
	v24 =	vor.u32 $0x33, v3;
	v61 =	vmul.f32 v36, v61;
	v52 =	vld.idx.msk [tilespmem:v30+s0+$0x0], $0xffff;
	v1 =	vadd.f32 $0.0e+00, v1  }
0x178: {  	v0 =	vadd.f32 v37, v0;
	v37 =	vmul.f32 v47, v53;
	v53 =	vld [tilespmem:$0x1FD90]  }
0x179: {  	[tilespmem:$0x1FE20] =	vst v29;
	v29 =	vor.u32 $0x38, v3;
	v1 =	vadd.f32 v61, v1;
	v61 =	vld [tilespmem:$0x1FDA0]  }
0x17a: {  	[tilespmem:$0x1FE10] =	vst v59;
	v2 =	vmul.f32 v5, v2;
	v59 =	vld.idx.msk [tilespmem:v23+s31+$0x0], $0xffff  }
0x17b: {  	v48 =	vld.idx.msk [tilespmem:v23+s0+$0x0], $0xffff  }
0x17c: {  	v38 =	vmul.f32 v39, v38;
	v2 =	vadd.f32 $0.0e+00, v2;
	v43 =	vld.idx.msk [tilespmem:v24+s31+$0x0], $0xffff  }
0x17d: {  	v42 =	vld.idx.msk [tilespmem:v24+s0+$0x0], $0xffff  }
0x17e: {  	v33 =	vor.u32 $0x3A, v3;
	v2 =	vadd.f32 v38, v2;
	v39 =	vld.idx.msk [tilespmem:v29+s31+$0x0], $0xffff;
	v38 =	vmul.f32 v61, v53  }
0x17f: {  	v61 =	vld [tilespmem:$0x1FDD0]  }
0x180: {  	v0 =	vadd.f32 v38, v0;
	v38 =	vld [tilespmem:$0x1FDC0]  }
0x181: {  	v5 =	vld.idx.msk [tilespmem:v29+s0+$0x0], $0xffff  }
0x182: {  	v53 =	vld [tilespmem:$0x1FDB0]  }
0x183: {  	v34 =	vor.u32 $0x3B, v3;
	v44 =	vmul.f32 v45, v44;
	v45 =	vld.idx.msk [tilespmem:v33+s31+$0x0], $0xffff  }
0x184: {  	v35 =	vor.u32 $0x3C, v3;
	v54 =	vmul.f32 v55, v54;
	v4 =	vld.idx.msk [tilespmem:v30+s31+$0x0], $0xffff;
	v2 =	vadd.f32 v37, v2  }
0x185: {  	v47 =	vld.idx.msk [tilespmem:v33+s0+$0x0], $0xffff;
	v6 =	vadd.f32 v44, v6;
	v37 =	vor.u32 $0x3E, v3;
	v61 =	vmul.f32 v61, v38  }
0x186: {  	v2 =	vadd.f32 v54, v2;
	v54 =	vld [tilespmem:$0x1FDE0]  }
0x187: {  	v53 =	vmul.f32 v60, v53;
	v6 =	vadd.f32 v61, v6;
	v61 =	vld [tilespmem:$0x1FDF0]  }
0x188: {  	v44 =	vld.idx.msk [tilespmem:v34+s31+$0x0], $0xffff  }
0x189: {  	v55 =	vld.idx.msk [tilespmem:v35+s31+$0x0], $0xffff;
	v1 =	vadd.f32 v53, v1;
	v53 =	vmul.f32 v57, v56  }
0x18a: {  	v42 =	vmul.f32 v42, v43;
	v43 =	vld.idx.msk [tilespmem:v37+s31+$0x0], $0xffff  }
0x18b: {  	v36 =	vor.u32 $0x3D, v3;
	v0 =	vadd.f32 v53, v0;
	v53 =	vld [tilespmem:$0x1FE00]  }
0x18c: {  	v38 =	vor.u32 $0x3F, v3;
	v54 =	vmul.f32 v61, v54;
	v61 =	vld [tilespmem:$0x1FE10]  }
0x18d: {  	v60 =	vld.idx.msk [tilespmem:v34+s0+$0x0], $0xffff  }
0x18e: {  	v1 =	vadd.f32 v54, v1;
	v54 =	vld [tilespmem:$0x1FE20]  }
0x18f: {  	v56 =	vld.idx.msk [tilespmem:v35+s0+$0x0], $0xffff  }
0x190: {  	v40 =	vmul.f32 v40, v41;
	v48 =	vmul.f32 v48, v59;
	v57 =	vld.idx.msk [tilespmem:v36+s31+$0x0], $0xffff  }
0x191: {  	v59 =	vld.idx.msk [tilespmem:v38+s31+$0x0], $0xffff;
	v53 =	vmul.f32 v61, v53;
	v61 =	vmul.f32 v63, v62  }
0x192: {  	v46 =	vmul.f32 v46, v51;
	v5 =	vmul.f32 v5, v39;
	v63 =	vld.idx.msk [tilespmem:v38+s0+$0x0], $0xffff  }
0x193: {  	v1 =	vadd.f32 v42, v1;
	v62 =	vld.idx.msk [tilespmem:v36+s0+$0x0], $0xffff;
	v2 =	vadd.f32 v61, v2;
	v42 =	vmul.f32 v49, v54  }
0x194: {  	v51 =	vld.idx.msk [tilespmem:v37+s0+$0x0], $0xffff;
	v0 =	vadd.f32 v48, v0;
	v6 =	vadd.f32 v53, v6;
	v61 =	vmul.f32 v50, v58  }
0x195: {  	v4 =	vmul.f32 v52, v4;
	v1 =	vadd.f32 v40, v1;
	v2 =	vadd.f32 v42, v2  }
0x196: {  	v6 =	vadd.f32 v46, v6;
	v0 =	vadd.f32 v61, v0;
	v42 =	vmul.f32 v47, v45;
	v46 =	vld [tilespmem:$0x1FE30]  }
0x197: {  	v45 =	vmul.f32 v63, v59;
	v2 =	vadd.f32 v4, v2;
	v4 =	vmul.f32 v60, v44  }
0x198: {  	v5 =	vadd.f32 v5, v6;
	v6 =	vmul.f32 v56, v55;
	v44 =	vmul.f32 v62, v57  }
0x199: {  	v0 =	vadd.f32 v42, v0;
	v1 =	vadd.f32 v4, v1;
	v4 =	vmul.f32 v51, v43  }
0x19a: {  	v5 =	vadd.f32 v6, v5;
	v2 =	vadd.f32 v44, v2  }
0x19b: {  	v0 =	vadd.f32 v4, v0;
	v1 =	vadd.f32 v45, v1;
	_ =	sdelay $0x1  }
0x19c: {  	v2 =	vadd.f32 v2, v5;
	v0 =	vadd.f32 v1, v0  }
0x19d: {  	v1 =	vld.idx.msk [tilespmem:v46+s29+$0x0], $0xffff  }
0x19e: {  	v0 =	vadd.f32 v0, v2;
	_ =	sdelay $0x1  }
0x19f: {  	v0 =	vmul.f32 $1.767766920e-01, v0;
	_ =	sdelay $0x1  }
0x1a0: {  	v0 =	vadd.f32 v0, v1;
	_ =	sdelay $0x1  }
0x1a1: {  	v0 =	vmul.f32 $1.442695020e+00, v0;
	_ =	sdelay $0x1  }
0x1a2: {  	v47 =	vld [tilespmem:$0x1FFE0];
	(erf) = vpow2.f32 v0;
	_ =	sdelay $0x4  }
0x1a3: {  	v0 =	vor.u32 $0x1, v47;
	_ =	sdelay $0x3  }
0x1a4: {  	v48 =	vpop (erf)  }
0x1a5: {  	[tilespmem:v0+s12+$0x0] =	vst.idx.msk $0xffff, v48  }
0x1a6: {  	v0 =	vld.idx.msk [tilespmem:v32+s26+$0x0], $0xffff;
	_ =	sdelay $0x4  }
0x1a7: {  	v0 =	vmul.f32 v48, v0;
	_ =	sdelay $0x1  }
0x1a8: {  	[tilespmem:v32+s26+$0x0] =	vst.idx.msk $0xffff, v0  }
0x1a9: {  	v0 =	vld.idx.msk [tilespmem:v31+s26+$0x0], $0xffff;
	_ =	sdelay $0x4  }
0x1aa: {  	v0 =	vmul.f32 v48, v0;
	_ =	sdelay $0x1  }
0x1ab: {  	[tilespmem:v31+s26+$0x0] =	vst.idx.msk $0xffff, v0  }
0x1ac: {  	v0 =	vld.idx.msk [tilespmem:v7+s26+$0x0], $0xffff;
	_ =	sdelay $0x4  }
0x1ad: {  	v0 =	vmul.f32 v48, v0;
	_ =	sdelay $0x1  }
0x1ae: {  	[tilespmem:v7+s26+$0x0] =	vst.idx.msk $0xffff, v0  }
0x1af: {  	v0 =	vld.idx.msk [tilespmem:v8+s26+$0x0], $0xffff;
	_ =	sdelay $0x4  }
0x1b0: {  	v0 =	vmul.f32 v48, v0;
	_ =	sdelay $0x1  }
0x1b1: {  	[tilespmem:v8+s26+$0x0] =	vst.idx.msk $0xffff, v0  }
0x1b2: {  	v0 =	vld.idx.msk [tilespmem:v9+s26+$0x0], $0xffff;
	_ =	sdelay $0x4  }
0x1b3: {  	v0 =	vmul.f32 v0, v48;
	_ =	sdelay $0x1  }
0x1b4: {  	[tilespmem:v9+s26+$0x0] =	vst.idx.msk $0xffff, v0  }
0x1b5: {  	v0 =	vld.idx.msk [tilespmem:v10+s26+$0x0], $0xffff;
	_ =	sdelay $0x4  }
0x1b6: {  	v0 =	vmul.f32 v0, v48;
	_ =	sdelay $0x1  }
0x1b7: {  	[tilespmem:v10+s26+$0x0] =	vst.idx.msk $0xffff, v0  }
0x1b8: {  	v0 =	vld.idx.msk [tilespmem:v11+s26+$0x0], $0xffff;
	_ =	sdelay $0x4  }
0x1b9: {  	v0 =	vmul.f32 v0, v48;
	_ =	sdelay $0x1  }
0x1ba: {  	[tilespmem:v11+s26+$0x0] =	vst.idx.msk $0xffff, v0  }
0x1bb: {  	v0 =	vld.idx.msk [tilespmem:v12+s26+$0x0], $0xffff;
	_ =	sdelay $0x4  }
0x1bc: {  	v0 =	vmul.f32 v0, v48;
	_ =	sdelay $0x1  }
0x1bd: {  	[tilespmem:v12+s26+$0x0] =	vst.idx.msk $0xffff, v0  }
0x1be: {  	v0 =	vld.idx.msk [tilespmem:v13+s26+$0x0], $0xffff;
	_ =	sdelay $0x4  }
0x1bf: {  	v0 =	vmul.f32 v0, v48;
	_ =	sdelay $0x1  }
0x1c0: {  	[tilespmem:v13+s26+$0x0] =	vst.idx.msk $0xffff, v0  }
0x1c1: {  	v0 =	vld.idx.msk [tilespmem:v14+s26+$0x0], $0xffff;
	_ =	sdelay $0x4  }
0x1c2: {  	v0 =	vmul.f32 v0, v48;
	_ =	sdelay $0x1  }
0x1c3: {  	[tilespmem:v14+s26+$0x0] =	vst.idx.msk $0xffff, v0  }
0x1c4: {  	v0 =	vld.idx.msk [tilespmem:v15+s26+$0x0], $0xffff;
	_ =	sdelay $0x4  }
0x1c5: {  	v0 =	vmul.f32 v0, v48;
	_ =	sdelay $0x1  }
0x1c6: {  	[tilespmem:v15+s26+$0x0] =	vst.idx.msk $0xffff, v0  }
0x1c7: {  	v0 =	vld.idx.msk [tilespmem:v16+s26+$0x0], $0xffff;
	_ =	sdelay $0x4  }
0x1c8: {  	v0 =	vmul.f32 v0, v48;
	_ =	sdelay $0x1  }
0x1c9: {  	[tilespmem:v16+s26+$0x0] =	vst.idx.msk $0xffff, v0  }
0x1ca: {  	v0 =	vld.idx.msk [tilespmem:v17+s26+$0x0], $0xffff;
	_ =	sdelay $0x4  }
0x1cb: {  	v0 =	vmul.f32 v0, v48;
	_ =	sdelay $0x1  }
0x1cc: {  	[tilespmem:v17+s26+$0x0] =	vst.idx.msk $0xffff, v0  }
0x1cd: {  	v0 =	vld.idx.msk [tilespmem:v18+s26+$0x0], $0xffff;
	_ =	sdelay $0x4  }
0x1ce: {  	v0 =	vmul.f32 v0, v48;
	_ =	sdelay $0x1  }
0x1cf: {  	[tilespmem:v18+s26+$0x0] =	vst.idx.msk $0xffff, v0  }
0x1d0: {  	v0 =	vld.idx.msk [tilespmem:v19+s26+$0x0], $0xffff;
	_ =	sdelay $0x4  }
0x1d1: {  	v0 =	vmul.f32 v0, v48;
	_ =	sdelay $0x1  }
0x1d2: {  	[tilespmem:v19+s26+$0x0] =	vst.idx.msk $0xffff, v0  }
0x1d3: {  	v0 =	vld.idx.msk [tilespmem:v20+s26+$0x0], $0xffff;
	_ =	sdelay $0x4  }
0x1d4: {  	v0 =	vmul.f32 v0, v48;
	_ =	sdelay $0x1  }
0x1d5: {  	[tilespmem:v20+s26+$0x0] =	vst.idx.msk $0xffff, v0  }
0x1d6: {  	v0 =	vld.idx.msk [tilespmem:v21+s26+$0x0], $0xffff;
	_ =	sdelay $0x4  }
0x1d7: {  	v0 =	vmul.f32 v0, v48;
	_ =	sdelay $0x1  }
0x1d8: {  	[tilespmem:v21+s26+$0x0] =	vst.idx.msk $0xffff, v0  }
0x1d9: {  	v0 =	vld.idx.msk [tilespmem:v22+s26+$0x0], $0xffff;
	_ =	sdelay $0x4  }
0x1da: {  	v0 =	vmul.f32 v0, v48;
	_ =	sdelay $0x1  }
0x1db: {  	[tilespmem:v22+s26+$0x0] =	vst.idx.msk $0xffff, v0  }
0x1dc: {  	v0 =	vld.idx.msk [tilespmem:v23+s26+$0x0], $0xffff;
	_ =	sdelay $0x4  }
0x1dd: {  	v0 =	vmul.f32 v0, v48;
	_ =	sdelay $0x1  }
0x1de: {  	[tilespmem:v23+s26+$0x0] =	vst.idx.msk $0xffff, v0  }
0x1df: {  	v0 =	vld.idx.msk [tilespmem:v24+s26+$0x0], $0xffff;
	_ =	sdelay $0x4  }
0x1e0: {  	v0 =	vmul.f32 v0, v48;
	_ =	sdelay $0x1  }
0x1e1: {  	[tilespmem:v24+s26+$0x0] =	vst.idx.msk $0xffff, v0  }
0x1e2: {  	v0 =	vld.idx.msk [tilespmem:v25+s26+$0x0], $0xffff;
	_ =	sdelay $0x4  }
0x1e3: {  	v0 =	vmul.f32 v0, v48;
	_ =	sdelay $0x1  }
0x1e4: {  	[tilespmem:v25+s26+$0x0] =	vst.idx.msk $0xffff, v0  }
0x1e5: {  	v0 =	vld.idx.msk [tilespmem:v26+s26+$0x0], $0xffff;
	_ =	sdelay $0x4  }
0x1e6: {  	v0 =	vmul.f32 v0, v48;
	_ =	sdelay $0x1  }
0x1e7: {  	[tilespmem:v26+s26+$0x0] =	vst.idx.msk $0xffff, v0  }
0x1e8: {  	v0 =	vld.idx.msk [tilespmem:v27+s26+$0x0], $0xffff;
	_ =	sdelay $0x4  }
0x1e9: {  	v0 =	vmul.f32 v0, v48;
	_ =	sdelay $0x1  }
0x1ea: {  	[tilespmem:v27+s26+$0x0] =	vst.idx.msk $0xffff, v0  }
0x1eb: {  	v0 =	vld.idx.msk [tilespmem:v28+s26+$0x0], $0xffff;
	_ =	sdelay $0x4  }
0x1ec: {  	v0 =	vmul.f32 v0, v48;
	_ =	sdelay $0x1  }
0x1ed: {  	[tilespmem:v28+s26+$0x0] =	vst.idx.msk $0xffff, v0  }
0x1ee: {  	v0 =	vld.idx.msk [tilespmem:v29+s26+$0x0], $0xffff;
	_ =	sdelay $0x4  }
0x1ef: {  	v0 =	vmul.f32 v0, v48;
	_ =	sdelay $0x1  }
0x1f0: {  	[tilespmem:v29+s26+$0x0] =	vst.idx.msk $0xffff, v0  }
0x1f1: {  	v0 =	vld.idx.msk [tilespmem:v30+s26+$0x0], $0xffff;
	_ =	sdelay $0x4  }
0x1f2: {  	v0 =	vmul.f32 v0, v48;
	_ =	sdelay $0x1  }
0x1f3: {  	[tilespmem:v30+s26+$0x0] =	vst.idx.msk $0xffff, v0  }
0x1f4: {  	v0 =	vld.idx.msk [tilespmem:v33+s26+$0x0], $0xffff;
	_ =	sdelay $0x4  }
0x1f5: {  	v0 =	vmul.f32 v0, v48;
	_ =	sdelay $0x1  }
0x1f6: {  	[tilespmem:v33+s26+$0x0] =	vst.idx.msk $0xffff, v0  }
0x1f7: {  	v0 =	vld.idx.msk [tilespmem:v34+s26+$0x0], $0xffff;
	_ =	sdelay $0x4  }
0x1f8: {  	v0 =	vmul.f32 v0, v48;
	_ =	sdelay $0x1  }
0x1f9: {  	[tilespmem:v34+s26+$0x0] =	vst.idx.msk $0xffff, v0  }
0x1fa: {  	v0 =	vld.idx.msk [tilespmem:v35+s26+$0x0], $0xffff;
	_ =	sdelay $0x4  }
0x1fb: {  	v0 =	vmul.f32 v0, v48;
	_ =	sdelay $0x1  }
0x1fc: {  	[tilespmem:v35+s26+$0x0] =	vst.idx.msk $0xffff, v0  }
0x1fd: {  	v0 =	vld.idx.msk [tilespmem:v36+s26+$0x0], $0xffff;
	_ =	sdelay $0x4  }
0x1fe: {  	v0 =	vmul.f32 v0, v48;
	_ =	sdelay $0x1  }
0x1ff: {  	[tilespmem:v36+s26+$0x0] =	vst.idx.msk $0xffff, v0  }
0x200: {  	v0 =	vld.idx.msk [tilespmem:v37+s26+$0x0], $0xffff;
	_ =	sdelay $0x4  }
0x201: {  	v0 =	vmul.f32 v0, v48;
	_ =	sdelay $0x1  }
0x202: {  	[tilespmem:v37+s26+$0x0] =	vst.idx.msk $0xffff, v0  }
0x203: {  	v0 =	vld.idx.msk [tilespmem:v38+s26+$0x0], $0xffff;
	_ =	sdelay $0x2  }
0x204: {  	v31 =	vor.u32 $0x40, v3;
	_ =	sdelay $0x1  }
0x205: {  	v30 =	vor.u32 $0x41, v3;
	v0 =	vmul.f32 v0, v48;
	_ =	sdelay $0x1  }
0x206: {  	v6 =	vor.u32 $0x42, v3;
	[tilespmem:v38+s26+$0x0] =	vst.idx.msk $0xffff, v0  }
0x207: {  	v34 =	vld.idx.msk [tilespmem:v31+s31+$0x0], $0xffff  }
0x208: {  	v7 =	vor.u32 $0x43, v3;
	v33 =	vld.idx.msk [tilespmem:v31+s0+$0x0], $0xffff  }
0x209: {  	v2 =	vld.idx.msk [tilespmem:v30+s31+$0x0], $0xffff  }
0x20a: {  	v8 =	vor.u32 $0x44, v3;
	v4 =	vld.idx.msk [tilespmem:v30+s0+$0x0], $0xffff  }
0x20b: {  	v0 =	vld.idx.msk [tilespmem:v6+s31+$0x0], $0xffff  }
0x20c: {  	v9 =	vor.u32 $0x45, v3;
	v5 =	vld.idx.msk [tilespmem:v6+s0+$0x0], $0xffff  }
0x20d: {  	v1 =	vld.idx.msk [tilespmem:v7+s31+$0x0], $0xffff  }
0x20e: {  	v11 =	vor.u32 $0x47, v3;
	v10 =	vld.idx.msk [tilespmem:v7+s0+$0x0], $0xffff  }
0x20f: {  	v32 =	vld.idx.msk [tilespmem:v8+s31+$0x0], $0xffff  }
0x210: {  	v12 =	vor.u32 $0x48, v3;
	v36 =	vld.idx.msk [tilespmem:v8+s0+$0x0], $0xffff  }
0x211: {  	v37 =	vld.idx.msk [tilespmem:v9+s31+$0x0], $0xffff  }
0x212: {  	v13 =	vor.u32 $0x49, v3;
	v38 =	vld.idx.msk [tilespmem:v9+s0+$0x0], $0xffff  }
0x213: {  	v58 =	vld.idx.msk [tilespmem:v11+s31+$0x0], $0xffff  }
0x214: {  	v14 =	vor.u32 $0x4A, v3;
	v51 =	vld.idx.msk [tilespmem:v11+s0+$0x0], $0xffff  }
0x215: {  	v43 =	vld.idx.msk [tilespmem:v12+s31+$0x0], $0xffff  }
0x216: {  	v15 =	vor.u32 $0x4B, v3;
	v44 =	vld.idx.msk [tilespmem:v12+s0+$0x0], $0xffff  }
0x217: {  	v53 =	vld.idx.msk [tilespmem:v13+s31+$0x0], $0xffff  }
0x218: {  	v16 =	vor.u32 $0x4C, v3;
	v46 =	vld.idx.msk [tilespmem:v13+s0+$0x0], $0xffff  }
0x219: {  	v17 =	vld.idx.msk [tilespmem:v14+s31+$0x0], $0xffff  }
0x21a: {  	v21 =	vor.u32 $0x51, v3;
	v60 =	vld.idx.msk [tilespmem:v14+s0+$0x0], $0xffff  }
0x21b: {  	v18 =	vld.idx.msk [tilespmem:v15+s31+$0x0], $0xffff  }
0x21c: {  	v24 =	vor.u32 $0x54, v3;
	v59 =	vld.idx.msk [tilespmem:v15+s0+$0x0], $0xffff  }
0x21d: {  	v25 =	vor.u32 $0x55, v3;
	v19 =	vld.idx.msk [tilespmem:v16+s31+$0x0], $0xffff  }
0x21e: {  	v26 =	vor.u32 $0x56, v3;
	v49 =	vld.idx.msk [tilespmem:v16+s0+$0x0], $0xffff  }
0x21f: {  	v27 =	vor.u32 $0x57, v3;
	v61 =	vld.idx.msk [tilespmem:v21+s31+$0x0], $0xffff  }
0x220: {  	v62 =	vld.idx.msk [tilespmem:v21+s0+$0x0], $0xffff  }
0x221: {  	v45 =	vld.idx.msk [tilespmem:v24+s0+$0x0], $0xffff  }
0x222: {  	v28 =	vor.u32 $0x58, v3;
	v48 =	vld.idx.msk [tilespmem:v25+s0+$0x0], $0xffff  }
0x223: {  	v29 =	vld.idx.msk [tilespmem:v26+s31+$0x0], $0xffff  }
0x224: {  	v40 =	vld.idx.msk [tilespmem:v27+s31+$0x0], $0xffff  }
0x225: {  	v39 =	vld.idx.msk [tilespmem:v27+s0+$0x0], $0xffff;
	[tilespmem:$0x1FE40] =	vst v10;
	v10 =	vor.u32 $0x46, v3  }
0x226: {  	[tilespmem:$0x1FE80] =	vst v49;
	v49 =	vld.idx.msk [tilespmem:v26+s0+$0x0], $0xffff;
	v33 =	vmul.f32 v33, v34  }
0x227: {  	[tilespmem:$0x1FE50] =	vst v17;
	v17 =	vor.u32 $0x4D, v3;
	v34 =	vmul.f32 v36, v32;
	v36 =	vmul.f32 v38, v37;
	v38 =	vld.idx.msk [tilespmem:v28+s31+$0x0], $0xffff  }
0x228: {  	v0 =	vmul.f32 v5, v0;
	v5 =	vld.idx.msk [tilespmem:v28+s0+$0x0], $0xffff  }
0x229: {  	[tilespmem:$0x1FE60] =	vst v18;
	v18 =	vor.u32 $0x4E, v3;
	v2 =	vmul.f32 v4, v2;
	v4 =	vld [tilespmem:$0x1FE40]  }
0x22a: {  	v52 =	vld.idx.msk [tilespmem:v10+s31+$0x0], $0xffff  }
0x22b: {  	[tilespmem:$0x1FE70] =	vst v19;
	v19 =	vor.u32 $0x4F, v3;
	v35 =	vld.idx.msk [tilespmem:v10+s0+$0x0], $0xffff  }
0x22c: {  	v20 =	vld.idx.msk [tilespmem:v17+s31+$0x0], $0xffff  }
0x22d: {  	v32 =	vor.u32 $0x5A, v3;
	v54 =	vld.idx.msk [tilespmem:v17+s0+$0x0], $0xffff  }
0x22e: {  	v55 =	vld.idx.msk [tilespmem:v18+s31+$0x0], $0xffff  }
0x22f: {  	[tilespmem:$0x1FEE0] =	vst v29;
	v29 =	vor.u32 $0x59, v3;
	v56 =	vld.idx.msk [tilespmem:v18+s0+$0x0], $0xffff  }
0x230: {  	v22 =	vld.idx.msk [tilespmem:v19+s31+$0x0], $0xffff  }
0x231: {  	v37 =	vadd.f32 $0.0e+00, v33;
	v50 =	vld.idx.msk [tilespmem:v19+s0+$0x0], $0xffff  }
0x232: {  	v43 =	vmul.f32 v44, v43;
	v33 =	vor.u32 $0x5B, v3;
	v44 =	vld.idx.msk [tilespmem:v32+s31+$0x0], $0xffff;
	v1 =	vmul.f32 v4, v1  }
0x233: {  	v58 =	vmul.f32 v51, v58;
	v37 =	vadd.f32 v34, v37;
	v51 =	vld.idx.msk [tilespmem:v32+s0+$0x0], $0xffff  }
0x234: {  	v4 =	vld.idx.msk [tilespmem:v29+s31+$0x0], $0xffff;
	v1 =	vadd.f32 $0.0e+00, v1  }
0x235: {  	v43 =	vadd.f32 v43, v37;
	v37 =	vld [tilespmem:$0x1FE70];
	[tilespmem:$0x1FE90] =	vst v20;
	v20 =	vor.u32 $0x50, v3  }
0x236: {  	v1 =	vadd.f32 v58, v1;
	v58 =	vld [tilespmem:$0x1FE50]  }
0x237: {  	v46 =	vmul.f32 v46, v53;
	v53 =	vld.idx.msk [tilespmem:v33+s31+$0x0], $0xffff  }
0x238: {  	[tilespmem:$0x1FEB0] =	vst v50;
	v50 =	vld.idx.msk [tilespmem:v24+s31+$0x0], $0xffff  }
0x239: {  	v0 =	vadd.f32 $0.0e+00, v0;
	[tilespmem:$0x1FEA0] =	vst v22;
	v22 =	vor.u32 $0x52, v3;
	v35 =	vmul.f32 v35, v52;
	v52 =	vld.idx.msk [tilespmem:v29+s0+$0x0], $0xffff  }
0x23a: {  	v23 =	vld.idx.msk [tilespmem:v20+s31+$0x0], $0xffff  }
0x23b: {  	v0 =	vadd.f32 v35, v0;
	v57 =	vld.idx.msk [tilespmem:v20+s0+$0x0], $0xffff;
	v60 =	vmul.f32 v60, v58  }
0x23c: {  	v58 =	vld [tilespmem:$0x1FE60]  }
0x23d: {  	v0 =	vadd.f32 v60, v0;
	v60 =	vld [tilespmem:$0x1FE80]  }
0x23e: {  	v2 =	vadd.f32 $0.0e+00, v2;
	v63 =	vld.idx.msk [tilespmem:v22+s31+$0x0], $0xffff  }
0x23f: {  	v34 =	vor.u32 $0x5C, v3;
	v47 =	vld.idx.msk [tilespmem:v22+s0+$0x0], $0xffff  }
0x240: {  	v2 =	vadd.f32 v36, v2;
	v45 =	vmul.f32 v45, v50;
	v50 =	vld [tilespmem:$0x1FEE0]  }
0x241: {  	[tilespmem:$0x1FED0] =	vst v57;
	v57 =	vld.idx.msk [tilespmem:v25+s31+$0x0], $0xffff  }
0x242: {  	v2 =	vadd.f32 v46, v2;
	v46 =	vmul.f32 v59, v58;
	v59 =	vmul.f32 v60, v37;
	v60 =	vld [tilespmem:$0x1FE90]  }
0x243: {  	[tilespmem:$0x1FEC0] =	vst v23;
	v23 =	vor.u32 $0x53, v3;
	v58 =	vld.idx.msk [tilespmem:v33+s0+$0x0], $0xffff  }
0x244: {  	v1 =	vadd.f32 v46, v1;
	v46 =	vmul.f32 v56, v55;
	v55 =	vld.idx.msk [tilespmem:v34+s0+$0x0], $0xffff  }
0x245: {  	v56 =	vld [tilespmem:$0x1FEB0]  }
0x246: {  	v0 =	vadd.f32 v46, v0;
	v46 =	vld [tilespmem:$0x1FEC0]  }
0x247: {  	v37 =	vor.u32 $0x5F, v3;
	v43 =	vadd.f32 v59, v43;
	v59 =	vld [tilespmem:$0x1FED0];
	v54 =	vmul.f32 v54, v60  }
0x248: {  	v35 =	vor.u32 $0x5D, v3;
	v42 =	vld.idx.msk [tilespmem:v23+s31+$0x0], $0xffff  }
0x249: {  	v2 =	vadd.f32 v54, v2;
	v54 =	vld [tilespmem:$0x1FEA0]  }
0x24a: {  	v36 =	vor.u32 $0x5E, v3;
	v41 =	vld.idx.msk [tilespmem:v23+s0+$0x0], $0xffff  }
0x24b: {  	v60 =	vld.idx.msk [tilespmem:v34+s31+$0x0], $0xffff  }
0x24c: {  	v47 =	vmul.f32 v47, v63;
	v63 =	vmul.f32 v48, v57;
	v48 =	vld.idx.msk [tilespmem:v37+s31+$0x0], $0xffff  }
0x24d: {  	v46 =	vmul.f32 v59, v46;
	v59 =	vmul.f32 v62, v61;
	v61 =	vld.idx.msk [tilespmem:v35+s0+$0x0], $0xffff  }
0x24e: {  	v39 =	vmul.f32 v39, v40;
	v54 =	vmul.f32 v56, v54;
	v56 =	vld.idx.msk [tilespmem:v35+s31+$0x0], $0xffff  }
0x24f: {  	v5 =	vmul.f32 v5, v38;
	v4 =	vmul.f32 v52, v4;
	v62 =	vld.idx.msk [tilespmem:v36+s0+$0x0], $0xffff;
	v43 =	vadd.f32 v46, v43  }
0x250: {  	v41 =	vmul.f32 v41, v42;
	v42 =	vld.idx.msk [tilespmem:v36+s31+$0x0], $0xffff;
	v2 =	vadd.f32 v59, v2;
	v1 =	vadd.f32 v54, v1  }
0x251: {  	v0 =	vadd.f32 v47, v0;
	v43 =	vadd.f32 v45, v43;
	v45 =	vmul.f32 v49, v50;
	v54 =	vld.idx.msk [tilespmem:v37+s0+$0x0], $0xffff  }
0x252: {  	v57 =	vmul.f32 v51, v44;
	v2 =	vadd.f32 v63, v2;
	v1 =	vadd.f32 v41, v1  }
0x253: {  	v59 =	vmul.f32 v55, v60;
	v0 =	vadd.f32 v45, v0;
	v60 =	vmul.f32 v61, v56;
	v61 =	vld [tilespmem:$0x1FEF0]  }
0x254: {  	v2 =	vadd.f32 v4, v2;
	v4 =	vmul.f32 v58, v53;
	v1 =	vadd.f32 v39, v1  }
0x255: {  	v5 =	vadd.f32 v5, v43;
	v0 =	vadd.f32 v57, v0  }
0x256: {  	v40 =	vmul.f32 v54, v48;
	v1 =	vadd.f32 v4, v1;
	v4 =	vmul.f32 v62, v42  }
0x257: {  	v5 =	vadd.f32 v59, v5;
	v2 =	vadd.f32 v60, v2  }
0x258: {  	v0 =	vadd.f32 v4, v0;
	v1 =	vadd.f32 v40, v1;
	_ =	sdelay $0x1  }
0x259: {  	v2 =	vadd.f32 v2, v5;
	v0 =	vadd.f32 v1, v0  }
0x25a: {  	v1 =	vld.idx.msk [tilespmem:v61+s29+$0x0], $0xffff  }
0x25b: {  	v0 =	vadd.f32 v0, v2;
	_ =	sdelay $0x1  }
0x25c: {  	v0 =	vmul.f32 $1.767766920e-01, v0;
	_ =	sdelay $0x1  }
0x25d: {  	v0 =	vadd.f32 v0, v1;
	_ =	sdelay $0x1  }
0x25e: {  	v0 =	vmul.f32 $1.442695020e+00, v0;
	_ =	sdelay $0x1  }
0x25f: {  	v62 =	vld [tilespmem:$0x1FFE0];
	(erf) = vpow2.f32 v0;
	_ =	sdelay $0x4  }
0x260: {  	v0 =	vor.u32 $0x2, v62;
	_ =	sdelay $0x3  }
0x261: {  	v63 =	vpop (erf)  }
0x262: {  	[tilespmem:v0+s12+$0x0] =	vst.idx.msk $0xffff, v63  }
0x263: {  	v0 =	vld.idx.msk [tilespmem:v31+s26+$0x0], $0xffff;
	_ =	sdelay $0x4  }
0x264: {  	v0 =	vmul.f32 v63, v0;
	_ =	sdelay $0x1  }
0x265: {  	[tilespmem:v31+s26+$0x0] =	vst.idx.msk $0xffff, v0  }
0x266: {  	v0 =	vld.idx.msk [tilespmem:v30+s26+$0x0], $0xffff;
	_ =	sdelay $0x4  }
0x267: {  	v0 =	vmul.f32 v63, v0;
	_ =	sdelay $0x1  }
0x268: {  	[tilespmem:v30+s26+$0x0] =	vst.idx.msk $0xffff, v0  }
0x269: {  	v0 =	vld.idx.msk [tilespmem:v6+s26+$0x0], $0xffff;
	_ =	sdelay $0x4  }
0x26a: {  	v0 =	vmul.f32 v63, v0;
	_ =	sdelay $0x1  }
0x26b: {  	[tilespmem:v6+s26+$0x0] =	vst.idx.msk $0xffff, v0  }
0x26c: {  	v0 =	vld.idx.msk [tilespmem:v7+s26+$0x0], $0xffff;
	_ =	sdelay $0x4  }
0x26d: {  	v0 =	vmul.f32 v63, v0;
	_ =	sdelay $0x1  }
0x26e: {  	[tilespmem:v7+s26+$0x0] =	vst.idx.msk $0xffff, v0  }
0x26f: {  	v0 =	vld.idx.msk [tilespmem:v8+s26+$0x0], $0xffff;
	_ =	sdelay $0x4  }
0x270: {  	v0 =	vmul.f32 v0, v63;
	_ =	sdelay $0x1  }
0x271: {  	[tilespmem:v8+s26+$0x0] =	vst.idx.msk $0xffff, v0  }
0x272: {  	v0 =	vld.idx.msk [tilespmem:v9+s26+$0x0], $0xffff;
	_ =	sdelay $0x4  }
0x273: {  	v0 =	vmul.f32 v0, v63;
	_ =	sdelay $0x1  }
0x274: {  	[tilespmem:v9+s26+$0x0] =	vst.idx.msk $0xffff, v0  }
0x275: {  	v0 =	vld.idx.msk [tilespmem:v10+s26+$0x0], $0xffff;
	_ =	sdelay $0x4  }
0x276: {  	v0 =	vmul.f32 v0, v63;
	_ =	sdelay $0x1  }
0x277: {  	[tilespmem:v10+s26+$0x0] =	vst.idx.msk $0xffff, v0  }
0x278: {  	v0 =	vld.idx.msk [tilespmem:v11+s26+$0x0], $0xffff;
	_ =	sdelay $0x4  }
0x279: {  	v0 =	vmul.f32 v0, v63;
	_ =	sdelay $0x1  }
0x27a: {  	[tilespmem:v11+s26+$0x0] =	vst.idx.msk $0xffff, v0  }
0x27b: {  	v0 =	vld.idx.msk [tilespmem:v12+s26+$0x0], $0xffff;
	_ =	sdelay $0x4  }
0x27c: {  	v0 =	vmul.f32 v0, v63;
	_ =	sdelay $0x1  }
0x27d: {  	[tilespmem:v12+s26+$0x0] =	vst.idx.msk $0xffff, v0  }
0x27e: {  	v0 =	vld.idx.msk [tilespmem:v13+s26+$0x0], $0xffff;
	_ =	sdelay $0x4  }
0x27f: {  	v0 =	vmul.f32 v0, v63;
	_ =	sdelay $0x1  }
0x280: {  	[tilespmem:v13+s26+$0x0] =	vst.idx.msk $0xffff, v0  }
0x281: {  	v0 =	vld.idx.msk [tilespmem:v14+s26+$0x0], $0xffff;
	_ =	sdelay $0x4  }
0x282: {  	v0 =	vmul.f32 v0, v63;
	_ =	sdelay $0x1  }
0x283: {  	[tilespmem:v14+s26+$0x0] =	vst.idx.msk $0xffff, v0  }
0x284: {  	v0 =	vld.idx.msk [tilespmem:v15+s26+$0x0], $0xffff;
	_ =	sdelay $0x4  }
0x285: {  	v0 =	vmul.f32 v0, v63;
	_ =	sdelay $0x1  }
0x286: {  	[tilespmem:v15+s26+$0x0] =	vst.idx.msk $0xffff, v0  }
0x287: {  	v0 =	vld.idx.msk [tilespmem:v16+s26+$0x0], $0xffff;
	_ =	sdelay $0x4  }
0x288: {  	v0 =	vmul.f32 v0, v63;
	_ =	sdelay $0x1  }
0x289: {  	[tilespmem:v16+s26+$0x0] =	vst.idx.msk $0xffff, v0  }
0x28a: {  	v0 =	vld.idx.msk [tilespmem:v17+s26+$0x0], $0xffff;
	_ =	sdelay $0x4  }
0x28b: {  	v0 =	vmul.f32 v0, v63;
	_ =	sdelay $0x1  }
0x28c: {  	[tilespmem:v17+s26+$0x0] =	vst.idx.msk $0xffff, v0  }
0x28d: {  	v0 =	vld.idx.msk [tilespmem:v18+s26+$0x0], $0xffff;
	_ =	sdelay $0x4  }
0x28e: {  	v0 =	vmul.f32 v0, v63;
	_ =	sdelay $0x1  }
0x28f: {  	[tilespmem:v18+s26+$0x0] =	vst.idx.msk $0xffff, v0  }
0x290: {  	v0 =	vld.idx.msk [tilespmem:v19+s26+$0x0], $0xffff;
	_ =	sdelay $0x4  }
0x291: {  	v0 =	vmul.f32 v0, v63;
	_ =	sdelay $0x1  }
0x292: {  	[tilespmem:v19+s26+$0x0] =	vst.idx.msk $0xffff, v0  }
0x293: {  	v0 =	vld.idx.msk [tilespmem:v20+s26+$0x0], $0xffff;
	_ =	sdelay $0x4  }
0x294: {  	v0 =	vmul.f32 v0, v63;
	_ =	sdelay $0x1  }
0x295: {  	[tilespmem:v20+s26+$0x0] =	vst.idx.msk $0xffff, v0  }
0x296: {  	v0 =	vld.idx.msk [tilespmem:v21+s26+$0x0], $0xffff;
	_ =	sdelay $0x4  }
0x297: {  	v0 =	vmul.f32 v0, v63;
	_ =	sdelay $0x1  }
0x298: {  	[tilespmem:v21+s26+$0x0] =	vst.idx.msk $0xffff, v0  }
0x299: {  	v0 =	vld.idx.msk [tilespmem:v22+s26+$0x0], $0xffff;
	_ =	sdelay $0x4  }
0x29a: {  	v0 =	vmul.f32 v0, v63;
	_ =	sdelay $0x1  }
0x29b: {  	[tilespmem:v22+s26+$0x0] =	vst.idx.msk $0xffff, v0  }
0x29c: {  	v0 =	vld.idx.msk [tilespmem:v23+s26+$0x0], $0xffff;
	_ =	sdelay $0x4  }
0x29d: {  	v0 =	vmul.f32 v0, v63;
	_ =	sdelay $0x1  }
0x29e: {  	[tilespmem:v23+s26+$0x0] =	vst.idx.msk $0xffff, v0  }
0x29f: {  	v0 =	vld.idx.msk [tilespmem:v24+s26+$0x0], $0xffff;
	_ =	sdelay $0x4  }
0x2a0: {  	v0 =	vmul.f32 v0, v63;
	_ =	sdelay $0x1  }
0x2a1: {  	[tilespmem:v24+s26+$0x0] =	vst.idx.msk $0xffff, v0  }
0x2a2: {  	v0 =	vld.idx.msk [tilespmem:v25+s26+$0x0], $0xffff;
	_ =	sdelay $0x4  }
0x2a3: {  	v0 =	vmul.f32 v0, v63;
	_ =	sdelay $0x1  }
0x2a4: {  	[tilespmem:v25+s26+$0x0] =	vst.idx.msk $0xffff, v0  }
0x2a5: {  	v0 =	vld.idx.msk [tilespmem:v26+s26+$0x0], $0xffff;
	_ =	sdelay $0x4  }
0x2a6: {  	v0 =	vmul.f32 v0, v63;
	_ =	sdelay $0x1  }
0x2a7: {  	[tilespmem:v26+s26+$0x0] =	vst.idx.msk $0xffff, v0  }
0x2a8: {  	v0 =	vld.idx.msk [tilespmem:v27+s26+$0x0], $0xffff;
	_ =	sdelay $0x4  }
0x2a9: {  	v0 =	vmul.f32 v0, v63;
	_ =	sdelay $0x1  }
0x2aa: {  	[tilespmem:v27+s26+$0x0] =	vst.idx.msk $0xffff, v0  }
0x2ab: {  	v0 =	vld.idx.msk [tilespmem:v28+s26+$0x0], $0xffff;
	_ =	sdelay $0x4  }
0x2ac: {  	v0 =	vmul.f32 v0, v63;
	_ =	sdelay $0x1  }
0x2ad: {  	[tilespmem:v28+s26+$0x0] =	vst.idx.msk $0xffff, v0  }
0x2ae: {  	v0 =	vld.idx.msk [tilespmem:v29+s26+$0x0], $0xffff;
	_ =	sdelay $0x4  }
0x2af: {  	v0 =	vmul.f32 v0, v63;
	_ =	sdelay $0x1  }
0x2b0: {  	[tilespmem:v29+s26+$0x0] =	vst.idx.msk $0xffff, v0  }
0x2b1: {  	v0 =	vld.idx.msk [tilespmem:v32+s26+$0x0], $0xffff;
	_ =	sdelay $0x4  }
0x2b2: {  	v0 =	vmul.f32 v0, v63;
	_ =	sdelay $0x1  }
0x2b3: {  	[tilespmem:v32+s26+$0x0] =	vst.idx.msk $0xffff, v0  }
0x2b4: {  	v0 =	vld.idx.msk [tilespmem:v33+s26+$0x0], $0xffff;
	_ =	sdelay $0x4  }
0x2b5: {  	v0 =	vmul.f32 v0, v63;
	_ =	sdelay $0x1  }
0x2b6: {  	[tilespmem:v33+s26+$0x0] =	vst.idx.msk $0xffff, v0  }
0x2b7: {  	v0 =	vld.idx.msk [tilespmem:v34+s26+$0x0], $0xffff;
	_ =	sdelay $0x4  }
0x2b8: {  	v0 =	vmul.f32 v0, v63;
	_ =	sdelay $0x1  }
0x2b9: {  	[tilespmem:v34+s26+$0x0] =	vst.idx.msk $0xffff, v0  }
0x2ba: {  	v0 =	vld.idx.msk [tilespmem:v35+s26+$0x0], $0xffff;
	_ =	sdelay $0x4  }
0x2bb: {  	v0 =	vmul.f32 v0, v63;
	_ =	sdelay $0x1  }
0x2bc: {  	[tilespmem:v35+s26+$0x0] =	vst.idx.msk $0xffff, v0  }
0x2bd: {  	v0 =	vld.idx.msk [tilespmem:v36+s26+$0x0], $0xffff;
	_ =	sdelay $0x4  }
0x2be: {  	v0 =	vmul.f32 v0, v63;
	_ =	sdelay $0x1  }
0x2bf: {  	[tilespmem:v36+s26+$0x0] =	vst.idx.msk $0xffff, v0  }
0x2c0: {  	v0 =	vld.idx.msk [tilespmem:v37+s26+$0x0], $0xffff;
	_ =	sdelay $0x2  }
0x2c1: {  	v30 =	vor.u32 $0x60, v3;
	_ =	sdelay $0x1  }
0x2c2: {  	v29 =	vor.u32 $0x61, v3;
	v0 =	vmul.f32 v0, v63;
	_ =	sdelay $0x1  }
0x2c3: {  	v5 =	vor.u32 $0x62, v3;
	[tilespmem:v37+s26+$0x0] =	vst.idx.msk $0xffff, v0  }
0x2c4: {  	v35 =	vld.idx.msk [tilespmem:v30+s31+$0x0], $0xffff  }
0x2c5: {  	v6 =	vor.u32 $0x63, v3;
	v32 =	vld.idx.msk [tilespmem:v30+s0+$0x0], $0xffff  }
0x2c6: {  	v2 =	vld.idx.msk [tilespmem:v29+s31+$0x0], $0xffff  }
0x2c7: {  	v7 =	vor.u32 $0x64, v3;
	v4 =	vld.idx.msk [tilespmem:v29+s0+$0x0], $0xffff  }
0x2c8: {  	v0 =	vld.idx.msk [tilespmem:v5+s31+$0x0], $0xffff  }
0x2c9: {  	v10 =	vor.u32 $0x67, v3;
	v37 =	vld.idx.msk [tilespmem:v5+s0+$0x0], $0xffff  }
0x2ca: {  	v38 =	vld.idx.msk [tilespmem:v6+s31+$0x0], $0xffff  }
0x2cb: {  	v11 =	vor.u32 $0x68, v3;
	v9 =	vld.idx.msk [tilespmem:v6+s0+$0x0], $0xffff  }
0x2cc: {  	v31 =	vld.idx.msk [tilespmem:v7+s31+$0x0], $0xffff  }
0x2cd: {  	v12 =	vor.u32 $0x69, v3;
	v36 =	vld.idx.msk [tilespmem:v7+s0+$0x0], $0xffff  }
0x2ce: {  	v59 =	vld.idx.msk [tilespmem:v10+s31+$0x0], $0xffff  }
0x2cf: {  	v13 =	vor.u32 $0x6A, v3;
	v34 =	vld.idx.msk [tilespmem:v10+s0+$0x0], $0xffff  }
0x2d0: {  	v43 =	vld.idx.msk [tilespmem:v11+s31+$0x0], $0xffff  }
0x2d1: {  	v14 =	vor.u32 $0x6B, v3;
	v44 =	vld.idx.msk [tilespmem:v11+s0+$0x0], $0xffff  }
0x2d2: {  	v52 =	vld.idx.msk [tilespmem:v12+s31+$0x0], $0xffff  }
0x2d3: {  	v15 =	vor.u32 $0x6C, v3;
	v46 =	vld.idx.msk [tilespmem:v12+s0+$0x0], $0xffff  }
0x2d4: {  	v39 =	vld.idx.msk [tilespmem:v13+s31+$0x0], $0xffff  }
0x2d5: {  	v16 =	vor.u32 $0x6D, v3;
	v60 =	vld.idx.msk [tilespmem:v13+s0+$0x0], $0xffff  }
0x2d6: {  	v40 =	vld.idx.msk [tilespmem:v14+s31+$0x0], $0xffff  }
0x2d7: {  	v17 =	vor.u32 $0x6E, v3;
	v58 =	vld.idx.msk [tilespmem:v14+s0+$0x0], $0xffff  }
0x2d8: {  	v41 =	vld.idx.msk [tilespmem:v15+s31+$0x0], $0xffff  }
0x2d9: {  	v18 =	vor.u32 $0x6F, v3;
	v42 =	vld.idx.msk [tilespmem:v15+s0+$0x0], $0xffff  }
0x2da: {  	v45 =	vld.idx.msk [tilespmem:v16+s31+$0x0], $0xffff  }
0x2db: {  	v19 =	vor.u32 $0x70, v3;
	v54 =	vld.idx.msk [tilespmem:v16+s0+$0x0], $0xffff  }
0x2dc: {  	v55 =	vld.idx.msk [tilespmem:v17+s31+$0x0], $0xffff  }
0x2dd: {  	v20 =	vor.u32 $0x71, v3;
	v56 =	vld.idx.msk [tilespmem:v17+s0+$0x0], $0xffff  }
0x2de: {  	v47 =	vld.idx.msk [tilespmem:v18+s31+$0x0], $0xffff  }
0x2df: {  	v25 =	vor.u32 $0x76, v3;
	v48 =	vld.idx.msk [tilespmem:v18+s0+$0x0], $0xffff  }
0x2e0: {  	v21 =	vor.u32 $0x72, v3;
	v49 =	vld.idx.msk [tilespmem:v19+s31+$0x0], $0xffff  }
0x2e1: {  	v24 =	vor.u32 $0x75, v3;
	v50 =	vld.idx.msk [tilespmem:v19+s0+$0x0], $0xffff  }
0x2e2: {  	v8 =	vor.u32 $0x65, v3;
	v61 =	vld.idx.msk [tilespmem:v20+s31+$0x0], $0xffff  }
0x2e3: {  	v62 =	vld.idx.msk [tilespmem:v20+s0+$0x0], $0xffff  }
0x2e4: {  	v53 =	vld.idx.msk [tilespmem:v25+s31+$0x0], $0xffff  }
0x2e5: {  	v63 =	vld.idx.msk [tilespmem:v21+s31+$0x0], $0xffff  }
0x2e6: {  	v57 =	vld.idx.msk [tilespmem:v24+s31+$0x0], $0xffff;
	[tilespmem:$0x1FF00] =	vst v37  }
0x2e7: {  	v22 =	vor.u32 $0x73, v3;
	[tilespmem:$0x1FF10] =	vst v9;
	v37 =	vld.idx.msk [tilespmem:v8+s31+$0x0], $0xffff  }
0x2e8: {  	[tilespmem:$0x1FF20] =	vst v38;
	v1 =	vld [tilespmem:$0x1FF10]  }
0x2e9: {  	[tilespmem:$0x1FFC0] =	vst v53;
	v53 =	vld [tilespmem:$0x1FF20]  }
0x2ea: {  	v9 =	vor.u32 $0x66, v3;
	v38 =	vld.idx.msk [tilespmem:v8+s0+$0x0], $0xffff  }
0x2eb: {  	[tilespmem:$0x1FFB0] =	vst v50;
	v50 =	vld.idx.msk [tilespmem:v21+s0+$0x0], $0xffff  }
0x2ec: {  	v23 =	vor.u32 $0x74, v3;
	[tilespmem:$0x1FF70] =	vst v45;
	v45 =	vld.idx.msk [tilespmem:v22+s31+$0x0], $0xffff  }
0x2ed: {  	[tilespmem:$0x1FF50] =	vst v41;
	v41 =	vld.idx.msk [tilespmem:v22+s0+$0x0], $0xffff  }
0x2ee: {  	v2 =	vmul.f32 v4, v2;
	v4 =	vld [tilespmem:$0x1FF00];
	v1 =	vmul.f32 v1, v53  }
0x2ef: {  	v51 =	vld.idx.msk [tilespmem:v9+s31+$0x0], $0xffff  }
0x2f0: {  	[tilespmem:$0x1FF30] =	vst v39;
	v59 =	vmul.f32 v34, v59;
	v33 =	vld.idx.msk [tilespmem:v9+s0+$0x0], $0xffff;
	v1 =	vadd.f32 $0.0e+00, v1  }
0x2f1: {  	v26 =	vor.u32 $0x77, v3;
	[tilespmem:$0x1FF80] =	vst v47;
	v47 =	vld.idx.msk [tilespmem:v23+s31+$0x0], $0xffff;
	v32 =	vmul.f32 v32, v35  }
0x2f2: {  	v35 =	vmul.f32 v36, v31;
	v1 =	vadd.f32 v59, v1;
	v59 =	vld [tilespmem:$0x1FF30]  }
0x2f3: {  	[tilespmem:$0x1FF60] =	vst v42;
	v42 =	vld.idx.msk [tilespmem:v23+s0+$0x0], $0xffff;
	v37 =	vmul.f32 v38, v37;
	v38 =	vadd.f32 $0.0e+00, v32;
	v0 =	vmul.f32 v4, v0  }
0x2f4: {  	v27 =	vor.u32 $0x78, v3;
	[tilespmem:$0x1FF90] =	vst v48;
	v48 =	vld.idx.msk [tilespmem:v24+s0+$0x0], $0xffff  }
0x2f5: {  	[tilespmem:$0x1FFA0] =	vst v49;
	v49 =	vld.idx.msk [tilespmem:v25+s0+$0x0], $0xffff;
	v35 =	vadd.f32 v35, v38;
	v0 =	vadd.f32 $0.0e+00, v0;
	v38 =	vmul.f32 v33, v51  }
0x2f6: {  	[tilespmem:$0x1FF40] =	vst v40;
	v40 =	vld.idx.msk [tilespmem:v26+s31+$0x0], $0xffff  }
0x2f7: {  	v39 =	vld.idx.msk [tilespmem:v26+s0+$0x0], $0xffff;
	v31 =	vor.u32 $0x7A, v3;
	v0 =	vadd.f32 v38, v0;
	v60 =	vmul.f32 v60, v59  }
0x2f8: {  	v38 =	vmul.f32 v46, v52;
	v52 =	vld [tilespmem:$0x1FF50]  }
0x2f9: {  	v0 =	vadd.f32 v60, v0;
	v60 =	vld [tilespmem:$0x1FF60]  }
0x2fa: {  	v28 =	vor.u32 $0x79, v3;
	v36 =	vld.idx.msk [tilespmem:v27+s31+$0x0], $0xffff  }
0x2fb: {  	v53 =	vld [tilespmem:$0x1FF40]  }
0x2fc: {  	v43 =	vmul.f32 v44, v43;
	v2 =	vadd.f32 $0.0e+00, v2;
	v44 =	vld.idx.msk [tilespmem:v31+s31+$0x0], $0xffff  }
0x2fd: {  	v4 =	vld.idx.msk [tilespmem:v27+s0+$0x0], $0xffff  }
0x2fe: {  	v2 =	vadd.f32 v37, v2;
	v52 =	vmul.f32 v60, v52;
	v60 =	vld [tilespmem:$0x1FF70]  }
0x2ff: {  	v32 =	vor.u32 $0x7B, v3;
	v37 =	vld.idx.msk [tilespmem:v28+s31+$0x0], $0xffff;
	v43 =	vadd.f32 v43, v35  }
0x300: {  	v35 =	vor.u32 $0x7E, v3;
	v51 =	vld.idx.msk [tilespmem:v28+s0+$0x0], $0xffff;
	v2 =	vadd.f32 v38, v2;
	v38 =	vmul.f32 v58, v53  }
0x301: {  	v46 =	vld.idx.msk [tilespmem:v31+s0+$0x0], $0xffff  }
0x302: {  	v1 =	vadd.f32 v38, v1;
	v38 =	vmul.f32 v56, v55;
	v56 =	vld [tilespmem:$0x1FF90]  }
0x303: {  	v53 =	vmul.f32 v54, v60;
	v60 =	vld [tilespmem:$0x1FF80]  }
0x304: {  	v34 =	vor.u32 $0x7D, v3;
	v33 =	vor.u32 $0x7C, v3;
	v3 =	vor.u32 $0x7F, v3;
	v58 =	vld.idx.msk [tilespmem:v32+s0+$0x0], $0xffff  }
0x305: {  	v41 =	vmul.f32 v41, v45;
	v45 =	vld.idx.msk [tilespmem:v35+s31+$0x0], $0xffff  }
0x306: {  	v59 =	vld.idx.msk [tilespmem:v32+s31+$0x0], $0xffff  }
0x307: {  	v0 =	vadd.f32 v38, v0;
	v38 =	vld [tilespmem:$0x1FFA0]  }
0x308: {  	v43 =	vadd.f32 v52, v43;
	v52 =	vmul.f32 v56, v60;
	v60 =	vld [tilespmem:$0x1FFB0]  }
0x309: {  	v50 =	vmul.f32 v50, v63;
	v63 =	vld.idx.msk [tilespmem:v3+s31+$0x0], $0xffff  }
0x30a: {  	v55 =	vld.idx.msk [tilespmem:v33+s0+$0x0], $0xffff  }
0x30b: {  	v0 =	vadd.f32 v50, v0;
	v50 =	vld.idx.msk [tilespmem:v3+s0+$0x0], $0xffff  }
0x30c: {  	v56 =	vmul.f32 v62, v61;
	v62 =	vmul.f32 v48, v57;
	v48 =	vld [tilespmem:$0x1FFC0]  }
0x30d: {  	v2 =	vadd.f32 v53, v2;
	v61 =	vld.idx.msk [tilespmem:v35+s0+$0x0], $0xffff;
	v38 =	vmul.f32 v60, v38  }
0x30e: {  	v42 =	vmul.f32 v42, v47;
	v53 =	vld.idx.msk [tilespmem:v34+s31+$0x0], $0xffff;
	v1 =	vadd.f32 v52, v1  }
0x30f: {  	v39 =	vmul.f32 v39, v40;
	v2 =	vadd.f32 v56, v2;
	v60 =	vld.idx.msk [tilespmem:v34+s0+$0x0], $0xffff;
	v38 =	vadd.f32 v38, v43  }
0x310: {  	v4 =	vmul.f32 v4, v36;
	v51 =	vmul.f32 v51, v37;
	v54 =	vld.idx.msk [tilespmem:v33+s31+$0x0], $0xffff;
	v1 =	vadd.f32 v41, v1  }
0x311: {  	v2 =	vadd.f32 v62, v2;
	v38 =	vadd.f32 v42, v38;
	v42 =	vmul.f32 v49, v48  }
0x312: {  	v56 =	vmul.f32 v58, v59;
	v59 =	vmul.f32 v61, v45;
	v61 =	vld [tilespmem:$0x1FFD0];
	v1 =	vadd.f32 v39, v1  }
0x313: {  	v52 =	vmul.f32 v46, v44;
	v2 =	vadd.f32 v51, v2;
	v0 =	vadd.f32 v42, v0  }
0x314: {  	v1 =	vadd.f32 v56, v1;
	v58 =	vmul.f32 v60, v53;
	v60 =	vmul.f32 v50, v63  }
0x315: {  	v57 =	vmul.f32 v55, v54;
	v4 =	vadd.f32 v4, v38;
	v0 =	vadd.f32 v52, v0  }
0x316: {  	v2 =	vadd.f32 v58, v2;
	v1 =	vadd.f32 v60, v1  }
0x317: {  	v4 =	vadd.f32 v57, v4;
	v0 =	vadd.f32 v59, v0;
	_ =	sdelay $0x1  }
0x318: {  	v2 =	vadd.f32 v2, v4;
	v0 =	vadd.f32 v1, v0  }
0x319: {  	v1 =	vld.idx.msk [tilespmem:v61+s29+$0x0], $0xffff  }
0x31a: {  	v0 =	vadd.f32 v0, v2;
	_ =	sdelay $0x1  }
0x31b: {  	v0 =	vmul.f32 $1.767766920e-01, v0;
	_ =	sdelay $0x1  }
0x31c: {  	v0 =	vadd.f32 v0, v1;
	_ =	sdelay $0x1  }
0x31d: {  	v0 =	vmul.f32 $1.442695020e+00, v0;
	_ =	sdelay $0x1  }
0x31e: {  	v62 =	vld [tilespmem:$0x1FFE0];
	(erf) = vpow2.f32 v0;
	_ =	sdelay $0x4  }
0x31f: {  	v0 =	vor.u32 $0x3, v62;
	_ =	sdelay $0x3  }
0x320: {  	v63 =	vpop (erf)  }
0x321: {  	[tilespmem:v0+s12+$0x0] =	vst.idx.msk $0xffff, v63  }
0x322: {  	v0 =	vld.idx.msk [tilespmem:v30+s26+$0x0], $0xffff;
	_ =	sdelay $0x4  }
0x323: {  	v0 =	vmul.f32 v63, v0;
	_ =	sdelay $0x1  }
0x324: {  	[tilespmem:v30+s26+$0x0] =	vst.idx.msk $0xffff, v0  }
0x325: {  	v0 =	vld.idx.msk [tilespmem:v29+s26+$0x0], $0xffff;
	_ =	sdelay $0x4  }
0x326: {  	v0 =	vmul.f32 v63, v0;
	_ =	sdelay $0x1  }
0x327: {  	[tilespmem:v29+s26+$0x0] =	vst.idx.msk $0xffff, v0  }
0x328: {  	v0 =	vld.idx.msk [tilespmem:v5+s26+$0x0], $0xffff;
	_ =	sdelay $0x4  }
0x329: {  	v0 =	vmul.f32 v63, v0;
	_ =	sdelay $0x1  }
0x32a: {  	[tilespmem:v5+s26+$0x0] =	vst.idx.msk $0xffff, v0  }
0x32b: {  	v0 =	vld.idx.msk [tilespmem:v6+s26+$0x0], $0xffff;
	_ =	sdelay $0x4  }
0x32c: {  	v0 =	vmul.f32 v63, v0;
	_ =	sdelay $0x1  }
0x32d: {  	[tilespmem:v6+s26+$0x0] =	vst.idx.msk $0xffff, v0  }
0x32e: {  	v0 =	vld.idx.msk [tilespmem:v7+s26+$0x0], $0xffff;
	_ =	sdelay $0x4  }
0x32f: {  	v0 =	vmul.f32 v0, v63;
	_ =	sdelay $0x1  }
0x330: {  	[tilespmem:v7+s26+$0x0] =	vst.idx.msk $0xffff, v0  }
0x331: {  	v0 =	vld.idx.msk [tilespmem:v8+s26+$0x0], $0xffff;
	_ =	sdelay $0x4  }
0x332: {  	v0 =	vmul.f32 v0, v63;
	_ =	sdelay $0x1  }
0x333: {  	[tilespmem:v8+s26+$0x0] =	vst.idx.msk $0xffff, v0  }
0x334: {  	v0 =	vld.idx.msk [tilespmem:v9+s26+$0x0], $0xffff;
	_ =	sdelay $0x4  }
0x335: {  	v0 =	vmul.f32 v0, v63;
	_ =	sdelay $0x1  }
0x336: {  	[tilespmem:v9+s26+$0x0] =	vst.idx.msk $0xffff, v0  }
0x337: {  	v0 =	vld.idx.msk [tilespmem:v10+s26+$0x0], $0xffff;
	_ =	sdelay $0x4  }
0x338: {  	v0 =	vmul.f32 v0, v63;
	_ =	sdelay $0x1  }
0x339: {  	[tilespmem:v10+s26+$0x0] =	vst.idx.msk $0xffff, v0  }
0x33a: {  	v0 =	vld.idx.msk [tilespmem:v11+s26+$0x0], $0xffff;
	_ =	sdelay $0x4  }
0x33b: {  	v0 =	vmul.f32 v0, v63;
	_ =	sdelay $0x1  }
0x33c: {  	[tilespmem:v11+s26+$0x0] =	vst.idx.msk $0xffff, v0  }
0x33d: {  	v0 =	vld.idx.msk [tilespmem:v12+s26+$0x0], $0xffff;
	_ =	sdelay $0x4  }
0x33e: {  	v0 =	vmul.f32 v0, v63;
	_ =	sdelay $0x1  }
0x33f: {  	[tilespmem:v12+s26+$0x0] =	vst.idx.msk $0xffff, v0  }
0x340: {  	v0 =	vld.idx.msk [tilespmem:v13+s26+$0x0], $0xffff;
	_ =	sdelay $0x4  }
0x341: {  	v0 =	vmul.f32 v0, v63;
	_ =	sdelay $0x1  }
0x342: {  	[tilespmem:v13+s26+$0x0] =	vst.idx.msk $0xffff, v0  }
0x343: {  	v0 =	vld.idx.msk [tilespmem:v14+s26+$0x0], $0xffff;
	_ =	sdelay $0x4  }
0x344: {  	v0 =	vmul.f32 v0, v63;
	_ =	sdelay $0x1  }
0x345: {  	[tilespmem:v14+s26+$0x0] =	vst.idx.msk $0xffff, v0  }
0x346: {  	v0 =	vld.idx.msk [tilespmem:v15+s26+$0x0], $0xffff;
	_ =	sdelay $0x4  }
0x347: {  	v0 =	vmul.f32 v0, v63;
	_ =	sdelay $0x1  }
0x348: {  	[tilespmem:v15+s26+$0x0] =	vst.idx.msk $0xffff, v0  }
0x349: {  	v0 =	vld.idx.msk [tilespmem:v16+s26+$0x0], $0xffff;
	_ =	sdelay $0x4  }
0x34a: {  	v0 =	vmul.f32 v0, v63;
	_ =	sdelay $0x1  }
0x34b: {  	[tilespmem:v16+s26+$0x0] =	vst.idx.msk $0xffff, v0  }
0x34c: {  	v0 =	vld.idx.msk [tilespmem:v17+s26+$0x0], $0xffff;
	_ =	sdelay $0x4  }
0x34d: {  	v0 =	vmul.f32 v0, v63;
	_ =	sdelay $0x1  }
0x34e: {  	[tilespmem:v17+s26+$0x0] =	vst.idx.msk $0xffff, v0  }
0x34f: {  	v0 =	vld.idx.msk [tilespmem:v18+s26+$0x0], $0xffff;
	_ =	sdelay $0x4  }
0x350: {  	v0 =	vmul.f32 v0, v63;
	_ =	sdelay $0x1  }
0x351: {  	[tilespmem:v18+s26+$0x0] =	vst.idx.msk $0xffff, v0  }
0x352: {  	v0 =	vld.idx.msk [tilespmem:v19+s26+$0x0], $0xffff;
	_ =	sdelay $0x4  }
0x353: {  	v0 =	vmul.f32 v0, v63;
	_ =	sdelay $0x1  }
0x354: {  	[tilespmem:v19+s26+$0x0] =	vst.idx.msk $0xffff, v0  }
0x355: {  	v0 =	vld.idx.msk [tilespmem:v20+s26+$0x0], $0xffff;
	_ =	sdelay $0x4  }
0x356: {  	v0 =	vmul.f32 v0, v63;
	_ =	sdelay $0x1  }
0x357: {  	[tilespmem:v20+s26+$0x0] =	vst.idx.msk $0xffff, v0  }
0x358: {  	v0 =	vld.idx.msk [tilespmem:v21+s26+$0x0], $0xffff;
	_ =	sdelay $0x4  }
0x359: {  	v0 =	vmul.f32 v0, v63;
	_ =	sdelay $0x1  }
0x35a: {  	[tilespmem:v21+s26+$0x0] =	vst.idx.msk $0xffff, v0  }
0x35b: {  	v0 =	vld.idx.msk [tilespmem:v22+s26+$0x0], $0xffff;
	_ =	sdelay $0x4  }
0x35c: {  	v0 =	vmul.f32 v0, v63;
	_ =	sdelay $0x1  }
0x35d: {  	[tilespmem:v22+s26+$0x0] =	vst.idx.msk $0xffff, v0  }
0x35e: {  	v0 =	vld.idx.msk [tilespmem:v23+s26+$0x0], $0xffff;
	_ =	sdelay $0x4  }
0x35f: {  	v0 =	vmul.f32 v0, v63;
	_ =	sdelay $0x1  }
0x360: {  	[tilespmem:v23+s26+$0x0] =	vst.idx.msk $0xffff, v0  }
0x361: {  	v0 =	vld.idx.msk [tilespmem:v24+s26+$0x0], $0xffff;
	_ =	sdelay $0x4  }
0x362: {  	v0 =	vmul.f32 v0, v63;
	_ =	sdelay $0x1  }
0x363: {  	[tilespmem:v24+s26+$0x0] =	vst.idx.msk $0xffff, v0  }
0x364: {  	v0 =	vld.idx.msk [tilespmem:v25+s26+$0x0], $0xffff;
	_ =	sdelay $0x4  }
0x365: {  	v0 =	vmul.f32 v0, v63;
	_ =	sdelay $0x1  }
0x366: {  	[tilespmem:v25+s26+$0x0] =	vst.idx.msk $0xffff, v0  }
0x367: {  	v0 =	vld.idx.msk [tilespmem:v26+s26+$0x0], $0xffff;
	_ =	sdelay $0x4  }
0x368: {  	v0 =	vmul.f32 v0, v63;
	_ =	sdelay $0x1  }
0x369: {  	[tilespmem:v26+s26+$0x0] =	vst.idx.msk $0xffff, v0  }
0x36a: {  	v0 =	vld.idx.msk [tilespmem:v27+s26+$0x0], $0xffff;
	_ =	sdelay $0x4  }
0x36b: {  	v0 =	vmul.f32 v0, v63;
	_ =	sdelay $0x1  }
0x36c: {  	[tilespmem:v27+s26+$0x0] =	vst.idx.msk $0xffff, v0  }
0x36d: {  	v0 =	vld.idx.msk [tilespmem:v28+s26+$0x0], $0xffff;
	_ =	sdelay $0x4  }
0x36e: {  	v0 =	vmul.f32 v0, v63;
	_ =	sdelay $0x1  }
0x36f: {  	[tilespmem:v28+s26+$0x0] =	vst.idx.msk $0xffff, v0  }
0x370: {  	v0 =	vld.idx.msk [tilespmem:v31+s26+$0x0], $0xffff;
	_ =	sdelay $0x4  }
0x371: {  	v0 =	vmul.f32 v0, v63;
	_ =	sdelay $0x1  }
0x372: {  	[tilespmem:v31+s26+$0x0] =	vst.idx.msk $0xffff, v0  }
0x373: {  	v0 =	vld.idx.msk [tilespmem:v32+s26+$0x0], $0xffff;
	_ =	sdelay $0x4  }
0x374: {  	v0 =	vmul.f32 v0, v63;
	_ =	sdelay $0x1  }
0x375: {  	[tilespmem:v32+s26+$0x0] =	vst.idx.msk $0xffff, v0  }
0x376: {  	v0 =	vld.idx.msk [tilespmem:v33+s26+$0x0], $0xffff;
	_ =	sdelay $0x4  }
0x377: {  	v0 =	vmul.f32 v0, v63;
	_ =	sdelay $0x1  }
0x378: {  	[tilespmem:v33+s26+$0x0] =	vst.idx.msk $0xffff, v0  }
0x379: {  	v0 =	vld.idx.msk [tilespmem:v34+s26+$0x0], $0xffff;
	_ =	sdelay $0x4  }
0x37a: {  	v0 =	vmul.f32 v0, v63;
	_ =	sdelay $0x1  }
0x37b: {  	[tilespmem:v34+s26+$0x0] =	vst.idx.msk $0xffff, v0  }
0x37c: {  	v0 =	vld.idx.msk [tilespmem:v35+s26+$0x0], $0xffff;
	_ =	sdelay $0x4  }
0x37d: {  	v0 =	vmul.f32 v0, v63;
	_ =	sdelay $0x1  }
0x37e: {  	[tilespmem:v35+s26+$0x0] =	vst.idx.msk $0xffff, v0  }
0x37f: {  	v0 =	vld.idx.msk [tilespmem:v3+s26+$0x0], $0xffff;
	_ =	sdelay $0x1  }
0x380: {  	p1 =	sne.s32 s19, $0x30  }
.Ltmp1:
0x381: {  	_ = 	snop;
	(pc) =	sbr.rel @p1 .LBB2_5-.Ltmp1, $3  }
0x382: {  	_ = 	snop  }
0x383: {  	v0 =	vmul.f32 v0, v63;
	_ =	sdelay $0x1  }
0x384: {  	s17 =	sadd.s32 $0x10, s17;
	s19 =	sadd.s32 $0x10, s19;
	s18 =	sadd.s32 $0x10, s18;
	v6 =	vld [tilespmem:$0x1FFF0];
	[tilespmem:v3+s26+$0x0] =	vst.idx.msk $0xffff, v0  }
0x385: {  	[spmem:s3] =	stream.indirect.scatter.add.f32 [tilespmem:s26], [sflag:$0x2], $0x80, s13, s30, $0xb8;
	[tilespmem:$0x1EB80] =	vst v63  }
0x386: {  	_ =	swait.ge [sflag:s28], $0x2000  }
0x387: {  	[sflag:s28] =	ssyncset.done $0x0  }
0x388: {  	[sflag:s28] =	ssyncadd.s32 $0xFFFFE000  }
0x389: {  	[spmem:s4] =	stream.indirect.scatter.add.f32 [tilespmem:s12], [sflag:$0x2], $0x80, s14, s30, $0xb8;
	[tilespmem:$0x1EB80] =	vst v63  }
0x38a: {  	_ =	swait.ge [sflag:s28], $0x2000  }
0x38b: {  	[sflag:s28] =	ssyncset.done $0x0  }
0x38c: {  	[sflag:s28] =	ssyncadd.s32 $0xFFFFE000  }
0x38d: {  	v0 =	vld [tilespmem:$0x80];
	_ =	sdelay $0x4  }
0x38e: {  	v0 =	vshll.u32 v0, $0x2  }
0x38f: {  	v0 =	vand.u32 $0x7C, v0  }
0x390: {  	v2 =	vor.u32 $0x1, v6;
	v1 =	vor.u32 v6, v0  }
0x391: {  	v3 =	vor.u32 $0x2, v6;
	v2 =	vor.u32 v2, v0  }
0x392: {  	v4 =	vor.u32 $0x3, v6;
	v3 =	vor.u32 v3, v0  }
0x393: {  	v0 =	vor.u32 v4, v0  }
0x394: {  	v5 =	vimm.f32 $0.0e+00  }
0x395: {  	[tilespmem:v1+s12+$0x0] =	vst.idx.msk $0xffff, v5  }
0x396: {  	[tilespmem:v2+s12+$0x0] =	vst.idx.msk $0xffff, v5  }
0x397: {  	[tilespmem:v3+s12+$0x0] =	vst.idx.msk $0xffff, v5  }
0x398: {  	[tilespmem:v0+s12+$0x0] =	vst.idx.msk $0xffff, v5  }
0x399: {  	v0 =	vld [tilespmem:$0x90];
	_ =	sdelay $0x4  }
0x39a: {  	v0 =	vshll.u32 v0, $0x2  }
0x39b: {  	v58 =	vor.u32 $0x800, v6;
	v0 =	vand.u32 $0x7C, v0  }
0x39c: {  	v59 =	vor.u32 $0x801, v6;
	v1 =	vor.u32 v58, v0  }
0x39d: {  	v3 =	vor.u32 $0x802, v6;
	v2 =	vor.u32 v59, v0  }
0x39e: {  	v4 =	vor.u32 $0x803, v6;
	v3 =	vor.u32 v3, v0  }
0x39f: {  	v0 =	vor.u32 v4, v0;
	_ =	sdelay $0x1  }
0x3a0: {  	[tilespmem:v1+s12+$0x0] =	vst.idx.msk $0xffff, v5  }
0x3a1: {  	[tilespmem:v2+s12+$0x0] =	vst.idx.msk $0xffff, v5  }
0x3a2: {  	[tilespmem:v3+s12+$0x0] =	vst.idx.msk $0xffff, v5  }
0x3a3: {  	[tilespmem:v0+s12+$0x0] =	vst.idx.msk $0xffff, v5  }
0x3a4: {  	v0 =	vld [tilespmem:$0xA0];
	_ =	sdelay $0x4  }
0x3a5: {  	v0 =	vshll.u32 v0, $0x2  }
0x3a6: {  	v60 =	vor.u32 $0x1000, v6;
	v0 =	vand.u32 $0x7C, v0  }
0x3a7: {  	v61 =	vor.u32 $0x1001, v6;
	v1 =	vor.u32 v60, v0  }
0x3a8: {  	v3 =	vor.u32 $0x1002, v6;
	v2 =	vor.u32 v61, v0  }
0x3a9: {  	v4 =	vor.u32 $0x1003, v6;
	v3 =	vor.u32 v3, v0  }
0x3aa: {  	v0 =	vor.u32 v4, v0;
	_ =	sdelay $0x1  }
0x3ab: {  	[tilespmem:v1+s12+$0x0] =	vst.idx.msk $0xffff, v5  }
0x3ac: {  	[tilespmem:v2+s12+$0x0] =	vst.idx.msk $0xffff, v5  }
0x3ad: {  	[tilespmem:v3+s12+$0x0] =	vst.idx.msk $0xffff, v5  }
0x3ae: {  	[tilespmem:v0+s12+$0x0] =	vst.idx.msk $0xffff, v5  }
0x3af: {  	v0 =	vld [tilespmem:$0xB0];
	_ =	sdelay $0x4  }
0x3b0: {  	v0 =	vshll.u32 v0, $0x2  }
0x3b1: {  	v62 =	vor.u32 $0x1800, v6;
	v0 =	vand.u32 $0x7C, v0  }
0x3b2: {  	v63 =	vor.u32 $0x1801, v6;
	v1 =	vor.u32 v62, v0  }
0x3b3: {  	v3 =	vor.u32 $0x1802, v6;
	v2 =	vor.u32 v63, v0  }
0x3b4: {  	s16 =	sadd.s32 $0x1, s16;
	v4 =	vor.u32 $0x1803, v6;
	v3 =	vor.u32 v3, v0  }
0x3b5: {  	p1 =	sne.s32 s16, $0x9D;
	v0 =	vor.u32 v4, v0  }
.Ltmp2:
0x3b6: {  	_ = 	snop;
	(pc) =	sbr.rel @p1 .LBB2_4-.Ltmp2, $4  }
0x3b7: {  	[tilespmem:v1+s12+$0x0] =	vst.idx.msk $0xffff, v5  }
0x3b8: {  	[tilespmem:v2+s12+$0x0] =	vst.idx.msk $0xffff, v5  }
0x3b9: {  	[tilespmem:v3+s12+$0x0] =	vst.idx.msk $0xffff, v5  }
0x3ba: {  	[tilespmem:v0+s12+$0x0] =	vst.idx.msk $0xffff, v5  }
0x3bb: {  	s15 =	stileid.u32  }
0x3bc: {  	s15 =	sshll.u32 s15, $0x6  }
0x3bd: {  	[bflag:$0x0] =	sbarrier.arrive $0xFFFF;
	s16 =	sshrl.u32 s11, $0x3;
	s15 =	sor.u32 $0x1C02, s15  }
0x3be: {  	[hbm:s23], [sflag:s15] =	dma.local [spmem:s16], $0x2800  }
0x3bf: {  	_ =	swait.ge [sflag:s28], $0x2800  }
0x3c0: {  	s5 =	sadd.s32 $0x1, s5;
	[sflag:s28] =	ssyncset.done $0x0  }
0x3c1: {  	p1 =	sne.s32 s5, s25;
	s16 =	sshrl.u32 @!p0 s21, $0x3;
	[sflag:s28] =	ssyncadd.s32 $0xFFFFD800  }
0x3c2: {  	[hbm:s24], [sflag:s15] =	dma.local @!p0 [spmem:s16], $0x280  }
.Ltmp3:
0x3c3: {  	_ = 	snop;
	(pc) =	sbr.rel @p1 .LBB2_1-.Ltmp3, $4  }
0x3c4: {  	s15 =	simm.s32 @!p0 $0x2  }
0x3c5: {  	_ =	swait.ge @!p0 [sflag:s15], $0x280  }
0x3c6: {  	[sflag:s15] =	ssyncset.done @!p0 $0x0  }
0x3c7: {  	[sflag:s15] =	ssyncadd.s32 @!p0 $0xFFFFFD80  }
0x3c8: {  	_ =	sfence.sel $0x180000  }
0x3c9: {  	[bflag:$0x0] =	sbarrier.arrive $0xFFFF  }
0x3ca: {  	_ =	strace $0x90000047  }
0x3cb: {  	s0 =	stileid.u32;
	[bflag:$0x2] =	sbarrier.arrive $0xFFFF  }
0x3cc: {  	p0 =	sne.s32 s0, $0x0;
	s0 =	rddreg [dreg:$0x4]  }
0x3cd: {  	s0 =	sadd.s32 @!p0 $0x100000, s0  }
0x3ce: {  	[sflag:s0] =	ssyncadd.tile.s32 @!p0 $0x1;
	_ =	shalt  }
.Lfunc_end2:
_tile_overlayer_lowered:
.L_overlay_start_2:
0x3cf: {  	(tag) =	ssettag $0x2  }
0x3d0: {  	s0 =	rddreg [dreg:$0x0];
	s2 =	stileid.u32  }
0x3d1: {  	s1 =	rddreg [dreg:$0x1];
	p0 =	sne.s32 s2, $0x0  }
0x3d2: {  	s3 =	rddreg [dreg:$0x2];
	[bflag:$0x3] =	sbarrier.arrive $0xFFFF;
	s2 =	simm.s32 @!p0 $0x1C02  }
0x3d3: {  	[timem:s3], [sflag:s2] =	dma.local @!p0 [hbm:s0], s1  }
0x3d4: {  	s0 =	simm.s32 @!p0 $0x2  }
0x3d5: {  	_ =	swait.ge @!p0 [sflag:s0], s1  }
0x3d6: {  	s1 =	ssub.s32 @!p0 $0x0, s1;
	[sflag:s0] =	ssyncset.done @!p0 $0x0  }
0x3d7: {  	[sflag:s0] =	ssyncadd.s32 @!p0 s1  }
0x3d8: {  	[bflag:$0x3] =	sbarrier.arrive $0xFFFF  }
0x3d9: {  	_ =	shalt  }

</sc_bundles>
